<compile_context>
chip_gen: v7x
topology: tpu7x:2x2x1
jax: 0.10.2.dev20260603
libtpu: 0.0.44.dev20260713+nightly
codegen_flags: <defaults>
</compile_context>

<pallas_src>
import functools

import jax
import jax.numpy as jnp
from jax import lax
from jax.experimental import pallas as pl
from jax.experimental.pallas import tpu as pltpu
from jax.experimental.pallas import tpu_sc as plsc

_N = 10000
_E = 160000
_D_IN = 2020
_H = 20

_NTILES = 32
_EB = 128
_EPAD = 163840
_EPT = _EPAD // _NTILES
_NBLK = _EPT // _EB
_ACC_ROWS = 10240
_DQ = 128
_DD = 128
_RPT = _ACC_ROWS // 16
_OPT = 624

_mesh = plsc.VectorSubcoreMesh(core_axis_name="c", subcore_axis_name="s")


@functools.partial(
    pl.kernel,
    out_type=jax.ShapeDtypeStruct((2, _N, _DQ), jnp.float32),
    mesh=_mesh,
    scratch_types=[
        pltpu.VMEM((_NBLK, _EB), jnp.int32),
        pltpu.VMEM((_NBLK, _EB), jnp.int32),
        pltpu.VMEM((2, _EB, _DQ), jnp.float32),
        pltpu.VMEM_SHARED((_ACC_ROWS, _DQ), jnp.float32),
        pltpu.SemaphoreType.DMA,
        pltpu.SemaphoreType.DMA,
    ],
)
def _q_sc(g_hbm, src_hbm, dst_hbm, zeros_hbm, out_hbm, src_all, dst_all,
          rows, acc, s0, s1):
    c = lax.axis_index("c")
    s = lax.axis_index("s")
    sems = [s0, s1]
    r0 = s * _OPT
    wid = c * 16 + s
    pltpu.sync_copy(src_hbm.at[pl.ds(wid * _NBLK, _NBLK)], src_all)
    pltpu.sync_copy(dst_hbm.at[pl.ds(wid * _NBLK, _NBLK)], dst_all)
    pltpu.sync_copy(zeros_hbm, acc.at[pl.ds(s * _RPT, _RPT)])
    plsc.subcore_barrier()

    for b in range(2):
        pltpu.make_async_copy(g_hbm.at[src_all.at[b]], rows.at[b],
                              sems[b]).start()

    def body(i, carry):
        j0 = i * 2
        for b in range(2):
            j = j0 + b
            pltpu.make_async_copy(g_hbm.at[src_all.at[j]], rows.at[b],
                                  sems[b]).wait()
            pltpu.sync_copy(rows.at[b], acc.at[dst_all.at[j]], add=True)
            nj = j + 2

            @pl.when(nj < _NBLK)
            def _():
                pltpu.make_async_copy(g_hbm.at[src_all.at[nj]], rows.at[b],
                                      sems[b]).start()
        return carry

    lax.fori_loop(0, _NBLK // 2, body, 0)
    plsc.subcore_barrier()

    @pl.when(s < 15)
    def _():
        pltpu.sync_copy(acc.at[pl.ds(r0, _OPT)],
                        out_hbm.at[c].at[pl.ds(r0, _OPT)])

    @pl.when(s == 15)
    def _():
        pltpu.sync_copy(acc.at[pl.ds(15 * _OPT, _N - 15 * _OPT)],
                        out_hbm.at[c].at[pl.ds(15 * _OPT, _N - 15 * _OPT)])


@functools.partial(
    pl.kernel,
    out_type=jax.ShapeDtypeStruct((2, _N, _DD), jnp.float32),
    mesh=_mesh,
    scratch_types=[
        pltpu.VMEM((_NBLK, _EB), jnp.int32),
        pltpu.VMEM((_EB, _DD), jnp.float32),
        pltpu.VMEM_SHARED((_ACC_ROWS, _DD), jnp.float32),
    ],
)
def _deg_sc(src_hbm, zeros_hbm, ones_hbm, out_hbm, src_all, ones_v, acc):
    c = lax.axis_index("c")
    s = lax.axis_index("s")
    wid = c * 16 + s
    pltpu.sync_copy(src_hbm.at[pl.ds(wid * _NBLK, _NBLK)], src_all)
    pltpu.sync_copy(ones_hbm, ones_v)
    pltpu.sync_copy(zeros_hbm, acc.at[pl.ds(s * _RPT, _RPT)])
    plsc.subcore_barrier()

    def body(it, carry):
        pltpu.sync_copy(ones_v, acc.at[src_all.at[it]], add=True)
        return carry

    lax.fori_loop(0, _NBLK, body, 0)
    plsc.subcore_barrier()
    r0 = s * _OPT

    @pl.when(s < 15)
    def _():
        pltpu.sync_copy(acc.at[pl.ds(r0, _OPT)],
                        out_hbm.at[c].at[pl.ds(r0, _OPT)])

    @pl.when(s == 15)
    def _():
        pltpu.sync_copy(acc.at[pl.ds(15 * _OPT, _N - 15 * _OPT)],
                        out_hbm.at[c].at[pl.ds(15 * _OPT, _N - 15 * _OPT)])


_RB = 1000


def _tca_body(feat_ref, w0c_ref, w1p_ref, w2p_ref, degp_ref,
              u0_ref, u1_ref, g1_ref, dis_ref):
    x = feat_ref[...]
    deg = degp_ref[...][0, :, 0] + degp_ref[...][1, :, 0]
    dis = jnp.where(deg > 0, lax.rsqrt(jnp.maximum(deg, 1e-12)), 0.0)
    discol = dis[:, None]
    u0_ref[...] = jnp.dot(x, w0c_ref[...], preferred_element_type=jnp.float32)
    u1_ref[...] = jnp.dot(x, w1p_ref[...], preferred_element_type=jnp.float32)
    g1_ref[...] = discol * jnp.dot(x, w2p_ref[...],
                                   preferred_element_type=jnp.float32)
    dis_ref[...] = discol


def _tcb_body(s1p_ref, dis_ref, u1_ref, g2_ref):
    dis = dis_ref[...]
    s1 = s1p_ref[...][0] + s1p_ref[...][1]
    g2_ref[...] = dis * u1_ref[...] - 2.0 * (dis * dis) * s1


def _tcc_body(has_resid, lw_idx,
              s2p_ref, dis_ref, u0_ref, b_ref, bg_ref, bb_ref, xprev_ref,
              eacc_ref, lw_ref, w0c_ref, w1p_ref, w2p_ref,
              x_ref, eout_ref, u0n_ref, u1n_ref, g1n_ref):
    dis = dis_ref[...]
    s2 = s2p_ref[...][0] + s2p_ref[...][1]
    cheb = u0_ref[...] - dis * s2[:, 0:_H] + b_ref[...][0]
    scale = 1.0 / jnp.sqrt(jnp.float32(1.0 + 1e-05))
    v = jax.nn.relu(cheb * scale * bg_ref[...][0] + bb_ref[...][0])
    if has_resid:
        v = v + 0.7 * xprev_ref[...]
    x_ref[...] = v
    w = jax.nn.softmax(lw_ref[...][0])
    e = w[lw_idx] * v
    if has_resid:
        e = e + eacc_ref[...]
    eout_ref[...] = e
    u0n_ref[...] = jnp.dot(v, w0c_ref[...], preferred_element_type=jnp.float32)
    u1n_ref[...] = jnp.dot(v, w1p_ref[...], preferred_element_type=jnp.float32)
    g1n_ref[...] = dis * jnp.dot(v, w2p_ref[...],
                                 preferred_element_type=jnp.float32)


def _tcf_body(s2p_ref, dis_ref, u0_ref, b_ref, bg_ref, bb_ref, xprev_ref,
              eacc_ref, lw_ref, ow_ref, ob_ref, out_ref):
    dis = dis_ref[...]
    s2 = s2p_ref[...][0] + s2p_ref[...][1]
    cheb = u0_ref[...] - dis * s2[:, 0:_H] + b_ref[...][0]
    scale = 1.0 / jnp.sqrt(jnp.float32(1.0 + 1e-05))
    v = jax.nn.relu(cheb * scale * bg_ref[...][0] + bb_ref[...][0]) \
        + 0.7 * xprev_ref[...]
    w = jax.nn.softmax(lw_ref[...][0])
    emb = eacc_ref[...] + w[3] * v
    out_ref[...] = jnp.dot(emb, ow_ref[...].T,
                           preferred_element_type=jnp.float32) + ob_ref[...][0]


def _full(shape):
    return pl.BlockSpec(shape, lambda *_: tuple(0 for _ in shape))


_tca = pl.pallas_call(
    _tca_body,
    grid=(_N // _RB,),
    in_specs=[
        pl.BlockSpec((_RB, _D_IN), lambda i: (i, 0)),
        pl.BlockSpec((_D_IN, _H), lambda i: (0, 0)),
        pl.BlockSpec((_D_IN, _DQ), lambda i: (0, 0)),
        pl.BlockSpec((_D_IN, _DQ), lambda i: (0, 0)),
        pl.BlockSpec((2, _RB, _DD), lambda i: (0, i, 0)),
    ],
    out_specs=[
        pl.BlockSpec((_RB, _H), lambda i: (i, 0)),
        pl.BlockSpec((_RB, _DQ), lambda i: (i, 0)),
        pl.BlockSpec((_RB, _DQ), lambda i: (i, 0)),
        pl.BlockSpec((_RB, 1), lambda i: (i, 0)),
    ],
    out_shape=[
        jax.ShapeDtypeStruct((_N, _H), jnp.float32),
        jax.ShapeDtypeStruct((_N, _DQ), jnp.float32),
        jax.ShapeDtypeStruct((_N, _DQ), jnp.float32),
        jax.ShapeDtypeStruct((_N, 1), jnp.float32),
    ],
)

def _rows(w):
    return pl.BlockSpec((_RB, w), lambda i: (i, 0))


def _part(w):
    return pl.BlockSpec((2, _RB, w), lambda i: (0, i, 0))


_tcb = pl.pallas_call(
    _tcb_body,
    grid=(_N // _RB,),
    in_specs=[_part(_DQ), _rows(1), _rows(_DQ)],
    out_specs=_rows(_DQ),
    out_shape=jax.ShapeDtypeStruct((_N, _DQ), jnp.float32),
)


def _make_tcc(has_resid, lw_idx):
    return pl.pallas_call(
        functools.partial(_tcc_body, has_resid, lw_idx),
        grid=(_N // _RB,),
        in_specs=[
            _part(_DQ), _rows(1), _rows(_H),
            _full((1, _H)), _full((1, _H)), _full((1, _H)),
            _rows(_H), _rows(_H), _full((1, 4)),
            _full((_H, _H)), _full((_H, _DQ)), _full((_H, _DQ)),
        ],
        out_specs=[
            _rows(_H), _rows(_H), _rows(_H), _rows(_DQ), _rows(_DQ),
        ],
        out_shape=[
            jax.ShapeDtypeStruct((_N, _H), jnp.float32),
            jax.ShapeDtypeStruct((_N, _H), jnp.float32),
            jax.ShapeDtypeStruct((_N, _H), jnp.float32),
            jax.ShapeDtypeStruct((_N, _DQ), jnp.float32),
            jax.ShapeDtypeStruct((_N, _DQ), jnp.float32),
        ],
    )


_tcf = pl.pallas_call(
    _tcf_body,
    grid=(_N // _RB,),
    in_specs=[
        _part(_DQ), _rows(1), _rows(_H),
        _full((1, _H)), _full((1, _H)), _full((1, _H)),
        _rows(_H), _rows(_H), _full((1, 4)),
        _full((2, _H)), _full((1, 2)),
    ],
    out_specs=_rows(2),
    out_shape=jax.ShapeDtypeStruct((_N, 2), jnp.float32),
)


def _pad_w(w):
    return jnp.concatenate(
        [w, jnp.zeros((w.shape[0], _DQ - w.shape[1]), jnp.float32)], axis=1)


def kernel(features, edges, edge_weight, c0w0, c0w1, c0w2, c0b, c1w0, c1w1,
           c1w2, c1b, c2w0, c2w1, c2w2, c2b, c3w0, c3w1, c3w2, c3b, bn0g,
           bn0b, bn1g, bn1b, bn2g, bn2b, bn3g, bn3b, out_w, out_b, layer_w):
    src = edges[0]
    dst = edges[1]
    npad = _EPAD - _E
    nrow = _EPAD // _EB
    src_q = jnp.concatenate([src, jnp.zeros((npad,), jnp.int32)])
    src_q = src_q.reshape(nrow, _EB)
    dst_q = jnp.concatenate([dst, jnp.full((npad,), _N, jnp.int32)])
    dst_q = dst_q.reshape(nrow, _EB)
    src_d = jnp.concatenate([src, jnp.full((npad,), _N, jnp.int32)])
    src_d = src_d.reshape(nrow, _EB)

    ws = [(c0w0, c0w1, c0w2), (c1w0, c1w1, c1w2), (c2w0, c2w1, c2w2),
          (c3w0, c3w1, c3w2)]
    w0c = [w0 - w2 for (w0, w1, w2) in ws]
    w1p = [_pad_w(w1) for (w0, w1, w2) in ws]
    w2p = [_pad_w(w2) for (w0, w1, w2) in ws]
    bs = [c0b, c1b, c2b, c3b]
    bgs = [bn0g, bn1g, bn2g, bn3g]
    bbs = [bn0b, bn1b, bn2b, bn3b]

    def row(v):
        return v.reshape(1, -1)

    zeros_ = jnp.zeros((_RPT, _DQ), jnp.float32)
    ones_ = jnp.ones((_EB, _DD), jnp.float32)

    degp = _deg_sc(src_d, zeros_, ones_)
    u0, u1, g1, dis = _tca(features, w0c[0], w1p[0], w2p[0], degp)

    x = jnp.zeros((_N, _H), jnp.float32)
    eacc = jnp.zeros((_N, _H), jnp.float32)
    for i in range(4):
        s1p = _q_sc(g1, src_q, dst_q, zeros_)
        g2 = _tcb(s1p, dis, u1)
        s2p = _q_sc(g2, src_q, dst_q, zeros_)
        if i < 3:
            x, eacc, u0, u1, g1 = _make_tcc(i > 0, i)(
                s2p, dis, u0, row(bs[i]), row(bgs[i]), row(bbs[i]), x, eacc,
                row(layer_w), w0c[i + 1], w1p[i + 1], w2p[i + 1])
        else:
            out = _tcf(s2p, dis, u0, row(bs[i]), row(bgs[i]), row(bbs[i]), x,
                       eacc, row(layer_w), out_w, row(out_b))
    return out

# --- scband reference (transcript-rebuilt; emitter-appended) ---
"""Pipeline reference for scband-global-gnn-14336600834198 (READ-ONLY COPY).

The authoritative reference and input builder live on the scoring server;
editing this copy changes nothing except your own understanding.
"""

import jax, jax.numpy as jnp
import numpy as np

N = 10000
E = 160000
D_IN = 2020
H = 20

def setup_inputs(seed: int = 0):
    key = jax.random.key(seed)
    ks = jax.random.split(key, 32)
    inp = {}
    inp['features'] = jax.random.normal(ks[0], (N, D_IN), dtype=jnp.float32)
    inp['edges'] = jax.random.randint(ks[1], (2, E), 0, N, dtype=jnp.int32)
    inp['edge_weight'] = jax.random.uniform(ks[2], (E,), dtype=jnp.float32)
    dims = [(D_IN, H), (H, H), (H, H), (H, H)]
    for i, (din, dout) in enumerate(dims):
        for k in range(3):
            inp['c%dw%d' % (i, k)] = jax.random.normal(ks[3 + i * 4 + k], (din, dout), dtype=jnp.float32) * 0.05
        inp['c%db' % i] = jnp.zeros((dout,), dtype=jnp.float32)
    for i in range(4):
        inp['bn%dg' % i] = jnp.ones((H,), dtype=jnp.float32)
        inp['bn%db' % i] = jnp.zeros((H,), dtype=jnp.float32)
    inp['out_w'] = jax.random.normal(ks[20], (2, H), dtype=jnp.float32) * 0.1
    inp['out_b'] = jnp.zeros((2,), dtype=jnp.float32)
    inp['layer_w'] = jax.random.normal(ks[21], (4,), dtype=jnp.float32)
    return inp

def _cheb(x, src, dst, norm, w0, w1, w2, b):
    def prop(h):
        return jax.ops.segment_sum(norm[:, None] * jnp.take(h, src, axis=0), dst, num_segments=N)
    tx0 = x
    tx1 = prop(tx0)
    tx2 = 2.0 * prop(tx1) - tx0
    return tx0 @ w0 + tx1 @ w1 + tx2 @ w2 + b

def _bn(x, g, b):
    return x / jnp.sqrt(1.0 + 1e-05) * g + b

def reference(features, edges, edge_weight, c0w0, c0w1, c0w2, c0b, c1w0, c1w1, c1w2, c1b, c2w0, c2w1, c2w2, c2b, c3w0, c3w1, c3w2, c3b, bn0g, bn0b, bn1g, bn1b, bn2g, bn2b, bn3g, bn3b, out_w, out_b, layer_w):
    src = edges[0]
    dst = edges[1]
    deg = jax.ops.segment_sum(jnp.ones((E,), dtype=jnp.float32), src, num_segments=N)
    dis = jnp.where(deg > 0, 1.0 / jnp.sqrt(jnp.maximum(deg, 1e-12)), 0.0)
    norm = -dis[src] * dis[dst]
    x1 = jax.nn.relu(_bn(_cheb(features, src, dst, norm, c0w0, c0w1, c0w2, c0b), bn0g, bn0b))
    x2 = jax.nn.relu(_bn(_cheb(x1, src, dst, norm, c1w0, c1w1, c1w2, c1b), bn1g, bn1b)) + 0.7 * x1
    x3 = jax.nn.relu(_bn(_cheb(x2, src, dst, norm, c2w0, c2w1, c2w2, c2b), bn2g, bn2b)) + 0.7 * x2
    x4 = jax.nn.relu(_bn(_cheb(x3, src, dst, norm, c3w0, c3w1, c3w2, c3b), bn3g, bn3b)) + 0.7 * x3
    w = jax.nn.softmax(layer_w, axis=0)
    emb = w[0] * x1 + w[1] * x2 + w[2] * x3 + w[3] * x4
    return emb @ out_w.T + out_b

if __name__ == "__main__":
    import jax
    _d = setup_inputs()
    print(jax.jit(kernel)(*tuple(_d.values())))

</pallas_src>

<mosaic_0001>
#map = affine_map<(d0, d1) -> (0, 0)>
#map1 = affine_map<(d0, d1) -> (0, 0, 0)>
module attributes {stable_mosaic.version = 14 : i64} {
  func.func @_deg_sc(%arg0: i32, %arg1: i32, %arg2: memref<1280x128xi32, #tpu.memory_space<hbm>>, %arg3: memref<640x128xf32, #tpu.memory_space<hbm>>, %arg4: memref<128x128xf32, #tpu.memory_space<hbm>>, %arg5: memref<2x10000x128xf32, #tpu.memory_space<hbm>>, %arg6: memref<40x128xi32, #tpu.memory_space<vmem>>, %arg7: memref<128x128xf32, #tpu.memory_space<vmem>>, %arg8: memref<10240x128xf32, #tpu.memory_space<vmem_shared>>) attributes {dimension_semantics = [#tpu.dimension_semantics<core_parallel>, #tpu.dimension_semantics<subcore_parallel>], iteration_bounds = array<i64: 2, 16>, scalar_prefetch = 0 : i64, scratch_operands = 3 : i64, tpu.core_type = #tpu.core_type<sc_vector_subcore>, window_params = [{transform_indices = #map}, {transform_indices = #map}, {transform_indices = #map}, {transform_indices = #map1}]} {
    %mul3A = arith.constant 16 : i32
    %mul3A_0 = arith.muli %arg0, %mul3A : i32
    %add3A = arith.addi %mul3A_0, %arg1 : i32
    %mul3A_1 = arith.constant 40 : i32
    %mul3A_2 = arith.muli %add3A, %mul3A_1 : i32
    "tpu.region"() ({
      %run_scoped3A = tpu.sem_alloc : memref<!tpu.dma_semaphore, #tpu.memory_space<semaphore_mem>>
      %dma_start3A = arith.constant 0 : i32
      %dma_start3A_19 = tpu.memref_slice %arg2[%mul3A_2, %dma_start3A] : memref<1280x128xi32, #tpu.memory_space<hbm>> -> memref<40x128xi32, #tpu.memory_space<hbm>>
      %dma_start3A_20 = arith.constant 0 : i32
      %dma_start3A_21 = tpu.memref_slice %arg2[%mul3A_2, %dma_start3A_20] : memref<1280x128xi32, #tpu.memory_space<hbm>> -> memref<40x128xi32, #tpu.memory_space<hbm>>
      tpu.enqueue_dma source(%dma_start3A_21 : memref<40x128xi32, #tpu.memory_space<hbm>>) target(%arg6 : memref<40x128xi32, #tpu.memory_space<vmem>>) target_semaphore(%run_scoped3A : memref<!tpu.dma_semaphore, #tpu.memory_space<semaphore_mem>>)
      %dma_wait3A = arith.constant 0 : i32
      %dma_wait3A_22 = tpu.memref_slice %arg2[%mul3A_2, %dma_wait3A] : memref<1280x128xi32, #tpu.memory_space<hbm>> -> memref<40x128xi32, #tpu.memory_space<hbm>>
      %dma_wait3A_23 = arith.constant 0 : i32
      %dma_wait3A_24 = tpu.memref_slice %arg2[%mul3A_2, %dma_wait3A_23] : memref<1280x128xi32, #tpu.memory_space<hbm>> -> memref<40x128xi32, #tpu.memory_space<hbm>>
      tpu.wait_dma2 semaphore(%run_scoped3A : memref<!tpu.dma_semaphore, #tpu.memory_space<semaphore_mem>>) src(%dma_wait3A_24 : memref<40x128xi32, #tpu.memory_space<hbm>>) dst(%arg6 : memref<40x128xi32, #tpu.memory_space<vmem>>)
      tpu.yield
    }) : () -> ()
    "tpu.region"() ({
      %run_scoped3A = tpu.sem_alloc : memref<!tpu.dma_semaphore, #tpu.memory_space<semaphore_mem>>
      tpu.enqueue_dma source(%arg4 : memref<128x128xf32, #tpu.memory_space<hbm>>) target(%arg7 : memref<128x128xf32, #tpu.memory_space<vmem>>) target_semaphore(%run_scoped3A : memref<!tpu.dma_semaphore, #tpu.memory_space<semaphore_mem>>)
      tpu.wait_dma2 semaphore(%run_scoped3A : memref<!tpu.dma_semaphore, #tpu.memory_space<semaphore_mem>>) src(%arg4 : memref<128x128xf32, #tpu.memory_space<hbm>>) dst(%arg7 : memref<128x128xf32, #tpu.memory_space<vmem>>)
      tpu.yield
    }) : () -> ()
    %mul3A_3 = arith.constant 640 : i32
    %mul3A_4 = arith.muli %arg1, %mul3A_3 : i32
    "tpu.region"() ({
      %run_scoped3A = tpu.sem_alloc : memref<!tpu.dma_semaphore, #tpu.memory_space<semaphore_mem>>
      %dma_start3A = arith.constant 0 : i32
      %dma_start3A_19 = tpu.memref_slice %arg8[%mul3A_4, %dma_start3A] : memref<10240x128xf32, #tpu.memory_space<vmem_shared>> -> memref<640x128xf32, #tpu.memory_space<vmem_shared>>
      tpu.enqueue_dma source(%arg3 : memref<640x128xf32, #tpu.memory_space<hbm>>) target(%dma_start3A_19 : memref<640x128xf32, #tpu.memory_space<vmem_shared>>) target_semaphore(%run_scoped3A : memref<!tpu.dma_semaphore, #tpu.memory_space<semaphore_mem>>)
      %dma_wait3A = arith.constant 0 : i32
      %dma_wait3A_20 = tpu.memref_slice %arg8[%mul3A_4, %dma_wait3A] : memref<10240x128xf32, #tpu.memory_space<vmem_shared>> -> memref<640x128xf32, #tpu.memory_space<vmem_shared>>
      tpu.wait_dma2 semaphore(%run_scoped3A : memref<!tpu.dma_semaphore, #tpu.memory_space<semaphore_mem>>) src(%arg3 : memref<640x128xf32, #tpu.memory_space<hbm>>) dst(%dma_wait3A_20 : memref<640x128xf32, #tpu.memory_space<vmem_shared>>)
      tpu.yield
    }) : () -> ()
    %barrier3A = arith.constant 0 : index
    tpu.barrier barrier_id(%barrier3A)
    %scan3A = arith.constant 0 : i32
    %scan3A_5 = arith.constant 0 : i32
    %scan3A_6 = arith.constant 40 : i32
    %scan3A_7 = arith.addi %scan3A_5, %scan3A_6 : i32
    %scan3A_8 = arith.constant 1 : i32
    scf.for %scan3A_19 = %scan3A_5 to %scan3A_7 step %scan3A_8  : i32 {
      "tpu.region"() ({
        %run_scoped3A = tpu.sem_alloc : memref<!tpu.dma_semaphore, #tpu.memory_space<semaphore_mem>>
        %dma_start3A = arith.constant 0 : i32
        %dma_start3A_20 = tpu.memref_slice %arg6[%scan3A_19, %dma_start3A] : memref<40x128xi32, #tpu.memory_space<vmem>> -> memref<1x128xi32, #tpu.memory_space<vmem>>
        %dma_start3A_21 = tpu.memref_squeeze %dma_start3A_20 : memref<1x128xi32, #tpu.memory_space<vmem>> -> memref<128xi32, #tpu.memory_space<vmem>>
        %dma_start3A_22 = arith.constant 0 : i32
        %dma_start3A_23 = arith.constant 0 : i32
        %dma_start3A_24 = tpu.memref_slice %arg8[%dma_start3A_22, %dma_start3A_23] : memref<10240x128xf32, #tpu.memory_space<vmem_shared>> -> memref<10240x128xf32, #tpu.memory_space<vmem_shared>>
        tpu.enqueue_indirect_dma source(%arg7 : memref<128x128xf32, #tpu.memory_space<vmem>>) target(%dma_start3A_24 : memref<10240x128xf32, #tpu.memory_space<vmem_shared>>) offsets(%dma_start3A_21 : memref<128xi32, #tpu.memory_space<vmem>>) semaphore(%run_scoped3A : memref<!tpu.dma_semaphore, #tpu.memory_space<semaphore_mem>>) {add = true}
        %dma_wait3A = arith.constant 0 : i32
        %dma_wait3A_25 = tpu.memref_slice %arg6[%scan3A_19, %dma_wait3A] : memref<40x128xi32, #tpu.memory_space<vmem>> -> memref<1x128xi32, #tpu.memory_space<vmem>>
        %dma_wait3A_26 = tpu.memref_squeeze %dma_wait3A_25 : memref<1x128xi32, #tpu.memory_space<vmem>> -> memref<128xi32, #tpu.memory_space<vmem>>
        %dma_wait3A_27 = arith.constant 0 : i32
        %dma_wait3A_28 = arith.constant 0 : i32
        %dma_wait3A_29 = tpu.memref_slice %arg8[%dma_wait3A_27, %dma_wait3A_28] : memref<10240x128xf32, #tpu.memory_space<vmem_shared>> -> memref<10240x128xf32, #tpu.memory_space<vmem_shared>>
        tpu.wait_indirect_dma semaphore(%run_scoped3A : memref<!tpu.dma_semaphore, #tpu.memory_space<semaphore_mem>>) src(%arg7 : memref<128x128xf32, #tpu.memory_space<vmem>>) dst(%dma_wait3A_29 : memref<10240x128xf32, #tpu.memory_space<vmem_shared>>)
        tpu.yield
      }) : () -> ()
    }
    %scan3A_9 = arith.constant 40 : i32
    %barrier3A_10 = arith.constant 0 : index
    tpu.barrier barrier_id(%barrier3A_10)
    %mul3A_11 = arith.constant 624 : i32
    %mul3A_12 = arith.muli %arg1, %mul3A_11 : i32
    %lt3A = arith.constant 15 : i32
    %lt3A_13 = arith.cmpi slt, %arg1, %lt3A : i32
    %convert_element_type3A = arith.extui %lt3A_13 : i1 to i32
    %cond3A = arith.constant 0 : i32
    %cond3A_14 = arith.cmpi ne, %convert_element_type3A, %cond3A : i32
    scf.if %cond3A_14 {
      "tpu.region"() ({
        %run_scoped3A = tpu.sem_alloc : memref<!tpu.dma_semaphore, #tpu.memory_space<semaphore_mem>>
        %dma_start3A = arith.constant 0 : i32
        %dma_start3A_19 = arith.constant 0 : i32
        %dma_start3A_20 = tpu.memref_slice %arg5[%arg0, %dma_start3A, %dma_start3A_19] : memref<2x10000x128xf32, #tpu.memory_space<hbm>> -> memref<1x10000x128xf32, #tpu.memory_space<hbm>>
        %dma_start3A_21 = tpu.memref_squeeze %dma_start3A_20 : memref<1x10000x128xf32, #tpu.memory_space<hbm>> -> memref<10000x128xf32, #tpu.memory_space<hbm>>
        %dma_start3A_22 = arith.constant 0 : i32
        %dma_start3A_23 = tpu.memref_slice %dma_start3A_21[%mul3A_12, %dma_start3A_22] : memref<10000x128xf32, #tpu.memory_space<hbm>> -> memref<624x128xf32, #tpu.memory_space<hbm>>
        %dma_start3A_24 = arith.constant 0 : i32
        %dma_start3A_25 = tpu.memref_slice %arg8[%mul3A_12, %dma_start3A_24] : memref<10240x128xf32, #tpu.memory_space<vmem_shared>> -> memref<624x128xf32, #tpu.memory_space<vmem_shared>>
        tpu.enqueue_dma source(%dma_start3A_25 : memref<624x128xf32, #tpu.memory_space<vmem_shared>>) target(%dma_start3A_23 : memref<624x128xf32, #tpu.memory_space<hbm>>) target_semaphore(%run_scoped3A : memref<!tpu.dma_semaphore, #tpu.memory_space<semaphore_mem>>)
        %dma_wait3A = arith.constant 0 : i32
        %dma_wait3A_26 = arith.constant 0 : i32
        %dma_wait3A_27 = tpu.memref_slice %arg5[%arg0, %dma_wait3A, %dma_wait3A_26] : memref<2x10000x128xf32, #tpu.memory_space<hbm>> -> memref<1x10000x128xf32, #tpu.memory_space<hbm>>
        %dma_wait3A_28 = tpu.memref_squeeze %dma_wait3A_27 : memref<1x10000x128xf32, #tpu.memory_space<hbm>> -> memref<10000x128xf32, #tpu.memory_space<hbm>>
        %dma_wait3A_29 = arith.constant 0 : i32
        %dma_wait3A_30 = tpu.memref_slice %dma_wait3A_28[%mul3A_12, %dma_wait3A_29] : memref<10000x128xf32, #tpu.memory_space<hbm>> -> memref<624x128xf32, #tpu.memory_space<hbm>>
        %dma_wait3A_31 = arith.constant 0 : i32
        %dma_wait3A_32 = tpu.memref_slice %arg8[%mul3A_12, %dma_wait3A_31] : memref<10240x128xf32, #tpu.memory_space<vmem_shared>> -> memref<624x128xf32, #tpu.memory_space<vmem_shared>>
        tpu.wait_dma2 semaphore(%run_scoped3A : memref<!tpu.dma_semaphore, #tpu.memory_space<semaphore_mem>>) src(%dma_wait3A_32 : memref<624x128xf32, #tpu.memory_space<vmem_shared>>) dst(%dma_wait3A_30 : memref<624x128xf32, #tpu.memory_space<hbm>>)
        tpu.yield
      }) : () -> ()
    } else {
    }
    %eq3A = arith.constant 15 : i32
    %eq3A_15 = arith.cmpi eq, %arg1, %eq3A : i32
    %convert_element_type3A_16 = arith.extui %eq3A_15 : i1 to i32
    %cond3A_17 = arith.constant 0 : i32
    %cond3A_18 = arith.cmpi ne, %convert_element_type3A_16, %cond3A_17 : i32
    scf.if %cond3A_18 {
      "tpu.region"() ({
        %run_scoped3A = tpu.sem_alloc : memref<!tpu.dma_semaphore, #tpu.memory_space<semaphore_mem>>
        %dma_start3A = arith.constant 0 : i32
        %dma_start3A_19 = arith.constant 0 : i32
        %dma_start3A_20 = tpu.memref_slice %arg5[%arg0, %dma_start3A, %dma_start3A_19] : memref<2x10000x128xf32, #tpu.memory_space<hbm>> -> memref<1x10000x128xf32, #tpu.memory_space<hbm>>
        %dma_start3A_21 = tpu.memref_squeeze %dma_start3A_20 : memref<1x10000x128xf32, #tpu.memory_space<hbm>> -> memref<10000x128xf32, #tpu.memory_space<hbm>>
        %dma_start3A_22 = arith.constant 9360 : i32
        %dma_start3A_23 = arith.constant 0 : i32
        %dma_start3A_24 = tpu.memref_slice %dma_start3A_21[%dma_start3A_22, %dma_start3A_23] : memref<10000x128xf32, #tpu.memory_space<hbm>> -> memref<640x128xf32, #tpu.memory_space<hbm>>
        %dma_start3A_25 = arith.constant 9360 : i32
        %dma_start3A_26 = arith.constant 0 : i32
        %dma_start3A_27 = tpu.memref_slice %arg8[%dma_start3A_25, %dma_start3A_26] : memref<10240x128xf32, #tpu.memory_space<vmem_shared>> -> memref<640x128xf32, #tpu.memory_space<vmem_shared>>
        tpu.enqueue_dma source(%dma_start3A_27 : memref<640x128xf32, #tpu.memory_space<vmem_shared>>) target(%dma_start3A_24 : memref<640x128xf32, #tpu.memory_space<hbm>>) target_semaphore(%run_scoped3A : memref<!tpu.dma_semaphore, #tpu.memory_space<semaphore_mem>>)
        %dma_wait3A = arith.constant 0 : i32
        %dma_wait3A_28 = arith.constant 0 : i32
        %dma_wait3A_29 = tpu.memref_slice %arg5[%arg0, %dma_wait3A, %dma_wait3A_28] : memref<2x10000x128xf32, #tpu.memory_space<hbm>> -> memref<1x10000x128xf32, #tpu.memory_space<hbm>>
        %dma_wait3A_30 = tpu.memref_squeeze %dma_wait3A_29 : memref<1x10000x128xf32, #tpu.memory_space<hbm>> -> memref<10000x128xf32, #tpu.memory_space<hbm>>
        %dma_wait3A_31 = arith.constant 9360 : i32
        %dma_wait3A_32 = arith.constant 0 : i32
        %dma_wait3A_33 = tpu.memref_slice %dma_wait3A_30[%dma_wait3A_31, %dma_wait3A_32] : memref<10000x128xf32, #tpu.memory_space<hbm>> -> memref<640x128xf32, #tpu.memory_space<hbm>>
        %dma_wait3A_34 = arith.constant 9360 : i32
        %dma_wait3A_35 = arith.constant 0 : i32
        %dma_wait3A_36 = tpu.memref_slice %arg8[%dma_wait3A_34, %dma_wait3A_35] : memref<10240x128xf32, #tpu.memory_space<vmem_shared>> -> memref<640x128xf32, #tpu.memory_space<vmem_shared>>
        tpu.wait_dma2 semaphore(%run_scoped3A : memref<!tpu.dma_semaphore, #tpu.memory_space<semaphore_mem>>) src(%dma_wait3A_36 : memref<640x128xf32, #tpu.memory_space<vmem_shared>>) dst(%dma_wait3A_33 : memref<640x128xf32, #tpu.memory_space<hbm>>)
        tpu.yield
      }) : () -> ()
    } else {
    }
    return
  }
}

#map = affine_map<(d0, d1) -> (0, 0)>
#map1 = affine_map<(d0, d1) -> (0, 0, 0)>
module attributes {stable_mosaic.version = 14 : i64} {
  func.func @_q_sc(%arg0: i32, %arg1: i32, %arg2: memref<10000x128xf32, #tpu.memory_space<hbm>>, %arg3: memref<1280x128xi32, #tpu.memory_space<hbm>>, %arg4: memref<1280x128xi32, #tpu.memory_space<hbm>>, %arg5: memref<640x128xf32, #tpu.memory_space<hbm>>, %arg6: memref<2x10000x128xf32, #tpu.memory_space<hbm>>, %arg7: memref<40x128xi32, #tpu.memory_space<vmem>>, %arg8: memref<40x128xi32, #tpu.memory_space<vmem>>, %arg9: memref<2x128x128xf32, #tpu.memory_space<vmem>>, %arg10: memref<10240x128xf32, #tpu.memory_space<vmem_shared>>, %arg11: memref<!tpu.dma_semaphore, #tpu.memory_space<semaphore_mem>>, %arg12: memref<!tpu.dma_semaphore, #tpu.memory_space<semaphore_mem>>) attributes {dimension_semantics = [#tpu.dimension_semantics<core_parallel>, #tpu.dimension_semantics<subcore_parallel>], iteration_bounds = array<i64: 2, 16>, scalar_prefetch = 0 : i64, scratch_operands = 6 : i64, tpu.core_type = #tpu.core_type<sc_vector_subcore>, window_params = [{transform_indices = #map}, {transform_indices = #map}, {transform_indices = #map}, {transform_indices = #map}, {transform_indices = #map1}]} {
    %mul3A = arith.constant 624 : i32
    %mul3A_0 = arith.muli %arg1, %mul3A : i32
    %mul3A_1 = arith.constant 16 : i32
    %mul3A_2 = arith.muli %arg0, %mul3A_1 : i32
    %add3A = arith.addi %mul3A_2, %arg1 : i32
    %mul3A_3 = arith.constant 40 : i32
    %mul3A_4 = arith.muli %add3A, %mul3A_3 : i32
    "tpu.region"() ({
      %run_scoped3A = tpu.sem_alloc : memref<!tpu.dma_semaphore, #tpu.memory_space<semaphore_mem>>
      %dma_start3A_44 = arith.constant 0 : i32
      %dma_start3A_45 = tpu.memref_slice %arg3[%mul3A_4, %dma_start3A_44] : memref<1280x128xi32, #tpu.memory_space<hbm>> -> memref<40x128xi32, #tpu.memory_space<hbm>>
      %dma_start3A_46 = arith.constant 0 : i32
      %dma_start3A_47 = tpu.memref_slice %arg3[%mul3A_4, %dma_start3A_46] : memref<1280x128xi32, #tpu.memory_space<hbm>> -> memref<40x128xi32, #tpu.memory_space<hbm>>
      tpu.enqueue_dma source(%dma_start3A_47 : memref<40x128xi32, #tpu.memory_space<hbm>>) target(%arg7 : memref<40x128xi32, #tpu.memory_space<vmem>>) target_semaphore(%run_scoped3A : memref<!tpu.dma_semaphore, #tpu.memory_space<semaphore_mem>>)
      %dma_wait3A = arith.constant 0 : i32
      %dma_wait3A_48 = tpu.memref_slice %arg3[%mul3A_4, %dma_wait3A] : memref<1280x128xi32, #tpu.memory_space<hbm>> -> memref<40x128xi32, #tpu.memory_space<hbm>>
      %dma_wait3A_49 = arith.constant 0 : i32
      %dma_wait3A_50 = tpu.memref_slice %arg3[%mul3A_4, %dma_wait3A_49] : memref<1280x128xi32, #tpu.memory_space<hbm>> -> memref<40x128xi32, #tpu.memory_space<hbm>>
      tpu.wait_dma2 semaphore(%run_scoped3A : memref<!tpu.dma_semaphore, #tpu.memory_space<semaphore_mem>>) src(%dma_wait3A_50 : memref<40x128xi32, #tpu.memory_space<hbm>>) dst(%arg7 : memref<40x128xi32, #tpu.memory_space<vmem>>)
      tpu.yield
    }) : () -> ()
    %mul3A_5 = arith.constant 40 : i32
    %mul3A_6 = arith.muli %add3A, %mul3A_5 : i32
    "tpu.region"() ({
      %run_scoped3A = tpu.sem_alloc : memref<!tpu.dma_semaphore, #tpu.memory_space<semaphore_mem>>
      %dma_start3A_44 = arith.constant 0 : i32
      %dma_start3A_45 = tpu.memref_slice %arg4[%mul3A_6, %dma_start3A_44] : memref<1280x128xi32, #tpu.memory_space<hbm>> -> memref<40x128xi32, #tpu.memory_space<hbm>>
      %dma_start3A_46 = arith.constant 0 : i32
      %dma_start3A_47 = tpu.memref_slice %arg4[%mul3A_6, %dma_start3A_46] : memref<1280x128xi32, #tpu.memory_space<hbm>> -> memref<40x128xi32, #tpu.memory_space<hbm>>
      tpu.enqueue_dma source(%dma_start3A_47 : memref<40x128xi32, #tpu.memory_space<hbm>>) target(%arg8 : memref<40x128xi32, #tpu.memory_space<vmem>>) target_semaphore(%run_scoped3A : memref<!tpu.dma_semaphore, #tpu.memory_space<semaphore_mem>>)
      %dma_wait3A = arith.constant 0 : i32
      %dma_wait3A_48 = tpu.memref_slice %arg4[%mul3A_6, %dma_wait3A] : memref<1280x128xi32, #tpu.memory_space<hbm>> -> memref<40x128xi32, #tpu.memory_space<hbm>>
      %dma_wait3A_49 = arith.constant 0 : i32
      %dma_wait3A_50 = tpu.memref_slice %arg4[%mul3A_6, %dma_wait3A_49] : memref<1280x128xi32, #tpu.memory_space<hbm>> -> memref<40x128xi32, #tpu.memory_space<hbm>>
      tpu.wait_dma2 semaphore(%run_scoped3A : memref<!tpu.dma_semaphore, #tpu.memory_space<semaphore_mem>>) src(%dma_wait3A_50 : memref<40x128xi32, #tpu.memory_space<hbm>>) dst(%arg8 : memref<40x128xi32, #tpu.memory_space<vmem>>)
      tpu.yield
    }) : () -> ()
    %mul3A_7 = arith.constant 640 : i32
    %mul3A_8 = arith.muli %arg1, %mul3A_7 : i32
    "tpu.region"() ({
      %run_scoped3A = tpu.sem_alloc : memref<!tpu.dma_semaphore, #tpu.memory_space<semaphore_mem>>
      %dma_start3A_44 = arith.constant 0 : i32
      %dma_start3A_45 = tpu.memref_slice %arg10[%mul3A_8, %dma_start3A_44] : memref<10240x128xf32, #tpu.memory_space<vmem_shared>> -> memref<640x128xf32, #tpu.memory_space<vmem_shared>>
      tpu.enqueue_dma source(%arg5 : memref<640x128xf32, #tpu.memory_space<hbm>>) target(%dma_start3A_45 : memref<640x128xf32, #tpu.memory_space<vmem_shared>>) target_semaphore(%run_scoped3A : memref<!tpu.dma_semaphore, #tpu.memory_space<semaphore_mem>>)
      %dma_wait3A = arith.constant 0 : i32
      %dma_wait3A_46 = tpu.memref_slice %arg10[%mul3A_8, %dma_wait3A] : memref<10240x128xf32, #tpu.memory_space<vmem_shared>> -> memref<640x128xf32, #tpu.memory_space<vmem_shared>>
      tpu.wait_dma2 semaphore(%run_scoped3A : memref<!tpu.dma_semaphore, #tpu.memory_space<semaphore_mem>>) src(%arg5 : memref<640x128xf32, #tpu.memory_space<hbm>>) dst(%dma_wait3A_46 : memref<640x128xf32, #tpu.memory_space<vmem_shared>>)
      tpu.yield
    }) : () -> ()
    %barrier3A = arith.constant 0 : index
    tpu.barrier barrier_id(%barrier3A)
    %dma_start3A = arith.constant 0 : i32
    %dma_start3A_9 = arith.constant 0 : i32
    %dma_start3A_10 = arith.constant 0 : i32
    %dma_start3A_11 = arith.constant 0 : i32
    %dma_start3A_12 = tpu.memref_slice %arg9[%dma_start3A_9, %dma_start3A_10, %dma_start3A_11] : memref<2x128x128xf32, #tpu.memory_space<vmem>> -> memref<1x128x128xf32, #tpu.memory_space<vmem>>
    %dma_start3A_13 = tpu.memref_squeeze %dma_start3A_12 : memref<1x128x128xf32, #tpu.memory_space<vmem>> -> memref<128x128xf32, #tpu.memory_space<vmem>>
    %dma_start3A_14 = arith.constant 0 : i32
    %dma_start3A_15 = tpu.memref_slice %arg7[%dma_start3A, %dma_start3A_14] : memref<40x128xi32, #tpu.memory_space<vmem>> -> memref<1x128xi32, #tpu.memory_space<vmem>>
    %dma_start3A_16 = tpu.memref_squeeze %dma_start3A_15 : memref<1x128xi32, #tpu.memory_space<vmem>> -> memref<128xi32, #tpu.memory_space<vmem>>
    %dma_start3A_17 = arith.constant 0 : i32
    %dma_start3A_18 = arith.constant 0 : i32
    %dma_start3A_19 = tpu.memref_slice %arg2[%dma_start3A_17, %dma_start3A_18] : memref<10000x128xf32, #tpu.memory_space<hbm>> -> memref<10000x128xf32, #tpu.memory_space<hbm>>
    tpu.enqueue_indirect_dma source(%dma_start3A_19 : memref<10000x128xf32, #tpu.memory_space<hbm>>) target(%dma_start3A_13 : memref<128x128xf32, #tpu.memory_space<vmem>>) offsets(%dma_start3A_16 : memref<128xi32, #tpu.memory_space<vmem>>) semaphore(%arg11 : memref<!tpu.dma_semaphore, #tpu.memory_space<semaphore_mem>>)
    %dma_start3A_20 = arith.constant 1 : i32
    %dma_start3A_21 = arith.constant 1 : i32
    %dma_start3A_22 = arith.constant 0 : i32
    %dma_start3A_23 = arith.constant 0 : i32
    %dma_start3A_24 = tpu.memref_slice %arg9[%dma_start3A_21, %dma_start3A_22, %dma_start3A_23] : memref<2x128x128xf32, #tpu.memory_space<vmem>> -> memref<1x128x128xf32, #tpu.memory_space<vmem>>
    %dma_start3A_25 = tpu.memref_squeeze %dma_start3A_24 : memref<1x128x128xf32, #tpu.memory_space<vmem>> -> memref<128x128xf32, #tpu.memory_space<vmem>>
    %dma_start3A_26 = arith.constant 0 : i32
    %dma_start3A_27 = tpu.memref_slice %arg7[%dma_start3A_20, %dma_start3A_26] : memref<40x128xi32, #tpu.memory_space<vmem>> -> memref<1x128xi32, #tpu.memory_space<vmem>>
    %dma_start3A_28 = tpu.memref_squeeze %dma_start3A_27 : memref<1x128xi32, #tpu.memory_space<vmem>> -> memref<128xi32, #tpu.memory_space<vmem>>
    %dma_start3A_29 = arith.constant 0 : i32
    %dma_start3A_30 = arith.constant 0 : i32
    %dma_start3A_31 = tpu.memref_slice %arg2[%dma_start3A_29, %dma_start3A_30] : memref<10000x128xf32, #tpu.memory_space<hbm>> -> memref<10000x128xf32, #tpu.memory_space<hbm>>
    tpu.enqueue_indirect_dma source(%dma_start3A_31 : memref<10000x128xf32, #tpu.memory_space<hbm>>) target(%dma_start3A_25 : memref<128x128xf32, #tpu.memory_space<vmem>>) offsets(%dma_start3A_28 : memref<128xi32, #tpu.memory_space<vmem>>) semaphore(%arg12 : memref<!tpu.dma_semaphore, #tpu.memory_space<semaphore_mem>>)
    %scan3A = arith.constant 0 : i32
    %scan3A_32 = arith.constant 0 : i32
    %scan3A_33 = arith.constant 20 : i32
    %scan3A_34 = arith.addi %scan3A_32, %scan3A_33 : i32
    %scan3A_35 = arith.constant 1 : i32
    scf.for %scan3A_44 = %scan3A_32 to %scan3A_34 step %scan3A_35  : i32 {
      %mul3A_45 = arith.constant 2 : i32
      %mul3A_46 = arith.muli %scan3A_44, %mul3A_45 : i32
      %add3A_47 = arith.constant 0 : i32
      %add3A_48 = arith.addi %mul3A_46, %add3A_47 : i32
      %dma_wait3A = arith.constant 0 : i32
      %dma_wait3A_49 = arith.constant 0 : i32
      %dma_wait3A_50 = arith.constant 0 : i32
      %dma_wait3A_51 = tpu.memref_slice %arg9[%dma_wait3A, %dma_wait3A_49, %dma_wait3A_50] : memref<2x128x128xf32, #tpu.memory_space<vmem>> -> memref<1x128x128xf32, #tpu.memory_space<vmem>>
      %dma_wait3A_52 = tpu.memref_squeeze %dma_wait3A_51 : memref<1x128x128xf32, #tpu.memory_space<vmem>> -> memref<128x128xf32, #tpu.memory_space<vmem>>
      %dma_wait3A_53 = arith.constant 0 : i32
      %dma_wait3A_54 = tpu.memref_slice %arg7[%add3A_48, %dma_wait3A_53] : memref<40x128xi32, #tpu.memory_space<vmem>> -> memref<1x128xi32, #tpu.memory_space<vmem>>
      %dma_wait3A_55 = tpu.memref_squeeze %dma_wait3A_54 : memref<1x128xi32, #tpu.memory_space<vmem>> -> memref<128xi32, #tpu.memory_space<vmem>>
      %dma_wait3A_56 = arith.constant 0 : i32
      %dma_wait3A_57 = arith.constant 0 : i32
      %dma_wait3A_58 = tpu.memref_slice %arg2[%dma_wait3A_56, %dma_wait3A_57] : memref<10000x128xf32, #tpu.memory_space<hbm>> -> memref<10000x128xf32, #tpu.memory_space<hbm>>
      tpu.wait_indirect_dma semaphore(%arg11 : memref<!tpu.dma_semaphore, #tpu.memory_space<semaphore_mem>>) src(%dma_wait3A_58 : memref<10000x128xf32, #tpu.memory_space<hbm>>) dst(%dma_wait3A_52 : memref<128x128xf32, #tpu.memory_space<vmem>>)
      %run_scoped3A = arith.constant 0 : i32
      "tpu.region"() ({
        %run_scoped3A_87 = tpu.sem_alloc : memref<!tpu.dma_semaphore, #tpu.memory_space<semaphore_mem>>
        %dma_start3A_88 = arith.constant 0 : i32
        %dma_start3A_89 = arith.constant 0 : i32
        %dma_start3A_90 = tpu.memref_slice %arg9[%run_scoped3A, %dma_start3A_88, %dma_start3A_89] : memref<2x128x128xf32, #tpu.memory_space<vmem>> -> memref<1x128x128xf32, #tpu.memory_space<vmem>>
        %dma_start3A_91 = tpu.memref_squeeze %dma_start3A_90 : memref<1x128x128xf32, #tpu.memory_space<vmem>> -> memref<128x128xf32, #tpu.memory_space<vmem>>
        %dma_start3A_92 = arith.constant 0 : i32
        %dma_start3A_93 = tpu.memref_slice %arg8[%add3A_48, %dma_start3A_92] : memref<40x128xi32, #tpu.memory_space<vmem>> -> memref<1x128xi32, #tpu.memory_space<vmem>>
        %dma_start3A_94 = tpu.memref_squeeze %dma_start3A_93 : memref<1x128xi32, #tpu.memory_space<vmem>> -> memref<128xi32, #tpu.memory_space<vmem>>
        %dma_start3A_95 = arith.constant 0 : i32
        %dma_start3A_96 = arith.constant 0 : i32
        %dma_start3A_97 = tpu.memref_slice %arg10[%dma_start3A_95, %dma_start3A_96] : memref<10240x128xf32, #tpu.memory_space<vmem_shared>> -> memref<10240x128xf32, #tpu.memory_space<vmem_shared>>
        tpu.enqueue_indirect_dma source(%dma_start3A_91 : memref<128x128xf32, #tpu.memory_space<vmem>>) target(%dma_start3A_97 : memref<10240x128xf32, #tpu.memory_space<vmem_shared>>) offsets(%dma_start3A_94 : memref<128xi32, #tpu.memory_space<vmem>>) semaphore(%run_scoped3A_87 : memref<!tpu.dma_semaphore, #tpu.memory_space<semaphore_mem>>) {add = true}
        %dma_wait3A_98 = arith.constant 0 : i32
        %dma_wait3A_99 = arith.constant 0 : i32
        %dma_wait3A_100 = tpu.memref_slice %arg9[%run_scoped3A, %dma_wait3A_98, %dma_wait3A_99] : memref<2x128x128xf32, #tpu.memory_space<vmem>> -> memref<1x128x128xf32, #tpu.memory_space<vmem>>
        %dma_wait3A_101 = tpu.memref_squeeze %dma_wait3A_100 : memref<1x128x128xf32, #tpu.memory_space<vmem>> -> memref<128x128xf32, #tpu.memory_space<vmem>>
        %dma_wait3A_102 = arith.constant 0 : i32
        %dma_wait3A_103 = tpu.memref_slice %arg8[%add3A_48, %dma_wait3A_102] : memref<40x128xi32, #tpu.memory_space<vmem>> -> memref<1x128xi32, #tpu.memory_space<vmem>>
        %dma_wait3A_104 = tpu.memref_squeeze %dma_wait3A_103 : memref<1x128xi32, #tpu.memory_space<vmem>> -> memref<128xi32, #tpu.memory_space<vmem>>
        %dma_wait3A_105 = arith.constant 0 : i32
        %dma_wait3A_106 = arith.constant 0 : i32
        %dma_wait3A_107 = tpu.memref_slice %arg10[%dma_wait3A_105, %dma_wait3A_106] : memref<10240x128xf32, #tpu.memory_space<vmem_shared>> -> memref<10240x128xf32, #tpu.memory_space<vmem_shared>>
        tpu.wait_indirect_dma semaphore(%run_scoped3A_87 : memref<!tpu.dma_semaphore, #tpu.memory_space<semaphore_mem>>) src(%dma_wait3A_101 : memref<128x128xf32, #tpu.memory_space<vmem>>) dst(%dma_wait3A_107 : memref<10240x128xf32, #tpu.memory_space<vmem_shared>>)
        tpu.yield
      }) : () -> ()
      %add3A_59 = arith.constant 2 : i32
      %add3A_60 = arith.addi %add3A_48, %add3A_59 : i32
      %lt3A_61 = arith.constant 40 : i32
      %lt3A_62 = arith.cmpi slt, %add3A_60, %lt3A_61 : i32
      %convert_element_type3A_63 = arith.extui %lt3A_62 : i1 to i32
      %cond3A_64 = arith.constant 0 : i32
      %cond3A_65 = arith.cmpi ne, %convert_element_type3A_63, %cond3A_64 : i32
      scf.if %cond3A_65 {
        %dma_start3A_87 = arith.constant 0 : i32
        %dma_start3A_88 = arith.constant 0 : i32
        %dma_start3A_89 = arith.constant 0 : i32
        %dma_start3A_90 = tpu.memref_slice %arg9[%dma_start3A_87, %dma_start3A_88, %dma_start3A_89] : memref<2x128x128xf32, #tpu.memory_space<vmem>> -> memref<1x128x128xf32, #tpu.memory_space<vmem>>
        %dma_start3A_91 = tpu.memref_squeeze %dma_start3A_90 : memref<1x128x128xf32, #tpu.memory_space<vmem>> -> memref<128x128xf32, #tpu.memory_space<vmem>>
        %dma_start3A_92 = arith.constant 0 : i32
        %dma_start3A_93 = tpu.memref_slice %arg7[%add3A_60, %dma_start3A_92] : memref<40x128xi32, #tpu.memory_space<vmem>> -> memref<1x128xi32, #tpu.memory_space<vmem>>
        %dma_start3A_94 = tpu.memref_squeeze %dma_start3A_93 : memref<1x128xi32, #tpu.memory_space<vmem>> -> memref<128xi32, #tpu.memory_space<vmem>>
        %dma_start3A_95 = arith.constant 0 : i32
        %dma_start3A_96 = arith.constant 0 : i32
        %dma_start3A_97 = tpu.memref_slice %arg2[%dma_start3A_95, %dma_start3A_96] : memref<10000x128xf32, #tpu.memory_space<hbm>> -> memref<10000x128xf32, #tpu.memory_space<hbm>>
        tpu.enqueue_indirect_dma source(%dma_start3A_97 : memref<10000x128xf32, #tpu.memory_space<hbm>>) target(%dma_start3A_91 : memref<128x128xf32, #tpu.memory_space<vmem>>) offsets(%dma_start3A_94 : memref<128xi32, #tpu.memory_space<vmem>>) semaphore(%arg11 : memref<!tpu.dma_semaphore, #tpu.memory_space<semaphore_mem>>)
      } else {
      }
      %add3A_66 = arith.constant 1 : i32
      %add3A_67 = arith.addi %mul3A_46, %add3A_66 : i32
      %dma_wait3A_68 = arith.constant 1 : i32
      %dma_wait3A_69 = arith.constant 0 : i32
      %dma_wait3A_70 = arith.constant 0 : i32
      %dma_wait3A_71 = tpu.memref_slice %arg9[%dma_wait3A_68, %dma_wait3A_69, %dma_wait3A_70] : memref<2x128x128xf32, #tpu.memory_space<vmem>> -> memref<1x128x128xf32, #tpu.memory_space<vmem>>
      %dma_wait3A_72 = tpu.memref_squeeze %dma_wait3A_71 : memref<1x128x128xf32, #tpu.memory_space<vmem>> -> memref<128x128xf32, #tpu.memory_space<vmem>>
      %dma_wait3A_73 = arith.constant 0 : i32
      %dma_wait3A_74 = tpu.memref_slice %arg7[%add3A_67, %dma_wait3A_73] : memref<40x128xi32, #tpu.memory_space<vmem>> -> memref<1x128xi32, #tpu.memory_space<vmem>>
      %dma_wait3A_75 = tpu.memref_squeeze %dma_wait3A_74 : memref<1x128xi32, #tpu.memory_space<vmem>> -> memref<128xi32, #tpu.memory_space<vmem>>
      %dma_wait3A_76 = arith.constant 0 : i32
      %dma_wait3A_77 = arith.constant 0 : i32
      %dma_wait3A_78 = tpu.memref_slice %arg2[%dma_wait3A_76, %dma_wait3A_77] : memref<10000x128xf32, #tpu.memory_space<hbm>> -> memref<10000x128xf32, #tpu.memory_space<hbm>>
      tpu.wait_indirect_dma semaphore(%arg12 : memref<!tpu.dma_semaphore, #tpu.memory_space<semaphore_mem>>) src(%dma_wait3A_78 : memref<10000x128xf32, #tpu.memory_space<hbm>>) dst(%dma_wait3A_72 : memref<128x128xf32, #tpu.memory_space<vmem>>)
      %run_scoped3A_79 = arith.constant 1 : i32
      "tpu.region"() ({
        %run_scoped3A_87 = tpu.sem_alloc : memref<!tpu.dma_semaphore, #tpu.memory_space<semaphore_mem>>
        %dma_start3A_88 = arith.constant 0 : i32
        %dma_start3A_89 = arith.constant 0 : i32
        %dma_start3A_90 = tpu.memref_slice %arg9[%run_scoped3A_79, %dma_start3A_88, %dma_start3A_89] : memref<2x128x128xf32, #tpu.memory_space<vmem>> -> memref<1x128x128xf32, #tpu.memory_space<vmem>>
        %dma_start3A_91 = tpu.memref_squeeze %dma_start3A_90 : memref<1x128x128xf32, #tpu.memory_space<vmem>> -> memref<128x128xf32, #tpu.memory_space<vmem>>
        %dma_start3A_92 = arith.constant 0 : i32
        %dma_start3A_93 = tpu.memref_slice %arg8[%add3A_67, %dma_start3A_92] : memref<40x128xi32, #tpu.memory_space<vmem>> -> memref<1x128xi32, #tpu.memory_space<vmem>>
        %dma_start3A_94 = tpu.memref_squeeze %dma_start3A_93 : memref<1x128xi32, #tpu.memory_space<vmem>> -> memref<128xi32, #tpu.memory_space<vmem>>
        %dma_start3A_95 = arith.constant 0 : i32
        %dma_start3A_96 = arith.constant 0 : i32
        %dma_start3A_97 = tpu.memref_slice %arg10[%dma_start3A_95, %dma_start3A_96] : memref<10240x128xf32, #tpu.memory_space<vmem_shared>> -> memref<10240x128xf32, #tpu.memory_space<vmem_shared>>
        tpu.enqueue_indirect_dma source(%dma_start3A_91 : memref<128x128xf32, #tpu.memory_space<vmem>>) target(%dma_start3A_97 : memref<10240x128xf32, #tpu.memory_space<vmem_shared>>) offsets(%dma_start3A_94 : memref<128xi32, #tpu.memory_space<vmem>>) semaphore(%run_scoped3A_87 : memref<!tpu.dma_semaphore, #tpu.memory_space<semaphore_mem>>) {add = true}
        %dma_wait3A_98 = arith.constant 0 : i32
        %dma_wait3A_99 = arith.constant 0 : i32
        %dma_wait3A_100 = tpu.memref_slice %arg9[%run_scoped3A_79, %dma_wait3A_98, %dma_wait3A_99] : memref<2x128x128xf32, #tpu.memory_space<vmem>> -> memref<1x128x128xf32, #tpu.memory_space<vmem>>
        %dma_wait3A_101 = tpu.memref_squeeze %dma_wait3A_100 : memref<1x128x128xf32, #tpu.memory_space<vmem>> -> memref<128x128xf32, #tpu.memory_space<vmem>>
        %dma_wait3A_102 = arith.constant 0 : i32
        %dma_wait3A_103 = tpu.memref_slice %arg8[%add3A_67, %dma_wait3A_102] : memref<40x128xi32, #tpu.memory_space<vmem>> -> memref<1x128xi32, #tpu.memory_space<vmem>>
        %dma_wait3A_104 = tpu.memref_squeeze %dma_wait3A_103 : memref<1x128xi32, #tpu.memory_space<vmem>> -> memref<128xi32, #tpu.memory_space<vmem>>
        %dma_wait3A_105 = arith.constant 0 : i32
        %dma_wait3A_106 = arith.constant 0 : i32
        %dma_wait3A_107 = tpu.memref_slice %arg10[%dma_wait3A_105, %dma_wait3A_106] : memref<10240x128xf32, #tpu.memory_space<vmem_shared>> -> memref<10240x128xf32, #tpu.memory_space<vmem_shared>>
        tpu.wait_indirect_dma semaphore(%run_scoped3A_87 : memref<!tpu.dma_semaphore, #tpu.memory_space<semaphore_mem>>) src(%dma_wait3A_101 : memref<128x128xf32, #tpu.memory_space<vmem>>) dst(%dma_wait3A_107 : memref<10240x128xf32, #tpu.memory_space<vmem_shared>>)
        tpu.yield
      }) : () -> ()
      %add3A_80 = arith.constant 2 : i32
      %add3A_81 = arith.addi %add3A_67, %add3A_80 : i32
      %lt3A_82 = arith.constant 40 : i32
      %lt3A_83 = arith.cmpi slt, %add3A_81, %lt3A_82 : i32
      %convert_element_type3A_84 = arith.extui %lt3A_83 : i1 to i32
      %cond3A_85 = arith.constant 0 : i32
      %cond3A_86 = arith.cmpi ne, %convert_element_type3A_84, %cond3A_85 : i32
      scf.if %cond3A_86 {
        %dma_start3A_87 = arith.constant 1 : i32
        %dma_start3A_88 = arith.constant 0 : i32
        %dma_start3A_89 = arith.constant 0 : i32
        %dma_start3A_90 = tpu.memref_slice %arg9[%dma_start3A_87, %dma_start3A_88, %dma_start3A_89] : memref<2x128x128xf32, #tpu.memory_space<vmem>> -> memref<1x128x128xf32, #tpu.memory_space<vmem>>
        %dma_start3A_91 = tpu.memref_squeeze %dma_start3A_90 : memref<1x128x128xf32, #tpu.memory_space<vmem>> -> memref<128x128xf32, #tpu.memory_space<vmem>>
        %dma_start3A_92 = arith.constant 0 : i32
        %dma_start3A_93 = tpu.memref_slice %arg7[%add3A_81, %dma_start3A_92] : memref<40x128xi32, #tpu.memory_space<vmem>> -> memref<1x128xi32, #tpu.memory_space<vmem>>
        %dma_start3A_94 = tpu.memref_squeeze %dma_start3A_93 : memref<1x128xi32, #tpu.memory_space<vmem>> -> memref<128xi32, #tpu.memory_space<vmem>>
        %dma_start3A_95 = arith.constant 0 : i32
        %dma_start3A_96 = arith.constant 0 : i32
        %dma_start3A_97 = tpu.memref_slice %arg2[%dma_start3A_95, %dma_start3A_96] : memref<10000x128xf32, #tpu.memory_space<hbm>> -> memref<10000x128xf32, #tpu.memory_space<hbm>>
        tpu.enqueue_indirect_dma source(%dma_start3A_97 : memref<10000x128xf32, #tpu.memory_space<hbm>>) target(%dma_start3A_91 : memref<128x128xf32, #tpu.memory_space<vmem>>) offsets(%dma_start3A_94 : memref<128xi32, #tpu.memory_space<vmem>>) semaphore(%arg12 : memref<!tpu.dma_semaphore, #tpu.memory_space<semaphore_mem>>)
      } else {
      }
    }
    %scan3A_36 = arith.constant 20 : i32
    %barrier3A_37 = arith.constant 0 : index
    tpu.barrier barrier_id(%barrier3A_37)
    %lt3A = arith.constant 15 : i32
    %lt3A_38 = arith.cmpi slt, %arg1, %lt3A : i32
    %convert_element_type3A = arith.extui %lt3A_38 : i1 to i32
    %cond3A = arith.constant 0 : i32
    %cond3A_39 = arith.cmpi ne, %convert_element_type3A, %cond3A : i32
    scf.if %cond3A_39 {
      "tpu.region"() ({
        %run_scoped3A = tpu.sem_alloc : memref<!tpu.dma_semaphore, #tpu.memory_space<semaphore_mem>>
        %dma_start3A_44 = arith.constant 0 : i32
        %dma_start3A_45 = arith.constant 0 : i32
        %dma_start3A_46 = tpu.memref_slice %arg6[%arg0, %dma_start3A_44, %dma_start3A_45] : memref<2x10000x128xf32, #tpu.memory_space<hbm>> -> memref<1x10000x128xf32, #tpu.memory_space<hbm>>
        %dma_start3A_47 = tpu.memref_squeeze %dma_start3A_46 : memref<1x10000x128xf32, #tpu.memory_space<hbm>> -> memref<10000x128xf32, #tpu.memory_space<hbm>>
        %dma_start3A_48 = arith.constant 0 : i32
        %dma_start3A_49 = tpu.memref_slice %dma_start3A_47[%mul3A_0, %dma_start3A_48] : memref<10000x128xf32, #tpu.memory_space<hbm>> -> memref<624x128xf32, #tpu.memory_space<hbm>>
        %dma_start3A_50 = arith.constant 0 : i32
        %dma_start3A_51 = tpu.memref_slice %arg10[%mul3A_0, %dma_start3A_50] : memref<10240x128xf32, #tpu.memory_space<vmem_shared>> -> memref<624x128xf32, #tpu.memory_space<vmem_shared>>
        tpu.enqueue_dma source(%dma_start3A_51 : memref<624x128xf32, #tpu.memory_space<vmem_shared>>) target(%dma_start3A_49 : memref<624x128xf32, #tpu.memory_space<hbm>>) target_semaphore(%run_scoped3A : memref<!tpu.dma_semaphore, #tpu.memory_space<semaphore_mem>>)
        %dma_wait3A = arith.constant 0 : i32
        %dma_wait3A_52 = arith.constant 0 : i32
        %dma_wait3A_53 = tpu.memref_slice %arg6[%arg0, %dma_wait3A, %dma_wait3A_52] : memref<2x10000x128xf32, #tpu.memory_space<hbm>> -> memref<1x10000x128xf32, #tpu.memory_space<hbm>>
        %dma_wait3A_54 = tpu.memref_squeeze %dma_wait3A_53 : memref<1x10000x128xf32, #tpu.memory_space<hbm>> -> memref<10000x128xf32, #tpu.memory_space<hbm>>
        %dma_wait3A_55 = arith.constant 0 : i32
        %dma_wait3A_56 = tpu.memref_slice %dma_wait3A_54[%mul3A_0, %dma_wait3A_55] : memref<10000x128xf32, #tpu.memory_space<hbm>> -> memref<624x128xf32, #tpu.memory_space<hbm>>
        %dma_wait3A_57 = arith.constant 0 : i32
        %dma_wait3A_58 = tpu.memref_slice %arg10[%mul3A_0, %dma_wait3A_57] : memref<10240x128xf32, #tpu.memory_space<vmem_shared>> -> memref<624x128xf32, #tpu.memory_space<vmem_shared>>
        tpu.wait_dma2 semaphore(%run_scoped3A : memref<!tpu.dma_semaphore, #tpu.memory_space<semaphore_mem>>) src(%dma_wait3A_58 : memref<624x128xf32, #tpu.memory_space<vmem_shared>>) dst(%dma_wait3A_56 : memref<624x128xf32, #tpu.memory_space<hbm>>)
        tpu.yield
      }) : () -> ()
    } else {
    }
    %eq3A = arith.constant 15 : i32
    %eq3A_40 = arith.cmpi eq, %arg1, %eq3A : i32
    %convert_element_type3A_41 = arith.extui %eq3A_40 : i1 to i32
    %cond3A_42 = arith.constant 0 : i32
    %cond3A_43 = arith.cmpi ne, %convert_element_type3A_41, %cond3A_42 : i32
    scf.if %cond3A_43 {
      "tpu.region"() ({
        %run_scoped3A = tpu.sem_alloc : memref<!tpu.dma_semaphore, #tpu.memory_space<semaphore_mem>>
        %dma_start3A_44 = arith.constant 0 : i32
        %dma_start3A_45 = arith.constant 0 : i32
        %dma_start3A_46 = tpu.memref_slice %arg6[%arg0, %dma_start3A_44, %dma_start3A_45] : memref<2x10000x128xf32, #tpu.memory_space<hbm>> -> memref<1x10000x128xf32, #tpu.memory_space<hbm>>
        %dma_start3A_47 = tpu.memref_squeeze %dma_start3A_46 : memref<1x10000x128xf32, #tpu.memory_space<hbm>> -> memref<10000x128xf32, #tpu.memory_space<hbm>>
        %dma_start3A_48 = arith.constant 9360 : i32
        %dma_start3A_49 = arith.constant 0 : i32
        %dma_start3A_50 = tpu.memref_slice %dma_start3A_47[%dma_start3A_48, %dma_start3A_49] : memref<10000x128xf32, #tpu.memory_space<hbm>> -> memref<640x128xf32, #tpu.memory_space<hbm>>
        %dma_start3A_51 = arith.constant 9360 : i32
        %dma_start3A_52 = arith.constant 0 : i32
        %dma_start3A_53 = tpu.memref_slice %arg10[%dma_start3A_51, %dma_start3A_52] : memref<10240x128xf32, #tpu.memory_space<vmem_shared>> -> memref<640x128xf32, #tpu.memory_space<vmem_shared>>
        tpu.enqueue_dma source(%dma_start3A_53 : memref<640x128xf32, #tpu.memory_space<vmem_shared>>) target(%dma_start3A_50 : memref<640x128xf32, #tpu.memory_space<hbm>>) target_semaphore(%run_scoped3A : memref<!tpu.dma_semaphore, #tpu.memory_space<semaphore_mem>>)
        %dma_wait3A = arith.constant 0 : i32
        %dma_wait3A_54 = arith.constant 0 : i32
        %dma_wait3A_55 = tpu.memref_slice %arg6[%arg0, %dma_wait3A, %dma_wait3A_54] : memref<2x10000x128xf32, #tpu.memory_space<hbm>> -> memref<1x10000x128xf32, #tpu.memory_space<hbm>>
        %dma_wait3A_56 = tpu.memref_squeeze %dma_wait3A_55 : memref<1x10000x128xf32, #tpu.memory_space<hbm>> -> memref<10000x128xf32, #tpu.memory_space<hbm>>
        %dma_wait3A_57 = arith.constant 9360 : i32
        %dma_wait3A_58 = arith.constant 0 : i32
        %dma_wait3A_59 = tpu.memref_slice %dma_wait3A_56[%dma_wait3A_57, %dma_wait3A_58] : memref<10000x128xf32, #tpu.memory_space<hbm>> -> memref<640x128xf32, #tpu.memory_space<hbm>>
        %dma_wait3A_60 = arith.constant 9360 : i32
        %dma_wait3A_61 = arith.constant 0 : i32
        %dma_wait3A_62 = tpu.memref_slice %arg10[%dma_wait3A_60, %dma_wait3A_61] : memref<10240x128xf32, #tpu.memory_space<vmem_shared>> -> memref<640x128xf32, #tpu.memory_space<vmem_shared>>
        tpu.wait_dma2 semaphore(%run_scoped3A : memref<!tpu.dma_semaphore, #tpu.memory_space<semaphore_mem>>) src(%dma_wait3A_62 : memref<640x128xf32, #tpu.memory_space<vmem_shared>>) dst(%dma_wait3A_59 : memref<640x128xf32, #tpu.memory_space<hbm>>)
        tpu.yield
      }) : () -> ()
    } else {
    }
    return
  }
}

#map = affine_map<(d0, d1) -> (0, 0)>
#map1 = affine_map<(d0, d1) -> (0, 0, 0)>
module attributes {stable_mosaic.version = 14 : i64} {
  func.func @_q_sc(%arg0: i32, %arg1: i32, %arg2: memref<10000x128xf32, #tpu.memory_space<hbm>>, %arg3: memref<1280x128xi32, #tpu.memory_space<hbm>>, %arg4: memref<1280x128xi32, #tpu.memory_space<hbm>>, %arg5: memref<640x128xf32, #tpu.memory_space<hbm>>, %arg6: memref<2x10000x128xf32, #tpu.memory_space<hbm>>, %arg7: memref<40x128xi32, #tpu.memory_space<vmem>>, %arg8: memref<40x128xi32, #tpu.memory_space<vmem>>, %arg9: memref<2x128x128xf32, #tpu.memory_space<vmem>>, %arg10: memref<10240x128xf32, #tpu.memory_space<vmem_shared>>, %arg11: memref<!tpu.dma_semaphore, #tpu.memory_space<semaphore_mem>>, %arg12: memref<!tpu.dma_semaphore, #tpu.memory_space<semaphore_mem>>) attributes {dimension_semantics = [#tpu.dimension_semantics<core_parallel>, #tpu.dimension_semantics<subcore_parallel>], iteration_bounds = array<i64: 2, 16>, scalar_prefetch = 0 : i64, scratch_operands = 6 : i64, tpu.core_type = #tpu.core_type<sc_vector_subcore>, window_params = [{transform_indices = #map}, {transform_indices = #map}, {transform_indices = #map}, {transform_indices = #map}, {transform_indices = #map1}]} {
    %mul3A = arith.constant 624 : i32
    %mul3A_0 = arith.muli %arg1, %mul3A : i32
    %mul3A_1 = arith.constant 16 : i32
    %mul3A_2 = arith.muli %arg0, %mul3A_1 : i32
    %add3A = arith.addi %mul3A_2, %arg1 : i32
    %mul3A_3 = arith.constant 40 : i32
    %mul3A_4 = arith.muli %add3A, %mul3A_3 : i32
    "tpu.region"() ({
      %run_scoped3A = tpu.sem_alloc : memref<!tpu.dma_semaphore, #tpu.memory_space<semaphore_mem>>
      %dma_start3A_44 = arith.constant 0 : i32
      %dma_start3A_45 = tpu.memref_slice %arg3[%mul3A_4, %dma_start3A_44] : memref<1280x128xi32, #tpu.memory_space<hbm>> -> memref<40x128xi32, #tpu.memory_space<hbm>>
      %dma_start3A_46 = arith.constant 0 : i32
      %dma_start3A_47 = tpu.memref_slice %arg3[%mul3A_4, %dma_start3A_46] : memref<1280x128xi32, #tpu.memory_space<hbm>> -> memref<40x128xi32, #tpu.memory_space<hbm>>
      tpu.enqueue_dma source(%dma_start3A_47 : memref<40x128xi32, #tpu.memory_space<hbm>>) target(%arg7 : memref<40x128xi32, #tpu.memory_space<vmem>>) target_semaphore(%run_scoped3A : memref<!tpu.dma_semaphore, #tpu.memory_space<semaphore_mem>>)
      %dma_wait3A = arith.constant 0 : i32
      %dma_wait3A_48 = tpu.memref_slice %arg3[%mul3A_4, %dma_wait3A] : memref<1280x128xi32, #tpu.memory_space<hbm>> -> memref<40x128xi32, #tpu.memory_space<hbm>>
      %dma_wait3A_49 = arith.constant 0 : i32
      %dma_wait3A_50 = tpu.memref_slice %arg3[%mul3A_4, %dma_wait3A_49] : memref<1280x128xi32, #tpu.memory_space<hbm>> -> memref<40x128xi32, #tpu.memory_space<hbm>>
      tpu.wait_dma2 semaphore(%run_scoped3A : memref<!tpu.dma_semaphore, #tpu.memory_space<semaphore_mem>>) src(%dma_wait3A_50 : memref<40x128xi32, #tpu.memory_space<hbm>>) dst(%arg7 : memref<40x128xi32, #tpu.memory_space<vmem>>)
      tpu.yield
    }) : () -> ()
    %mul3A_5 = arith.constant 40 : i32
    %mul3A_6 = arith.muli %add3A, %mul3A_5 : i32
    "tpu.region"() ({
      %run_scoped3A = tpu.sem_alloc : memref<!tpu.dma_semaphore, #tpu.memory_space<semaphore_mem>>
      %dma_start3A_44 = arith.constant 0 : i32
      %dma_start3A_45 = tpu.memref_slice %arg4[%mul3A_6, %dma_start3A_44] : memref<1280x128xi32, #tpu.memory_space<hbm>> -> memref<40x128xi32, #tpu.memory_space<hbm>>
      %dma_start3A_46 = arith.constant 0 : i32
      %dma_start3A_47 = tpu.memref_slice %arg4[%mul3A_6, %dma_start3A_46] : memref<1280x128xi32, #tpu.memory_space<hbm>> -> memref<40x128xi32, #tpu.memory_space<hbm>>
      tpu.enqueue_dma source(%dma_start3A_47 : memref<40x128xi32, #tpu.memory_space<hbm>>) target(%arg8 : memref<40x128xi32, #tpu.memory_space<vmem>>) target_semaphore(%run_scoped3A : memref<!tpu.dma_semaphore, #tpu.memory_space<semaphore_mem>>)
      %dma_wait3A = arith.constant 0 : i32
      %dma_wait3A_48 = tpu.memref_slice %arg4[%mul3A_6, %dma_wait3A] : memref<1280x128xi32, #tpu.memory_space<hbm>> -> memref<40x128xi32, #tpu.memory_space<hbm>>
      %dma_wait3A_49 = arith.constant 0 : i32
      %dma_wait3A_50 = tpu.memref_slice %arg4[%mul3A_6, %dma_wait3A_49] : memref<1280x128xi32, #tpu.memory_space<hbm>> -> memref<40x128xi32, #tpu.memory_space<hbm>>
      tpu.wait_dma2 semaphore(%run_scoped3A : memref<!tpu.dma_semaphore, #tpu.memory_space<semaphore_mem>>) src(%dma_wait3A_50 : memref<40x128xi32, #tpu.memory_space<hbm>>) dst(%arg8 : memref<40x128xi32, #tpu.memory_space<vmem>>)
      tpu.yield
    }) : () -> ()
    %mul3A_7 = arith.constant 640 : i32
    %mul3A_8 = arith.muli %arg1, %mul3A_7 : i32
    "tpu.region"() ({
      %run_scoped3A = tpu.sem_alloc : memref<!tpu.dma_semaphore, #tpu.memory_space<semaphore_mem>>
      %dma_start3A_44 = arith.constant 0 : i32
      %dma_start3A_45 = tpu.memref_slice %arg10[%mul3A_8, %dma_start3A_44] : memref<10240x128xf32, #tpu.memory_space<vmem_shared>> -> memref<640x128xf32, #tpu.memory_space<vmem_shared>>
      tpu.enqueue_dma source(%arg5 : memref<640x128xf32, #tpu.memory_space<hbm>>) target(%dma_start3A_45 : memref<640x128xf32, #tpu.memory_space<vmem_shared>>) target_semaphore(%run_scoped3A : memref<!tpu.dma_semaphore, #tpu.memory_space<semaphore_mem>>)
      %dma_wait3A = arith.constant 0 : i32
      %dma_wait3A_46 = tpu.memref_slice %arg10[%mul3A_8, %dma_wait3A] : memref<10240x128xf32, #tpu.memory_space<vmem_shared>> -> memref<640x128xf32, #tpu.memory_space<vmem_shared>>
      tpu.wait_dma2 semaphore(%run_scoped3A : memref<!tpu.dma_semaphore, #tpu.memory_space<semaphore_mem>>) src(%arg5 : memref<640x128xf32, #tpu.memory_space<hbm>>) dst(%dma_wait3A_46 : memref<640x128xf32, #tpu.memory_space<vmem_shared>>)
      tpu.yield
    }) : () -> ()
    %barrier3A = arith.constant 0 : index
    tpu.barrier barrier_id(%barrier3A)
    %dma_start3A = arith.constant 0 : i32
    %dma_start3A_9 = arith.constant 0 : i32
    %dma_start3A_10 = arith.constant 0 : i32
    %dma_start3A_11 = arith.constant 0 : i32
    %dma_start3A_12 = tpu.memref_slice %arg9[%dma_start3A_9, %dma_start3A_10, %dma_start3A_11] : memref<2x128x128xf32, #tpu.memory_space<vmem>> -> memref<1x128x128xf32, #tpu.memory_space<vmem>>
    %dma_start3A_13 = tpu.memref_squeeze %dma_start3A_12 : memref<1x128x128xf32, #tpu.memory_space<vmem>> -> memref<128x128xf32, #tpu.memory_space<vmem>>
    %dma_start3A_14 = arith.constant 0 : i32
    %dma_start3A_15 = tpu.memref_slice %arg7[%dma_start3A, %dma_start3A_14] : memref<40x128xi32, #tpu.memory_space<vmem>> -> memref<1x128xi32, #tpu.memory_space<vmem>>
    %dma_start3A_16 = tpu.memref_squeeze %dma_start3A_15 : memref<1x128xi32, #tpu.memory_space<vmem>> -> memref<128xi32, #tpu.memory_space<vmem>>
    %dma_start3A_17 = arith.constant 0 : i32
    %dma_start3A_18 = arith.constant 0 : i32
    %dma_start3A_19 = tpu.memref_slice %arg2[%dma_start3A_17, %dma_start3A_18] : memref<10000x128xf32, #tpu.memory_space<hbm>> -> memref<10000x128xf32, #tpu.memory_space<hbm>>
    tpu.enqueue_indirect_dma source(%dma_start3A_19 : memref<10000x128xf32, #tpu.memory_space<hbm>>) target(%dma_start3A_13 : memref<128x128xf32, #tpu.memory_space<vmem>>) offsets(%dma_start3A_16 : memref<128xi32, #tpu.memory_space<vmem>>) semaphore(%arg11 : memref<!tpu.dma_semaphore, #tpu.memory_space<semaphore_mem>>)
    %dma_start3A_20 = arith.constant 1 : i32
    %dma_start3A_21 = arith.constant 1 : i32
    %dma_start3A_22 = arith.constant 0 : i32
    %dma_start3A_23 = arith.constant 0 : i32
    %dma_start3A_24 = tpu.memref_slice %arg9[%dma_start3A_21, %dma_start3A_22, %dma_start3A_23] : memref<2x128x128xf32, #tpu.memory_space<vmem>> -> memref<1x128x128xf32, #tpu.memory_space<vmem>>
    %dma_start3A_25 = tpu.memref_squeeze %dma_start3A_24 : memref<1x128x128xf32, #tpu.memory_space<vmem>> -> memref<128x128xf32, #tpu.memory_space<vmem>>
    %dma_start3A_26 = arith.constant 0 : i32
    %dma_start3A_27 = tpu.memref_slice %arg7[%dma_start3A_20, %dma_start3A_26] : memref<40x128xi32, #tpu.memory_space<vmem>> -> memref<1x128xi32, #tpu.memory_space<vmem>>
    %dma_start3A_28 = tpu.memref_squeeze %dma_start3A_27 : memref<1x128xi32, #tpu.memory_space<vmem>> -> memref<128xi32, #tpu.memory_space<vmem>>
    %dma_start3A_29 = arith.constant 0 : i32
    %dma_start3A_30 = arith.constant 0 : i32
    %dma_start3A_31 = tpu.memref_slice %arg2[%dma_start3A_29, %dma_start3A_30] : memref<10000x128xf32, #tpu.memory_space<hbm>> -> memref<10000x128xf32, #tpu.memory_space<hbm>>
    tpu.enqueue_indirect_dma source(%dma_start3A_31 : memref<10000x128xf32, #tpu.memory_space<hbm>>) target(%dma_start3A_25 : memref<128x128xf32, #tpu.memory_space<vmem>>) offsets(%dma_start3A_28 : memref<128xi32, #tpu.memory_space<vmem>>) semaphore(%arg12 : memref<!tpu.dma_semaphore, #tpu.memory_space<semaphore_mem>>)
    %scan3A = arith.constant 0 : i32
    %scan3A_32 = arith.constant 0 : i32
    %scan3A_33 = arith.constant 20 : i32
    %scan3A_34 = arith.addi %scan3A_32, %scan3A_33 : i32
    %scan3A_35 = arith.constant 1 : i32
    scf.for %scan3A_44 = %scan3A_32 to %scan3A_34 step %scan3A_35  : i32 {
      %mul3A_45 = arith.constant 2 : i32
      %mul3A_46 = arith.muli %scan3A_44, %mul3A_45 : i32
      %add3A_47 = arith.constant 0 : i32
      %add3A_48 = arith.addi %mul3A_46, %add3A_47 : i32
      %dma_wait3A = arith.constant 0 : i32
      %dma_wait3A_49 = arith.constant 0 : i32
      %dma_wait3A_50 = arith.constant 0 : i32
      %dma_wait3A_51 = tpu.memref_slice %arg9[%dma_wait3A, %dma_wait3A_49, %dma_wait3A_50] : memref<2x128x128xf32, #tpu.memory_space<vmem>> -> memref<1x128x128xf32, #tpu.memory_space<vmem>>
      %dma_wait3A_52 = tpu.memref_squeeze %dma_wait3A_51 : memref<1x128x128xf32, #tpu.memory_space<vmem>> -> memref<128x128xf32, #tpu.memory_space<vmem>>
      %dma_wait3A_53 = arith.constant 0 : i32
      %dma_wait3A_54 = tpu.memref_slice %arg7[%add3A_48, %dma_wait3A_53] : memref<40x128xi32, #tpu.memory_space<vmem>> -> memref<1x128xi32, #tpu.memory_space<vmem>>
      %dma_wait3A_55 = tpu.memref_squeeze %dma_wait3A_54 : memref<1x128xi32, #tpu.memory_space<vmem>> -> memref<128xi32, #tpu.memory_space<vmem>>
      %dma_wait3A_56 = arith.constant 0 : i32
      %dma_wait3A_57 = arith.constant 0 : i32
      %dma_wait3A_58 = tpu.memref_slice %arg2[%dma_wait3A_56, %dma_wait3A_57] : memref<10000x128xf32, #tpu.memory_space<hbm>> -> memref<10000x128xf32, #tpu.memory_space<hbm>>
      tpu.wait_indirect_dma semaphore(%arg11 : memref<!tpu.dma_semaphore, #tpu.memory_space<semaphore_mem>>) src(%dma_wait3A_58 : memref<10000x128xf32, #tpu.memory_space<hbm>>) dst(%dma_wait3A_52 : memref<128x128xf32, #tpu.memory_space<vmem>>)
      %run_scoped3A = arith.constant 0 : i32
      "tpu.region"() ({
        %run_scoped3A_87 = tpu.sem_alloc : memref<!tpu.dma_semaphore, #tpu.memory_space<semaphore_mem>>
        %dma_start3A_88 = arith.constant 0 : i32
        %dma_start3A_89 = arith.constant 0 : i32
        %dma_start3A_90 = tpu.memref_slice %arg9[%run_scoped3A, %dma_start3A_88, %dma_start3A_89] : memref<2x128x128xf32, #tpu.memory_space<vmem>> -> memref<1x128x128xf32, #tpu.memory_space<vmem>>
        %dma_start3A_91 = tpu.memref_squeeze %dma_start3A_90 : memref<1x128x128xf32, #tpu.memory_space<vmem>> -> memref<128x128xf32, #tpu.memory_space<vmem>>
        %dma_start3A_92 = arith.constant 0 : i32
        %dma_start3A_93 = tpu.memref_slice %arg8[%add3A_48, %dma_start3A_92] : memref<40x128xi32, #tpu.memory_space<vmem>> -> memref<1x128xi32, #tpu.memory_space<vmem>>
        %dma_start3A_94 = tpu.memref_squeeze %dma_start3A_93 : memref<1x128xi32, #tpu.memory_space<vmem>> -> memref<128xi32, #tpu.memory_space<vmem>>
        %dma_start3A_95 = arith.constant 0 : i32
        %dma_start3A_96 = arith.constant 0 : i32
        %dma_start3A_97 = tpu.memref_slice %arg10[%dma_start3A_95, %dma_start3A_96] : memref<10240x128xf32, #tpu.memory_space<vmem_shared>> -> memref<10240x128xf32, #tpu.memory_space<vmem_shared>>
        tpu.enqueue_indirect_dma source(%dma_start3A_91 : memref<128x128xf32, #tpu.memory_space<vmem>>) target(%dma_start3A_97 : memref<10240x128xf32, #tpu.memory_space<vmem_shared>>) offsets(%dma_start3A_94 : memref<128xi32, #tpu.memory_space<vmem>>) semaphore(%run_scoped3A_87 : memref<!tpu.dma_semaphore, #tpu.memory_space<semaphore_mem>>) {add = true}
        %dma_wait3A_98 = arith.constant 0 : i32
        %dma_wait3A_99 = arith.constant 0 : i32
        %dma_wait3A_100 = tpu.memref_slice %arg9[%run_scoped3A, %dma_wait3A_98, %dma_wait3A_99] : memref<2x128x128xf32, #tpu.memory_space<vmem>> -> memref<1x128x128xf32, #tpu.memory_space<vmem>>
        %dma_wait3A_101 = tpu.memref_squeeze %dma_wait3A_100 : memref<1x128x128xf32, #tpu.memory_space<vmem>> -> memref<128x128xf32, #tpu.memory_space<vmem>>
        %dma_wait3A_102 = arith.constant 0 : i32
        %dma_wait3A_103 = tpu.memref_slice %arg8[%add3A_48, %dma_wait3A_102] : memref<40x128xi32, #tpu.memory_space<vmem>> -> memref<1x128xi32, #tpu.memory_space<vmem>>
        %dma_wait3A_104 = tpu.memref_squeeze %dma_wait3A_103 : memref<1x128xi32, #tpu.memory_space<vmem>> -> memref<128xi32, #tpu.memory_space<vmem>>
        %dma_wait3A_105 = arith.constant 0 : i32
        %dma_wait3A_106 = arith.constant 0 : i32
        %dma_wait3A_107 = tpu.memref_slice %arg10[%dma_wait3A_105, %dma_wait3A_106] : memref<10240x128xf32, #tpu.memory_space<vmem_shared>> -> memref<10240x128xf32, #tpu.memory_space<vmem_shared>>
        tpu.wait_indirect_dma semaphore(%run_scoped3A_87 : memref<!tpu.dma_semaphore, #tpu.memory_space<semaphore_mem>>) src(%dma_wait3A_101 : memref<128x128xf32, #tpu.memory_space<vmem>>) dst(%dma_wait3A_107 : memref<10240x128xf32, #tpu.memory_space<vmem_shared>>)
        tpu.yield
      }) : () -> ()
      %add3A_59 = arith.constant 2 : i32
      %add3A_60 = arith.addi %add3A_48, %add3A_59 : i32
      %lt3A_61 = arith.constant 40 : i32
      %lt3A_62 = arith.cmpi slt, %add3A_60, %lt3A_61 : i32
      %convert_element_type3A_63 = arith.extui %lt3A_62 : i1 to i32
      %cond3A_64 = arith.constant 0 : i32
      %cond3A_65 = arith.cmpi ne, %convert_element_type3A_63, %cond3A_64 : i32
      scf.if %cond3A_65 {
        %dma_start3A_87 = arith.constant 0 : i32
        %dma_start3A_88 = arith.constant 0 : i32
        %dma_start3A_89 = arith.constant 0 : i32
        %dma_start3A_90 = tpu.memref_slice %arg9[%dma_start3A_87, %dma_start3A_88, %dma_start3A_89] : memref<2x128x128xf32, #tpu.memory_space<vmem>> -> memref<1x128x128xf32, #tpu.memory_space<vmem>>
        %dma_start3A_91 = tpu.memref_squeeze %dma_start3A_90 : memref<1x128x128xf32, #tpu.memory_space<vmem>> -> memref<128x128xf32, #tpu.memory_space<vmem>>
        %dma_start3A_92 = arith.constant 0 : i32
        %dma_start3A_93 = tpu.memref_slice %arg7[%add3A_60, %dma_start3A_92] : memref<40x128xi32, #tpu.memory_space<vmem>> -> memref<1x128xi32, #tpu.memory_space<vmem>>
        %dma_start3A_94 = tpu.memref_squeeze %dma_start3A_93 : memref<1x128xi32, #tpu.memory_space<vmem>> -> memref<128xi32, #tpu.memory_space<vmem>>
        %dma_start3A_95 = arith.constant 0 : i32
        %dma_start3A_96 = arith.constant 0 : i32
        %dma_start3A_97 = tpu.memref_slice %arg2[%dma_start3A_95, %dma_start3A_96] : memref<10000x128xf32, #tpu.memory_space<hbm>> -> memref<10000x128xf32, #tpu.memory_space<hbm>>
        tpu.enqueue_indirect_dma source(%dma_start3A_97 : memref<10000x128xf32, #tpu.memory_space<hbm>>) target(%dma_start3A_91 : memref<128x128xf32, #tpu.memory_space<vmem>>) offsets(%dma_start3A_94 : memref<128xi32, #tpu.memory_space<vmem>>) semaphore(%arg11 : memref<!tpu.dma_semaphore, #tpu.memory_space<semaphore_mem>>)
      } else {
      }
      %add3A_66 = arith.constant 1 : i32
      %add3A_67 = arith.addi %mul3A_46, %add3A_66 : i32
      %dma_wait3A_68 = arith.constant 1 : i32
      %dma_wait3A_69 = arith.constant 0 : i32
      %dma_wait3A_70 = arith.constant 0 : i32
      %dma_wait3A_71 = tpu.memref_slice %arg9[%dma_wait3A_68, %dma_wait3A_69, %dma_wait3A_70] : memref<2x128x128xf32, #tpu.memory_space<vmem>> -> memref<1x128x128xf32, #tpu.memory_space<vmem>>
      %dma_wait3A_72 = tpu.memref_squeeze %dma_wait3A_71 : memref<1x128x128xf32, #tpu.memory_space<vmem>> -> memref<128x128xf32, #tpu.memory_space<vmem>>
      %dma_wait3A_73 = arith.constant 0 : i32
      %dma_wait3A_74 = tpu.memref_slice %arg7[%add3A_67, %dma_wait3A_73] : memref<40x128xi32, #tpu.memory_space<vmem>> -> memref<1x128xi32, #tpu.memory_space<vmem>>
      %dma_wait3A_75 = tpu.memref_squeeze %dma_wait3A_74 : memref<1x128xi32, #tpu.memory_space<vmem>> -> memref<128xi32, #tpu.memory_space<vmem>>
      %dma_wait3A_76 = arith.constant 0 : i32
      %dma_wait3A_77 = arith.constant 0 : i32
      %dma_wait3A_78 = tpu.memref_slice %arg2[%dma_wait3A_76, %dma_wait3A_77] : memref<10000x128xf32, #tpu.memory_space<hbm>> -> memref<10000x128xf32, #tpu.memory_space<hbm>>
      tpu.wait_indirect_dma semaphore(%arg12 : memref<!tpu.dma_semaphore, #tpu.memory_space<semaphore_mem>>) src(%dma_wait3A_78 : memref<10000x128xf32, #tpu.memory_space<hbm>>) dst(%dma_wait3A_72 : memref<128x128xf32, #tpu.memory_space<vmem>>)
      %run_scoped3A_79 = arith.constant 1 : i32
      "tpu.region"() ({
        %run_scoped3A_87 = tpu.sem_alloc : memref<!tpu.dma_semaphore, #tpu.memory_space<semaphore_mem>>
        %dma_start3A_88 = arith.constant 0 : i32
        %dma_start3A_89 = arith.constant 0 : i32
        %dma_start3A_90 = tpu.memref_slice %arg9[%run_scoped3A_79, %dma_start3A_88, %dma_start3A_89] : memref<2x128x128xf32, #tpu.memory_space<vmem>> -> memref<1x128x128xf32, #tpu.memory_space<vmem>>
        %dma_start3A_91 = tpu.memref_squeeze %dma_start3A_90 : memref<1x128x128xf32, #tpu.memory_space<vmem>> -> memref<128x128xf32, #tpu.memory_space<vmem>>
        %dma_start3A_92 = arith.constant 0 : i32
        %dma_start3A_93 = tpu.memref_slice %arg8[%add3A_67, %dma_start3A_92] : memref<40x128xi32, #tpu.memory_space<vmem>> -> memref<1x128xi32, #tpu.memory_space<vmem>>
        %dma_start3A_94 = tpu.memref_squeeze %dma_start3A_93 : memref<1x128xi32, #tpu.memory_space<vmem>> -> memref<128xi32, #tpu.memory_space<vmem>>
        %dma_start3A_95 = arith.constant 0 : i32
        %dma_start3A_96 = arith.constant 0 : i32
        %dma_start3A_97 = tpu.memref_slice %arg10[%dma_start3A_95, %dma_start3A_96] : memref<10240x128xf32, #tpu.memory_space<vmem_shared>> -> memref<10240x128xf32, #tpu.memory_space<vmem_shared>>
        tpu.enqueue_indirect_dma source(%dma_start3A_91 : memref<128x128xf32, #tpu.memory_space<vmem>>) target(%dma_start3A_97 : memref<10240x128xf32, #tpu.memory_space<vmem_shared>>) offsets(%dma_start3A_94 : memref<128xi32, #tpu.memory_space<vmem>>) semaphore(%run_scoped3A_87 : memref<!tpu.dma_semaphore, #tpu.memory_space<semaphore_mem>>) {add = true}
        %dma_wait3A_98 = arith.constant 0 : i32
        %dma_wait3A_99 = arith.constant 0 : i32
        %dma_wait3A_100 = tpu.memref_slice %arg9[%run_scoped3A_79, %dma_wait3A_98, %dma_wait3A_99] : memref<2x128x128xf32, #tpu.memory_space<vmem>> -> memref<1x128x128xf32, #tpu.memory_space<vmem>>
        %dma_wait3A_101 = tpu.memref_squeeze %dma_wait3A_100 : memref<1x128x128xf32, #tpu.memory_space<vmem>> -> memref<128x128xf32, #tpu.memory_space<vmem>>
        %dma_wait3A_102 = arith.constant 0 : i32
        %dma_wait3A_103 = tpu.memref_slice %arg8[%add3A_67, %dma_wait3A_102] : memref<40x128xi32, #tpu.memory_space<vmem>> -> memref<1x128xi32, #tpu.memory_space<vmem>>
        %dma_wait3A_104 = tpu.memref_squeeze %dma_wait3A_103 : memref<1x128xi32, #tpu.memory_space<vmem>> -> memref<128xi32, #tpu.memory_space<vmem>>
        %dma_wait3A_105 = arith.constant 0 : i32
        %dma_wait3A_106 = arith.constant 0 : i32
        %dma_wait3A_107 = tpu.memref_slice %arg10[%dma_wait3A_105, %dma_wait3A_106] : memref<10240x128xf32, #tpu.memory_space<vmem_shared>> -> memref<10240x128xf32, #tpu.memory_space<vmem_shared>>
        tpu.wait_indirect_dma semaphore(%run_scoped3A_87 : memref<!tpu.dma_semaphore, #tpu.memory_space<semaphore_mem>>) src(%dma_wait3A_101 : memref<128x128xf32, #tpu.memory_space<vmem>>) dst(%dma_wait3A_107 : memref<10240x128xf32, #tpu.memory_space<vmem_shared>>)
        tpu.yield
      }) : () -> ()
      %add3A_80 = arith.constant 2 : i32
      %add3A_81 = arith.addi %add3A_67, %add3A_80 : i32
      %lt3A_82 = arith.constant 40 : i32
      %lt3A_83 = arith.cmpi slt, %add3A_81, %lt3A_82 : i32
      %convert_element_type3A_84 = arith.extui %lt3A_83 : i1 to i32
      %cond3A_85 = arith.constant 0 : i32
      %cond3A_86 = arith.cmpi ne, %convert_element_type3A_84, %cond3A_85 : i32
      scf.if %cond3A_86 {
        %dma_start3A_87 = arith.constant 1 : i32
        %dma_start3A_88 = arith.constant 0 : i32
        %dma_start3A_89 = arith.constant 0 : i32
        %dma_start3A_90 = tpu.memref_slice %arg9[%dma_start3A_87, %dma_start3A_88, %dma_start3A_89] : memref<2x128x128xf32, #tpu.memory_space<vmem>> -> memref<1x128x128xf32, #tpu.memory_space<vmem>>
        %dma_start3A_91 = tpu.memref_squeeze %dma_start3A_90 : memref<1x128x128xf32, #tpu.memory_space<vmem>> -> memref<128x128xf32, #tpu.memory_space<vmem>>
        %dma_start3A_92 = arith.constant 0 : i32
        %dma_start3A_93 = tpu.memref_slice %arg7[%add3A_81, %dma_start3A_92] : memref<40x128xi32, #tpu.memory_space<vmem>> -> memref<1x128xi32, #tpu.memory_space<vmem>>
        %dma_start3A_94 = tpu.memref_squeeze %dma_start3A_93 : memref<1x128xi32, #tpu.memory_space<vmem>> -> memref<128xi32, #tpu.memory_space<vmem>>
        %dma_start3A_95 = arith.constant 0 : i32
        %dma_start3A_96 = arith.constant 0 : i32
        %dma_start3A_97 = tpu.memref_slice %arg2[%dma_start3A_95, %dma_start3A_96] : memref<10000x128xf32, #tpu.memory_space<hbm>> -> memref<10000x128xf32, #tpu.memory_space<hbm>>
        tpu.enqueue_indirect_dma source(%dma_start3A_97 : memref<10000x128xf32, #tpu.memory_space<hbm>>) target(%dma_start3A_91 : memref<128x128xf32, #tpu.memory_space<vmem>>) offsets(%dma_start3A_94 : memref<128xi32, #tpu.memory_space<vmem>>) semaphore(%arg12 : memref<!tpu.dma_semaphore, #tpu.memory_space<semaphore_mem>>)
      } else {
      }
    }
    %scan3A_36 = arith.constant 20 : i32
    %barrier3A_37 = arith.constant 0 : index
    tpu.barrier barrier_id(%barrier3A_37)
    %lt3A = arith.constant 15 : i32
    %lt3A_38 = arith.cmpi slt, %arg1, %lt3A : i32
    %convert_element_type3A = arith.extui %lt3A_38 : i1 to i32
    %cond3A = arith.constant 0 : i32
    %cond3A_39 = arith.cmpi ne, %convert_element_type3A, %cond3A : i32
    scf.if %cond3A_39 {
      "tpu.region"() ({
        %run_scoped3A = tpu.sem_alloc : memref<!tpu.dma_semaphore, #tpu.memory_space<semaphore_mem>>
        %dma_start3A_44 = arith.constant 0 : i32
        %dma_start3A_45 = arith.constant 0 : i32
        %dma_start3A_46 = tpu.memref_slice %arg6[%arg0, %dma_start3A_44, %dma_start3A_45] : memref<2x10000x128xf32, #tpu.memory_space<hbm>> -> memref<1x10000x128xf32, #tpu.memory_space<hbm>>
        %dma_start3A_47 = tpu.memref_squeeze %dma_start3A_46 : memref<1x10000x128xf32, #tpu.memory_space<hbm>> -> memref<10000x128xf32, #tpu.memory_space<hbm>>
        %dma_start3A_48 = arith.constant 0 : i32
        %dma_start3A_49 = tpu.memref_slice %dma_start3A_47[%mul3A_0, %dma_start3A_48] : memref<10000x128xf32, #tpu.memory_space<hbm>> -> memref<624x128xf32, #tpu.memory_space<hbm>>
        %dma_start3A_50 = arith.constant 0 : i32
        %dma_start3A_51 = tpu.memref_slice %arg10[%mul3A_0, %dma_start3A_50] : memref<10240x128xf32, #tpu.memory_space<vmem_shared>> -> memref<624x128xf32, #tpu.memory_space<vmem_shared>>
        tpu.enqueue_dma source(%dma_start3A_51 : memref<624x128xf32, #tpu.memory_space<vmem_shared>>) target(%dma_start3A_49 : memref<624x128xf32, #tpu.memory_space<hbm>>) target_semaphore(%run_scoped3A : memref<!tpu.dma_semaphore, #tpu.memory_space<semaphore_mem>>)
        %dma_wait3A = arith.constant 0 : i32
        %dma_wait3A_52 = arith.constant 0 : i32
        %dma_wait3A_53 = tpu.memref_slice %arg6[%arg0, %dma_wait3A, %dma_wait3A_52] : memref<2x10000x128xf32, #tpu.memory_space<hbm>> -> memref<1x10000x128xf32, #tpu.memory_space<hbm>>
        %dma_wait3A_54 = tpu.memref_squeeze %dma_wait3A_53 : memref<1x10000x128xf32, #tpu.memory_space<hbm>> -> memref<10000x128xf32, #tpu.memory_space<hbm>>
        %dma_wait3A_55 = arith.constant 0 : i32
        %dma_wait3A_56 = tpu.memref_slice %dma_wait3A_54[%mul3A_0, %dma_wait3A_55] : memref<10000x128xf32, #tpu.memory_space<hbm>> -> memref<624x128xf32, #tpu.memory_space<hbm>>
        %dma_wait3A_57 = arith.constant 0 : i32
        %dma_wait3A_58 = tpu.memref_slice %arg10[%mul3A_0, %dma_wait3A_57] : memref<10240x128xf32, #tpu.memory_space<vmem_shared>> -> memref<624x128xf32, #tpu.memory_space<vmem_shared>>
        tpu.wait_dma2 semaphore(%run_scoped3A : memref<!tpu.dma_semaphore, #tpu.memory_space<semaphore_mem>>) src(%dma_wait3A_58 : memref<624x128xf32, #tpu.memory_space<vmem_shared>>) dst(%dma_wait3A_56 : memref<624x128xf32, #tpu.memory_space<hbm>>)
        tpu.yield
      }) : () -> ()
    } else {
    }
    %eq3A = arith.constant 15 : i32
    %eq3A_40 = arith.cmpi eq, %arg1, %eq3A : i32
    %convert_element_type3A_41 = arith.extui %eq3A_40 : i1 to i32
    %cond3A_42 = arith.constant 0 : i32
    %cond3A_43 = arith.cmpi ne, %convert_element_type3A_41, %cond3A_42 : i32
    scf.if %cond3A_43 {
      "tpu.region"() ({
        %run_scoped3A = tpu.sem_alloc : memref<!tpu.dma_semaphore, #tpu.memory_space<semaphore_mem>>
        %dma_start3A_44 = arith.constant 0 : i32
        %dma_start3A_45 = arith.constant 0 : i32
        %dma_start3A_46 = tpu.memref_slice %arg6[%arg0, %dma_start3A_44, %dma_start3A_45] : memref<2x10000x128xf32, #tpu.memory_space<hbm>> -> memref<1x10000x128xf32, #tpu.memory_space<hbm>>
        %dma_start3A_47 = tpu.memref_squeeze %dma_start3A_46 : memref<1x10000x128xf32, #tpu.memory_space<hbm>> -> memref<10000x128xf32, #tpu.memory_space<hbm>>
        %dma_start3A_48 = arith.constant 9360 : i32
        %dma_start3A_49 = arith.constant 0 : i32
        %dma_start3A_50 = tpu.memref_slice %dma_start3A_47[%dma_start3A_48, %dma_start3A_49] : memref<10000x128xf32, #tpu.memory_space<hbm>> -> memref<640x128xf32, #tpu.memory_space<hbm>>
        %dma_start3A_51 = arith.constant 9360 : i32
        %dma_start3A_52 = arith.constant 0 : i32
        %dma_start3A_53 = tpu.memref_slice %arg10[%dma_start3A_51, %dma_start3A_52] : memref<10240x128xf32, #tpu.memory_space<vmem_shared>> -> memref<640x128xf32, #tpu.memory_space<vmem_shared>>
        tpu.enqueue_dma source(%dma_start3A_53 : memref<640x128xf32, #tpu.memory_space<vmem_shared>>) target(%dma_start3A_50 : memref<640x128xf32, #tpu.memory_space<hbm>>) target_semaphore(%run_scoped3A : memref<!tpu.dma_semaphore, #tpu.memory_space<semaphore_mem>>)
        %dma_wait3A = arith.constant 0 : i32
        %dma_wait3A_54 = arith.constant 0 : i32
        %dma_wait3A_55 = tpu.memref_slice %arg6[%arg0, %dma_wait3A, %dma_wait3A_54] : memref<2x10000x128xf32, #tpu.memory_space<hbm>> -> memref<1x10000x128xf32, #tpu.memory_space<hbm>>
        %dma_wait3A_56 = tpu.memref_squeeze %dma_wait3A_55 : memref<1x10000x128xf32, #tpu.memory_space<hbm>> -> memref<10000x128xf32, #tpu.memory_space<hbm>>
        %dma_wait3A_57 = arith.constant 9360 : i32
        %dma_wait3A_58 = arith.constant 0 : i32
        %dma_wait3A_59 = tpu.memref_slice %dma_wait3A_56[%dma_wait3A_57, %dma_wait3A_58] : memref<10000x128xf32, #tpu.memory_space<hbm>> -> memref<640x128xf32, #tpu.memory_space<hbm>>
        %dma_wait3A_60 = arith.constant 9360 : i32
        %dma_wait3A_61 = arith.constant 0 : i32
        %dma_wait3A_62 = tpu.memref_slice %arg10[%dma_wait3A_60, %dma_wait3A_61] : memref<10240x128xf32, #tpu.memory_space<vmem_shared>> -> memref<640x128xf32, #tpu.memory_space<vmem_shared>>
        tpu.wait_dma2 semaphore(%run_scoped3A : memref<!tpu.dma_semaphore, #tpu.memory_space<semaphore_mem>>) src(%dma_wait3A_62 : memref<640x128xf32, #tpu.memory_space<vmem_shared>>) dst(%dma_wait3A_59 : memref<640x128xf32, #tpu.memory_space<hbm>>)
        tpu.yield
      }) : () -> ()
    } else {
    }
    return
  }
}

#map = affine_map<(d0, d1) -> (0, 0)>
#map1 = affine_map<(d0, d1) -> (0, 0, 0)>
module attributes {stable_mosaic.version = 14 : i64} {
  func.func @_q_sc(%arg0: i32, %arg1: i32, %arg2: memref<10000x128xf32, #tpu.memory_space<hbm>>, %arg3: memref<1280x128xi32, #tpu.memory_space<hbm>>, %arg4: memref<1280x128xi32, #tpu.memory_space<hbm>>, %arg5: memref<640x128xf32, #tpu.memory_space<hbm>>, %arg6: memref<2x10000x128xf32, #tpu.memory_space<hbm>>, %arg7: memref<40x128xi32, #tpu.memory_space<vmem>>, %arg8: memref<40x128xi32, #tpu.memory_space<vmem>>, %arg9: memref<2x128x128xf32, #tpu.memory_space<vmem>>, %arg10: memref<10240x128xf32, #tpu.memory_space<vmem_shared>>, %arg11: memref<!tpu.dma_semaphore, #tpu.memory_space<semaphore_mem>>, %arg12: memref<!tpu.dma_semaphore, #tpu.memory_space<semaphore_mem>>) attributes {dimension_semantics = [#tpu.dimension_semantics<core_parallel>, #tpu.dimension_semantics<subcore_parallel>], iteration_bounds = array<i64: 2, 16>, scalar_prefetch = 0 : i64, scratch_operands = 6 : i64, tpu.core_type = #tpu.core_type<sc_vector_subcore>, window_params = [{transform_indices = #map}, {transform_indices = #map}, {transform_indices = #map}, {transform_indices = #map}, {transform_indices = #map1}]} {
    %mul3A = arith.constant 624 : i32
    %mul3A_0 = arith.muli %arg1, %mul3A : i32
    %mul3A_1 = arith.constant 16 : i32
    %mul3A_2 = arith.muli %arg0, %mul3A_1 : i32
    %add3A = arith.addi %mul3A_2, %arg1 : i32
    %mul3A_3 = arith.constant 40 : i32
    %mul3A_4 = arith.muli %add3A, %mul3A_3 : i32
    "tpu.region"() ({
      %run_scoped3A = tpu.sem_alloc : memref<!tpu.dma_semaphore, #tpu.memory_space<semaphore_mem>>
      %dma_start3A_44 = arith.constant 0 : i32
      %dma_start3A_45 = tpu.memref_slice %arg3[%mul3A_4, %dma_start3A_44] : memref<1280x128xi32, #tpu.memory_space<hbm>> -> memref<40x128xi32, #tpu.memory_space<hbm>>
      %dma_start3A_46 = arith.constant 0 : i32
      %dma_start3A_47 = tpu.memref_slice %arg3[%mul3A_4, %dma_start3A_46] : memref<1280x128xi32, #tpu.memory_space<hbm>> -> memref<40x128xi32, #tpu.memory_space<hbm>>
      tpu.enqueue_dma source(%dma_start3A_47 : memref<40x128xi32, #tpu.memory_space<hbm>>) target(%arg7 : memref<40x128xi32, #tpu.memory_space<vmem>>) target_semaphore(%run_scoped3A : memref<!tpu.dma_semaphore, #tpu.memory_space<semaphore_mem>>)
      %dma_wait3A = arith.constant 0 : i32
      %dma_wait3A_48 = tpu.memref_slice %arg3[%mul3A_4, %dma_wait3A] : memref<1280x128xi32, #tpu.memory_space<hbm>> -> memref<40x128xi32, #tpu.memory_space<hbm>>
      %dma_wait3A_49 = arith.constant 0 : i32
      %dma_wait3A_50 = tpu.memref_slice %arg3[%mul3A_4, %dma_wait3A_49] : memref<1280x128xi32, #tpu.memory_space<hbm>> -> memref<40x128xi32, #tpu.memory_space<hbm>>
      tpu.wait_dma2 semaphore(%run_scoped3A : memref<!tpu.dma_semaphore, #tpu.memory_space<semaphore_mem>>) src(%dma_wait3A_50 : memref<40x128xi32, #tpu.memory_space<hbm>>) dst(%arg7 : memref<40x128xi32, #tpu.memory_space<vmem>>)
      tpu.yield
    }) : () -> ()
    %mul3A_5 = arith.constant 40 : i32
    %mul3A_6 = arith.muli %add3A, %mul3A_5 : i32
    "tpu.region"() ({
      %run_scoped3A = tpu.sem_alloc : memref<!tpu.dma_semaphore, #tpu.memory_space<semaphore_mem>>
      %dma_start3A_44 = arith.constant 0 : i32
      %dma_start3A_45 = tpu.memref_slice %arg4[%mul3A_6, %dma_start3A_44] : memref<1280x128xi32, #tpu.memory_space<hbm>> -> memref<40x128xi32, #tpu.memory_space<hbm>>
      %dma_start3A_46 = arith.constant 0 : i32
      %dma_start3A_47 = tpu.memref_slice %arg4[%mul3A_6, %dma_start3A_46] : memref<1280x128xi32, #tpu.memory_space<hbm>> -> memref<40x128xi32, #tpu.memory_space<hbm>>
      tpu.enqueue_dma source(%dma_start3A_47 : memref<40x128xi32, #tpu.memory_space<hbm>>) target(%arg8 : memref<40x128xi32, #tpu.memory_space<vmem>>) target_semaphore(%run_scoped3A : memref<!tpu.dma_semaphore, #tpu.memory_space<semaphore_mem>>)
      %dma_wait3A = arith.constant 0 : i32
      %dma_wait3A_48 = tpu.memref_slice %arg4[%mul3A_6, %dma_wait3A] : memref<1280x128xi32, #tpu.memory_space<hbm>> -> memref<40x128xi32, #tpu.memory_space<hbm>>
      %dma_wait3A_49 = arith.constant 0 : i32
      %dma_wait3A_50 = tpu.memref_slice %arg4[%mul3A_6, %dma_wait3A_49] : memref<1280x128xi32, #tpu.memory_space<hbm>> -> memref<40x128xi32, #tpu.memory_space<hbm>>
      tpu.wait_dma2 semaphore(%run_scoped3A : memref<!tpu.dma_semaphore, #tpu.memory_space<semaphore_mem>>) src(%dma_wait3A_50 : memref<40x128xi32, #tpu.memory_space<hbm>>) dst(%arg8 : memref<40x128xi32, #tpu.memory_space<vmem>>)
      tpu.yield
    }) : () -> ()
    %mul3A_7 = arith.constant 640 : i32
    %mul3A_8 = arith.muli %arg1, %mul3A_7 : i32
    "tpu.region"() ({
      %run_scoped3A = tpu.sem_alloc : memref<!tpu.dma_semaphore, #tpu.memory_space<semaphore_mem>>
      %dma_start3A_44 = arith.constant 0 : i32
      %dma_start3A_45 = tpu.memref_slice %arg10[%mul3A_8, %dma_start3A_44] : memref<10240x128xf32, #tpu.memory_space<vmem_shared>> -> memref<640x128xf32, #tpu.memory_space<vmem_shared>>
      tpu.enqueue_dma source(%arg5 : memref<640x128xf32, #tpu.memory_space<hbm>>) target(%dma_start3A_45 : memref<640x128xf32, #tpu.memory_space<vmem_shared>>) target_semaphore(%run_scoped3A : memref<!tpu.dma_semaphore, #tpu.memory_space<semaphore_mem>>)
      %dma_wait3A = arith.constant 0 : i32
      %dma_wait3A_46 = tpu.memref_slice %arg10[%mul3A_8, %dma_wait3A] : memref<10240x128xf32, #tpu.memory_space<vmem_shared>> -> memref<640x128xf32, #tpu.memory_space<vmem_shared>>
      tpu.wait_dma2 semaphore(%run_scoped3A : memref<!tpu.dma_semaphore, #tpu.memory_space<semaphore_mem>>) src(%arg5 : memref<640x128xf32, #tpu.memory_space<hbm>>) dst(%dma_wait3A_46 : memref<640x128xf32, #tpu.memory_space<vmem_shared>>)
      tpu.yield
    }) : () -> ()
    %barrier3A = arith.constant 0 : index
    tpu.barrier barrier_id(%barrier3A)
    %dma_start3A = arith.constant 0 : i32
    %dma_start3A_9 = arith.constant 0 : i32
    %dma_start3A_10 = arith.constant 0 : i32
    %dma_start3A_11 = arith.constant 0 : i32
    %dma_start3A_12 = tpu.memref_slice %arg9[%dma_start3A_9, %dma_start3A_10, %dma_start3A_11] : memref<2x128x128xf32, #tpu.memory_space<vmem>> -> memref<1x128x128xf32, #tpu.memory_space<vmem>>
    %dma_start3A_13 = tpu.memref_squeeze %dma_start3A_12 : memref<1x128x128xf32, #tpu.memory_space<vmem>> -> memref<128x128xf32, #tpu.memory_space<vmem>>
    %dma_start3A_14 = arith.constant 0 : i32
    %dma_start3A_15 = tpu.memref_slice %arg7[%dma_start3A, %dma_start3A_14] : memref<40x128xi32, #tpu.memory_space<vmem>> -> memref<1x128xi32, #tpu.memory_space<vmem>>
    %dma_start3A_16 = tpu.memref_squeeze %dma_start3A_15 : memref<1x128xi32, #tpu.memory_space<vmem>> -> memref<128xi32, #tpu.memory_space<vmem>>
    %dma_start3A_17 = arith.constant 0 : i32
    %dma_start3A_18 = arith.constant 0 : i32
    %dma_start3A_19 = tpu.memref_slice %arg2[%dma_start3A_17, %dma_start3A_18] : memref<10000x128xf32, #tpu.memory_space<hbm>> -> memref<10000x128xf32, #tpu.memory_space<hbm>>
    tpu.enqueue_indirect_dma source(%dma_start3A_19 : memref<10000x128xf32, #tpu.memory_space<hbm>>) target(%dma_start3A_13 : memref<128x128xf32, #tpu.memory_space<vmem>>) offsets(%dma_start3A_16 : memref<128xi32, #tpu.memory_space<vmem>>) semaphore(%arg11 : memref<!tpu.dma_semaphore, #tpu.memory_space<semaphore_mem>>)
    %dma_start3A_20 = arith.constant 1 : i32
    %dma_start3A_21 = arith.constant 1 : i32
    %dma_start3A_22 = arith.constant 0 : i32
    %dma_start3A_23 = arith.constant 0 : i32
    %dma_start3A_24 = tpu.memref_slice %arg9[%dma_start3A_21, %dma_start3A_22, %dma_start3A_23] : memref<2x128x128xf32, #tpu.memory_space<vmem>> -> memref<1x128x128xf32, #tpu.memory_space<vmem>>
    %dma_start3A_25 = tpu.memref_squeeze %dma_start3A_24 : memref<1x128x128xf32, #tpu.memory_space<vmem>> -> memref<128x128xf32, #tpu.memory_space<vmem>>
    %dma_start3A_26 = arith.constant 0 : i32
    %dma_start3A_27 = tpu.memref_slice %arg7[%dma_start3A_20, %dma_start3A_26] : memref<40x128xi32, #tpu.memory_space<vmem>> -> memref<1x128xi32, #tpu.memory_space<vmem>>
    %dma_start3A_28 = tpu.memref_squeeze %dma_start3A_27 : memref<1x128xi32, #tpu.memory_space<vmem>> -> memref<128xi32, #tpu.memory_space<vmem>>
    %dma_start3A_29 = arith.constant 0 : i32
    %dma_start3A_30 = arith.constant 0 : i32
    %dma_start3A_31 = tpu.memref_slice %arg2[%dma_start3A_29, %dma_start3A_30] : memref<10000x128xf32, #tpu.memory_space<hbm>> -> memref<10000x128xf32, #tpu.memory_space<hbm>>
    tpu.enqueue_indirect_dma source(%dma_start3A_31 : memref<10000x128xf32, #tpu.memory_space<hbm>>) target(%dma_start3A_25 : memref<128x128xf32, #tpu.memory_space<vmem>>) offsets(%dma_start3A_28 : memref<128xi32, #tpu.memory_space<vmem>>) semaphore(%arg12 : memref<!tpu.dma_semaphore, #tpu.memory_space<semaphore_mem>>)
    %scan3A = arith.constant 0 : i32
    %scan3A_32 = arith.constant 0 : i32
    %scan3A_33 = arith.constant 20 : i32
    %scan3A_34 = arith.addi %scan3A_32, %scan3A_33 : i32
    %scan3A_35 = arith.constant 1 : i32
    scf.for %scan3A_44 = %scan3A_32 to %scan3A_34 step %scan3A_35  : i32 {
      %mul3A_45 = arith.constant 2 : i32
      %mul3A_46 = arith.muli %scan3A_44, %mul3A_45 : i32
      %add3A_47 = arith.constant 0 : i32
      %add3A_48 = arith.addi %mul3A_46, %add3A_47 : i32
      %dma_wait3A = arith.constant 0 : i32
      %dma_wait3A_49 = arith.constant 0 : i32
      %dma_wait3A_50 = arith.constant 0 : i32
      %dma_wait3A_51 = tpu.memref_slice %arg9[%dma_wait3A, %dma_wait3A_49, %dma_wait3A_50] : memref<2x128x128xf32, #tpu.memory_space<vmem>> -> memref<1x128x128xf32, #tpu.memory_space<vmem>>
      %dma_wait3A_52 = tpu.memref_squeeze %dma_wait3A_51 : memref<1x128x128xf32, #tpu.memory_space<vmem>> -> memref<128x128xf32, #tpu.memory_space<vmem>>
      %dma_wait3A_53 = arith.constant 0 : i32
      %dma_wait3A_54 = tpu.memref_slice %arg7[%add3A_48, %dma_wait3A_53] : memref<40x128xi32, #tpu.memory_space<vmem>> -> memref<1x128xi32, #tpu.memory_space<vmem>>
      %dma_wait3A_55 = tpu.memref_squeeze %dma_wait3A_54 : memref<1x128xi32, #tpu.memory_space<vmem>> -> memref<128xi32, #tpu.memory_space<vmem>>
      %dma_wait3A_56 = arith.constant 0 : i32
      %dma_wait3A_57 = arith.constant 0 : i32
      %dma_wait3A_58 = tpu.memref_slice %arg2[%dma_wait3A_56, %dma_wait3A_57] : memref<10000x128xf32, #tpu.memory_space<hbm>> -> memref<10000x128xf32, #tpu.memory_space<hbm>>
      tpu.wait_indirect_dma semaphore(%arg11 : memref<!tpu.dma_semaphore, #tpu.memory_space<semaphore_mem>>) src(%dma_wait3A_58 : memref<10000x128xf32, #tpu.memory_space<hbm>>) dst(%dma_wait3A_52 : memref<128x128xf32, #tpu.memory_space<vmem>>)
      %run_scoped3A = arith.constant 0 : i32
      "tpu.region"() ({
        %run_scoped3A_87 = tpu.sem_alloc : memref<!tpu.dma_semaphore, #tpu.memory_space<semaphore_mem>>
        %dma_start3A_88 = arith.constant 0 : i32
        %dma_start3A_89 = arith.constant 0 : i32
        %dma_start3A_90 = tpu.memref_slice %arg9[%run_scoped3A, %dma_start3A_88, %dma_start3A_89] : memref<2x128x128xf32, #tpu.memory_space<vmem>> -> memref<1x128x128xf32, #tpu.memory_space<vmem>>
        %dma_start3A_91 = tpu.memref_squeeze %dma_start3A_90 : memref<1x128x128xf32, #tpu.memory_space<vmem>> -> memref<128x128xf32, #tpu.memory_space<vmem>>
        %dma_start3A_92 = arith.constant 0 : i32
        %dma_start3A_93 = tpu.memref_slice %arg8[%add3A_48, %dma_start3A_92] : memref<40x128xi32, #tpu.memory_space<vmem>> -> memref<1x128xi32, #tpu.memory_space<vmem>>
        %dma_start3A_94 = tpu.memref_squeeze %dma_start3A_93 : memref<1x128xi32, #tpu.memory_space<vmem>> -> memref<128xi32, #tpu.memory_space<vmem>>
        %dma_start3A_95 = arith.constant 0 : i32
        %dma_start3A_96 = arith.constant 0 : i32
        %dma_start3A_97 = tpu.memref_slice %arg10[%dma_start3A_95, %dma_start3A_96] : memref<10240x128xf32, #tpu.memory_space<vmem_shared>> -> memref<10240x128xf32, #tpu.memory_space<vmem_shared>>
        tpu.enqueue_indirect_dma source(%dma_start3A_91 : memref<128x128xf32, #tpu.memory_space<vmem>>) target(%dma_start3A_97 : memref<10240x128xf32, #tpu.memory_space<vmem_shared>>) offsets(%dma_start3A_94 : memref<128xi32, #tpu.memory_space<vmem>>) semaphore(%run_scoped3A_87 : memref<!tpu.dma_semaphore, #tpu.memory_space<semaphore_mem>>) {add = true}
        %dma_wait3A_98 = arith.constant 0 : i32
        %dma_wait3A_99 = arith.constant 0 : i32
        %dma_wait3A_100 = tpu.memref_slice %arg9[%run_scoped3A, %dma_wait3A_98, %dma_wait3A_99] : memref<2x128x128xf32, #tpu.memory_space<vmem>> -> memref<1x128x128xf32, #tpu.memory_space<vmem>>
        %dma_wait3A_101 = tpu.memref_squeeze %dma_wait3A_100 : memref<1x128x128xf32, #tpu.memory_space<vmem>> -> memref<128x128xf32, #tpu.memory_space<vmem>>
        %dma_wait3A_102 = arith.constant 0 : i32
        %dma_wait3A_103 = tpu.memref_slice %arg8[%add3A_48, %dma_wait3A_102] : memref<40x128xi32, #tpu.memory_space<vmem>> -> memref<1x128xi32, #tpu.memory_space<vmem>>
        %dma_wait3A_104 = tpu.memref_squeeze %dma_wait3A_103 : memref<1x128xi32, #tpu.memory_space<vmem>> -> memref<128xi32, #tpu.memory_space<vmem>>
        %dma_wait3A_105 = arith.constant 0 : i32
        %dma_wait3A_106 = arith.constant 0 : i32
        %dma_wait3A_107 = tpu.memref_slice %arg10[%dma_wait3A_105, %dma_wait3A_106] : memref<10240x128xf32, #tpu.memory_space<vmem_shared>> -> memref<10240x128xf32, #tpu.memory_space<vmem_shared>>
        tpu.wait_indirect_dma semaphore(%run_scoped3A_87 : memref<!tpu.dma_semaphore, #tpu.memory_space<semaphore_mem>>) src(%dma_wait3A_101 : memref<128x128xf32, #tpu.memory_space<vmem>>) dst(%dma_wait3A_107 : memref<10240x128xf32, #tpu.memory_space<vmem_shared>>)
        tpu.yield
      }) : () -> ()
      %add3A_59 = arith.constant 2 : i32
      %add3A_60 = arith.addi %add3A_48, %add3A_59 : i32
      %lt3A_61 = arith.constant 40 : i32
      %lt3A_62 = arith.cmpi slt, %add3A_60, %lt3A_61 : i32
      %convert_element_type3A_63 = arith.extui %lt3A_62 : i1 to i32
      %cond3A_64 = arith.constant 0 : i32
      %cond3A_65 = arith.cmpi ne, %convert_element_type3A_63, %cond3A_64 : i32
      scf.if %cond3A_65 {
        %dma_start3A_87 = arith.constant 0 : i32
        %dma_start3A_88 = arith.constant 0 : i32
        %dma_start3A_89 = arith.constant 0 : i32
        %dma_start3A_90 = tpu.memref_slice %arg9[%dma_start3A_87, %dma_start3A_88, %dma_start3A_89] : memref<2x128x128xf32, #tpu.memory_space<vmem>> -> memref<1x128x128xf32, #tpu.memory_space<vmem>>
        %dma_start3A_91 = tpu.memref_squeeze %dma_start3A_90 : memref<1x128x128xf32, #tpu.memory_space<vmem>> -> memref<128x128xf32, #tpu.memory_space<vmem>>
        %dma_start3A_92 = arith.constant 0 : i32
        %dma_start3A_93 = tpu.memref_slice %arg7[%add3A_60, %dma_start3A_92] : memref<40x128xi32, #tpu.memory_space<vmem>> -> memref<1x128xi32, #tpu.memory_space<vmem>>
        %dma_start3A_94 = tpu.memref_squeeze %dma_start3A_93 : memref<1x128xi32, #tpu.memory_space<vmem>> -> memref<128xi32, #tpu.memory_space<vmem>>
        %dma_start3A_95 = arith.constant 0 : i32
        %dma_start3A_96 = arith.constant 0 : i32
        %dma_start3A_97 = tpu.memref_slice %arg2[%dma_start3A_95, %dma_start3A_96] : memref<10000x128xf32, #tpu.memory_space<hbm>> -> memref<10000x128xf32, #tpu.memory_space<hbm>>
        tpu.enqueue_indirect_dma source(%dma_start3A_97 : memref<10000x128xf32, #tpu.memory_space<hbm>>) target(%dma_start3A_91 : memref<128x128xf32, #tpu.memory_space<vmem>>) offsets(%dma_start3A_94 : memref<128xi32, #tpu.memory_space<vmem>>) semaphore(%arg11 : memref<!tpu.dma_semaphore, #tpu.memory_space<semaphore_mem>>)
      } else {
      }
      %add3A_66 = arith.constant 1 : i32
      %add3A_67 = arith.addi %mul3A_46, %add3A_66 : i32
      %dma_wait3A_68 = arith.constant 1 : i32
      %dma_wait3A_69 = arith.constant 0 : i32
      %dma_wait3A_70 = arith.constant 0 : i32
      %dma_wait3A_71 = tpu.memref_slice %arg9[%dma_wait3A_68, %dma_wait3A_69, %dma_wait3A_70] : memref<2x128x128xf32, #tpu.memory_space<vmem>> -> memref<1x128x128xf32, #tpu.memory_space<vmem>>
      %dma_wait3A_72 = tpu.memref_squeeze %dma_wait3A_71 : memref<1x128x128xf32, #tpu.memory_space<vmem>> -> memref<128x128xf32, #tpu.memory_space<vmem>>
      %dma_wait3A_73 = arith.constant 0 : i32
      %dma_wait3A_74 = tpu.memref_slice %arg7[%add3A_67, %dma_wait3A_73] : memref<40x128xi32, #tpu.memory_space<vmem>> -> memref<1x128xi32, #tpu.memory_space<vmem>>
      %dma_wait3A_75 = tpu.memref_squeeze %dma_wait3A_74 : memref<1x128xi32, #tpu.memory_space<vmem>> -> memref<128xi32, #tpu.memory_space<vmem>>
      %dma_wait3A_76 = arith.constant 0 : i32
      %dma_wait3A_77 = arith.constant 0 : i32
      %dma_wait3A_78 = tpu.memref_slice %arg2[%dma_wait3A_76, %dma_wait3A_77] : memref<10000x128xf32, #tpu.memory_space<hbm>> -> memref<10000x128xf32, #tpu.memory_space<hbm>>
      tpu.wait_indirect_dma semaphore(%arg12 : memref<!tpu.dma_semaphore, #tpu.memory_space<semaphore_mem>>) src(%dma_wait3A_78 : memref<10000x128xf32, #tpu.memory_space<hbm>>) dst(%dma_wait3A_72 : memref<128x128xf32, #tpu.memory_space<vmem>>)
      %run_scoped3A_79 = arith.constant 1 : i32
      "tpu.region"() ({
        %run_scoped3A_87 = tpu.sem_alloc : memref<!tpu.dma_semaphore, #tpu.memory_space<semaphore_mem>>
        %dma_start3A_88 = arith.constant 0 : i32
        %dma_start3A_89 = arith.constant 0 : i32
        %dma_start3A_90 = tpu.memref_slice %arg9[%run_scoped3A_79, %dma_start3A_88, %dma_start3A_89] : memref<2x128x128xf32, #tpu.memory_space<vmem>> -> memref<1x128x128xf32, #tpu.memory_space<vmem>>
        %dma_start3A_91 = tpu.memref_squeeze %dma_start3A_90 : memref<1x128x128xf32, #tpu.memory_space<vmem>> -> memref<128x128xf32, #tpu.memory_space<vmem>>
        %dma_start3A_92 = arith.constant 0 : i32
        %dma_start3A_93 = tpu.memref_slice %arg8[%add3A_67, %dma_start3A_92] : memref<40x128xi32, #tpu.memory_space<vmem>> -> memref<1x128xi32, #tpu.memory_space<vmem>>
        %dma_start3A_94 = tpu.memref_squeeze %dma_start3A_93 : memref<1x128xi32, #tpu.memory_space<vmem>> -> memref<128xi32, #tpu.memory_space<vmem>>
        %dma_start3A_95 = arith.constant 0 : i32
        %dma_start3A_96 = arith.constant 0 : i32
        %dma_start3A_97 = tpu.memref_slice %arg10[%dma_start3A_95, %dma_start3A_96] : memref<10240x128xf32, #tpu.memory_space<vmem_shared>> -> memref<10240x128xf32, #tpu.memory_space<vmem_shared>>
        tpu.enqueue_indirect_dma source(%dma_start3A_91 : memref<128x128xf32, #tpu.memory_space<vmem>>) target(%dma_start3A_97 : memref<10240x128xf32, #tpu.memory_space<vmem_shared>>) offsets(%dma_start3A_94 : memref<128xi32, #tpu.memory_space<vmem>>) semaphore(%run_scoped3A_87 : memref<!tpu.dma_semaphore, #tpu.memory_space<semaphore_mem>>) {add = true}
        %dma_wait3A_98 = arith.constant 0 : i32
        %dma_wait3A_99 = arith.constant 0 : i32
        %dma_wait3A_100 = tpu.memref_slice %arg9[%run_scoped3A_79, %dma_wait3A_98, %dma_wait3A_99] : memref<2x128x128xf32, #tpu.memory_space<vmem>> -> memref<1x128x128xf32, #tpu.memory_space<vmem>>
        %dma_wait3A_101 = tpu.memref_squeeze %dma_wait3A_100 : memref<1x128x128xf32, #tpu.memory_space<vmem>> -> memref<128x128xf32, #tpu.memory_space<vmem>>
        %dma_wait3A_102 = arith.constant 0 : i32
        %dma_wait3A_103 = tpu.memref_slice %arg8[%add3A_67, %dma_wait3A_102] : memref<40x128xi32, #tpu.memory_space<vmem>> -> memref<1x128xi32, #tpu.memory_space<vmem>>
        %dma_wait3A_104 = tpu.memref_squeeze %dma_wait3A_103 : memref<1x128xi32, #tpu.memory_space<vmem>> -> memref<128xi32, #tpu.memory_space<vmem>>
        %dma_wait3A_105 = arith.constant 0 : i32
        %dma_wait3A_106 = arith.constant 0 : i32
        %dma_wait3A_107 = tpu.memref_slice %arg10[%dma_wait3A_105, %dma_wait3A_106] : memref<10240x128xf32, #tpu.memory_space<vmem_shared>> -> memref<10240x128xf32, #tpu.memory_space<vmem_shared>>
        tpu.wait_indirect_dma semaphore(%run_scoped3A_87 : memref<!tpu.dma_semaphore, #tpu.memory_space<semaphore_mem>>) src(%dma_wait3A_101 : memref<128x128xf32, #tpu.memory_space<vmem>>) dst(%dma_wait3A_107 : memref<10240x128xf32, #tpu.memory_space<vmem_shared>>)
        tpu.yield
      }) : () -> ()
      %add3A_80 = arith.constant 2 : i32
      %add3A_81 = arith.addi %add3A_67, %add3A_80 : i32
      %lt3A_82 = arith.constant 40 : i32
      %lt3A_83 = arith.cmpi slt, %add3A_81, %lt3A_82 : i32
      %convert_element_type3A_84 = arith.extui %lt3A_83 : i1 to i32
      %cond3A_85 = arith.constant 0 : i32
      %cond3A_86 = arith.cmpi ne, %convert_element_type3A_84, %cond3A_85 : i32
      scf.if %cond3A_86 {
        %dma_start3A_87 = arith.constant 1 : i32
        %dma_start3A_88 = arith.constant 0 : i32
        %dma_start3A_89 = arith.constant 0 : i32
        %dma_start3A_90 = tpu.memref_slice %arg9[%dma_start3A_87, %dma_start3A_88, %dma_start3A_89] : memref<2x128x128xf32, #tpu.memory_space<vmem>> -> memref<1x128x128xf32, #tpu.memory_space<vmem>>
        %dma_start3A_91 = tpu.memref_squeeze %dma_start3A_90 : memref<1x128x128xf32, #tpu.memory_space<vmem>> -> memref<128x128xf32, #tpu.memory_space<vmem>>
        %dma_start3A_92 = arith.constant 0 : i32
        %dma_start3A_93 = tpu.memref_slice %arg7[%add3A_81, %dma_start3A_92] : memref<40x128xi32, #tpu.memory_space<vmem>> -> memref<1x128xi32, #tpu.memory_space<vmem>>
        %dma_start3A_94 = tpu.memref_squeeze %dma_start3A_93 : memref<1x128xi32, #tpu.memory_space<vmem>> -> memref<128xi32, #tpu.memory_space<vmem>>
        %dma_start3A_95 = arith.constant 0 : i32
        %dma_start3A_96 = arith.constant 0 : i32
        %dma_start3A_97 = tpu.memref_slice %arg2[%dma_start3A_95, %dma_start3A_96] : memref<10000x128xf32, #tpu.memory_space<hbm>> -> memref<10000x128xf32, #tpu.memory_space<hbm>>
        tpu.enqueue_indirect_dma source(%dma_start3A_97 : memref<10000x128xf32, #tpu.memory_space<hbm>>) target(%dma_start3A_91 : memref<128x128xf32, #tpu.memory_space<vmem>>) offsets(%dma_start3A_94 : memref<128xi32, #tpu.memory_space<vmem>>) semaphore(%arg12 : memref<!tpu.dma_semaphore, #tpu.memory_space<semaphore_mem>>)
      } else {
      }
    }
    %scan3A_36 = arith.constant 20 : i32
    %barrier3A_37 = arith.constant 0 : index
    tpu.barrier barrier_id(%barrier3A_37)
    %lt3A = arith.constant 15 : i32
    %lt3A_38 = arith.cmpi slt, %arg1, %lt3A : i32
    %convert_element_type3A = arith.extui %lt3A_38 : i1 to i32
    %cond3A = arith.constant 0 : i32
    %cond3A_39 = arith.cmpi ne, %convert_element_type3A, %cond3A : i32
    scf.if %cond3A_39 {
      "tpu.region"() ({
        %run_scoped3A = tpu.sem_alloc : memref<!tpu.dma_semaphore, #tpu.memory_space<semaphore_mem>>
        %dma_start3A_44 = arith.constant 0 : i32
        %dma_start3A_45 = arith.constant 0 : i32
        %dma_start3A_46 = tpu.memref_slice %arg6[%arg0, %dma_start3A_44, %dma_start3A_45] : memref<2x10000x128xf32, #tpu.memory_space<hbm>> -> memref<1x10000x128xf32, #tpu.memory_space<hbm>>
        %dma_start3A_47 = tpu.memref_squeeze %dma_start3A_46 : memref<1x10000x128xf32, #tpu.memory_space<hbm>> -> memref<10000x128xf32, #tpu.memory_space<hbm>>
        %dma_start3A_48 = arith.constant 0 : i32
        %dma_start3A_49 = tpu.memref_slice %dma_start3A_47[%mul3A_0, %dma_start3A_48] : memref<10000x128xf32, #tpu.memory_space<hbm>> -> memref<624x128xf32, #tpu.memory_space<hbm>>
        %dma_start3A_50 = arith.constant 0 : i32
        %dma_start3A_51 = tpu.memref_slice %arg10[%mul3A_0, %dma_start3A_50] : memref<10240x128xf32, #tpu.memory_space<vmem_shared>> -> memref<624x128xf32, #tpu.memory_space<vmem_shared>>
        tpu.enqueue_dma source(%dma_start3A_51 : memref<624x128xf32, #tpu.memory_space<vmem_shared>>) target(%dma_start3A_49 : memref<624x128xf32, #tpu.memory_space<hbm>>) target_semaphore(%run_scoped3A : memref<!tpu.dma_semaphore, #tpu.memory_space<semaphore_mem>>)
        %dma_wait3A = arith.constant 0 : i32
        %dma_wait3A_52 = arith.constant 0 : i32
        %dma_wait3A_53 = tpu.memref_slice %arg6[%arg0, %dma_wait3A, %dma_wait3A_52] : memref<2x10000x128xf32, #tpu.memory_space<hbm>> -> memref<1x10000x128xf32, #tpu.memory_space<hbm>>
        %dma_wait3A_54 = tpu.memref_squeeze %dma_wait3A_53 : memref<1x10000x128xf32, #tpu.memory_space<hbm>> -> memref<10000x128xf32, #tpu.memory_space<hbm>>
        %dma_wait3A_55 = arith.constant 0 : i32
        %dma_wait3A_56 = tpu.memref_slice %dma_wait3A_54[%mul3A_0, %dma_wait3A_55] : memref<10000x128xf32, #tpu.memory_space<hbm>> -> memref<624x128xf32, #tpu.memory_space<hbm>>
        %dma_wait3A_57 = arith.constant 0 : i32
        %dma_wait3A_58 = tpu.memref_slice %arg10[%mul3A_0, %dma_wait3A_57] : memref<10240x128xf32, #tpu.memory_space<vmem_shared>> -> memref<624x128xf32, #tpu.memory_space<vmem_shared>>
        tpu.wait_dma2 semaphore(%run_scoped3A : memref<!tpu.dma_semaphore, #tpu.memory_space<semaphore_mem>>) src(%dma_wait3A_58 : memref<624x128xf32, #tpu.memory_space<vmem_shared>>) dst(%dma_wait3A_56 : memref<624x128xf32, #tpu.memory_space<hbm>>)
        tpu.yield
      }) : () -> ()
    } else {
    }
    %eq3A = arith.constant 15 : i32
    %eq3A_40 = arith.cmpi eq, %arg1, %eq3A : i32
    %convert_element_type3A_41 = arith.extui %eq3A_40 : i1 to i32
    %cond3A_42 = arith.constant 0 : i32
    %cond3A_43 = arith.cmpi ne, %convert_element_type3A_41, %cond3A_42 : i32
    scf.if %cond3A_43 {
      "tpu.region"() ({
        %run_scoped3A = tpu.sem_alloc : memref<!tpu.dma_semaphore, #tpu.memory_space<semaphore_mem>>
        %dma_start3A_44 = arith.constant 0 : i32
        %dma_start3A_45 = arith.constant 0 : i32
        %dma_start3A_46 = tpu.memref_slice %arg6[%arg0, %dma_start3A_44, %dma_start3A_45] : memref<2x10000x128xf32, #tpu.memory_space<hbm>> -> memref<1x10000x128xf32, #tpu.memory_space<hbm>>
        %dma_start3A_47 = tpu.memref_squeeze %dma_start3A_46 : memref<1x10000x128xf32, #tpu.memory_space<hbm>> -> memref<10000x128xf32, #tpu.memory_space<hbm>>
        %dma_start3A_48 = arith.constant 9360 : i32
        %dma_start3A_49 = arith.constant 0 : i32
        %dma_start3A_50 = tpu.memref_slice %dma_start3A_47[%dma_start3A_48, %dma_start3A_49] : memref<10000x128xf32, #tpu.memory_space<hbm>> -> memref<640x128xf32, #tpu.memory_space<hbm>>
        %dma_start3A_51 = arith.constant 9360 : i32
        %dma_start3A_52 = arith.constant 0 : i32
        %dma_start3A_53 = tpu.memref_slice %arg10[%dma_start3A_51, %dma_start3A_52] : memref<10240x128xf32, #tpu.memory_space<vmem_shared>> -> memref<640x128xf32, #tpu.memory_space<vmem_shared>>
        tpu.enqueue_dma source(%dma_start3A_53 : memref<640x128xf32, #tpu.memory_space<vmem_shared>>) target(%dma_start3A_50 : memref<640x128xf32, #tpu.memory_space<hbm>>) target_semaphore(%run_scoped3A : memref<!tpu.dma_semaphore, #tpu.memory_space<semaphore_mem>>)
        %dma_wait3A = arith.constant 0 : i32
        %dma_wait3A_54 = arith.constant 0 : i32
        %dma_wait3A_55 = tpu.memref_slice %arg6[%arg0, %dma_wait3A, %dma_wait3A_54] : memref<2x10000x128xf32, #tpu.memory_space<hbm>> -> memref<1x10000x128xf32, #tpu.memory_space<hbm>>
        %dma_wait3A_56 = tpu.memref_squeeze %dma_wait3A_55 : memref<1x10000x128xf32, #tpu.memory_space<hbm>> -> memref<10000x128xf32, #tpu.memory_space<hbm>>
        %dma_wait3A_57 = arith.constant 9360 : i32
        %dma_wait3A_58 = arith.constant 0 : i32
        %dma_wait3A_59 = tpu.memref_slice %dma_wait3A_56[%dma_wait3A_57, %dma_wait3A_58] : memref<10000x128xf32, #tpu.memory_space<hbm>> -> memref<640x128xf32, #tpu.memory_space<hbm>>
        %dma_wait3A_60 = arith.constant 9360 : i32
        %dma_wait3A_61 = arith.constant 0 : i32
        %dma_wait3A_62 = tpu.memref_slice %arg10[%dma_wait3A_60, %dma_wait3A_61] : memref<10240x128xf32, #tpu.memory_space<vmem_shared>> -> memref<640x128xf32, #tpu.memory_space<vmem_shared>>
        tpu.wait_dma2 semaphore(%run_scoped3A : memref<!tpu.dma_semaphore, #tpu.memory_space<semaphore_mem>>) src(%dma_wait3A_62 : memref<640x128xf32, #tpu.memory_space<vmem_shared>>) dst(%dma_wait3A_59 : memref<640x128xf32, #tpu.memory_space<hbm>>)
        tpu.yield
      }) : () -> ()
    } else {
    }
    return
  }
}

#map = affine_map<(d0, d1) -> (0, 0)>
#map1 = affine_map<(d0, d1) -> (0, 0, 0)>
module attributes {stable_mosaic.version = 14 : i64} {
  func.func @_q_sc(%arg0: i32, %arg1: i32, %arg2: memref<10000x128xf32, #tpu.memory_space<hbm>>, %arg3: memref<1280x128xi32, #tpu.memory_space<hbm>>, %arg4: memref<1280x128xi32, #tpu.memory_space<hbm>>, %arg5: memref<640x128xf32, #tpu.memory_space<hbm>>, %arg6: memref<2x10000x128xf32, #tpu.memory_space<hbm>>, %arg7: memref<40x128xi32, #tpu.memory_space<vmem>>, %arg8: memref<40x128xi32, #tpu.memory_space<vmem>>, %arg9: memref<2x128x128xf32, #tpu.memory_space<vmem>>, %arg10: memref<10240x128xf32, #tpu.memory_space<vmem_shared>>, %arg11: memref<!tpu.dma_semaphore, #tpu.memory_space<semaphore_mem>>, %arg12: memref<!tpu.dma_semaphore, #tpu.memory_space<semaphore_mem>>) attributes {dimension_semantics = [#tpu.dimension_semantics<core_parallel>, #tpu.dimension_semantics<subcore_parallel>], iteration_bounds = array<i64: 2, 16>, scalar_prefetch = 0 : i64, scratch_operands = 6 : i64, tpu.core_type = #tpu.core_type<sc_vector_subcore>, window_params = [{transform_indices = #map}, {transform_indices = #map}, {transform_indices = #map}, {transform_indices = #map}, {transform_indices = #map1}]} {
    %mul3A = arith.constant 624 : i32
    %mul3A_0 = arith.muli %arg1, %mul3A : i32
    %mul3A_1 = arith.constant 16 : i32
    %mul3A_2 = arith.muli %arg0, %mul3A_1 : i32
    %add3A = arith.addi %mul3A_2, %arg1 : i32
    %mul3A_3 = arith.constant 40 : i32
    %mul3A_4 = arith.muli %add3A, %mul3A_3 : i32
    "tpu.region"() ({
      %run_scoped3A = tpu.sem_alloc : memref<!tpu.dma_semaphore, #tpu.memory_space<semaphore_mem>>
      %dma_start3A_44 = arith.constant 0 : i32
      %dma_start3A_45 = tpu.memref_slice %arg3[%mul3A_4, %dma_start3A_44] : memref<1280x128xi32, #tpu.memory_space<hbm>> -> memref<40x128xi32, #tpu.memory_space<hbm>>
      %dma_start3A_46 = arith.constant 0 : i32
      %dma_start3A_47 = tpu.memref_slice %arg3[%mul3A_4, %dma_start3A_46] : memref<1280x128xi32, #tpu.memory_space<hbm>> -> memref<40x128xi32, #tpu.memory_space<hbm>>
      tpu.enqueue_dma source(%dma_start3A_47 : memref<40x128xi32, #tpu.memory_space<hbm>>) target(%arg7 : memref<40x128xi32, #tpu.memory_space<vmem>>) target_semaphore(%run_scoped3A : memref<!tpu.dma_semaphore, #tpu.memory_space<semaphore_mem>>)
      %dma_wait3A = arith.constant 0 : i32
      %dma_wait3A_48 = tpu.memref_slice %arg3[%mul3A_4, %dma_wait3A] : memref<1280x128xi32, #tpu.memory_space<hbm>> -> memref<40x128xi32, #tpu.memory_space<hbm>>
      %dma_wait3A_49 = arith.constant 0 : i32
      %dma_wait3A_50 = tpu.memref_slice %arg3[%mul3A_4, %dma_wait3A_49] : memref<1280x128xi32, #tpu.memory_space<hbm>> -> memref<40x128xi32, #tpu.memory_space<hbm>>
      tpu.wait_dma2 semaphore(%run_scoped3A : memref<!tpu.dma_semaphore, #tpu.memory_space<semaphore_mem>>) src(%dma_wait3A_50 : memref<40x128xi32, #tpu.memory_space<hbm>>) dst(%arg7 : memref<40x128xi32, #tpu.memory_space<vmem>>)
      tpu.yield
    }) : () -> ()
    %mul3A_5 = arith.constant 40 : i32
    %mul3A_6 = arith.muli %add3A, %mul3A_5 : i32
    "tpu.region"() ({
      %run_scoped3A = tpu.sem_alloc : memref<!tpu.dma_semaphore, #tpu.memory_space<semaphore_mem>>
      %dma_start3A_44 = arith.constant 0 : i32
      %dma_start3A_45 = tpu.memref_slice %arg4[%mul3A_6, %dma_start3A_44] : memref<1280x128xi32, #tpu.memory_space<hbm>> -> memref<40x128xi32, #tpu.memory_space<hbm>>
      %dma_start3A_46 = arith.constant 0 : i32
      %dma_start3A_47 = tpu.memref_slice %arg4[%mul3A_6, %dma_start3A_46] : memref<1280x128xi32, #tpu.memory_space<hbm>> -> memref<40x128xi32, #tpu.memory_space<hbm>>
      tpu.enqueue_dma source(%dma_start3A_47 : memref<40x128xi32, #tpu.memory_space<hbm>>) target(%arg8 : memref<40x128xi32, #tpu.memory_space<vmem>>) target_semaphore(%run_scoped3A : memref<!tpu.dma_semaphore, #tpu.memory_space<semaphore_mem>>)
      %dma_wait3A = arith.constant 0 : i32
      %dma_wait3A_48 = tpu.memref_slice %arg4[%mul3A_6, %dma_wait3A] : memref<1280x128xi32, #tpu.memory_space<hbm>> -> memref<40x128xi32, #tpu.memory_space<hbm>>
      %dma_wait3A_49 = arith.constant 0 : i32
      %dma_wait3A_50 = tpu.memref_slice %arg4[%mul3A_6, %dma_wait3A_49] : memref<1280x128xi32, #tpu.memory_space<hbm>> -> memref<40x128xi32, #tpu.memory_space<hbm>>
      tpu.wait_dma2 semaphore(%run_scoped3A : memref<!tpu.dma_semaphore, #tpu.memory_space<semaphore_mem>>) src(%dma_wait3A_50 : memref<40x128xi32, #tpu.memory_space<hbm>>) dst(%arg8 : memref<40x128xi32, #tpu.memory_space<vmem>>)
      tpu.yield
    }) : () -> ()
    %mul3A_7 = arith.constant 640 : i32
    %mul3A_8 = arith.muli %arg1, %mul3A_7 : i32
    "tpu.region"() ({
      %run_scoped3A = tpu.sem_alloc : memref<!tpu.dma_semaphore, #tpu.memory_space<semaphore_mem>>
      %dma_start3A_44 = arith.constant 0 : i32
      %dma_start3A_45 = tpu.memref_slice %arg10[%mul3A_8, %dma_start3A_44] : memref<10240x128xf32, #tpu.memory_space<vmem_shared>> -> memref<640x128xf32, #tpu.memory_space<vmem_shared>>
      tpu.enqueue_dma source(%arg5 : memref<640x128xf32, #tpu.memory_space<hbm>>) target(%dma_start3A_45 : memref<640x128xf32, #tpu.memory_space<vmem_shared>>) target_semaphore(%run_scoped3A : memref<!tpu.dma_semaphore, #tpu.memory_space<semaphore_mem>>)
      %dma_wait3A = arith.constant 0 : i32
      %dma_wait3A_46 = tpu.memref_slice %arg10[%mul3A_8, %dma_wait3A] : memref<10240x128xf32, #tpu.memory_space<vmem_shared>> -> memref<640x128xf32, #tpu.memory_space<vmem_shared>>
      tpu.wait_dma2 semaphore(%run_scoped3A : memref<!tpu.dma_semaphore, #tpu.memory_space<semaphore_mem>>) src(%arg5 : memref<640x128xf32, #tpu.memory_space<hbm>>) dst(%dma_wait3A_46 : memref<640x128xf32, #tpu.memory_space<vmem_shared>>)
      tpu.yield
    }) : () -> ()
    %barrier3A = arith.constant 0 : index
    tpu.barrier barrier_id(%barrier3A)
    %dma_start3A = arith.constant 0 : i32
    %dma_start3A_9 = arith.constant 0 : i32
    %dma_start3A_10 = arith.constant 0 : i32
    %dma_start3A_11 = arith.constant 0 : i32
    %dma_start3A_12 = tpu.memref_slice %arg9[%dma_start3A_9, %dma_start3A_10, %dma_start3A_11] : memref<2x128x128xf32, #tpu.memory_space<vmem>> -> memref<1x128x128xf32, #tpu.memory_space<vmem>>
    %dma_start3A_13 = tpu.memref_squeeze %dma_start3A_12 : memref<1x128x128xf32, #tpu.memory_space<vmem>> -> memref<128x128xf32, #tpu.memory_space<vmem>>
    %dma_start3A_14 = arith.constant 0 : i32
    %dma_start3A_15 = tpu.memref_slice %arg7[%dma_start3A, %dma_start3A_14] : memref<40x128xi32, #tpu.memory_space<vmem>> -> memref<1x128xi32, #tpu.memory_space<vmem>>
    %dma_start3A_16 = tpu.memref_squeeze %dma_start3A_15 : memref<1x128xi32, #tpu.memory_space<vmem>> -> memref<128xi32, #tpu.memory_space<vmem>>
    %dma_start3A_17 = arith.constant 0 : i32
    %dma_start3A_18 = arith.constant 0 : i32
    %dma_start3A_19 = tpu.memref_slice %arg2[%dma_start3A_17, %dma_start3A_18] : memref<10000x128xf32, #tpu.memory_space<hbm>> -> memref<10000x128xf32, #tpu.memory_space<hbm>>
    tpu.enqueue_indirect_dma source(%dma_start3A_19 : memref<10000x128xf32, #tpu.memory_space<hbm>>) target(%dma_start3A_13 : memref<128x128xf32, #tpu.memory_space<vmem>>) offsets(%dma_start3A_16 : memref<128xi32, #tpu.memory_space<vmem>>) semaphore(%arg11 : memref<!tpu.dma_semaphore, #tpu.memory_space<semaphore_mem>>)
    %dma_start3A_20 = arith.constant 1 : i32
    %dma_start3A_21 = arith.constant 1 : i32
    %dma_start3A_22 = arith.constant 0 : i32
    %dma_start3A_23 = arith.constant 0 : i32
    %dma_start3A_24 = tpu.memref_slice %arg9[%dma_start3A_21, %dma_start3A_22, %dma_start3A_23] : memref<2x128x128xf32, #tpu.memory_space<vmem>> -> memref<1x128x128xf32, #tpu.memory_space<vmem>>
    %dma_start3A_25 = tpu.memref_squeeze %dma_start3A_24 : memref<1x128x128xf32, #tpu.memory_space<vmem>> -> memref<128x128xf32, #tpu.memory_space<vmem>>
    %dma_start3A_26 = arith.constant 0 : i32
    %dma_start3A_27 = tpu.memref_slice %arg7[%dma_start3A_20, %dma_start3A_26] : memref<40x128xi32, #tpu.memory_space<vmem>> -> memref<1x128xi32, #tpu.memory_space<vmem>>
    %dma_start3A_28 = tpu.memref_squeeze %dma_start3A_27 : memref<1x128xi32, #tpu.memory_space<vmem>> -> memref<128xi32, #tpu.memory_space<vmem>>
    %dma_start3A_29 = arith.constant 0 : i32
    %dma_start3A_30 = arith.constant 0 : i32
    %dma_start3A_31 = tpu.memref_slice %arg2[%dma_start3A_29, %dma_start3A_30] : memref<10000x128xf32, #tpu.memory_space<hbm>> -> memref<10000x128xf32, #tpu.memory_space<hbm>>
    tpu.enqueue_indirect_dma source(%dma_start3A_31 : memref<10000x128xf32, #tpu.memory_space<hbm>>) target(%dma_start3A_25 : memref<128x128xf32, #tpu.memory_space<vmem>>) offsets(%dma_start3A_28 : memref<128xi32, #tpu.memory_space<vmem>>) semaphore(%arg12 : memref<!tpu.dma_semaphore, #tpu.memory_space<semaphore_mem>>)
    %scan3A = arith.constant 0 : i32
    %scan3A_32 = arith.constant 0 : i32
    %scan3A_33 = arith.constant 20 : i32
    %scan3A_34 = arith.addi %scan3A_32, %scan3A_33 : i32
    %scan3A_35 = arith.constant 1 : i32
    scf.for %scan3A_44 = %scan3A_32 to %scan3A_34 step %scan3A_35  : i32 {
      %mul3A_45 = arith.constant 2 : i32
      %mul3A_46 = arith.muli %scan3A_44, %mul3A_45 : i32
      %add3A_47 = arith.constant 0 : i32
      %add3A_48 = arith.addi %mul3A_46, %add3A_47 : i32
      %dma_wait3A = arith.constant 0 : i32
      %dma_wait3A_49 = arith.constant 0 : i32
      %dma_wait3A_50 = arith.constant 0 : i32
      %dma_wait3A_51 = tpu.memref_slice %arg9[%dma_wait3A, %dma_wait3A_49, %dma_wait3A_50] : memref<2x128x128xf32, #tpu.memory_space<vmem>> -> memref<1x128x128xf32, #tpu.memory_space<vmem>>
      %dma_wait3A_52 = tpu.memref_squeeze %dma_wait3A_51 : memref<1x128x128xf32, #tpu.memory_space<vmem>> -> memref<128x128xf32, #tpu.memory_space<vmem>>
      %dma_wait3A_53 = arith.constant 0 : i32
      %dma_wait3A_54 = tpu.memref_slice %arg7[%add3A_48, %dma_wait3A_53] : memref<40x128xi32, #tpu.memory_space<vmem>> -> memref<1x128xi32, #tpu.memory_space<vmem>>
      %dma_wait3A_55 = tpu.memref_squeeze %dma_wait3A_54 : memref<1x128xi32, #tpu.memory_space<vmem>> -> memref<128xi32, #tpu.memory_space<vmem>>
      %dma_wait3A_56 = arith.constant 0 : i32
      %dma_wait3A_57 = arith.constant 0 : i32
      %dma_wait3A_58 = tpu.memref_slice %arg2[%dma_wait3A_56, %dma_wait3A_57] : memref<10000x128xf32, #tpu.memory_space<hbm>> -> memref<10000x128xf32, #tpu.memory_space<hbm>>
      tpu.wait_indirect_dma semaphore(%arg11 : memref<!tpu.dma_semaphore, #tpu.memory_space<semaphore_mem>>) src(%dma_wait3A_58 : memref<10000x128xf32, #tpu.memory_space<hbm>>) dst(%dma_wait3A_52 : memref<128x128xf32, #tpu.memory_space<vmem>>)
      %run_scoped3A = arith.constant 0 : i32
      "tpu.region"() ({
        %run_scoped3A_87 = tpu.sem_alloc : memref<!tpu.dma_semaphore, #tpu.memory_space<semaphore_mem>>
        %dma_start3A_88 = arith.constant 0 : i32
        %dma_start3A_89 = arith.constant 0 : i32
        %dma_start3A_90 = tpu.memref_slice %arg9[%run_scoped3A, %dma_start3A_88, %dma_start3A_89] : memref<2x128x128xf32, #tpu.memory_space<vmem>> -> memref<1x128x128xf32, #tpu.memory_space<vmem>>
        %dma_start3A_91 = tpu.memref_squeeze %dma_start3A_90 : memref<1x128x128xf32, #tpu.memory_space<vmem>> -> memref<128x128xf32, #tpu.memory_space<vmem>>
        %dma_start3A_92 = arith.constant 0 : i32
        %dma_start3A_93 = tpu.memref_slice %arg8[%add3A_48, %dma_start3A_92] : memref<40x128xi32, #tpu.memory_space<vmem>> -> memref<1x128xi32, #tpu.memory_space<vmem>>
        %dma_start3A_94 = tpu.memref_squeeze %dma_start3A_93 : memref<1x128xi32, #tpu.memory_space<vmem>> -> memref<128xi32, #tpu.memory_space<vmem>>
        %dma_start3A_95 = arith.constant 0 : i32
        %dma_start3A_96 = arith.constant 0 : i32
        %dma_start3A_97 = tpu.memref_slice %arg10[%dma_start3A_95, %dma_start3A_96] : memref<10240x128xf32, #tpu.memory_space<vmem_shared>> -> memref<10240x128xf32, #tpu.memory_space<vmem_shared>>
        tpu.enqueue_indirect_dma source(%dma_start3A_91 : memref<128x128xf32, #tpu.memory_space<vmem>>) target(%dma_start3A_97 : memref<10240x128xf32, #tpu.memory_space<vmem_shared>>) offsets(%dma_start3A_94 : memref<128xi32, #tpu.memory_space<vmem>>) semaphore(%run_scoped3A_87 : memref<!tpu.dma_semaphore, #tpu.memory_space<semaphore_mem>>) {add = true}
        %dma_wait3A_98 = arith.constant 0 : i32
        %dma_wait3A_99 = arith.constant 0 : i32
        %dma_wait3A_100 = tpu.memref_slice %arg9[%run_scoped3A, %dma_wait3A_98, %dma_wait3A_99] : memref<2x128x128xf32, #tpu.memory_space<vmem>> -> memref<1x128x128xf32, #tpu.memory_space<vmem>>
        %dma_wait3A_101 = tpu.memref_squeeze %dma_wait3A_100 : memref<1x128x128xf32, #tpu.memory_space<vmem>> -> memref<128x128xf32, #tpu.memory_space<vmem>>
        %dma_wait3A_102 = arith.constant 0 : i32
        %dma_wait3A_103 = tpu.memref_slice %arg8[%add3A_48, %dma_wait3A_102] : memref<40x128xi32, #tpu.memory_space<vmem>> -> memref<1x128xi32, #tpu.memory_space<vmem>>
        %dma_wait3A_104 = tpu.memref_squeeze %dma_wait3A_103 : memref<1x128xi32, #tpu.memory_space<vmem>> -> memref<128xi32, #tpu.memory_space<vmem>>
        %dma_wait3A_105 = arith.constant 0 : i32
        %dma_wait3A_106 = arith.constant 0 : i32
        %dma_wait3A_107 = tpu.memref_slice %arg10[%dma_wait3A_105, %dma_wait3A_106] : memref<10240x128xf32, #tpu.memory_space<vmem_shared>> -> memref<10240x128xf32, #tpu.memory_space<vmem_shared>>
        tpu.wait_indirect_dma semaphore(%run_scoped3A_87 : memref<!tpu.dma_semaphore, #tpu.memory_space<semaphore_mem>>) src(%dma_wait3A_101 : memref<128x128xf32, #tpu.memory_space<vmem>>) dst(%dma_wait3A_107 : memref<10240x128xf32, #tpu.memory_space<vmem_shared>>)
        tpu.yield
      }) : () -> ()
      %add3A_59 = arith.constant 2 : i32
      %add3A_60 = arith.addi %add3A_48, %add3A_59 : i32
      %lt3A_61 = arith.constant 40 : i32
      %lt3A_62 = arith.cmpi slt, %add3A_60, %lt3A_61 : i32
      %convert_element_type3A_63 = arith.extui %lt3A_62 : i1 to i32
      %cond3A_64 = arith.constant 0 : i32
      %cond3A_65 = arith.cmpi ne, %convert_element_type3A_63, %cond3A_64 : i32
      scf.if %cond3A_65 {
        %dma_start3A_87 = arith.constant 0 : i32
        %dma_start3A_88 = arith.constant 0 : i32
        %dma_start3A_89 = arith.constant 0 : i32
        %dma_start3A_90 = tpu.memref_slice %arg9[%dma_start3A_87, %dma_start3A_88, %dma_start3A_89] : memref<2x128x128xf32, #tpu.memory_space<vmem>> -> memref<1x128x128xf32, #tpu.memory_space<vmem>>
        %dma_start3A_91 = tpu.memref_squeeze %dma_start3A_90 : memref<1x128x128xf32, #tpu.memory_space<vmem>> -> memref<128x128xf32, #tpu.memory_space<vmem>>
        %dma_start3A_92 = arith.constant 0 : i32
        %dma_start3A_93 = tpu.memref_slice %arg7[%add3A_60, %dma_start3A_92] : memref<40x128xi32, #tpu.memory_space<vmem>> -> memref<1x128xi32, #tpu.memory_space<vmem>>
        %dma_start3A_94 = tpu.memref_squeeze %dma_start3A_93 : memref<1x128xi32, #tpu.memory_space<vmem>> -> memref<128xi32, #tpu.memory_space<vmem>>
        %dma_start3A_95 = arith.constant 0 : i32
        %dma_start3A_96 = arith.constant 0 : i32
        %dma_start3A_97 = tpu.memref_slice %arg2[%dma_start3A_95, %dma_start3A_96] : memref<10000x128xf32, #tpu.memory_space<hbm>> -> memref<10000x128xf32, #tpu.memory_space<hbm>>
        tpu.enqueue_indirect_dma source(%dma_start3A_97 : memref<10000x128xf32, #tpu.memory_space<hbm>>) target(%dma_start3A_91 : memref<128x128xf32, #tpu.memory_space<vmem>>) offsets(%dma_start3A_94 : memref<128xi32, #tpu.memory_space<vmem>>) semaphore(%arg11 : memref<!tpu.dma_semaphore, #tpu.memory_space<semaphore_mem>>)
      } else {
      }
      %add3A_66 = arith.constant 1 : i32
      %add3A_67 = arith.addi %mul3A_46, %add3A_66 : i32
      %dma_wait3A_68 = arith.constant 1 : i32
      %dma_wait3A_69 = arith.constant 0 : i32
      %dma_wait3A_70 = arith.constant 0 : i32
      %dma_wait3A_71 = tpu.memref_slice %arg9[%dma_wait3A_68, %dma_wait3A_69, %dma_wait3A_70] : memref<2x128x128xf32, #tpu.memory_space<vmem>> -> memref<1x128x128xf32, #tpu.memory_space<vmem>>
      %dma_wait3A_72 = tpu.memref_squeeze %dma_wait3A_71 : memref<1x128x128xf32, #tpu.memory_space<vmem>> -> memref<128x128xf32, #tpu.memory_space<vmem>>
      %dma_wait3A_73 = arith.constant 0 : i32
      %dma_wait3A_74 = tpu.memref_slice %arg7[%add3A_67, %dma_wait3A_73] : memref<40x128xi32, #tpu.memory_space<vmem>> -> memref<1x128xi32, #tpu.memory_space<vmem>>
      %dma_wait3A_75 = tpu.memref_squeeze %dma_wait3A_74 : memref<1x128xi32, #tpu.memory_space<vmem>> -> memref<128xi32, #tpu.memory_space<vmem>>
      %dma_wait3A_76 = arith.constant 0 : i32
      %dma_wait3A_77 = arith.constant 0 : i32
      %dma_wait3A_78 = tpu.memref_slice %arg2[%dma_wait3A_76, %dma_wait3A_77] : memref<10000x128xf32, #tpu.memory_space<hbm>> -> memref<10000x128xf32, #tpu.memory_space<hbm>>
      tpu.wait_indirect_dma semaphore(%arg12 : memref<!tpu.dma_semaphore, #tpu.memory_space<semaphore_mem>>) src(%dma_wait3A_78 : memref<10000x128xf32, #tpu.memory_space<hbm>>) dst(%dma_wait3A_72 : memref<128x128xf32, #tpu.memory_space<vmem>>)
      %run_scoped3A_79 = arith.constant 1 : i32
      "tpu.region"() ({
        %run_scoped3A_87 = tpu.sem_alloc : memref<!tpu.dma_semaphore, #tpu.memory_space<semaphore_mem>>
        %dma_start3A_88 = arith.constant 0 : i32
        %dma_start3A_89 = arith.constant 0 : i32
        %dma_start3A_90 = tpu.memref_slice %arg9[%run_scoped3A_79, %dma_start3A_88, %dma_start3A_89] : memref<2x128x128xf32, #tpu.memory_space<vmem>> -> memref<1x128x128xf32, #tpu.memory_space<vmem>>
        %dma_start3A_91 = tpu.memref_squeeze %dma_start3A_90 : memref<1x128x128xf32, #tpu.memory_space<vmem>> -> memref<128x128xf32, #tpu.memory_space<vmem>>
        %dma_start3A_92 = arith.constant 0 : i32
        %dma_start3A_93 = tpu.memref_slice %arg8[%add3A_67, %dma_start3A_92] : memref<40x128xi32, #tpu.memory_space<vmem>> -> memref<1x128xi32, #tpu.memory_space<vmem>>
        %dma_start3A_94 = tpu.memref_squeeze %dma_start3A_93 : memref<1x128xi32, #tpu.memory_space<vmem>> -> memref<128xi32, #tpu.memory_space<vmem>>
        %dma_start3A_95 = arith.constant 0 : i32
        %dma_start3A_96 = arith.constant 0 : i32
        %dma_start3A_97 = tpu.memref_slice %arg10[%dma_start3A_95, %dma_start3A_96] : memref<10240x128xf32, #tpu.memory_space<vmem_shared>> -> memref<10240x128xf32, #tpu.memory_space<vmem_shared>>
        tpu.enqueue_indirect_dma source(%dma_start3A_91 : memref<128x128xf32, #tpu.memory_space<vmem>>) target(%dma_start3A_97 : memref<10240x128xf32, #tpu.memory_space<vmem_shared>>) offsets(%dma_start3A_94 : memref<128xi32, #tpu.memory_space<vmem>>) semaphore(%run_scoped3A_87 : memref<!tpu.dma_semaphore, #tpu.memory_space<semaphore_mem>>) {add = true}
        %dma_wait3A_98 = arith.constant 0 : i32
        %dma_wait3A_99 = arith.constant 0 : i32
        %dma_wait3A_100 = tpu.memref_slice %arg9[%run_scoped3A_79, %dma_wait3A_98, %dma_wait3A_99] : memref<2x128x128xf32, #tpu.memory_space<vmem>> -> memref<1x128x128xf32, #tpu.memory_space<vmem>>
        %dma_wait3A_101 = tpu.memref_squeeze %dma_wait3A_100 : memref<1x128x128xf32, #tpu.memory_space<vmem>> -> memref<128x128xf32, #tpu.memory_space<vmem>>
        %dma_wait3A_102 = arith.constant 0 : i32
        %dma_wait3A_103 = tpu.memref_slice %arg8[%add3A_67, %dma_wait3A_102] : memref<40x128xi32, #tpu.memory_space<vmem>> -> memref<1x128xi32, #tpu.memory_space<vmem>>
        %dma_wait3A_104 = tpu.memref_squeeze %dma_wait3A_103 : memref<1x128xi32, #tpu.memory_space<vmem>> -> memref<128xi32, #tpu.memory_space<vmem>>
        %dma_wait3A_105 = arith.constant 0 : i32
        %dma_wait3A_106 = arith.constant 0 : i32
        %dma_wait3A_107 = tpu.memref_slice %arg10[%dma_wait3A_105, %dma_wait3A_106] : memref<10240x128xf32, #tpu.memory_space<vmem_shared>> -> memref<10240x128xf32, #tpu.memory_space<vmem_shared>>
        tpu.wait_indirect_dma semaphore(%run_scoped3A_87 : memref<!tpu.dma_semaphore, #tpu.memory_space<semaphore_mem>>) src(%dma_wait3A_101 : memref<128x128xf32, #tpu.memory_space<vmem>>) dst(%dma_wait3A_107 : memref<10240x128xf32, #tpu.memory_space<vmem_shared>>)
        tpu.yield
      }) : () -> ()
      %add3A_80 = arith.constant 2 : i32
      %add3A_81 = arith.addi %add3A_67, %add3A_80 : i32
      %lt3A_82 = arith.constant 40 : i32
      %lt3A_83 = arith.cmpi slt, %add3A_81, %lt3A_82 : i32
      %convert_element_type3A_84 = arith.extui %lt3A_83 : i1 to i32
      %cond3A_85 = arith.constant 0 : i32
      %cond3A_86 = arith.cmpi ne, %convert_element_type3A_84, %cond3A_85 : i32
      scf.if %cond3A_86 {
        %dma_start3A_87 = arith.constant 1 : i32
        %dma_start3A_88 = arith.constant 0 : i32
        %dma_start3A_89 = arith.constant 0 : i32
        %dma_start3A_90 = tpu.memref_slice %arg9[%dma_start3A_87, %dma_start3A_88, %dma_start3A_89] : memref<2x128x128xf32, #tpu.memory_space<vmem>> -> memref<1x128x128xf32, #tpu.memory_space<vmem>>
        %dma_start3A_91 = tpu.memref_squeeze %dma_start3A_90 : memref<1x128x128xf32, #tpu.memory_space<vmem>> -> memref<128x128xf32, #tpu.memory_space<vmem>>
        %dma_start3A_92 = arith.constant 0 : i32
        %dma_start3A_93 = tpu.memref_slice %arg7[%add3A_81, %dma_start3A_92] : memref<40x128xi32, #tpu.memory_space<vmem>> -> memref<1x128xi32, #tpu.memory_space<vmem>>
        %dma_start3A_94 = tpu.memref_squeeze %dma_start3A_93 : memref<1x128xi32, #tpu.memory_space<vmem>> -> memref<128xi32, #tpu.memory_space<vmem>>
        %dma_start3A_95 = arith.constant 0 : i32
        %dma_start3A_96 = arith.constant 0 : i32
        %dma_start3A_97 = tpu.memref_slice %arg2[%dma_start3A_95, %dma_start3A_96] : memref<10000x128xf32, #tpu.memory_space<hbm>> -> memref<10000x128xf32, #tpu.memory_space<hbm>>
        tpu.enqueue_indirect_dma source(%dma_start3A_97 : memref<10000x128xf32, #tpu.memory_space<hbm>>) target(%dma_start3A_91 : memref<128x128xf32, #tpu.memory_space<vmem>>) offsets(%dma_start3A_94 : memref<128xi32, #tpu.memory_space<vmem>>) semaphore(%arg12 : memref<!tpu.dma_semaphore, #tpu.memory_space<semaphore_mem>>)
      } else {
      }
    }
    %scan3A_36 = arith.constant 20 : i32
    %barrier3A_37 = arith.constant 0 : index
    tpu.barrier barrier_id(%barrier3A_37)
    %lt3A = arith.constant 15 : i32
    %lt3A_38 = arith.cmpi slt, %arg1, %lt3A : i32
    %convert_element_type3A = arith.extui %lt3A_38 : i1 to i32
    %cond3A = arith.constant 0 : i32
    %cond3A_39 = arith.cmpi ne, %convert_element_type3A, %cond3A : i32
    scf.if %cond3A_39 {
      "tpu.region"() ({
        %run_scoped3A = tpu.sem_alloc : memref<!tpu.dma_semaphore, #tpu.memory_space<semaphore_mem>>
        %dma_start3A_44 = arith.constant 0 : i32
        %dma_start3A_45 = arith.constant 0 : i32
        %dma_start3A_46 = tpu.memref_slice %arg6[%arg0, %dma_start3A_44, %dma_start3A_45] : memref<2x10000x128xf32, #tpu.memory_space<hbm>> -> memref<1x10000x128xf32, #tpu.memory_space<hbm>>
        %dma_start3A_47 = tpu.memref_squeeze %dma_start3A_46 : memref<1x10000x128xf32, #tpu.memory_space<hbm>> -> memref<10000x128xf32, #tpu.memory_space<hbm>>
        %dma_start3A_48 = arith.constant 0 : i32
        %dma_start3A_49 = tpu.memref_slice %dma_start3A_47[%mul3A_0, %dma_start3A_48] : memref<10000x128xf32, #tpu.memory_space<hbm>> -> memref<624x128xf32, #tpu.memory_space<hbm>>
        %dma_start3A_50 = arith.constant 0 : i32
        %dma_start3A_51 = tpu.memref_slice %arg10[%mul3A_0, %dma_start3A_50] : memref<10240x128xf32, #tpu.memory_space<vmem_shared>> -> memref<624x128xf32, #tpu.memory_space<vmem_shared>>
        tpu.enqueue_dma source(%dma_start3A_51 : memref<624x128xf32, #tpu.memory_space<vmem_shared>>) target(%dma_start3A_49 : memref<624x128xf32, #tpu.memory_space<hbm>>) target_semaphore(%run_scoped3A : memref<!tpu.dma_semaphore, #tpu.memory_space<semaphore_mem>>)
        %dma_wait3A = arith.constant 0 : i32
        %dma_wait3A_52 = arith.constant 0 : i32
        %dma_wait3A_53 = tpu.memref_slice %arg6[%arg0, %dma_wait3A, %dma_wait3A_52] : memref<2x10000x128xf32, #tpu.memory_space<hbm>> -> memref<1x10000x128xf32, #tpu.memory_space<hbm>>
        %dma_wait3A_54 = tpu.memref_squeeze %dma_wait3A_53 : memref<1x10000x128xf32, #tpu.memory_space<hbm>> -> memref<10000x128xf32, #tpu.memory_space<hbm>>
        %dma_wait3A_55 = arith.constant 0 : i32
        %dma_wait3A_56 = tpu.memref_slice %dma_wait3A_54[%mul3A_0, %dma_wait3A_55] : memref<10000x128xf32, #tpu.memory_space<hbm>> -> memref<624x128xf32, #tpu.memory_space<hbm>>
        %dma_wait3A_57 = arith.constant 0 : i32
        %dma_wait3A_58 = tpu.memref_slice %arg10[%mul3A_0, %dma_wait3A_57] : memref<10240x128xf32, #tpu.memory_space<vmem_shared>> -> memref<624x128xf32, #tpu.memory_space<vmem_shared>>
        tpu.wait_dma2 semaphore(%run_scoped3A : memref<!tpu.dma_semaphore, #tpu.memory_space<semaphore_mem>>) src(%dma_wait3A_58 : memref<624x128xf32, #tpu.memory_space<vmem_shared>>) dst(%dma_wait3A_56 : memref<624x128xf32, #tpu.memory_space<hbm>>)
        tpu.yield
      }) : () -> ()
    } else {
    }
    %eq3A = arith.constant 15 : i32
    %eq3A_40 = arith.cmpi eq, %arg1, %eq3A : i32
    %convert_element_type3A_41 = arith.extui %eq3A_40 : i1 to i32
    %cond3A_42 = arith.constant 0 : i32
    %cond3A_43 = arith.cmpi ne, %convert_element_type3A_41, %cond3A_42 : i32
    scf.if %cond3A_43 {
      "tpu.region"() ({
        %run_scoped3A = tpu.sem_alloc : memref<!tpu.dma_semaphore, #tpu.memory_space<semaphore_mem>>
        %dma_start3A_44 = arith.constant 0 : i32
        %dma_start3A_45 = arith.constant 0 : i32
        %dma_start3A_46 = tpu.memref_slice %arg6[%arg0, %dma_start3A_44, %dma_start3A_45] : memref<2x10000x128xf32, #tpu.memory_space<hbm>> -> memref<1x10000x128xf32, #tpu.memory_space<hbm>>
        %dma_start3A_47 = tpu.memref_squeeze %dma_start3A_46 : memref<1x10000x128xf32, #tpu.memory_space<hbm>> -> memref<10000x128xf32, #tpu.memory_space<hbm>>
        %dma_start3A_48 = arith.constant 9360 : i32
        %dma_start3A_49 = arith.constant 0 : i32
        %dma_start3A_50 = tpu.memref_slice %dma_start3A_47[%dma_start3A_48, %dma_start3A_49] : memref<10000x128xf32, #tpu.memory_space<hbm>> -> memref<640x128xf32, #tpu.memory_space<hbm>>
        %dma_start3A_51 = arith.constant 9360 : i32
        %dma_start3A_52 = arith.constant 0 : i32
        %dma_start3A_53 = tpu.memref_slice %arg10[%dma_start3A_51, %dma_start3A_52] : memref<10240x128xf32, #tpu.memory_space<vmem_shared>> -> memref<640x128xf32, #tpu.memory_space<vmem_shared>>
        tpu.enqueue_dma source(%dma_start3A_53 : memref<640x128xf32, #tpu.memory_space<vmem_shared>>) target(%dma_start3A_50 : memref<640x128xf32, #tpu.memory_space<hbm>>) target_semaphore(%run_scoped3A : memref<!tpu.dma_semaphore, #tpu.memory_space<semaphore_mem>>)
        %dma_wait3A = arith.constant 0 : i32
        %dma_wait3A_54 = arith.constant 0 : i32
        %dma_wait3A_55 = tpu.memref_slice %arg6[%arg0, %dma_wait3A, %dma_wait3A_54] : memref<2x10000x128xf32, #tpu.memory_space<hbm>> -> memref<1x10000x128xf32, #tpu.memory_space<hbm>>
        %dma_wait3A_56 = tpu.memref_squeeze %dma_wait3A_55 : memref<1x10000x128xf32, #tpu.memory_space<hbm>> -> memref<10000x128xf32, #tpu.memory_space<hbm>>
        %dma_wait3A_57 = arith.constant 9360 : i32
        %dma_wait3A_58 = arith.constant 0 : i32
        %dma_wait3A_59 = tpu.memref_slice %dma_wait3A_56[%dma_wait3A_57, %dma_wait3A_58] : memref<10000x128xf32, #tpu.memory_space<hbm>> -> memref<640x128xf32, #tpu.memory_space<hbm>>
        %dma_wait3A_60 = arith.constant 9360 : i32
        %dma_wait3A_61 = arith.constant 0 : i32
        %dma_wait3A_62 = tpu.memref_slice %arg10[%dma_wait3A_60, %dma_wait3A_61] : memref<10240x128xf32, #tpu.memory_space<vmem_shared>> -> memref<640x128xf32, #tpu.memory_space<vmem_shared>>
        tpu.wait_dma2 semaphore(%run_scoped3A : memref<!tpu.dma_semaphore, #tpu.memory_space<semaphore_mem>>) src(%dma_wait3A_62 : memref<640x128xf32, #tpu.memory_space<vmem_shared>>) dst(%dma_wait3A_59 : memref<640x128xf32, #tpu.memory_space<hbm>>)
        tpu.yield
      }) : () -> ()
    } else {
    }
    return
  }
}

#map = affine_map<(d0, d1) -> (0, 0)>
#map1 = affine_map<(d0, d1) -> (0, 0, 0)>
module attributes {stable_mosaic.version = 14 : i64} {
  func.func @_q_sc(%arg0: i32, %arg1: i32, %arg2: memref<10000x128xf32, #tpu.memory_space<hbm>>, %arg3: memref<1280x128xi32, #tpu.memory_space<hbm>>, %arg4: memref<1280x128xi32, #tpu.memory_space<hbm>>, %arg5: memref<640x128xf32, #tpu.memory_space<hbm>>, %arg6: memref<2x10000x128xf32, #tpu.memory_space<hbm>>, %arg7: memref<40x128xi32, #tpu.memory_space<vmem>>, %arg8: memref<40x128xi32, #tpu.memory_space<vmem>>, %arg9: memref<2x128x128xf32, #tpu.memory_space<vmem>>, %arg10: memref<10240x128xf32, #tpu.memory_space<vmem_shared>>, %arg11: memref<!tpu.dma_semaphore, #tpu.memory_space<semaphore_mem>>, %arg12: memref<!tpu.dma_semaphore, #tpu.memory_space<semaphore_mem>>) attributes {dimension_semantics = [#tpu.dimension_semantics<core_parallel>, #tpu.dimension_semantics<subcore_parallel>], iteration_bounds = array<i64: 2, 16>, scalar_prefetch = 0 : i64, scratch_operands = 6 : i64, tpu.core_type = #tpu.core_type<sc_vector_subcore>, window_params = [{transform_indices = #map}, {transform_indices = #map}, {transform_indices = #map}, {transform_indices = #map}, {transform_indices = #map1}]} {
    %mul3A = arith.constant 624 : i32
    %mul3A_0 = arith.muli %arg1, %mul3A : i32
    %mul3A_1 = arith.constant 16 : i32
    %mul3A_2 = arith.muli %arg0, %mul3A_1 : i32
    %add3A = arith.addi %mul3A_2, %arg1 : i32
    %mul3A_3 = arith.constant 40 : i32
    %mul3A_4 = arith.muli %add3A, %mul3A_3 : i32
    "tpu.region"() ({
      %run_scoped3A = tpu.sem_alloc : memref<!tpu.dma_semaphore, #tpu.memory_space<semaphore_mem>>
      %dma_start3A_44 = arith.constant 0 : i32
      %dma_start3A_45 = tpu.memref_slice %arg3[%mul3A_4, %dma_start3A_44] : memref<1280x128xi32, #tpu.memory_space<hbm>> -> memref<40x128xi32, #tpu.memory_space<hbm>>
      %dma_start3A_46 = arith.constant 0 : i32
      %dma_start3A_47 = tpu.memref_slice %arg3[%mul3A_4, %dma_start3A_46] : memref<1280x128xi32, #tpu.memory_space<hbm>> -> memref<40x128xi32, #tpu.memory_space<hbm>>
      tpu.enqueue_dma source(%dma_start3A_47 : memref<40x128xi32, #tpu.memory_space<hbm>>) target(%arg7 : memref<40x128xi32, #tpu.memory_space<vmem>>) target_semaphore(%run_scoped3A : memref<!tpu.dma_semaphore, #tpu.memory_space<semaphore_mem>>)
      %dma_wait3A = arith.constant 0 : i32
      %dma_wait3A_48 = tpu.memref_slice %arg3[%mul3A_4, %dma_wait3A] : memref<1280x128xi32, #tpu.memory_space<hbm>> -> memref<40x128xi32, #tpu.memory_space<hbm>>
      %dma_wait3A_49 = arith.constant 0 : i32
      %dma_wait3A_50 = tpu.memref_slice %arg3[%mul3A_4, %dma_wait3A_49] : memref<1280x128xi32, #tpu.memory_space<hbm>> -> memref<40x128xi32, #tpu.memory_space<hbm>>
      tpu.wait_dma2 semaphore(%run_scoped3A : memref<!tpu.dma_semaphore, #tpu.memory_space<semaphore_mem>>) src(%dma_wait3A_50 : memref<40x128xi32, #tpu.memory_space<hbm>>) dst(%arg7 : memref<40x128xi32, #tpu.memory_space<vmem>>)
      tpu.yield
    }) : () -> ()
    %mul3A_5 = arith.constant 40 : i32
    %mul3A_6 = arith.muli %add3A, %mul3A_5 : i32
    "tpu.region"() ({
      %run_scoped3A = tpu.sem_alloc : memref<!tpu.dma_semaphore, #tpu.memory_space<semaphore_mem>>
      %dma_start3A_44 = arith.constant 0 : i32
      %dma_start3A_45 = tpu.memref_slice %arg4[%mul3A_6, %dma_start3A_44] : memref<1280x128xi32, #tpu.memory_space<hbm>> -> memref<40x128xi32, #tpu.memory_space<hbm>>
      %dma_start3A_46 = arith.constant 0 : i32
      %dma_start3A_47 = tpu.memref_slice %arg4[%mul3A_6, %dma_start3A_46] : memref<1280x128xi32, #tpu.memory_space<hbm>> -> memref<40x128xi32, #tpu.memory_space<hbm>>
      tpu.enqueue_dma source(%dma_start3A_47 : memref<40x128xi32, #tpu.memory_space<hbm>>) target(%arg8 : memref<40x128xi32, #tpu.memory_space<vmem>>) target_semaphore(%run_scoped3A : memref<!tpu.dma_semaphore, #tpu.memory_space<semaphore_mem>>)
      %dma_wait3A = arith.constant 0 : i32
      %dma_wait3A_48 = tpu.memref_slice %arg4[%mul3A_6, %dma_wait3A] : memref<1280x128xi32, #tpu.memory_space<hbm>> -> memref<40x128xi32, #tpu.memory_space<hbm>>
      %dma_wait3A_49 = arith.constant 0 : i32
      %dma_wait3A_50 = tpu.memref_slice %arg4[%mul3A_6, %dma_wait3A_49] : memref<1280x128xi32, #tpu.memory_space<hbm>> -> memref<40x128xi32, #tpu.memory_space<hbm>>
      tpu.wait_dma2 semaphore(%run_scoped3A : memref<!tpu.dma_semaphore, #tpu.memory_space<semaphore_mem>>) src(%dma_wait3A_50 : memref<40x128xi32, #tpu.memory_space<hbm>>) dst(%arg8 : memref<40x128xi32, #tpu.memory_space<vmem>>)
      tpu.yield
    }) : () -> ()
    %mul3A_7 = arith.constant 640 : i32
    %mul3A_8 = arith.muli %arg1, %mul3A_7 : i32
    "tpu.region"() ({
      %run_scoped3A = tpu.sem_alloc : memref<!tpu.dma_semaphore, #tpu.memory_space<semaphore_mem>>
      %dma_start3A_44 = arith.constant 0 : i32
      %dma_start3A_45 = tpu.memref_slice %arg10[%mul3A_8, %dma_start3A_44] : memref<10240x128xf32, #tpu.memory_space<vmem_shared>> -> memref<640x128xf32, #tpu.memory_space<vmem_shared>>
      tpu.enqueue_dma source(%arg5 : memref<640x128xf32, #tpu.memory_space<hbm>>) target(%dma_start3A_45 : memref<640x128xf32, #tpu.memory_space<vmem_shared>>) target_semaphore(%run_scoped3A : memref<!tpu.dma_semaphore, #tpu.memory_space<semaphore_mem>>)
      %dma_wait3A = arith.constant 0 : i32
      %dma_wait3A_46 = tpu.memref_slice %arg10[%mul3A_8, %dma_wait3A] : memref<10240x128xf32, #tpu.memory_space<vmem_shared>> -> memref<640x128xf32, #tpu.memory_space<vmem_shared>>
      tpu.wait_dma2 semaphore(%run_scoped3A : memref<!tpu.dma_semaphore, #tpu.memory_space<semaphore_mem>>) src(%arg5 : memref<640x128xf32, #tpu.memory_space<hbm>>) dst(%dma_wait3A_46 : memref<640x128xf32, #tpu.memory_space<vmem_shared>>)
      tpu.yield
    }) : () -> ()
    %barrier3A = arith.constant 0 : index
    tpu.barrier barrier_id(%barrier3A)
    %dma_start3A = arith.constant 0 : i32
    %dma_start3A_9 = arith.constant 0 : i32
    %dma_start3A_10 = arith.constant 0 : i32
    %dma_start3A_11 = arith.constant 0 : i32
    %dma_start3A_12 = tpu.memref_slice %arg9[%dma_start3A_9, %dma_start3A_10, %dma_start3A_11] : memref<2x128x128xf32, #tpu.memory_space<vmem>> -> memref<1x128x128xf32, #tpu.memory_space<vmem>>
    %dma_start3A_13 = tpu.memref_squeeze %dma_start3A_12 : memref<1x128x128xf32, #tpu.memory_space<vmem>> -> memref<128x128xf32, #tpu.memory_space<vmem>>
    %dma_start3A_14 = arith.constant 0 : i32
    %dma_start3A_15 = tpu.memref_slice %arg7[%dma_start3A, %dma_start3A_14] : memref<40x128xi32, #tpu.memory_space<vmem>> -> memref<1x128xi32, #tpu.memory_space<vmem>>
    %dma_start3A_16 = tpu.memref_squeeze %dma_start3A_15 : memref<1x128xi32, #tpu.memory_space<vmem>> -> memref<128xi32, #tpu.memory_space<vmem>>
    %dma_start3A_17 = arith.constant 0 : i32
    %dma_start3A_18 = arith.constant 0 : i32
    %dma_start3A_19 = tpu.memref_slice %arg2[%dma_start3A_17, %dma_start3A_18] : memref<10000x128xf32, #tpu.memory_space<hbm>> -> memref<10000x128xf32, #tpu.memory_space<hbm>>
    tpu.enqueue_indirect_dma source(%dma_start3A_19 : memref<10000x128xf32, #tpu.memory_space<hbm>>) target(%dma_start3A_13 : memref<128x128xf32, #tpu.memory_space<vmem>>) offsets(%dma_start3A_16 : memref<128xi32, #tpu.memory_space<vmem>>) semaphore(%arg11 : memref<!tpu.dma_semaphore, #tpu.memory_space<semaphore_mem>>)
    %dma_start3A_20 = arith.constant 1 : i32
    %dma_start3A_21 = arith.constant 1 : i32
    %dma_start3A_22 = arith.constant 0 : i32
    %dma_start3A_23 = arith.constant 0 : i32
    %dma_start3A_24 = tpu.memref_slice %arg9[%dma_start3A_21, %dma_start3A_22, %dma_start3A_23] : memref<2x128x128xf32, #tpu.memory_space<vmem>> -> memref<1x128x128xf32, #tpu.memory_space<vmem>>
    %dma_start3A_25 = tpu.memref_squeeze %dma_start3A_24 : memref<1x128x128xf32, #tpu.memory_space<vmem>> -> memref<128x128xf32, #tpu.memory_space<vmem>>
    %dma_start3A_26 = arith.constant 0 : i32
    %dma_start3A_27 = tpu.memref_slice %arg7[%dma_start3A_20, %dma_start3A_26] : memref<40x128xi32, #tpu.memory_space<vmem>> -> memref<1x128xi32, #tpu.memory_space<vmem>>
    %dma_start3A_28 = tpu.memref_squeeze %dma_start3A_27 : memref<1x128xi32, #tpu.memory_space<vmem>> -> memref<128xi32, #tpu.memory_space<vmem>>
    %dma_start3A_29 = arith.constant 0 : i32
    %dma_start3A_30 = arith.constant 0 : i32
    %dma_start3A_31 = tpu.memref_slice %arg2[%dma_start3A_29, %dma_start3A_30] : memref<10000x128xf32, #tpu.memory_space<hbm>> -> memref<10000x128xf32, #tpu.memory_space<hbm>>
    tpu.enqueue_indirect_dma source(%dma_start3A_31 : memref<10000x128xf32, #tpu.memory_space<hbm>>) target(%dma_start3A_25 : memref<128x128xf32, #tpu.memory_space<vmem>>) offsets(%dma_start3A_28 : memref<128xi32, #tpu.memory_space<vmem>>) semaphore(%arg12 : memref<!tpu.dma_semaphore, #tpu.memory_space<semaphore_mem>>)
    %scan3A = arith.constant 0 : i32
    %scan3A_32 = arith.constant 0 : i32
    %scan3A_33 = arith.constant 20 : i32
    %scan3A_34 = arith.addi %scan3A_32, %scan3A_33 : i32
    %scan3A_35 = arith.constant 1 : i32
    scf.for %scan3A_44 = %scan3A_32 to %scan3A_34 step %scan3A_35  : i32 {
      %mul3A_45 = arith.constant 2 : i32
      %mul3A_46 = arith.muli %scan3A_44, %mul3A_45 : i32
      %add3A_47 = arith.constant 0 : i32
      %add3A_48 = arith.addi %mul3A_46, %add3A_47 : i32
      %dma_wait3A = arith.constant 0 : i32
      %dma_wait3A_49 = arith.constant 0 : i32
      %dma_wait3A_50 = arith.constant 0 : i32
      %dma_wait3A_51 = tpu.memref_slice %arg9[%dma_wait3A, %dma_wait3A_49, %dma_wait3A_50] : memref<2x128x128xf32, #tpu.memory_space<vmem>> -> memref<1x128x128xf32, #tpu.memory_space<vmem>>
      %dma_wait3A_52 = tpu.memref_squeeze %dma_wait3A_51 : memref<1x128x128xf32, #tpu.memory_space<vmem>> -> memref<128x128xf32, #tpu.memory_space<vmem>>
      %dma_wait3A_53 = arith.constant 0 : i32
      %dma_wait3A_54 = tpu.memref_slice %arg7[%add3A_48, %dma_wait3A_53] : memref<40x128xi32, #tpu.memory_space<vmem>> -> memref<1x128xi32, #tpu.memory_space<vmem>>
      %dma_wait3A_55 = tpu.memref_squeeze %dma_wait3A_54 : memref<1x128xi32, #tpu.memory_space<vmem>> -> memref<128xi32, #tpu.memory_space<vmem>>
      %dma_wait3A_56 = arith.constant 0 : i32
      %dma_wait3A_57 = arith.constant 0 : i32
      %dma_wait3A_58 = tpu.memref_slice %arg2[%dma_wait3A_56, %dma_wait3A_57] : memref<10000x128xf32, #tpu.memory_space<hbm>> -> memref<10000x128xf32, #tpu.memory_space<hbm>>
      tpu.wait_indirect_dma semaphore(%arg11 : memref<!tpu.dma_semaphore, #tpu.memory_space<semaphore_mem>>) src(%dma_wait3A_58 : memref<10000x128xf32, #tpu.memory_space<hbm>>) dst(%dma_wait3A_52 : memref<128x128xf32, #tpu.memory_space<vmem>>)
      %run_scoped3A = arith.constant 0 : i32
      "tpu.region"() ({
        %run_scoped3A_87 = tpu.sem_alloc : memref<!tpu.dma_semaphore, #tpu.memory_space<semaphore_mem>>
        %dma_start3A_88 = arith.constant 0 : i32
        %dma_start3A_89 = arith.constant 0 : i32
        %dma_start3A_90 = tpu.memref_slice %arg9[%run_scoped3A, %dma_start3A_88, %dma_start3A_89] : memref<2x128x128xf32, #tpu.memory_space<vmem>> -> memref<1x128x128xf32, #tpu.memory_space<vmem>>
        %dma_start3A_91 = tpu.memref_squeeze %dma_start3A_90 : memref<1x128x128xf32, #tpu.memory_space<vmem>> -> memref<128x128xf32, #tpu.memory_space<vmem>>
        %dma_start3A_92 = arith.constant 0 : i32
        %dma_start3A_93 = tpu.memref_slice %arg8[%add3A_48, %dma_start3A_92] : memref<40x128xi32, #tpu.memory_space<vmem>> -> memref<1x128xi32, #tpu.memory_space<vmem>>
        %dma_start3A_94 = tpu.memref_squeeze %dma_start3A_93 : memref<1x128xi32, #tpu.memory_space<vmem>> -> memref<128xi32, #tpu.memory_space<vmem>>
        %dma_start3A_95 = arith.constant 0 : i32
        %dma_start3A_96 = arith.constant 0 : i32
        %dma_start3A_97 = tpu.memref_slice %arg10[%dma_start3A_95, %dma_start3A_96] : memref<10240x128xf32, #tpu.memory_space<vmem_shared>> -> memref<10240x128xf32, #tpu.memory_space<vmem_shared>>
        tpu.enqueue_indirect_dma source(%dma_start3A_91 : memref<128x128xf32, #tpu.memory_space<vmem>>) target(%dma_start3A_97 : memref<10240x128xf32, #tpu.memory_space<vmem_shared>>) offsets(%dma_start3A_94 : memref<128xi32, #tpu.memory_space<vmem>>) semaphore(%run_scoped3A_87 : memref<!tpu.dma_semaphore, #tpu.memory_space<semaphore_mem>>) {add = true}
        %dma_wait3A_98 = arith.constant 0 : i32
        %dma_wait3A_99 = arith.constant 0 : i32
        %dma_wait3A_100 = tpu.memref_slice %arg9[%run_scoped3A, %dma_wait3A_98, %dma_wait3A_99] : memref<2x128x128xf32, #tpu.memory_space<vmem>> -> memref<1x128x128xf32, #tpu.memory_space<vmem>>
        %dma_wait3A_101 = tpu.memref_squeeze %dma_wait3A_100 : memref<1x128x128xf32, #tpu.memory_space<vmem>> -> memref<128x128xf32, #tpu.memory_space<vmem>>
        %dma_wait3A_102 = arith.constant 0 : i32
        %dma_wait3A_103 = tpu.memref_slice %arg8[%add3A_48, %dma_wait3A_102] : memref<40x128xi32, #tpu.memory_space<vmem>> -> memref<1x128xi32, #tpu.memory_space<vmem>>
        %dma_wait3A_104 = tpu.memref_squeeze %dma_wait3A_103 : memref<1x128xi32, #tpu.memory_space<vmem>> -> memref<128xi32, #tpu.memory_space<vmem>>
        %dma_wait3A_105 = arith.constant 0 : i32
        %dma_wait3A_106 = arith.constant 0 : i32
        %dma_wait3A_107 = tpu.memref_slice %arg10[%dma_wait3A_105, %dma_wait3A_106] : memref<10240x128xf32, #tpu.memory_space<vmem_shared>> -> memref<10240x128xf32, #tpu.memory_space<vmem_shared>>
        tpu.wait_indirect_dma semaphore(%run_scoped3A_87 : memref<!tpu.dma_semaphore, #tpu.memory_space<semaphore_mem>>) src(%dma_wait3A_101 : memref<128x128xf32, #tpu.memory_space<vmem>>) dst(%dma_wait3A_107 : memref<10240x128xf32, #tpu.memory_space<vmem_shared>>)
        tpu.yield
      }) : () -> ()
      %add3A_59 = arith.constant 2 : i32
      %add3A_60 = arith.addi %add3A_48, %add3A_59 : i32
      %lt3A_61 = arith.constant 40 : i32
      %lt3A_62 = arith.cmpi slt, %add3A_60, %lt3A_61 : i32
      %convert_element_type3A_63 = arith.extui %lt3A_62 : i1 to i32
      %cond3A_64 = arith.constant 0 : i32
      %cond3A_65 = arith.cmpi ne, %convert_element_type3A_63, %cond3A_64 : i32
      scf.if %cond3A_65 {
        %dma_start3A_87 = arith.constant 0 : i32
        %dma_start3A_88 = arith.constant 0 : i32
        %dma_start3A_89 = arith.constant 0 : i32
        %dma_start3A_90 = tpu.memref_slice %arg9[%dma_start3A_87, %dma_start3A_88, %dma_start3A_89] : memref<2x128x128xf32, #tpu.memory_space<vmem>> -> memref<1x128x128xf32, #tpu.memory_space<vmem>>
        %dma_start3A_91 = tpu.memref_squeeze %dma_start3A_90 : memref<1x128x128xf32, #tpu.memory_space<vmem>> -> memref<128x128xf32, #tpu.memory_space<vmem>>
        %dma_start3A_92 = arith.constant 0 : i32
        %dma_start3A_93 = tpu.memref_slice %arg7[%add3A_60, %dma_start3A_92] : memref<40x128xi32, #tpu.memory_space<vmem>> -> memref<1x128xi32, #tpu.memory_space<vmem>>
        %dma_start3A_94 = tpu.memref_squeeze %dma_start3A_93 : memref<1x128xi32, #tpu.memory_space<vmem>> -> memref<128xi32, #tpu.memory_space<vmem>>
        %dma_start3A_95 = arith.constant 0 : i32
        %dma_start3A_96 = arith.constant 0 : i32
        %dma_start3A_97 = tpu.memref_slice %arg2[%dma_start3A_95, %dma_start3A_96] : memref<10000x128xf32, #tpu.memory_space<hbm>> -> memref<10000x128xf32, #tpu.memory_space<hbm>>
        tpu.enqueue_indirect_dma source(%dma_start3A_97 : memref<10000x128xf32, #tpu.memory_space<hbm>>) target(%dma_start3A_91 : memref<128x128xf32, #tpu.memory_space<vmem>>) offsets(%dma_start3A_94 : memref<128xi32, #tpu.memory_space<vmem>>) semaphore(%arg11 : memref<!tpu.dma_semaphore, #tpu.memory_space<semaphore_mem>>)
      } else {
      }
      %add3A_66 = arith.constant 1 : i32
      %add3A_67 = arith.addi %mul3A_46, %add3A_66 : i32
      %dma_wait3A_68 = arith.constant 1 : i32
      %dma_wait3A_69 = arith.constant 0 : i32
      %dma_wait3A_70 = arith.constant 0 : i32
      %dma_wait3A_71 = tpu.memref_slice %arg9[%dma_wait3A_68, %dma_wait3A_69, %dma_wait3A_70] : memref<2x128x128xf32, #tpu.memory_space<vmem>> -> memref<1x128x128xf32, #tpu.memory_space<vmem>>
      %dma_wait3A_72 = tpu.memref_squeeze %dma_wait3A_71 : memref<1x128x128xf32, #tpu.memory_space<vmem>> -> memref<128x128xf32, #tpu.memory_space<vmem>>
      %dma_wait3A_73 = arith.constant 0 : i32
      %dma_wait3A_74 = tpu.memref_slice %arg7[%add3A_67, %dma_wait3A_73] : memref<40x128xi32, #tpu.memory_space<vmem>> -> memref<1x128xi32, #tpu.memory_space<vmem>>
      %dma_wait3A_75 = tpu.memref_squeeze %dma_wait3A_74 : memref<1x128xi32, #tpu.memory_space<vmem>> -> memref<128xi32, #tpu.memory_space<vmem>>
      %dma_wait3A_76 = arith.constant 0 : i32
      %dma_wait3A_77 = arith.constant 0 : i32
      %dma_wait3A_78 = tpu.memref_slice %arg2[%dma_wait3A_76, %dma_wait3A_77] : memref<10000x128xf32, #tpu.memory_space<hbm>> -> memref<10000x128xf32, #tpu.memory_space<hbm>>
      tpu.wait_indirect_dma semaphore(%arg12 : memref<!tpu.dma_semaphore, #tpu.memory_space<semaphore_mem>>) src(%dma_wait3A_78 : memref<10000x128xf32, #tpu.memory_space<hbm>>) dst(%dma_wait3A_72 : memref<128x128xf32, #tpu.memory_space<vmem>>)
      %run_scoped3A_79 = arith.constant 1 : i32
      "tpu.region"() ({
        %run_scoped3A_87 = tpu.sem_alloc : memref<!tpu.dma_semaphore, #tpu.memory_space<semaphore_mem>>
        %dma_start3A_88 = arith.constant 0 : i32
        %dma_start3A_89 = arith.constant 0 : i32
        %dma_start3A_90 = tpu.memref_slice %arg9[%run_scoped3A_79, %dma_start3A_88, %dma_start3A_89] : memref<2x128x128xf32, #tpu.memory_space<vmem>> -> memref<1x128x128xf32, #tpu.memory_space<vmem>>
        %dma_start3A_91 = tpu.memref_squeeze %dma_start3A_90 : memref<1x128x128xf32, #tpu.memory_space<vmem>> -> memref<128x128xf32, #tpu.memory_space<vmem>>
        %dma_start3A_92 = arith.constant 0 : i32
        %dma_start3A_93 = tpu.memref_slice %arg8[%add3A_67, %dma_start3A_92] : memref<40x128xi32, #tpu.memory_space<vmem>> -> memref<1x128xi32, #tpu.memory_space<vmem>>
        %dma_start3A_94 = tpu.memref_squeeze %dma_start3A_93 : memref<1x128xi32, #tpu.memory_space<vmem>> -> memref<128xi32, #tpu.memory_space<vmem>>
        %dma_start3A_95 = arith.constant 0 : i32
        %dma_start3A_96 = arith.constant 0 : i32
        %dma_start3A_97 = tpu.memref_slice %arg10[%dma_start3A_95, %dma_start3A_96] : memref<10240x128xf32, #tpu.memory_space<vmem_shared>> -> memref<10240x128xf32, #tpu.memory_space<vmem_shared>>
        tpu.enqueue_indirect_dma source(%dma_start3A_91 : memref<128x128xf32, #tpu.memory_space<vmem>>) target(%dma_start3A_97 : memref<10240x128xf32, #tpu.memory_space<vmem_shared>>) offsets(%dma_start3A_94 : memref<128xi32, #tpu.memory_space<vmem>>) semaphore(%run_scoped3A_87 : memref<!tpu.dma_semaphore, #tpu.memory_space<semaphore_mem>>) {add = true}
        %dma_wait3A_98 = arith.constant 0 : i32
        %dma_wait3A_99 = arith.constant 0 : i32
        %dma_wait3A_100 = tpu.memref_slice %arg9[%run_scoped3A_79, %dma_wait3A_98, %dma_wait3A_99] : memref<2x128x128xf32, #tpu.memory_space<vmem>> -> memref<1x128x128xf32, #tpu.memory_space<vmem>>
        %dma_wait3A_101 = tpu.memref_squeeze %dma_wait3A_100 : memref<1x128x128xf32, #tpu.memory_space<vmem>> -> memref<128x128xf32, #tpu.memory_space<vmem>>
        %dma_wait3A_102 = arith.constant 0 : i32
        %dma_wait3A_103 = tpu.memref_slice %arg8[%add3A_67, %dma_wait3A_102] : memref<40x128xi32, #tpu.memory_space<vmem>> -> memref<1x128xi32, #tpu.memory_space<vmem>>
        %dma_wait3A_104 = tpu.memref_squeeze %dma_wait3A_103 : memref<1x128xi32, #tpu.memory_space<vmem>> -> memref<128xi32, #tpu.memory_space<vmem>>
        %dma_wait3A_105 = arith.constant 0 : i32
        %dma_wait3A_106 = arith.constant 0 : i32
        %dma_wait3A_107 = tpu.memref_slice %arg10[%dma_wait3A_105, %dma_wait3A_106] : memref<10240x128xf32, #tpu.memory_space<vmem_shared>> -> memref<10240x128xf32, #tpu.memory_space<vmem_shared>>
        tpu.wait_indirect_dma semaphore(%run_scoped3A_87 : memref<!tpu.dma_semaphore, #tpu.memory_space<semaphore_mem>>) src(%dma_wait3A_101 : memref<128x128xf32, #tpu.memory_space<vmem>>) dst(%dma_wait3A_107 : memref<10240x128xf32, #tpu.memory_space<vmem_shared>>)
        tpu.yield
      }) : () -> ()
      %add3A_80 = arith.constant 2 : i32
      %add3A_81 = arith.addi %add3A_67, %add3A_80 : i32
      %lt3A_82 = arith.constant 40 : i32
      %lt3A_83 = arith.cmpi slt, %add3A_81, %lt3A_82 : i32
      %convert_element_type3A_84 = arith.extui %lt3A_83 : i1 to i32
      %cond3A_85 = arith.constant 0 : i32
      %cond3A_86 = arith.cmpi ne, %convert_element_type3A_84, %cond3A_85 : i32
      scf.if %cond3A_86 {
        %dma_start3A_87 = arith.constant 1 : i32
        %dma_start3A_88 = arith.constant 0 : i32
        %dma_start3A_89 = arith.constant 0 : i32
        %dma_start3A_90 = tpu.memref_slice %arg9[%dma_start3A_87, %dma_start3A_88, %dma_start3A_89] : memref<2x128x128xf32, #tpu.memory_space<vmem>> -> memref<1x128x128xf32, #tpu.memory_space<vmem>>
        %dma_start3A_91 = tpu.memref_squeeze %dma_start3A_90 : memref<1x128x128xf32, #tpu.memory_space<vmem>> -> memref<128x128xf32, #tpu.memory_space<vmem>>
        %dma_start3A_92 = arith.constant 0 : i32
        %dma_start3A_93 = tpu.memref_slice %arg7[%add3A_81, %dma_start3A_92] : memref<40x128xi32, #tpu.memory_space<vmem>> -> memref<1x128xi32, #tpu.memory_space<vmem>>
        %dma_start3A_94 = tpu.memref_squeeze %dma_start3A_93 : memref<1x128xi32, #tpu.memory_space<vmem>> -> memref<128xi32, #tpu.memory_space<vmem>>
        %dma_start3A_95 = arith.constant 0 : i32
        %dma_start3A_96 = arith.constant 0 : i32
        %dma_start3A_97 = tpu.memref_slice %arg2[%dma_start3A_95, %dma_start3A_96] : memref<10000x128xf32, #tpu.memory_space<hbm>> -> memref<10000x128xf32, #tpu.memory_space<hbm>>
        tpu.enqueue_indirect_dma source(%dma_start3A_97 : memref<10000x128xf32, #tpu.memory_space<hbm>>) target(%dma_start3A_91 : memref<128x128xf32, #tpu.memory_space<vmem>>) offsets(%dma_start3A_94 : memref<128xi32, #tpu.memory_space<vmem>>) semaphore(%arg12 : memref<!tpu.dma_semaphore, #tpu.memory_space<semaphore_mem>>)
      } else {
      }
    }
    %scan3A_36 = arith.constant 20 : i32
    %barrier3A_37 = arith.constant 0 : index
    tpu.barrier barrier_id(%barrier3A_37)
    %lt3A = arith.constant 15 : i32
    %lt3A_38 = arith.cmpi slt, %arg1, %lt3A : i32
    %convert_element_type3A = arith.extui %lt3A_38 : i1 to i32
    %cond3A = arith.constant 0 : i32
    %cond3A_39 = arith.cmpi ne, %convert_element_type3A, %cond3A : i32
    scf.if %cond3A_39 {
      "tpu.region"() ({
        %run_scoped3A = tpu.sem_alloc : memref<!tpu.dma_semaphore, #tpu.memory_space<semaphore_mem>>
        %dma_start3A_44 = arith.constant 0 : i32
        %dma_start3A_45 = arith.constant 0 : i32
        %dma_start3A_46 = tpu.memref_slice %arg6[%arg0, %dma_start3A_44, %dma_start3A_45] : memref<2x10000x128xf32, #tpu.memory_space<hbm>> -> memref<1x10000x128xf32, #tpu.memory_space<hbm>>
        %dma_start3A_47 = tpu.memref_squeeze %dma_start3A_46 : memref<1x10000x128xf32, #tpu.memory_space<hbm>> -> memref<10000x128xf32, #tpu.memory_space<hbm>>
        %dma_start3A_48 = arith.constant 0 : i32
        %dma_start3A_49 = tpu.memref_slice %dma_start3A_47[%mul3A_0, %dma_start3A_48] : memref<10000x128xf32, #tpu.memory_space<hbm>> -> memref<624x128xf32, #tpu.memory_space<hbm>>
        %dma_start3A_50 = arith.constant 0 : i32
        %dma_start3A_51 = tpu.memref_slice %arg10[%mul3A_0, %dma_start3A_50] : memref<10240x128xf32, #tpu.memory_space<vmem_shared>> -> memref<624x128xf32, #tpu.memory_space<vmem_shared>>
        tpu.enqueue_dma source(%dma_start3A_51 : memref<624x128xf32, #tpu.memory_space<vmem_shared>>) target(%dma_start3A_49 : memref<624x128xf32, #tpu.memory_space<hbm>>) target_semaphore(%run_scoped3A : memref<!tpu.dma_semaphore, #tpu.memory_space<semaphore_mem>>)
        %dma_wait3A = arith.constant 0 : i32
        %dma_wait3A_52 = arith.constant 0 : i32
        %dma_wait3A_53 = tpu.memref_slice %arg6[%arg0, %dma_wait3A, %dma_wait3A_52] : memref<2x10000x128xf32, #tpu.memory_space<hbm>> -> memref<1x10000x128xf32, #tpu.memory_space<hbm>>
        %dma_wait3A_54 = tpu.memref_squeeze %dma_wait3A_53 : memref<1x10000x128xf32, #tpu.memory_space<hbm>> -> memref<10000x128xf32, #tpu.memory_space<hbm>>
        %dma_wait3A_55 = arith.constant 0 : i32
        %dma_wait3A_56 = tpu.memref_slice %dma_wait3A_54[%mul3A_0, %dma_wait3A_55] : memref<10000x128xf32, #tpu.memory_space<hbm>> -> memref<624x128xf32, #tpu.memory_space<hbm>>
        %dma_wait3A_57 = arith.constant 0 : i32
        %dma_wait3A_58 = tpu.memref_slice %arg10[%mul3A_0, %dma_wait3A_57] : memref<10240x128xf32, #tpu.memory_space<vmem_shared>> -> memref<624x128xf32, #tpu.memory_space<vmem_shared>>
        tpu.wait_dma2 semaphore(%run_scoped3A : memref<!tpu.dma_semaphore, #tpu.memory_space<semaphore_mem>>) src(%dma_wait3A_58 : memref<624x128xf32, #tpu.memory_space<vmem_shared>>) dst(%dma_wait3A_56 : memref<624x128xf32, #tpu.memory_space<hbm>>)
        tpu.yield
      }) : () -> ()
    } else {
    }
    %eq3A = arith.constant 15 : i32
    %eq3A_40 = arith.cmpi eq, %arg1, %eq3A : i32
    %convert_element_type3A_41 = arith.extui %eq3A_40 : i1 to i32
    %cond3A_42 = arith.constant 0 : i32
    %cond3A_43 = arith.cmpi ne, %convert_element_type3A_41, %cond3A_42 : i32
    scf.if %cond3A_43 {
      "tpu.region"() ({
        %run_scoped3A = tpu.sem_alloc : memref<!tpu.dma_semaphore, #tpu.memory_space<semaphore_mem>>
        %dma_start3A_44 = arith.constant 0 : i32
        %dma_start3A_45 = arith.constant 0 : i32
        %dma_start3A_46 = tpu.memref_slice %arg6[%arg0, %dma_start3A_44, %dma_start3A_45] : memref<2x10000x128xf32, #tpu.memory_space<hbm>> -> memref<1x10000x128xf32, #tpu.memory_space<hbm>>
        %dma_start3A_47 = tpu.memref_squeeze %dma_start3A_46 : memref<1x10000x128xf32, #tpu.memory_space<hbm>> -> memref<10000x128xf32, #tpu.memory_space<hbm>>
        %dma_start3A_48 = arith.constant 9360 : i32
        %dma_start3A_49 = arith.constant 0 : i32
        %dma_start3A_50 = tpu.memref_slice %dma_start3A_47[%dma_start3A_48, %dma_start3A_49] : memref<10000x128xf32, #tpu.memory_space<hbm>> -> memref<640x128xf32, #tpu.memory_space<hbm>>
        %dma_start3A_51 = arith.constant 9360 : i32
        %dma_start3A_52 = arith.constant 0 : i32
        %dma_start3A_53 = tpu.memref_slice %arg10[%dma_start3A_51, %dma_start3A_52] : memref<10240x128xf32, #tpu.memory_space<vmem_shared>> -> memref<640x128xf32, #tpu.memory_space<vmem_shared>>
        tpu.enqueue_dma source(%dma_start3A_53 : memref<640x128xf32, #tpu.memory_space<vmem_shared>>) target(%dma_start3A_50 : memref<640x128xf32, #tpu.memory_space<hbm>>) target_semaphore(%run_scoped3A : memref<!tpu.dma_semaphore, #tpu.memory_space<semaphore_mem>>)
        %dma_wait3A = arith.constant 0 : i32
        %dma_wait3A_54 = arith.constant 0 : i32
        %dma_wait3A_55 = tpu.memref_slice %arg6[%arg0, %dma_wait3A, %dma_wait3A_54] : memref<2x10000x128xf32, #tpu.memory_space<hbm>> -> memref<1x10000x128xf32, #tpu.memory_space<hbm>>
        %dma_wait3A_56 = tpu.memref_squeeze %dma_wait3A_55 : memref<1x10000x128xf32, #tpu.memory_space<hbm>> -> memref<10000x128xf32, #tpu.memory_space<hbm>>
        %dma_wait3A_57 = arith.constant 9360 : i32
        %dma_wait3A_58 = arith.constant 0 : i32
        %dma_wait3A_59 = tpu.memref_slice %dma_wait3A_56[%dma_wait3A_57, %dma_wait3A_58] : memref<10000x128xf32, #tpu.memory_space<hbm>> -> memref<640x128xf32, #tpu.memory_space<hbm>>
        %dma_wait3A_60 = arith.constant 9360 : i32
        %dma_wait3A_61 = arith.constant 0 : i32
        %dma_wait3A_62 = tpu.memref_slice %arg10[%dma_wait3A_60, %dma_wait3A_61] : memref<10240x128xf32, #tpu.memory_space<vmem_shared>> -> memref<640x128xf32, #tpu.memory_space<vmem_shared>>
        tpu.wait_dma2 semaphore(%run_scoped3A : memref<!tpu.dma_semaphore, #tpu.memory_space<semaphore_mem>>) src(%dma_wait3A_62 : memref<640x128xf32, #tpu.memory_space<vmem_shared>>) dst(%dma_wait3A_59 : memref<640x128xf32, #tpu.memory_space<hbm>>)
        tpu.yield
      }) : () -> ()
    } else {
    }
    return
  }
}

#map = affine_map<(d0, d1) -> (0, 0)>
#map1 = affine_map<(d0, d1) -> (0, 0, 0)>
module attributes {stable_mosaic.version = 14 : i64} {
  func.func @_q_sc(%arg0: i32, %arg1: i32, %arg2: memref<10000x128xf32, #tpu.memory_space<hbm>>, %arg3: memref<1280x128xi32, #tpu.memory_space<hbm>>, %arg4: memref<1280x128xi32, #tpu.memory_space<hbm>>, %arg5: memref<640x128xf32, #tpu.memory_space<hbm>>, %arg6: memref<2x10000x128xf32, #tpu.memory_space<hbm>>, %arg7: memref<40x128xi32, #tpu.memory_space<vmem>>, %arg8: memref<40x128xi32, #tpu.memory_space<vmem>>, %arg9: memref<2x128x128xf32, #tpu.memory_space<vmem>>, %arg10: memref<10240x128xf32, #tpu.memory_space<vmem_shared>>, %arg11: memref<!tpu.dma_semaphore, #tpu.memory_space<semaphore_mem>>, %arg12: memref<!tpu.dma_semaphore, #tpu.memory_space<semaphore_mem>>) attributes {dimension_semantics = [#tpu.dimension_semantics<core_parallel>, #tpu.dimension_semantics<subcore_parallel>], iteration_bounds = array<i64: 2, 16>, scalar_prefetch = 0 : i64, scratch_operands = 6 : i64, tpu.core_type = #tpu.core_type<sc_vector_subcore>, window_params = [{transform_indices = #map}, {transform_indices = #map}, {transform_indices = #map}, {transform_indices = #map}, {transform_indices = #map1}]} {
    %mul3A = arith.constant 624 : i32
    %mul3A_0 = arith.muli %arg1, %mul3A : i32
    %mul3A_1 = arith.constant 16 : i32
    %mul3A_2 = arith.muli %arg0, %mul3A_1 : i32
    %add3A = arith.addi %mul3A_2, %arg1 : i32
    %mul3A_3 = arith.constant 40 : i32
    %mul3A_4 = arith.muli %add3A, %mul3A_3 : i32
    "tpu.region"() ({
      %run_scoped3A = tpu.sem_alloc : memref<!tpu.dma_semaphore, #tpu.memory_space<semaphore_mem>>
      %dma_start3A_44 = arith.constant 0 : i32
      %dma_start3A_45 = tpu.memref_slice %arg3[%mul3A_4, %dma_start3A_44] : memref<1280x128xi32, #tpu.memory_space<hbm>> -> memref<40x128xi32, #tpu.memory_space<hbm>>
      %dma_start3A_46 = arith.constant 0 : i32
      %dma_start3A_47 = tpu.memref_slice %arg3[%mul3A_4, %dma_start3A_46] : memref<1280x128xi32, #tpu.memory_space<hbm>> -> memref<40x128xi32, #tpu.memory_space<hbm>>
      tpu.enqueue_dma source(%dma_start3A_47 : memref<40x128xi32, #tpu.memory_space<hbm>>) target(%arg7 : memref<40x128xi32, #tpu.memory_space<vmem>>) target_semaphore(%run_scoped3A : memref<!tpu.dma_semaphore, #tpu.memory_space<semaphore_mem>>)
      %dma_wait3A = arith.constant 0 : i32
      %dma_wait3A_48 = tpu.memref_slice %arg3[%mul3A_4, %dma_wait3A] : memref<1280x128xi32, #tpu.memory_space<hbm>> -> memref<40x128xi32, #tpu.memory_space<hbm>>
      %dma_wait3A_49 = arith.constant 0 : i32
      %dma_wait3A_50 = tpu.memref_slice %arg3[%mul3A_4, %dma_wait3A_49] : memref<1280x128xi32, #tpu.memory_space<hbm>> -> memref<40x128xi32, #tpu.memory_space<hbm>>
      tpu.wait_dma2 semaphore(%run_scoped3A : memref<!tpu.dma_semaphore, #tpu.memory_space<semaphore_mem>>) src(%dma_wait3A_50 : memref<40x128xi32, #tpu.memory_space<hbm>>) dst(%arg7 : memref<40x128xi32, #tpu.memory_space<vmem>>)
      tpu.yield
    }) : () -> ()
    %mul3A_5 = arith.constant 40 : i32
    %mul3A_6 = arith.muli %add3A, %mul3A_5 : i32
    "tpu.region"() ({
      %run_scoped3A = tpu.sem_alloc : memref<!tpu.dma_semaphore, #tpu.memory_space<semaphore_mem>>
      %dma_start3A_44 = arith.constant 0 : i32
      %dma_start3A_45 = tpu.memref_slice %arg4[%mul3A_6, %dma_start3A_44] : memref<1280x128xi32, #tpu.memory_space<hbm>> -> memref<40x128xi32, #tpu.memory_space<hbm>>
      %dma_start3A_46 = arith.constant 0 : i32
      %dma_start3A_47 = tpu.memref_slice %arg4[%mul3A_6, %dma_start3A_46] : memref<1280x128xi32, #tpu.memory_space<hbm>> -> memref<40x128xi32, #tpu.memory_space<hbm>>
      tpu.enqueue_dma source(%dma_start3A_47 : memref<40x128xi32, #tpu.memory_space<hbm>>) target(%arg8 : memref<40x128xi32, #tpu.memory_space<vmem>>) target_semaphore(%run_scoped3A : memref<!tpu.dma_semaphore, #tpu.memory_space<semaphore_mem>>)
      %dma_wait3A = arith.constant 0 : i32
      %dma_wait3A_48 = tpu.memref_slice %arg4[%mul3A_6, %dma_wait3A] : memref<1280x128xi32, #tpu.memory_space<hbm>> -> memref<40x128xi32, #tpu.memory_space<hbm>>
      %dma_wait3A_49 = arith.constant 0 : i32
      %dma_wait3A_50 = tpu.memref_slice %arg4[%mul3A_6, %dma_wait3A_49] : memref<1280x128xi32, #tpu.memory_space<hbm>> -> memref<40x128xi32, #tpu.memory_space<hbm>>
      tpu.wait_dma2 semaphore(%run_scoped3A : memref<!tpu.dma_semaphore, #tpu.memory_space<semaphore_mem>>) src(%dma_wait3A_50 : memref<40x128xi32, #tpu.memory_space<hbm>>) dst(%arg8 : memref<40x128xi32, #tpu.memory_space<vmem>>)
      tpu.yield
    }) : () -> ()
    %mul3A_7 = arith.constant 640 : i32
    %mul3A_8 = arith.muli %arg1, %mul3A_7 : i32
    "tpu.region"() ({
      %run_scoped3A = tpu.sem_alloc : memref<!tpu.dma_semaphore, #tpu.memory_space<semaphore_mem>>
      %dma_start3A_44 = arith.constant 0 : i32
      %dma_start3A_45 = tpu.memref_slice %arg10[%mul3A_8, %dma_start3A_44] : memref<10240x128xf32, #tpu.memory_space<vmem_shared>> -> memref<640x128xf32, #tpu.memory_space<vmem_shared>>
      tpu.enqueue_dma source(%arg5 : memref<640x128xf32, #tpu.memory_space<hbm>>) target(%dma_start3A_45 : memref<640x128xf32, #tpu.memory_space<vmem_shared>>) target_semaphore(%run_scoped3A : memref<!tpu.dma_semaphore, #tpu.memory_space<semaphore_mem>>)
      %dma_wait3A = arith.constant 0 : i32
      %dma_wait3A_46 = tpu.memref_slice %arg10[%mul3A_8, %dma_wait3A] : memref<10240x128xf32, #tpu.memory_space<vmem_shared>> -> memref<640x128xf32, #tpu.memory_space<vmem_shared>>
      tpu.wait_dma2 semaphore(%run_scoped3A : memref<!tpu.dma_semaphore, #tpu.memory_space<semaphore_mem>>) src(%arg5 : memref<640x128xf32, #tpu.memory_space<hbm>>) dst(%dma_wait3A_46 : memref<640x128xf32, #tpu.memory_space<vmem_shared>>)
      tpu.yield
    }) : () -> ()
    %barrier3A = arith.constant 0 : index
    tpu.barrier barrier_id(%barrier3A)
    %dma_start3A = arith.constant 0 : i32
    %dma_start3A_9 = arith.constant 0 : i32
    %dma_start3A_10 = arith.constant 0 : i32
    %dma_start3A_11 = arith.constant 0 : i32
    %dma_start3A_12 = tpu.memref_slice %arg9[%dma_start3A_9, %dma_start3A_10, %dma_start3A_11] : memref<2x128x128xf32, #tpu.memory_space<vmem>> -> memref<1x128x128xf32, #tpu.memory_space<vmem>>
    %dma_start3A_13 = tpu.memref_squeeze %dma_start3A_12 : memref<1x128x128xf32, #tpu.memory_space<vmem>> -> memref<128x128xf32, #tpu.memory_space<vmem>>
    %dma_start3A_14 = arith.constant 0 : i32
    %dma_start3A_15 = tpu.memref_slice %arg7[%dma_start3A, %dma_start3A_14] : memref<40x128xi32, #tpu.memory_space<vmem>> -> memref<1x128xi32, #tpu.memory_space<vmem>>
    %dma_start3A_16 = tpu.memref_squeeze %dma_start3A_15 : memref<1x128xi32, #tpu.memory_space<vmem>> -> memref<128xi32, #tpu.memory_space<vmem>>
    %dma_start3A_17 = arith.constant 0 : i32
    %dma_start3A_18 = arith.constant 0 : i32
    %dma_start3A_19 = tpu.memref_slice %arg2[%dma_start3A_17, %dma_start3A_18] : memref<10000x128xf32, #tpu.memory_space<hbm>> -> memref<10000x128xf32, #tpu.memory_space<hbm>>
    tpu.enqueue_indirect_dma source(%dma_start3A_19 : memref<10000x128xf32, #tpu.memory_space<hbm>>) target(%dma_start3A_13 : memref<128x128xf32, #tpu.memory_space<vmem>>) offsets(%dma_start3A_16 : memref<128xi32, #tpu.memory_space<vmem>>) semaphore(%arg11 : memref<!tpu.dma_semaphore, #tpu.memory_space<semaphore_mem>>)
    %dma_start3A_20 = arith.constant 1 : i32
    %dma_start3A_21 = arith.constant 1 : i32
    %dma_start3A_22 = arith.constant 0 : i32
    %dma_start3A_23 = arith.constant 0 : i32
    %dma_start3A_24 = tpu.memref_slice %arg9[%dma_start3A_21, %dma_start3A_22, %dma_start3A_23] : memref<2x128x128xf32, #tpu.memory_space<vmem>> -> memref<1x128x128xf32, #tpu.memory_space<vmem>>
    %dma_start3A_25 = tpu.memref_squeeze %dma_start3A_24 : memref<1x128x128xf32, #tpu.memory_space<vmem>> -> memref<128x128xf32, #tpu.memory_space<vmem>>
    %dma_start3A_26 = arith.constant 0 : i32
    %dma_start3A_27 = tpu.memref_slice %arg7[%dma_start3A_20, %dma_start3A_26] : memref<40x128xi32, #tpu.memory_space<vmem>> -> memref<1x128xi32, #tpu.memory_space<vmem>>
    %dma_start3A_28 = tpu.memref_squeeze %dma_start3A_27 : memref<1x128xi32, #tpu.memory_space<vmem>> -> memref<128xi32, #tpu.memory_space<vmem>>
    %dma_start3A_29 = arith.constant 0 : i32
    %dma_start3A_30 = arith.constant 0 : i32
    %dma_start3A_31 = tpu.memref_slice %arg2[%dma_start3A_29, %dma_start3A_30] : memref<10000x128xf32, #tpu.memory_space<hbm>> -> memref<10000x128xf32, #tpu.memory_space<hbm>>
    tpu.enqueue_indirect_dma source(%dma_start3A_31 : memref<10000x128xf32, #tpu.memory_space<hbm>>) target(%dma_start3A_25 : memref<128x128xf32, #tpu.memory_space<vmem>>) offsets(%dma_start3A_28 : memref<128xi32, #tpu.memory_space<vmem>>) semaphore(%arg12 : memref<!tpu.dma_semaphore, #tpu.memory_space<semaphore_mem>>)
    %scan3A = arith.constant 0 : i32
    %scan3A_32 = arith.constant 0 : i32
    %scan3A_33 = arith.constant 20 : i32
    %scan3A_34 = arith.addi %scan3A_32, %scan3A_33 : i32
    %scan3A_35 = arith.constant 1 : i32
    scf.for %scan3A_44 = %scan3A_32 to %scan3A_34 step %scan3A_35  : i32 {
      %mul3A_45 = arith.constant 2 : i32
      %mul3A_46 = arith.muli %scan3A_44, %mul3A_45 : i32
      %add3A_47 = arith.constant 0 : i32
      %add3A_48 = arith.addi %mul3A_46, %add3A_47 : i32
      %dma_wait3A = arith.constant 0 : i32
      %dma_wait3A_49 = arith.constant 0 : i32
      %dma_wait3A_50 = arith.constant 0 : i32
      %dma_wait3A_51 = tpu.memref_slice %arg9[%dma_wait3A, %dma_wait3A_49, %dma_wait3A_50] : memref<2x128x128xf32, #tpu.memory_space<vmem>> -> memref<1x128x128xf32, #tpu.memory_space<vmem>>
      %dma_wait3A_52 = tpu.memref_squeeze %dma_wait3A_51 : memref<1x128x128xf32, #tpu.memory_space<vmem>> -> memref<128x128xf32, #tpu.memory_space<vmem>>
      %dma_wait3A_53 = arith.constant 0 : i32
      %dma_wait3A_54 = tpu.memref_slice %arg7[%add3A_48, %dma_wait3A_53] : memref<40x128xi32, #tpu.memory_space<vmem>> -> memref<1x128xi32, #tpu.memory_space<vmem>>
      %dma_wait3A_55 = tpu.memref_squeeze %dma_wait3A_54 : memref<1x128xi32, #tpu.memory_space<vmem>> -> memref<128xi32, #tpu.memory_space<vmem>>
      %dma_wait3A_56 = arith.constant 0 : i32
      %dma_wait3A_57 = arith.constant 0 : i32
      %dma_wait3A_58 = tpu.memref_slice %arg2[%dma_wait3A_56, %dma_wait3A_57] : memref<10000x128xf32, #tpu.memory_space<hbm>> -> memref<10000x128xf32, #tpu.memory_space<hbm>>
      tpu.wait_indirect_dma semaphore(%arg11 : memref<!tpu.dma_semaphore, #tpu.memory_space<semaphore_mem>>) src(%dma_wait3A_58 : memref<10000x128xf32, #tpu.memory_space<hbm>>) dst(%dma_wait3A_52 : memref<128x128xf32, #tpu.memory_space<vmem>>)
      %run_scoped3A = arith.constant 0 : i32
      "tpu.region"() ({
        %run_scoped3A_87 = tpu.sem_alloc : memref<!tpu.dma_semaphore, #tpu.memory_space<semaphore_mem>>
        %dma_start3A_88 = arith.constant 0 : i32
        %dma_start3A_89 = arith.constant 0 : i32
        %dma_start3A_90 = tpu.memref_slice %arg9[%run_scoped3A, %dma_start3A_88, %dma_start3A_89] : memref<2x128x128xf32, #tpu.memory_space<vmem>> -> memref<1x128x128xf32, #tpu.memory_space<vmem>>
        %dma_start3A_91 = tpu.memref_squeeze %dma_start3A_90 : memref<1x128x128xf32, #tpu.memory_space<vmem>> -> memref<128x128xf32, #tpu.memory_space<vmem>>
        %dma_start3A_92 = arith.constant 0 : i32
        %dma_start3A_93 = tpu.memref_slice %arg8[%add3A_48, %dma_start3A_92] : memref<40x128xi32, #tpu.memory_space<vmem>> -> memref<1x128xi32, #tpu.memory_space<vmem>>
        %dma_start3A_94 = tpu.memref_squeeze %dma_start3A_93 : memref<1x128xi32, #tpu.memory_space<vmem>> -> memref<128xi32, #tpu.memory_space<vmem>>
        %dma_start3A_95 = arith.constant 0 : i32
        %dma_start3A_96 = arith.constant 0 : i32
        %dma_start3A_97 = tpu.memref_slice %arg10[%dma_start3A_95, %dma_start3A_96] : memref<10240x128xf32, #tpu.memory_space<vmem_shared>> -> memref<10240x128xf32, #tpu.memory_space<vmem_shared>>
        tpu.enqueue_indirect_dma source(%dma_start3A_91 : memref<128x128xf32, #tpu.memory_space<vmem>>) target(%dma_start3A_97 : memref<10240x128xf32, #tpu.memory_space<vmem_shared>>) offsets(%dma_start3A_94 : memref<128xi32, #tpu.memory_space<vmem>>) semaphore(%run_scoped3A_87 : memref<!tpu.dma_semaphore, #tpu.memory_space<semaphore_mem>>) {add = true}
        %dma_wait3A_98 = arith.constant 0 : i32
        %dma_wait3A_99 = arith.constant 0 : i32
        %dma_wait3A_100 = tpu.memref_slice %arg9[%run_scoped3A, %dma_wait3A_98, %dma_wait3A_99] : memref<2x128x128xf32, #tpu.memory_space<vmem>> -> memref<1x128x128xf32, #tpu.memory_space<vmem>>
        %dma_wait3A_101 = tpu.memref_squeeze %dma_wait3A_100 : memref<1x128x128xf32, #tpu.memory_space<vmem>> -> memref<128x128xf32, #tpu.memory_space<vmem>>
        %dma_wait3A_102 = arith.constant 0 : i32
        %dma_wait3A_103 = tpu.memref_slice %arg8[%add3A_48, %dma_wait3A_102] : memref<40x128xi32, #tpu.memory_space<vmem>> -> memref<1x128xi32, #tpu.memory_space<vmem>>
        %dma_wait3A_104 = tpu.memref_squeeze %dma_wait3A_103 : memref<1x128xi32, #tpu.memory_space<vmem>> -> memref<128xi32, #tpu.memory_space<vmem>>
        %dma_wait3A_105 = arith.constant 0 : i32
        %dma_wait3A_106 = arith.constant 0 : i32
        %dma_wait3A_107 = tpu.memref_slice %arg10[%dma_wait3A_105, %dma_wait3A_106] : memref<10240x128xf32, #tpu.memory_space<vmem_shared>> -> memref<10240x128xf32, #tpu.memory_space<vmem_shared>>
        tpu.wait_indirect_dma semaphore(%run_scoped3A_87 : memref<!tpu.dma_semaphore, #tpu.memory_space<semaphore_mem>>) src(%dma_wait3A_101 : memref<128x128xf32, #tpu.memory_space<vmem>>) dst(%dma_wait3A_107 : memref<10240x128xf32, #tpu.memory_space<vmem_shared>>)
        tpu.yield
      }) : () -> ()
      %add3A_59 = arith.constant 2 : i32
      %add3A_60 = arith.addi %add3A_48, %add3A_59 : i32
      %lt3A_61 = arith.constant 40 : i32
      %lt3A_62 = arith.cmpi slt, %add3A_60, %lt3A_61 : i32
      %convert_element_type3A_63 = arith.extui %lt3A_62 : i1 to i32
      %cond3A_64 = arith.constant 0 : i32
      %cond3A_65 = arith.cmpi ne, %convert_element_type3A_63, %cond3A_64 : i32
      scf.if %cond3A_65 {
        %dma_start3A_87 = arith.constant 0 : i32
        %dma_start3A_88 = arith.constant 0 : i32
        %dma_start3A_89 = arith.constant 0 : i32
        %dma_start3A_90 = tpu.memref_slice %arg9[%dma_start3A_87, %dma_start3A_88, %dma_start3A_89] : memref<2x128x128xf32, #tpu.memory_space<vmem>> -> memref<1x128x128xf32, #tpu.memory_space<vmem>>
        %dma_start3A_91 = tpu.memref_squeeze %dma_start3A_90 : memref<1x128x128xf32, #tpu.memory_space<vmem>> -> memref<128x128xf32, #tpu.memory_space<vmem>>
        %dma_start3A_92 = arith.constant 0 : i32
        %dma_start3A_93 = tpu.memref_slice %arg7[%add3A_60, %dma_start3A_92] : memref<40x128xi32, #tpu.memory_space<vmem>> -> memref<1x128xi32, #tpu.memory_space<vmem>>
        %dma_start3A_94 = tpu.memref_squeeze %dma_start3A_93 : memref<1x128xi32, #tpu.memory_space<vmem>> -> memref<128xi32, #tpu.memory_space<vmem>>
        %dma_start3A_95 = arith.constant 0 : i32
        %dma_start3A_96 = arith.constant 0 : i32
        %dma_start3A_97 = tpu.memref_slice %arg2[%dma_start3A_95, %dma_start3A_96] : memref<10000x128xf32, #tpu.memory_space<hbm>> -> memref<10000x128xf32, #tpu.memory_space<hbm>>
        tpu.enqueue_indirect_dma source(%dma_start3A_97 : memref<10000x128xf32, #tpu.memory_space<hbm>>) target(%dma_start3A_91 : memref<128x128xf32, #tpu.memory_space<vmem>>) offsets(%dma_start3A_94 : memref<128xi32, #tpu.memory_space<vmem>>) semaphore(%arg11 : memref<!tpu.dma_semaphore, #tpu.memory_space<semaphore_mem>>)
      } else {
      }
      %add3A_66 = arith.constant 1 : i32
      %add3A_67 = arith.addi %mul3A_46, %add3A_66 : i32
      %dma_wait3A_68 = arith.constant 1 : i32
      %dma_wait3A_69 = arith.constant 0 : i32
      %dma_wait3A_70 = arith.constant 0 : i32
      %dma_wait3A_71 = tpu.memref_slice %arg9[%dma_wait3A_68, %dma_wait3A_69, %dma_wait3A_70] : memref<2x128x128xf32, #tpu.memory_space<vmem>> -> memref<1x128x128xf32, #tpu.memory_space<vmem>>
      %dma_wait3A_72 = tpu.memref_squeeze %dma_wait3A_71 : memref<1x128x128xf32, #tpu.memory_space<vmem>> -> memref<128x128xf32, #tpu.memory_space<vmem>>
      %dma_wait3A_73 = arith.constant 0 : i32
      %dma_wait3A_74 = tpu.memref_slice %arg7[%add3A_67, %dma_wait3A_73] : memref<40x128xi32, #tpu.memory_space<vmem>> -> memref<1x128xi32, #tpu.memory_space<vmem>>
      %dma_wait3A_75 = tpu.memref_squeeze %dma_wait3A_74 : memref<1x128xi32, #tpu.memory_space<vmem>> -> memref<128xi32, #tpu.memory_space<vmem>>
      %dma_wait3A_76 = arith.constant 0 : i32
      %dma_wait3A_77 = arith.constant 0 : i32
      %dma_wait3A_78 = tpu.memref_slice %arg2[%dma_wait3A_76, %dma_wait3A_77] : memref<10000x128xf32, #tpu.memory_space<hbm>> -> memref<10000x128xf32, #tpu.memory_space<hbm>>
      tpu.wait_indirect_dma semaphore(%arg12 : memref<!tpu.dma_semaphore, #tpu.memory_space<semaphore_mem>>) src(%dma_wait3A_78 : memref<10000x128xf32, #tpu.memory_space<hbm>>) dst(%dma_wait3A_72 : memref<128x128xf32, #tpu.memory_space<vmem>>)
      %run_scoped3A_79 = arith.constant 1 : i32
      "tpu.region"() ({
        %run_scoped3A_87 = tpu.sem_alloc : memref<!tpu.dma_semaphore, #tpu.memory_space<semaphore_mem>>
        %dma_start3A_88 = arith.constant 0 : i32
        %dma_start3A_89 = arith.constant 0 : i32
        %dma_start3A_90 = tpu.memref_slice %arg9[%run_scoped3A_79, %dma_start3A_88, %dma_start3A_89] : memref<2x128x128xf32, #tpu.memory_space<vmem>> -> memref<1x128x128xf32, #tpu.memory_space<vmem>>
        %dma_start3A_91 = tpu.memref_squeeze %dma_start3A_90 : memref<1x128x128xf32, #tpu.memory_space<vmem>> -> memref<128x128xf32, #tpu.memory_space<vmem>>
        %dma_start3A_92 = arith.constant 0 : i32
        %dma_start3A_93 = tpu.memref_slice %arg8[%add3A_67, %dma_start3A_92] : memref<40x128xi32, #tpu.memory_space<vmem>> -> memref<1x128xi32, #tpu.memory_space<vmem>>
        %dma_start3A_94 = tpu.memref_squeeze %dma_start3A_93 : memref<1x128xi32, #tpu.memory_space<vmem>> -> memref<128xi32, #tpu.memory_space<vmem>>
        %dma_start3A_95 = arith.constant 0 : i32
        %dma_start3A_96 = arith.constant 0 : i32
        %dma_start3A_97 = tpu.memref_slice %arg10[%dma_start3A_95, %dma_start3A_96] : memref<10240x128xf32, #tpu.memory_space<vmem_shared>> -> memref<10240x128xf32, #tpu.memory_space<vmem_shared>>
        tpu.enqueue_indirect_dma source(%dma_start3A_91 : memref<128x128xf32, #tpu.memory_space<vmem>>) target(%dma_start3A_97 : memref<10240x128xf32, #tpu.memory_space<vmem_shared>>) offsets(%dma_start3A_94 : memref<128xi32, #tpu.memory_space<vmem>>) semaphore(%run_scoped3A_87 : memref<!tpu.dma_semaphore, #tpu.memory_space<semaphore_mem>>) {add = true}
        %dma_wait3A_98 = arith.constant 0 : i32
        %dma_wait3A_99 = arith.constant 0 : i32
        %dma_wait3A_100 = tpu.memref_slice %arg9[%run_scoped3A_79, %dma_wait3A_98, %dma_wait3A_99] : memref<2x128x128xf32, #tpu.memory_space<vmem>> -> memref<1x128x128xf32, #tpu.memory_space<vmem>>
        %dma_wait3A_101 = tpu.memref_squeeze %dma_wait3A_100 : memref<1x128x128xf32, #tpu.memory_space<vmem>> -> memref<128x128xf32, #tpu.memory_space<vmem>>
        %dma_wait3A_102 = arith.constant 0 : i32
        %dma_wait3A_103 = tpu.memref_slice %arg8[%add3A_67, %dma_wait3A_102] : memref<40x128xi32, #tpu.memory_space<vmem>> -> memref<1x128xi32, #tpu.memory_space<vmem>>
        %dma_wait3A_104 = tpu.memref_squeeze %dma_wait3A_103 : memref<1x128xi32, #tpu.memory_space<vmem>> -> memref<128xi32, #tpu.memory_space<vmem>>
        %dma_wait3A_105 = arith.constant 0 : i32
        %dma_wait3A_106 = arith.constant 0 : i32
        %dma_wait3A_107 = tpu.memref_slice %arg10[%dma_wait3A_105, %dma_wait3A_106] : memref<10240x128xf32, #tpu.memory_space<vmem_shared>> -> memref<10240x128xf32, #tpu.memory_space<vmem_shared>>
        tpu.wait_indirect_dma semaphore(%run_scoped3A_87 : memref<!tpu.dma_semaphore, #tpu.memory_space<semaphore_mem>>) src(%dma_wait3A_101 : memref<128x128xf32, #tpu.memory_space<vmem>>) dst(%dma_wait3A_107 : memref<10240x128xf32, #tpu.memory_space<vmem_shared>>)
        tpu.yield
      }) : () -> ()
      %add3A_80 = arith.constant 2 : i32
      %add3A_81 = arith.addi %add3A_67, %add3A_80 : i32
      %lt3A_82 = arith.constant 40 : i32
      %lt3A_83 = arith.cmpi slt, %add3A_81, %lt3A_82 : i32
      %convert_element_type3A_84 = arith.extui %lt3A_83 : i1 to i32
      %cond3A_85 = arith.constant 0 : i32
      %cond3A_86 = arith.cmpi ne, %convert_element_type3A_84, %cond3A_85 : i32
      scf.if %cond3A_86 {
        %dma_start3A_87 = arith.constant 1 : i32
        %dma_start3A_88 = arith.constant 0 : i32
        %dma_start3A_89 = arith.constant 0 : i32
        %dma_start3A_90 = tpu.memref_slice %arg9[%dma_start3A_87, %dma_start3A_88, %dma_start3A_89] : memref<2x128x128xf32, #tpu.memory_space<vmem>> -> memref<1x128x128xf32, #tpu.memory_space<vmem>>
        %dma_start3A_91 = tpu.memref_squeeze %dma_start3A_90 : memref<1x128x128xf32, #tpu.memory_space<vmem>> -> memref<128x128xf32, #tpu.memory_space<vmem>>
        %dma_start3A_92 = arith.constant 0 : i32
        %dma_start3A_93 = tpu.memref_slice %arg7[%add3A_81, %dma_start3A_92] : memref<40x128xi32, #tpu.memory_space<vmem>> -> memref<1x128xi32, #tpu.memory_space<vmem>>
        %dma_start3A_94 = tpu.memref_squeeze %dma_start3A_93 : memref<1x128xi32, #tpu.memory_space<vmem>> -> memref<128xi32, #tpu.memory_space<vmem>>
        %dma_start3A_95 = arith.constant 0 : i32
        %dma_start3A_96 = arith.constant 0 : i32
        %dma_start3A_97 = tpu.memref_slice %arg2[%dma_start3A_95, %dma_start3A_96] : memref<10000x128xf32, #tpu.memory_space<hbm>> -> memref<10000x128xf32, #tpu.memory_space<hbm>>
        tpu.enqueue_indirect_dma source(%dma_start3A_97 : memref<10000x128xf32, #tpu.memory_space<hbm>>) target(%dma_start3A_91 : memref<128x128xf32, #tpu.memory_space<vmem>>) offsets(%dma_start3A_94 : memref<128xi32, #tpu.memory_space<vmem>>) semaphore(%arg12 : memref<!tpu.dma_semaphore, #tpu.memory_space<semaphore_mem>>)
      } else {
      }
    }
    %scan3A_36 = arith.constant 20 : i32
    %barrier3A_37 = arith.constant 0 : index
    tpu.barrier barrier_id(%barrier3A_37)
    %lt3A = arith.constant 15 : i32
    %lt3A_38 = arith.cmpi slt, %arg1, %lt3A : i32
    %convert_element_type3A = arith.extui %lt3A_38 : i1 to i32
    %cond3A = arith.constant 0 : i32
    %cond3A_39 = arith.cmpi ne, %convert_element_type3A, %cond3A : i32
    scf.if %cond3A_39 {
      "tpu.region"() ({
        %run_scoped3A = tpu.sem_alloc : memref<!tpu.dma_semaphore, #tpu.memory_space<semaphore_mem>>
        %dma_start3A_44 = arith.constant 0 : i32
        %dma_start3A_45 = arith.constant 0 : i32
        %dma_start3A_46 = tpu.memref_slice %arg6[%arg0, %dma_start3A_44, %dma_start3A_45] : memref<2x10000x128xf32, #tpu.memory_space<hbm>> -> memref<1x10000x128xf32, #tpu.memory_space<hbm>>
        %dma_start3A_47 = tpu.memref_squeeze %dma_start3A_46 : memref<1x10000x128xf32, #tpu.memory_space<hbm>> -> memref<10000x128xf32, #tpu.memory_space<hbm>>
        %dma_start3A_48 = arith.constant 0 : i32
        %dma_start3A_49 = tpu.memref_slice %dma_start3A_47[%mul3A_0, %dma_start3A_48] : memref<10000x128xf32, #tpu.memory_space<hbm>> -> memref<624x128xf32, #tpu.memory_space<hbm>>
        %dma_start3A_50 = arith.constant 0 : i32
        %dma_start3A_51 = tpu.memref_slice %arg10[%mul3A_0, %dma_start3A_50] : memref<10240x128xf32, #tpu.memory_space<vmem_shared>> -> memref<624x128xf32, #tpu.memory_space<vmem_shared>>
        tpu.enqueue_dma source(%dma_start3A_51 : memref<624x128xf32, #tpu.memory_space<vmem_shared>>) target(%dma_start3A_49 : memref<624x128xf32, #tpu.memory_space<hbm>>) target_semaphore(%run_scoped3A : memref<!tpu.dma_semaphore, #tpu.memory_space<semaphore_mem>>)
        %dma_wait3A = arith.constant 0 : i32
        %dma_wait3A_52 = arith.constant 0 : i32
        %dma_wait3A_53 = tpu.memref_slice %arg6[%arg0, %dma_wait3A, %dma_wait3A_52] : memref<2x10000x128xf32, #tpu.memory_space<hbm>> -> memref<1x10000x128xf32, #tpu.memory_space<hbm>>
        %dma_wait3A_54 = tpu.memref_squeeze %dma_wait3A_53 : memref<1x10000x128xf32, #tpu.memory_space<hbm>> -> memref<10000x128xf32, #tpu.memory_space<hbm>>
        %dma_wait3A_55 = arith.constant 0 : i32
        %dma_wait3A_56 = tpu.memref_slice %dma_wait3A_54[%mul3A_0, %dma_wait3A_55] : memref<10000x128xf32, #tpu.memory_space<hbm>> -> memref<624x128xf32, #tpu.memory_space<hbm>>
        %dma_wait3A_57 = arith.constant 0 : i32
        %dma_wait3A_58 = tpu.memref_slice %arg10[%mul3A_0, %dma_wait3A_57] : memref<10240x128xf32, #tpu.memory_space<vmem_shared>> -> memref<624x128xf32, #tpu.memory_space<vmem_shared>>
        tpu.wait_dma2 semaphore(%run_scoped3A : memref<!tpu.dma_semaphore, #tpu.memory_space<semaphore_mem>>) src(%dma_wait3A_58 : memref<624x128xf32, #tpu.memory_space<vmem_shared>>) dst(%dma_wait3A_56 : memref<624x128xf32, #tpu.memory_space<hbm>>)
        tpu.yield
      }) : () -> ()
    } else {
    }
    %eq3A = arith.constant 15 : i32
    %eq3A_40 = arith.cmpi eq, %arg1, %eq3A : i32
    %convert_element_type3A_41 = arith.extui %eq3A_40 : i1 to i32
    %cond3A_42 = arith.constant 0 : i32
    %cond3A_43 = arith.cmpi ne, %convert_element_type3A_41, %cond3A_42 : i32
    scf.if %cond3A_43 {
      "tpu.region"() ({
        %run_scoped3A = tpu.sem_alloc : memref<!tpu.dma_semaphore, #tpu.memory_space<semaphore_mem>>
        %dma_start3A_44 = arith.constant 0 : i32
        %dma_start3A_45 = arith.constant 0 : i32
        %dma_start3A_46 = tpu.memref_slice %arg6[%arg0, %dma_start3A_44, %dma_start3A_45] : memref<2x10000x128xf32, #tpu.memory_space<hbm>> -> memref<1x10000x128xf32, #tpu.memory_space<hbm>>
        %dma_start3A_47 = tpu.memref_squeeze %dma_start3A_46 : memref<1x10000x128xf32, #tpu.memory_space<hbm>> -> memref<10000x128xf32, #tpu.memory_space<hbm>>
        %dma_start3A_48 = arith.constant 9360 : i32
        %dma_start3A_49 = arith.constant 0 : i32
        %dma_start3A_50 = tpu.memref_slice %dma_start3A_47[%dma_start3A_48, %dma_start3A_49] : memref<10000x128xf32, #tpu.memory_space<hbm>> -> memref<640x128xf32, #tpu.memory_space<hbm>>
        %dma_start3A_51 = arith.constant 9360 : i32
        %dma_start3A_52 = arith.constant 0 : i32
        %dma_start3A_53 = tpu.memref_slice %arg10[%dma_start3A_51, %dma_start3A_52] : memref<10240x128xf32, #tpu.memory_space<vmem_shared>> -> memref<640x128xf32, #tpu.memory_space<vmem_shared>>
        tpu.enqueue_dma source(%dma_start3A_53 : memref<640x128xf32, #tpu.memory_space<vmem_shared>>) target(%dma_start3A_50 : memref<640x128xf32, #tpu.memory_space<hbm>>) target_semaphore(%run_scoped3A : memref<!tpu.dma_semaphore, #tpu.memory_space<semaphore_mem>>)
        %dma_wait3A = arith.constant 0 : i32
        %dma_wait3A_54 = arith.constant 0 : i32
        %dma_wait3A_55 = tpu.memref_slice %arg6[%arg0, %dma_wait3A, %dma_wait3A_54] : memref<2x10000x128xf32, #tpu.memory_space<hbm>> -> memref<1x10000x128xf32, #tpu.memory_space<hbm>>
        %dma_wait3A_56 = tpu.memref_squeeze %dma_wait3A_55 : memref<1x10000x128xf32, #tpu.memory_space<hbm>> -> memref<10000x128xf32, #tpu.memory_space<hbm>>
        %dma_wait3A_57 = arith.constant 9360 : i32
        %dma_wait3A_58 = arith.constant 0 : i32
        %dma_wait3A_59 = tpu.memref_slice %dma_wait3A_56[%dma_wait3A_57, %dma_wait3A_58] : memref<10000x128xf32, #tpu.memory_space<hbm>> -> memref<640x128xf32, #tpu.memory_space<hbm>>
        %dma_wait3A_60 = arith.constant 9360 : i32
        %dma_wait3A_61 = arith.constant 0 : i32
        %dma_wait3A_62 = tpu.memref_slice %arg10[%dma_wait3A_60, %dma_wait3A_61] : memref<10240x128xf32, #tpu.memory_space<vmem_shared>> -> memref<640x128xf32, #tpu.memory_space<vmem_shared>>
        tpu.wait_dma2 semaphore(%run_scoped3A : memref<!tpu.dma_semaphore, #tpu.memory_space<semaphore_mem>>) src(%dma_wait3A_62 : memref<640x128xf32, #tpu.memory_space<vmem_shared>>) dst(%dma_wait3A_59 : memref<640x128xf32, #tpu.memory_space<hbm>>)
        tpu.yield
      }) : () -> ()
    } else {
    }
    return
  }
}

#map = affine_map<(d0, d1) -> (0, 0)>
#map1 = affine_map<(d0, d1) -> (0, 0, 0)>
module attributes {stable_mosaic.version = 14 : i64} {
  func.func @_q_sc(%arg0: i32, %arg1: i32, %arg2: memref<10000x128xf32, #tpu.memory_space<hbm>>, %arg3: memref<1280x128xi32, #tpu.memory_space<hbm>>, %arg4: memref<1280x128xi32, #tpu.memory_space<hbm>>, %arg5: memref<640x128xf32, #tpu.memory_space<hbm>>, %arg6: memref<2x10000x128xf32, #tpu.memory_space<hbm>>, %arg7: memref<40x128xi32, #tpu.memory_space<vmem>>, %arg8: memref<40x128xi32, #tpu.memory_space<vmem>>, %arg9: memref<2x128x128xf32, #tpu.memory_space<vmem>>, %arg10: memref<10240x128xf32, #tpu.memory_space<vmem_shared>>, %arg11: memref<!tpu.dma_semaphore, #tpu.memory_space<semaphore_mem>>, %arg12: memref<!tpu.dma_semaphore, #tpu.memory_space<semaphore_mem>>) attributes {dimension_semantics = [#tpu.dimension_semantics<core_parallel>, #tpu.dimension_semantics<subcore_parallel>], iteration_bounds = array<i64: 2, 16>, scalar_prefetch = 0 : i64, scratch_operands = 6 : i64, tpu.core_type = #tpu.core_type<sc_vector_subcore>, window_params = [{transform_indices = #map}, {transform_indices = #map}, {transform_indices = #map}, {transform_indices = #map}, {transform_indices = #map1}]} {
    %mul3A = arith.constant 624 : i32
    %mul3A_0 = arith.muli %arg1, %mul3A : i32
    %mul3A_1 = arith.constant 16 : i32
    %mul3A_2 = arith.muli %arg0, %mul3A_1 : i32
    %add3A = arith.addi %mul3A_2, %arg1 : i32
    %mul3A_3 = arith.constant 40 : i32
    %mul3A_4 = arith.muli %add3A, %mul3A_3 : i32
    "tpu.region"() ({
      %run_scoped3A = tpu.sem_alloc : memref<!tpu.dma_semaphore, #tpu.memory_space<semaphore_mem>>
      %dma_start3A_44 = arith.constant 0 : i32
      %dma_start3A_45 = tpu.memref_slice %arg3[%mul3A_4, %dma_start3A_44] : memref<1280x128xi32, #tpu.memory_space<hbm>> -> memref<40x128xi32, #tpu.memory_space<hbm>>
      %dma_start3A_46 = arith.constant 0 : i32
      %dma_start3A_47 = tpu.memref_slice %arg3[%mul3A_4, %dma_start3A_46] : memref<1280x128xi32, #tpu.memory_space<hbm>> -> memref<40x128xi32, #tpu.memory_space<hbm>>
      tpu.enqueue_dma source(%dma_start3A_47 : memref<40x128xi32, #tpu.memory_space<hbm>>) target(%arg7 : memref<40x128xi32, #tpu.memory_space<vmem>>) target_semaphore(%run_scoped3A : memref<!tpu.dma_semaphore, #tpu.memory_space<semaphore_mem>>)
      %dma_wait3A = arith.constant 0 : i32
      %dma_wait3A_48 = tpu.memref_slice %arg3[%mul3A_4, %dma_wait3A] : memref<1280x128xi32, #tpu.memory_space<hbm>> -> memref<40x128xi32, #tpu.memory_space<hbm>>
      %dma_wait3A_49 = arith.constant 0 : i32
      %dma_wait3A_50 = tpu.memref_slice %arg3[%mul3A_4, %dma_wait3A_49] : memref<1280x128xi32, #tpu.memory_space<hbm>> -> memref<40x128xi32, #tpu.memory_space<hbm>>
      tpu.wait_dma2 semaphore(%run_scoped3A : memref<!tpu.dma_semaphore, #tpu.memory_space<semaphore_mem>>) src(%dma_wait3A_50 : memref<40x128xi32, #tpu.memory_space<hbm>>) dst(%arg7 : memref<40x128xi32, #tpu.memory_space<vmem>>)
      tpu.yield
    }) : () -> ()
    %mul3A_5 = arith.constant 40 : i32
    %mul3A_6 = arith.muli %add3A, %mul3A_5 : i32
    "tpu.region"() ({
      %run_scoped3A = tpu.sem_alloc : memref<!tpu.dma_semaphore, #tpu.memory_space<semaphore_mem>>
      %dma_start3A_44 = arith.constant 0 : i32
      %dma_start3A_45 = tpu.memref_slice %arg4[%mul3A_6, %dma_start3A_44] : memref<1280x128xi32, #tpu.memory_space<hbm>> -> memref<40x128xi32, #tpu.memory_space<hbm>>
      %dma_start3A_46 = arith.constant 0 : i32
      %dma_start3A_47 = tpu.memref_slice %arg4[%mul3A_6, %dma_start3A_46] : memref<1280x128xi32, #tpu.memory_space<hbm>> -> memref<40x128xi32, #tpu.memory_space<hbm>>
      tpu.enqueue_dma source(%dma_start3A_47 : memref<40x128xi32, #tpu.memory_space<hbm>>) target(%arg8 : memref<40x128xi32, #tpu.memory_space<vmem>>) target_semaphore(%run_scoped3A : memref<!tpu.dma_semaphore, #tpu.memory_space<semaphore_mem>>)
      %dma_wait3A = arith.constant 0 : i32
      %dma_wait3A_48 = tpu.memref_slice %arg4[%mul3A_6, %dma_wait3A] : memref<1280x128xi32, #tpu.memory_space<hbm>> -> memref<40x128xi32, #tpu.memory_space<hbm>>
      %dma_wait3A_49 = arith.constant 0 : i32
      %dma_wait3A_50 = tpu.memref_slice %arg4[%mul3A_6, %dma_wait3A_49] : memref<1280x128xi32, #tpu.memory_space<hbm>> -> memref<40x128xi32, #tpu.memory_space<hbm>>
      tpu.wait_dma2 semaphore(%run_scoped3A : memref<!tpu.dma_semaphore, #tpu.memory_space<semaphore_mem>>) src(%dma_wait3A_50 : memref<40x128xi32, #tpu.memory_space<hbm>>) dst(%arg8 : memref<40x128xi32, #tpu.memory_space<vmem>>)
      tpu.yield
    }) : () -> ()
    %mul3A_7 = arith.constant 640 : i32
    %mul3A_8 = arith.muli %arg1, %mul3A_7 : i32
    "tpu.region"() ({
      %run_scoped3A = tpu.sem_alloc : memref<!tpu.dma_semaphore, #tpu.memory_space<semaphore_mem>>
      %dma_start3A_44 = arith.constant 0 : i32
      %dma_start3A_45 = tpu.memref_slice %arg10[%mul3A_8, %dma_start3A_44] : memref<10240x128xf32, #tpu.memory_space<vmem_shared>> -> memref<640x128xf32, #tpu.memory_space<vmem_shared>>
      tpu.enqueue_dma source(%arg5 : memref<640x128xf32, #tpu.memory_space<hbm>>) target(%dma_start3A_45 : memref<640x128xf32, #tpu.memory_space<vmem_shared>>) target_semaphore(%run_scoped3A : memref<!tpu.dma_semaphore, #tpu.memory_space<semaphore_mem>>)
      %dma_wait3A = arith.constant 0 : i32
      %dma_wait3A_46 = tpu.memref_slice %arg10[%mul3A_8, %dma_wait3A] : memref<10240x128xf32, #tpu.memory_space<vmem_shared>> -> memref<640x128xf32, #tpu.memory_space<vmem_shared>>
      tpu.wait_dma2 semaphore(%run_scoped3A : memref<!tpu.dma_semaphore, #tpu.memory_space<semaphore_mem>>) src(%arg5 : memref<640x128xf32, #tpu.memory_space<hbm>>) dst(%dma_wait3A_46 : memref<640x128xf32, #tpu.memory_space<vmem_shared>>)
      tpu.yield
    }) : () -> ()
    %barrier3A = arith.constant 0 : index
    tpu.barrier barrier_id(%barrier3A)
    %dma_start3A = arith.constant 0 : i32
    %dma_start3A_9 = arith.constant 0 : i32
    %dma_start3A_10 = arith.constant 0 : i32
    %dma_start3A_11 = arith.constant 0 : i32
    %dma_start3A_12 = tpu.memref_slice %arg9[%dma_start3A_9, %dma_start3A_10, %dma_start3A_11] : memref<2x128x128xf32, #tpu.memory_space<vmem>> -> memref<1x128x128xf32, #tpu.memory_space<vmem>>
    %dma_start3A_13 = tpu.memref_squeeze %dma_start3A_12 : memref<1x128x128xf32, #tpu.memory_space<vmem>> -> memref<128x128xf32, #tpu.memory_space<vmem>>
    %dma_start3A_14 = arith.constant 0 : i32
    %dma_start3A_15 = tpu.memref_slice %arg7[%dma_start3A, %dma_start3A_14] : memref<40x128xi32, #tpu.memory_space<vmem>> -> memref<1x128xi32, #tpu.memory_space<vmem>>
    %dma_start3A_16 = tpu.memref_squeeze %dma_start3A_15 : memref<1x128xi32, #tpu.memory_space<vmem>> -> memref<128xi32, #tpu.memory_space<vmem>>
    %dma_start3A_17 = arith.constant 0 : i32
    %dma_start3A_18 = arith.constant 0 : i32
    %dma_start3A_19 = tpu.memref_slice %arg2[%dma_start3A_17, %dma_start3A_18] : memref<10000x128xf32, #tpu.memory_space<hbm>> -> memref<10000x128xf32, #tpu.memory_space<hbm>>
    tpu.enqueue_indirect_dma source(%dma_start3A_19 : memref<10000x128xf32, #tpu.memory_space<hbm>>) target(%dma_start3A_13 : memref<128x128xf32, #tpu.memory_space<vmem>>) offsets(%dma_start3A_16 : memref<128xi32, #tpu.memory_space<vmem>>) semaphore(%arg11 : memref<!tpu.dma_semaphore, #tpu.memory_space<semaphore_mem>>)
    %dma_start3A_20 = arith.constant 1 : i32
    %dma_start3A_21 = arith.constant 1 : i32
    %dma_start3A_22 = arith.constant 0 : i32
    %dma_start3A_23 = arith.constant 0 : i32
    %dma_start3A_24 = tpu.memref_slice %arg9[%dma_start3A_21, %dma_start3A_22, %dma_start3A_23] : memref<2x128x128xf32, #tpu.memory_space<vmem>> -> memref<1x128x128xf32, #tpu.memory_space<vmem>>
    %dma_start3A_25 = tpu.memref_squeeze %dma_start3A_24 : memref<1x128x128xf32, #tpu.memory_space<vmem>> -> memref<128x128xf32, #tpu.memory_space<vmem>>
    %dma_start3A_26 = arith.constant 0 : i32
    %dma_start3A_27 = tpu.memref_slice %arg7[%dma_start3A_20, %dma_start3A_26] : memref<40x128xi32, #tpu.memory_space<vmem>> -> memref<1x128xi32, #tpu.memory_space<vmem>>
    %dma_start3A_28 = tpu.memref_squeeze %dma_start3A_27 : memref<1x128xi32, #tpu.memory_space<vmem>> -> memref<128xi32, #tpu.memory_space<vmem>>
    %dma_start3A_29 = arith.constant 0 : i32
    %dma_start3A_30 = arith.constant 0 : i32
    %dma_start3A_31 = tpu.memref_slice %arg2[%dma_start3A_29, %dma_start3A_30] : memref<10000x128xf32, #tpu.memory_space<hbm>> -> memref<10000x128xf32, #tpu.memory_space<hbm>>
    tpu.enqueue_indirect_dma source(%dma_start3A_31 : memref<10000x128xf32, #tpu.memory_space<hbm>>) target(%dma_start3A_25 : memref<128x128xf32, #tpu.memory_space<vmem>>) offsets(%dma_start3A_28 : memref<128xi32, #tpu.memory_space<vmem>>) semaphore(%arg12 : memref<!tpu.dma_semaphore, #tpu.memory_space<semaphore_mem>>)
    %scan3A = arith.constant 0 : i32
    %scan3A_32 = arith.constant 0 : i32
    %scan3A_33 = arith.constant 20 : i32
    %scan3A_34 = arith.addi %scan3A_32, %scan3A_33 : i32
    %scan3A_35 = arith.constant 1 : i32
    scf.for %scan3A_44 = %scan3A_32 to %scan3A_34 step %scan3A_35  : i32 {
      %mul3A_45 = arith.constant 2 : i32
      %mul3A_46 = arith.muli %scan3A_44, %mul3A_45 : i32
      %add3A_47 = arith.constant 0 : i32
      %add3A_48 = arith.addi %mul3A_46, %add3A_47 : i32
      %dma_wait3A = arith.constant 0 : i32
      %dma_wait3A_49 = arith.constant 0 : i32
      %dma_wait3A_50 = arith.constant 0 : i32
      %dma_wait3A_51 = tpu.memref_slice %arg9[%dma_wait3A, %dma_wait3A_49, %dma_wait3A_50] : memref<2x128x128xf32, #tpu.memory_space<vmem>> -> memref<1x128x128xf32, #tpu.memory_space<vmem>>
      %dma_wait3A_52 = tpu.memref_squeeze %dma_wait3A_51 : memref<1x128x128xf32, #tpu.memory_space<vmem>> -> memref<128x128xf32, #tpu.memory_space<vmem>>
      %dma_wait3A_53 = arith.constant 0 : i32
      %dma_wait3A_54 = tpu.memref_slice %arg7[%add3A_48, %dma_wait3A_53] : memref<40x128xi32, #tpu.memory_space<vmem>> -> memref<1x128xi32, #tpu.memory_space<vmem>>
      %dma_wait3A_55 = tpu.memref_squeeze %dma_wait3A_54 : memref<1x128xi32, #tpu.memory_space<vmem>> -> memref<128xi32, #tpu.memory_space<vmem>>
      %dma_wait3A_56 = arith.constant 0 : i32
      %dma_wait3A_57 = arith.constant 0 : i32
      %dma_wait3A_58 = tpu.memref_slice %arg2[%dma_wait3A_56, %dma_wait3A_57] : memref<10000x128xf32, #tpu.memory_space<hbm>> -> memref<10000x128xf32, #tpu.memory_space<hbm>>
      tpu.wait_indirect_dma semaphore(%arg11 : memref<!tpu.dma_semaphore, #tpu.memory_space<semaphore_mem>>) src(%dma_wait3A_58 : memref<10000x128xf32, #tpu.memory_space<hbm>>) dst(%dma_wait3A_52 : memref<128x128xf32, #tpu.memory_space<vmem>>)
      %run_scoped3A = arith.constant 0 : i32
      "tpu.region"() ({
        %run_scoped3A_87 = tpu.sem_alloc : memref<!tpu.dma_semaphore, #tpu.memory_space<semaphore_mem>>
        %dma_start3A_88 = arith.constant 0 : i32
        %dma_start3A_89 = arith.constant 0 : i32
        %dma_start3A_90 = tpu.memref_slice %arg9[%run_scoped3A, %dma_start3A_88, %dma_start3A_89] : memref<2x128x128xf32, #tpu.memory_space<vmem>> -> memref<1x128x128xf32, #tpu.memory_space<vmem>>
        %dma_start3A_91 = tpu.memref_squeeze %dma_start3A_90 : memref<1x128x128xf32, #tpu.memory_space<vmem>> -> memref<128x128xf32, #tpu.memory_space<vmem>>
        %dma_start3A_92 = arith.constant 0 : i32
        %dma_start3A_93 = tpu.memref_slice %arg8[%add3A_48, %dma_start3A_92] : memref<40x128xi32, #tpu.memory_space<vmem>> -> memref<1x128xi32, #tpu.memory_space<vmem>>
        %dma_start3A_94 = tpu.memref_squeeze %dma_start3A_93 : memref<1x128xi32, #tpu.memory_space<vmem>> -> memref<128xi32, #tpu.memory_space<vmem>>
        %dma_start3A_95 = arith.constant 0 : i32
        %dma_start3A_96 = arith.constant 0 : i32
        %dma_start3A_97 = tpu.memref_slice %arg10[%dma_start3A_95, %dma_start3A_96] : memref<10240x128xf32, #tpu.memory_space<vmem_shared>> -> memref<10240x128xf32, #tpu.memory_space<vmem_shared>>
        tpu.enqueue_indirect_dma source(%dma_start3A_91 : memref<128x128xf32, #tpu.memory_space<vmem>>) target(%dma_start3A_97 : memref<10240x128xf32, #tpu.memory_space<vmem_shared>>) offsets(%dma_start3A_94 : memref<128xi32, #tpu.memory_space<vmem>>) semaphore(%run_scoped3A_87 : memref<!tpu.dma_semaphore, #tpu.memory_space<semaphore_mem>>) {add = true}
        %dma_wait3A_98 = arith.constant 0 : i32
        %dma_wait3A_99 = arith.constant 0 : i32
        %dma_wait3A_100 = tpu.memref_slice %arg9[%run_scoped3A, %dma_wait3A_98, %dma_wait3A_99] : memref<2x128x128xf32, #tpu.memory_space<vmem>> -> memref<1x128x128xf32, #tpu.memory_space<vmem>>
        %dma_wait3A_101 = tpu.memref_squeeze %dma_wait3A_100 : memref<1x128x128xf32, #tpu.memory_space<vmem>> -> memref<128x128xf32, #tpu.memory_space<vmem>>
        %dma_wait3A_102 = arith.constant 0 : i32
        %dma_wait3A_103 = tpu.memref_slice %arg8[%add3A_48, %dma_wait3A_102] : memref<40x128xi32, #tpu.memory_space<vmem>> -> memref<1x128xi32, #tpu.memory_space<vmem>>
        %dma_wait3A_104 = tpu.memref_squeeze %dma_wait3A_103 : memref<1x128xi32, #tpu.memory_space<vmem>> -> memref<128xi32, #tpu.memory_space<vmem>>
        %dma_wait3A_105 = arith.constant 0 : i32
        %dma_wait3A_106 = arith.constant 0 : i32
        %dma_wait3A_107 = tpu.memref_slice %arg10[%dma_wait3A_105, %dma_wait3A_106] : memref<10240x128xf32, #tpu.memory_space<vmem_shared>> -> memref<10240x128xf32, #tpu.memory_space<vmem_shared>>
        tpu.wait_indirect_dma semaphore(%run_scoped3A_87 : memref<!tpu.dma_semaphore, #tpu.memory_space<semaphore_mem>>) src(%dma_wait3A_101 : memref<128x128xf32, #tpu.memory_space<vmem>>) dst(%dma_wait3A_107 : memref<10240x128xf32, #tpu.memory_space<vmem_shared>>)
        tpu.yield
      }) : () -> ()
      %add3A_59 = arith.constant 2 : i32
      %add3A_60 = arith.addi %add3A_48, %add3A_59 : i32
      %lt3A_61 = arith.constant 40 : i32
      %lt3A_62 = arith.cmpi slt, %add3A_60, %lt3A_61 : i32
      %convert_element_type3A_63 = arith.extui %lt3A_62 : i1 to i32
      %cond3A_64 = arith.constant 0 : i32
      %cond3A_65 = arith.cmpi ne, %convert_element_type3A_63, %cond3A_64 : i32
      scf.if %cond3A_65 {
        %dma_start3A_87 = arith.constant 0 : i32
        %dma_start3A_88 = arith.constant 0 : i32
        %dma_start3A_89 = arith.constant 0 : i32
        %dma_start3A_90 = tpu.memref_slice %arg9[%dma_start3A_87, %dma_start3A_88, %dma_start3A_89] : memref<2x128x128xf32, #tpu.memory_space<vmem>> -> memref<1x128x128xf32, #tpu.memory_space<vmem>>
        %dma_start3A_91 = tpu.memref_squeeze %dma_start3A_90 : memref<1x128x128xf32, #tpu.memory_space<vmem>> -> memref<128x128xf32, #tpu.memory_space<vmem>>
        %dma_start3A_92 = arith.constant 0 : i32
        %dma_start3A_93 = tpu.memref_slice %arg7[%add3A_60, %dma_start3A_92] : memref<40x128xi32, #tpu.memory_space<vmem>> -> memref<1x128xi32, #tpu.memory_space<vmem>>
        %dma_start3A_94 = tpu.memref_squeeze %dma_start3A_93 : memref<1x128xi32, #tpu.memory_space<vmem>> -> memref<128xi32, #tpu.memory_space<vmem>>
        %dma_start3A_95 = arith.constant 0 : i32
        %dma_start3A_96 = arith.constant 0 : i32
        %dma_start3A_97 = tpu.memref_slice %arg2[%dma_start3A_95, %dma_start3A_96] : memref<10000x128xf32, #tpu.memory_space<hbm>> -> memref<10000x128xf32, #tpu.memory_space<hbm>>
        tpu.enqueue_indirect_dma source(%dma_start3A_97 : memref<10000x128xf32, #tpu.memory_space<hbm>>) target(%dma_start3A_91 : memref<128x128xf32, #tpu.memory_space<vmem>>) offsets(%dma_start3A_94 : memref<128xi32, #tpu.memory_space<vmem>>) semaphore(%arg11 : memref<!tpu.dma_semaphore, #tpu.memory_space<semaphore_mem>>)
      } else {
      }
      %add3A_66 = arith.constant 1 : i32
      %add3A_67 = arith.addi %mul3A_46, %add3A_66 : i32
      %dma_wait3A_68 = arith.constant 1 : i32
      %dma_wait3A_69 = arith.constant 0 : i32
      %dma_wait3A_70 = arith.constant 0 : i32
      %dma_wait3A_71 = tpu.memref_slice %arg9[%dma_wait3A_68, %dma_wait3A_69, %dma_wait3A_70] : memref<2x128x128xf32, #tpu.memory_space<vmem>> -> memref<1x128x128xf32, #tpu.memory_space<vmem>>
      %dma_wait3A_72 = tpu.memref_squeeze %dma_wait3A_71 : memref<1x128x128xf32, #tpu.memory_space<vmem>> -> memref<128x128xf32, #tpu.memory_space<vmem>>
      %dma_wait3A_73 = arith.constant 0 : i32
      %dma_wait3A_74 = tpu.memref_slice %arg7[%add3A_67, %dma_wait3A_73] : memref<40x128xi32, #tpu.memory_space<vmem>> -> memref<1x128xi32, #tpu.memory_space<vmem>>
      %dma_wait3A_75 = tpu.memref_squeeze %dma_wait3A_74 : memref<1x128xi32, #tpu.memory_space<vmem>> -> memref<128xi32, #tpu.memory_space<vmem>>
      %dma_wait3A_76 = arith.constant 0 : i32
      %dma_wait3A_77 = arith.constant 0 : i32
      %dma_wait3A_78 = tpu.memref_slice %arg2[%dma_wait3A_76, %dma_wait3A_77] : memref<10000x128xf32, #tpu.memory_space<hbm>> -> memref<10000x128xf32, #tpu.memory_space<hbm>>
      tpu.wait_indirect_dma semaphore(%arg12 : memref<!tpu.dma_semaphore, #tpu.memory_space<semaphore_mem>>) src(%dma_wait3A_78 : memref<10000x128xf32, #tpu.memory_space<hbm>>) dst(%dma_wait3A_72 : memref<128x128xf32, #tpu.memory_space<vmem>>)
      %run_scoped3A_79 = arith.constant 1 : i32
      "tpu.region"() ({
        %run_scoped3A_87 = tpu.sem_alloc : memref<!tpu.dma_semaphore, #tpu.memory_space<semaphore_mem>>
        %dma_start3A_88 = arith.constant 0 : i32
        %dma_start3A_89 = arith.constant 0 : i32
        %dma_start3A_90 = tpu.memref_slice %arg9[%run_scoped3A_79, %dma_start3A_88, %dma_start3A_89] : memref<2x128x128xf32, #tpu.memory_space<vmem>> -> memref<1x128x128xf32, #tpu.memory_space<vmem>>
        %dma_start3A_91 = tpu.memref_squeeze %dma_start3A_90 : memref<1x128x128xf32, #tpu.memory_space<vmem>> -> memref<128x128xf32, #tpu.memory_space<vmem>>
        %dma_start3A_92 = arith.constant 0 : i32
        %dma_start3A_93 = tpu.memref_slice %arg8[%add3A_67, %dma_start3A_92] : memref<40x128xi32, #tpu.memory_space<vmem>> -> memref<1x128xi32, #tpu.memory_space<vmem>>
        %dma_start3A_94 = tpu.memref_squeeze %dma_start3A_93 : memref<1x128xi32, #tpu.memory_space<vmem>> -> memref<128xi32, #tpu.memory_space<vmem>>
        %dma_start3A_95 = arith.constant 0 : i32
        %dma_start3A_96 = arith.constant 0 : i32
        %dma_start3A_97 = tpu.memref_slice %arg10[%dma_start3A_95, %dma_start3A_96] : memref<10240x128xf32, #tpu.memory_space<vmem_shared>> -> memref<10240x128xf32, #tpu.memory_space<vmem_shared>>
        tpu.enqueue_indirect_dma source(%dma_start3A_91 : memref<128x128xf32, #tpu.memory_space<vmem>>) target(%dma_start3A_97 : memref<10240x128xf32, #tpu.memory_space<vmem_shared>>) offsets(%dma_start3A_94 : memref<128xi32, #tpu.memory_space<vmem>>) semaphore(%run_scoped3A_87 : memref<!tpu.dma_semaphore, #tpu.memory_space<semaphore_mem>>) {add = true}
        %dma_wait3A_98 = arith.constant 0 : i32
        %dma_wait3A_99 = arith.constant 0 : i32
        %dma_wait3A_100 = tpu.memref_slice %arg9[%run_scoped3A_79, %dma_wait3A_98, %dma_wait3A_99] : memref<2x128x128xf32, #tpu.memory_space<vmem>> -> memref<1x128x128xf32, #tpu.memory_space<vmem>>
        %dma_wait3A_101 = tpu.memref_squeeze %dma_wait3A_100 : memref<1x128x128xf32, #tpu.memory_space<vmem>> -> memref<128x128xf32, #tpu.memory_space<vmem>>
        %dma_wait3A_102 = arith.constant 0 : i32
        %dma_wait3A_103 = tpu.memref_slice %arg8[%add3A_67, %dma_wait3A_102] : memref<40x128xi32, #tpu.memory_space<vmem>> -> memref<1x128xi32, #tpu.memory_space<vmem>>
        %dma_wait3A_104 = tpu.memref_squeeze %dma_wait3A_103 : memref<1x128xi32, #tpu.memory_space<vmem>> -> memref<128xi32, #tpu.memory_space<vmem>>
        %dma_wait3A_105 = arith.constant 0 : i32
        %dma_wait3A_106 = arith.constant 0 : i32
        %dma_wait3A_107 = tpu.memref_slice %arg10[%dma_wait3A_105, %dma_wait3A_106] : memref<10240x128xf32, #tpu.memory_space<vmem_shared>> -> memref<10240x128xf32, #tpu.memory_space<vmem_shared>>
        tpu.wait_indirect_dma semaphore(%run_scoped3A_87 : memref<!tpu.dma_semaphore, #tpu.memory_space<semaphore_mem>>) src(%dma_wait3A_101 : memref<128x128xf32, #tpu.memory_space<vmem>>) dst(%dma_wait3A_107 : memref<10240x128xf32, #tpu.memory_space<vmem_shared>>)
        tpu.yield
      }) : () -> ()
      %add3A_80 = arith.constant 2 : i32
      %add3A_81 = arith.addi %add3A_67, %add3A_80 : i32
      %lt3A_82 = arith.constant 40 : i32
      %lt3A_83 = arith.cmpi slt, %add3A_81, %lt3A_82 : i32
      %convert_element_type3A_84 = arith.extui %lt3A_83 : i1 to i32
      %cond3A_85 = arith.constant 0 : i32
      %cond3A_86 = arith.cmpi ne, %convert_element_type3A_84, %cond3A_85 : i32
      scf.if %cond3A_86 {
        %dma_start3A_87 = arith.constant 1 : i32
        %dma_start3A_88 = arith.constant 0 : i32
        %dma_start3A_89 = arith.constant 0 : i32
        %dma_start3A_90 = tpu.memref_slice %arg9[%dma_start3A_87, %dma_start3A_88, %dma_start3A_89] : memref<2x128x128xf32, #tpu.memory_space<vmem>> -> memref<1x128x128xf32, #tpu.memory_space<vmem>>
        %dma_start3A_91 = tpu.memref_squeeze %dma_start3A_90 : memref<1x128x128xf32, #tpu.memory_space<vmem>> -> memref<128x128xf32, #tpu.memory_space<vmem>>
        %dma_start3A_92 = arith.constant 0 : i32
        %dma_start3A_93 = tpu.memref_slice %arg7[%add3A_81, %dma_start3A_92] : memref<40x128xi32, #tpu.memory_space<vmem>> -> memref<1x128xi32, #tpu.memory_space<vmem>>
        %dma_start3A_94 = tpu.memref_squeeze %dma_start3A_93 : memref<1x128xi32, #tpu.memory_space<vmem>> -> memref<128xi32, #tpu.memory_space<vmem>>
        %dma_start3A_95 = arith.constant 0 : i32
        %dma_start3A_96 = arith.constant 0 : i32
        %dma_start3A_97 = tpu.memref_slice %arg2[%dma_start3A_95, %dma_start3A_96] : memref<10000x128xf32, #tpu.memory_space<hbm>> -> memref<10000x128xf32, #tpu.memory_space<hbm>>
        tpu.enqueue_indirect_dma source(%dma_start3A_97 : memref<10000x128xf32, #tpu.memory_space<hbm>>) target(%dma_start3A_91 : memref<128x128xf32, #tpu.memory_space<vmem>>) offsets(%dma_start3A_94 : memref<128xi32, #tpu.memory_space<vmem>>) semaphore(%arg12 : memref<!tpu.dma_semaphore, #tpu.memory_space<semaphore_mem>>)
      } else {
      }
    }
    %scan3A_36 = arith.constant 20 : i32
    %barrier3A_37 = arith.constant 0 : index
    tpu.barrier barrier_id(%barrier3A_37)
    %lt3A = arith.constant 15 : i32
    %lt3A_38 = arith.cmpi slt, %arg1, %lt3A : i32
    %convert_element_type3A = arith.extui %lt3A_38 : i1 to i32
    %cond3A = arith.constant 0 : i32
    %cond3A_39 = arith.cmpi ne, %convert_element_type3A, %cond3A : i32
    scf.if %cond3A_39 {
      "tpu.region"() ({
        %run_scoped3A = tpu.sem_alloc : memref<!tpu.dma_semaphore, #tpu.memory_space<semaphore_mem>>
        %dma_start3A_44 = arith.constant 0 : i32
        %dma_start3A_45 = arith.constant 0 : i32
        %dma_start3A_46 = tpu.memref_slice %arg6[%arg0, %dma_start3A_44, %dma_start3A_45] : memref<2x10000x128xf32, #tpu.memory_space<hbm>> -> memref<1x10000x128xf32, #tpu.memory_space<hbm>>
        %dma_start3A_47 = tpu.memref_squeeze %dma_start3A_46 : memref<1x10000x128xf32, #tpu.memory_space<hbm>> -> memref<10000x128xf32, #tpu.memory_space<hbm>>
        %dma_start3A_48 = arith.constant 0 : i32
        %dma_start3A_49 = tpu.memref_slice %dma_start3A_47[%mul3A_0, %dma_start3A_48] : memref<10000x128xf32, #tpu.memory_space<hbm>> -> memref<624x128xf32, #tpu.memory_space<hbm>>
        %dma_start3A_50 = arith.constant 0 : i32
        %dma_start3A_51 = tpu.memref_slice %arg10[%mul3A_0, %dma_start3A_50] : memref<10240x128xf32, #tpu.memory_space<vmem_shared>> -> memref<624x128xf32, #tpu.memory_space<vmem_shared>>
        tpu.enqueue_dma source(%dma_start3A_51 : memref<624x128xf32, #tpu.memory_space<vmem_shared>>) target(%dma_start3A_49 : memref<624x128xf32, #tpu.memory_space<hbm>>) target_semaphore(%run_scoped3A : memref<!tpu.dma_semaphore, #tpu.memory_space<semaphore_mem>>)
        %dma_wait3A = arith.constant 0 : i32
        %dma_wait3A_52 = arith.constant 0 : i32
        %dma_wait3A_53 = tpu.memref_slice %arg6[%arg0, %dma_wait3A, %dma_wait3A_52] : memref<2x10000x128xf32, #tpu.memory_space<hbm>> -> memref<1x10000x128xf32, #tpu.memory_space<hbm>>
        %dma_wait3A_54 = tpu.memref_squeeze %dma_wait3A_53 : memref<1x10000x128xf32, #tpu.memory_space<hbm>> -> memref<10000x128xf32, #tpu.memory_space<hbm>>
        %dma_wait3A_55 = arith.constant 0 : i32
        %dma_wait3A_56 = tpu.memref_slice %dma_wait3A_54[%mul3A_0, %dma_wait3A_55] : memref<10000x128xf32, #tpu.memory_space<hbm>> -> memref<624x128xf32, #tpu.memory_space<hbm>>
        %dma_wait3A_57 = arith.constant 0 : i32
        %dma_wait3A_58 = tpu.memref_slice %arg10[%mul3A_0, %dma_wait3A_57] : memref<10240x128xf32, #tpu.memory_space<vmem_shared>> -> memref<624x128xf32, #tpu.memory_space<vmem_shared>>
        tpu.wait_dma2 semaphore(%run_scoped3A : memref<!tpu.dma_semaphore, #tpu.memory_space<semaphore_mem>>) src(%dma_wait3A_58 : memref<624x128xf32, #tpu.memory_space<vmem_shared>>) dst(%dma_wait3A_56 : memref<624x128xf32, #tpu.memory_space<hbm>>)
        tpu.yield
      }) : () -> ()
    } else {
    }
    %eq3A = arith.constant 15 : i32
    %eq3A_40 = arith.cmpi eq, %arg1, %eq3A : i32
    %convert_element_type3A_41 = arith.extui %eq3A_40 : i1 to i32
    %cond3A_42 = arith.constant 0 : i32
    %cond3A_43 = arith.cmpi ne, %convert_element_type3A_41, %cond3A_42 : i32
    scf.if %cond3A_43 {
      "tpu.region"() ({
        %run_scoped3A = tpu.sem_alloc : memref<!tpu.dma_semaphore, #tpu.memory_space<semaphore_mem>>
        %dma_start3A_44 = arith.constant 0 : i32
        %dma_start3A_45 = arith.constant 0 : i32
        %dma_start3A_46 = tpu.memref_slice %arg6[%arg0, %dma_start3A_44, %dma_start3A_45] : memref<2x10000x128xf32, #tpu.memory_space<hbm>> -> memref<1x10000x128xf32, #tpu.memory_space<hbm>>
        %dma_start3A_47 = tpu.memref_squeeze %dma_start3A_46 : memref<1x10000x128xf32, #tpu.memory_space<hbm>> -> memref<10000x128xf32, #tpu.memory_space<hbm>>
        %dma_start3A_48 = arith.constant 9360 : i32
        %dma_start3A_49 = arith.constant 0 : i32
        %dma_start3A_50 = tpu.memref_slice %dma_start3A_47[%dma_start3A_48, %dma_start3A_49] : memref<10000x128xf32, #tpu.memory_space<hbm>> -> memref<640x128xf32, #tpu.memory_space<hbm>>
        %dma_start3A_51 = arith.constant 9360 : i32
        %dma_start3A_52 = arith.constant 0 : i32
        %dma_start3A_53 = tpu.memref_slice %arg10[%dma_start3A_51, %dma_start3A_52] : memref<10240x128xf32, #tpu.memory_space<vmem_shared>> -> memref<640x128xf32, #tpu.memory_space<vmem_shared>>
        tpu.enqueue_dma source(%dma_start3A_53 : memref<640x128xf32, #tpu.memory_space<vmem_shared>>) target(%dma_start3A_50 : memref<640x128xf32, #tpu.memory_space<hbm>>) target_semaphore(%run_scoped3A : memref<!tpu.dma_semaphore, #tpu.memory_space<semaphore_mem>>)
        %dma_wait3A = arith.constant 0 : i32
        %dma_wait3A_54 = arith.constant 0 : i32
        %dma_wait3A_55 = tpu.memref_slice %arg6[%arg0, %dma_wait3A, %dma_wait3A_54] : memref<2x10000x128xf32, #tpu.memory_space<hbm>> -> memref<1x10000x128xf32, #tpu.memory_space<hbm>>
        %dma_wait3A_56 = tpu.memref_squeeze %dma_wait3A_55 : memref<1x10000x128xf32, #tpu.memory_space<hbm>> -> memref<10000x128xf32, #tpu.memory_space<hbm>>
        %dma_wait3A_57 = arith.constant 9360 : i32
        %dma_wait3A_58 = arith.constant 0 : i32
        %dma_wait3A_59 = tpu.memref_slice %dma_wait3A_56[%dma_wait3A_57, %dma_wait3A_58] : memref<10000x128xf32, #tpu.memory_space<hbm>> -> memref<640x128xf32, #tpu.memory_space<hbm>>
        %dma_wait3A_60 = arith.constant 9360 : i32
        %dma_wait3A_61 = arith.constant 0 : i32
        %dma_wait3A_62 = tpu.memref_slice %arg10[%dma_wait3A_60, %dma_wait3A_61] : memref<10240x128xf32, #tpu.memory_space<vmem_shared>> -> memref<640x128xf32, #tpu.memory_space<vmem_shared>>
        tpu.wait_dma2 semaphore(%run_scoped3A : memref<!tpu.dma_semaphore, #tpu.memory_space<semaphore_mem>>) src(%dma_wait3A_62 : memref<640x128xf32, #tpu.memory_space<vmem_shared>>) dst(%dma_wait3A_59 : memref<640x128xf32, #tpu.memory_space<hbm>>)
        tpu.yield
      }) : () -> ()
    } else {
    }
    return
  }
}

#map = affine_map<(d0, d1) -> (0, 0)>
#map1 = affine_map<(d0, d1) -> (0, 0, 0)>
module attributes {stable_mosaic.version = 14 : i64} {
  func.func @_q_sc(%arg0: i32, %arg1: i32, %arg2: memref<10000x128xf32, #tpu.memory_space<hbm>>, %arg3: memref<1280x128xi32, #tpu.memory_space<hbm>>, %arg4: memref<1280x128xi32, #tpu.memory_space<hbm>>, %arg5: memref<640x128xf32, #tpu.memory_space<hbm>>, %arg6: memref<2x10000x128xf32, #tpu.memory_space<hbm>>, %arg7: memref<40x128xi32, #tpu.memory_space<vmem>>, %arg8: memref<40x128xi32, #tpu.memory_space<vmem>>, %arg9: memref<2x128x128xf32, #tpu.memory_space<vmem>>, %arg10: memref<10240x128xf32, #tpu.memory_space<vmem_shared>>, %arg11: memref<!tpu.dma_semaphore, #tpu.memory_space<semaphore_mem>>, %arg12: memref<!tpu.dma_semaphore, #tpu.memory_space<semaphore_mem>>) attributes {dimension_semantics = [#tpu.dimension_semantics<core_parallel>, #tpu.dimension_semantics<subcore_parallel>], iteration_bounds = array<i64: 2, 16>, scalar_prefetch = 0 : i64, scratch_operands = 6 : i64, tpu.core_type = #tpu.core_type<sc_vector_subcore>, window_params = [{transform_indices = #map}, {transform_indices = #map}, {transform_indices = #map}, {transform_indices = #map}, {transform_indices = #map1}]} {
    %mul3A = arith.constant 624 : i32
    %mul3A_0 = arith.muli %arg1, %mul3A : i32
    %mul3A_1 = arith.constant 16 : i32
    %mul3A_2 = arith.muli %arg0, %mul3A_1 : i32
    %add3A = arith.addi %mul3A_2, %arg1 : i32
    %mul3A_3 = arith.constant 40 : i32
    %mul3A_4 = arith.muli %add3A, %mul3A_3 : i32
    "tpu.region"() ({
      %run_scoped3A = tpu.sem_alloc : memref<!tpu.dma_semaphore, #tpu.memory_space<semaphore_mem>>
      %dma_start3A_44 = arith.constant 0 : i32
      %dma_start3A_45 = tpu.memref_slice %arg3[%mul3A_4, %dma_start3A_44] : memref<1280x128xi32, #tpu.memory_space<hbm>> -> memref<40x128xi32, #tpu.memory_space<hbm>>
      %dma_start3A_46 = arith.constant 0 : i32
      %dma_start3A_47 = tpu.memref_slice %arg3[%mul3A_4, %dma_start3A_46] : memref<1280x128xi32, #tpu.memory_space<hbm>> -> memref<40x128xi32, #tpu.memory_space<hbm>>
      tpu.enqueue_dma source(%dma_start3A_47 : memref<40x128xi32, #tpu.memory_space<hbm>>) target(%arg7 : memref<40x128xi32, #tpu.memory_space<vmem>>) target_semaphore(%run_scoped3A : memref<!tpu.dma_semaphore, #tpu.memory_space<semaphore_mem>>)
      %dma_wait3A = arith.constant 0 : i32
      %dma_wait3A_48 = tpu.memref_slice %arg3[%mul3A_4, %dma_wait3A] : memref<1280x128xi32, #tpu.memory_space<hbm>> -> memref<40x128xi32, #tpu.memory_space<hbm>>
      %dma_wait3A_49 = arith.constant 0 : i32
      %dma_wait3A_50 = tpu.memref_slice %arg3[%mul3A_4, %dma_wait3A_49] : memref<1280x128xi32, #tpu.memory_space<hbm>> -> memref<40x128xi32, #tpu.memory_space<hbm>>
      tpu.wait_dma2 semaphore(%run_scoped3A : memref<!tpu.dma_semaphore, #tpu.memory_space<semaphore_mem>>) src(%dma_wait3A_50 : memref<40x128xi32, #tpu.memory_space<hbm>>) dst(%arg7 : memref<40x128xi32, #tpu.memory_space<vmem>>)
      tpu.yield
    }) : () -> ()
    %mul3A_5 = arith.constant 40 : i32
    %mul3A_6 = arith.muli %add3A, %mul3A_5 : i32
    "tpu.region"() ({
      %run_scoped3A = tpu.sem_alloc : memref<!tpu.dma_semaphore, #tpu.memory_space<semaphore_mem>>
      %dma_start3A_44 = arith.constant 0 : i32
      %dma_start3A_45 = tpu.memref_slice %arg4[%mul3A_6, %dma_start3A_44] : memref<1280x128xi32, #tpu.memory_space<hbm>> -> memref<40x128xi32, #tpu.memory_space<hbm>>
      %dma_start3A_46 = arith.constant 0 : i32
      %dma_start3A_47 = tpu.memref_slice %arg4[%mul3A_6, %dma_start3A_46] : memref<1280x128xi32, #tpu.memory_space<hbm>> -> memref<40x128xi32, #tpu.memory_space<hbm>>
      tpu.enqueue_dma source(%dma_start3A_47 : memref<40x128xi32, #tpu.memory_space<hbm>>) target(%arg8 : memref<40x128xi32, #tpu.memory_space<vmem>>) target_semaphore(%run_scoped3A : memref<!tpu.dma_semaphore, #tpu.memory_space<semaphore_mem>>)
      %dma_wait3A = arith.constant 0 : i32
      %dma_wait3A_48 = tpu.memref_slice %arg4[%mul3A_6, %dma_wait3A] : memref<1280x128xi32, #tpu.memory_space<hbm>> -> memref<40x128xi32, #tpu.memory_space<hbm>>
      %dma_wait3A_49 = arith.constant 0 : i32
      %dma_wait3A_50 = tpu.memref_slice %arg4[%mul3A_6, %dma_wait3A_49] : memref<1280x128xi32, #tpu.memory_space<hbm>> -> memref<40x128xi32, #tpu.memory_space<hbm>>
      tpu.wait_dma2 semaphore(%run_scoped3A : memref<!tpu.dma_semaphore, #tpu.memory_space<semaphore_mem>>) src(%dma_wait3A_50 : memref<40x128xi32, #tpu.memory_space<hbm>>) dst(%arg8 : memref<40x128xi32, #tpu.memory_space<vmem>>)
      tpu.yield
    }) : () -> ()
    %mul3A_7 = arith.constant 640 : i32
    %mul3A_8 = arith.muli %arg1, %mul3A_7 : i32
    "tpu.region"() ({
      %run_scoped3A = tpu.sem_alloc : memref<!tpu.dma_semaphore, #tpu.memory_space<semaphore_mem>>
      %dma_start3A_44 = arith.constant 0 : i32
      %dma_start3A_45 = tpu.memref_slice %arg10[%mul3A_8, %dma_start3A_44] : memref<10240x128xf32, #tpu.memory_space<vmem_shared>> -> memref<640x128xf32, #tpu.memory_space<vmem_shared>>
      tpu.enqueue_dma source(%arg5 : memref<640x128xf32, #tpu.memory_space<hbm>>) target(%dma_start3A_45 : memref<640x128xf32, #tpu.memory_space<vmem_shared>>) target_semaphore(%run_scoped3A : memref<!tpu.dma_semaphore, #tpu.memory_space<semaphore_mem>>)
      %dma_wait3A = arith.constant 0 : i32
      %dma_wait3A_46 = tpu.memref_slice %arg10[%mul3A_8, %dma_wait3A] : memref<10240x128xf32, #tpu.memory_space<vmem_shared>> -> memref<640x128xf32, #tpu.memory_space<vmem_shared>>
      tpu.wait_dma2 semaphore(%run_scoped3A : memref<!tpu.dma_semaphore, #tpu.memory_space<semaphore_mem>>) src(%arg5 : memref<640x128xf32, #tpu.memory_space<hbm>>) dst(%dma_wait3A_46 : memref<640x128xf32, #tpu.memory_space<vmem_shared>>)
      tpu.yield
    }) : () -> ()
    %barrier3A = arith.constant 0 : index
    tpu.barrier barrier_id(%barrier3A)
    %dma_start3A = arith.constant 0 : i32
    %dma_start3A_9 = arith.constant 0 : i32
    %dma_start3A_10 = arith.constant 0 : i32
    %dma_start3A_11 = arith.constant 0 : i32
    %dma_start3A_12 = tpu.memref_slice %arg9[%dma_start3A_9, %dma_start3A_10, %dma_start3A_11] : memref<2x128x128xf32, #tpu.memory_space<vmem>> -> memref<1x128x128xf32, #tpu.memory_space<vmem>>
    %dma_start3A_13 = tpu.memref_squeeze %dma_start3A_12 : memref<1x128x128xf32, #tpu.memory_space<vmem>> -> memref<128x128xf32, #tpu.memory_space<vmem>>
    %dma_start3A_14 = arith.constant 0 : i32
    %dma_start3A_15 = tpu.memref_slice %arg7[%dma_start3A, %dma_start3A_14] : memref<40x128xi32, #tpu.memory_space<vmem>> -> memref<1x128xi32, #tpu.memory_space<vmem>>
    %dma_start3A_16 = tpu.memref_squeeze %dma_start3A_15 : memref<1x128xi32, #tpu.memory_space<vmem>> -> memref<128xi32, #tpu.memory_space<vmem>>
    %dma_start3A_17 = arith.constant 0 : i32
    %dma_start3A_18 = arith.constant 0 : i32
    %dma_start3A_19 = tpu.memref_slice %arg2[%dma_start3A_17, %dma_start3A_18] : memref<10000x128xf32, #tpu.memory_space<hbm>> -> memref<10000x128xf32, #tpu.memory_space<hbm>>
    tpu.enqueue_indirect_dma source(%dma_start3A_19 : memref<10000x128xf32, #tpu.memory_space<hbm>>) target(%dma_start3A_13 : memref<128x128xf32, #tpu.memory_space<vmem>>) offsets(%dma_start3A_16 : memref<128xi32, #tpu.memory_space<vmem>>) semaphore(%arg11 : memref<!tpu.dma_semaphore, #tpu.memory_space<semaphore_mem>>)
    %dma_start3A_20 = arith.constant 1 : i32
    %dma_start3A_21 = arith.constant 1 : i32
    %dma_start3A_22 = arith.constant 0 : i32
    %dma_start3A_23 = arith.constant 0 : i32
    %dma_start3A_24 = tpu.memref_slice %arg9[%dma_start3A_21, %dma_start3A_22, %dma_start3A_23] : memref<2x128x128xf32, #tpu.memory_space<vmem>> -> memref<1x128x128xf32, #tpu.memory_space<vmem>>
    %dma_start3A_25 = tpu.memref_squeeze %dma_start3A_24 : memref<1x128x128xf32, #tpu.memory_space<vmem>> -> memref<128x128xf32, #tpu.memory_space<vmem>>
    %dma_start3A_26 = arith.constant 0 : i32
    %dma_start3A_27 = tpu.memref_slice %arg7[%dma_start3A_20, %dma_start3A_26] : memref<40x128xi32, #tpu.memory_space<vmem>> -> memref<1x128xi32, #tpu.memory_space<vmem>>
    %dma_start3A_28 = tpu.memref_squeeze %dma_start3A_27 : memref<1x128xi32, #tpu.memory_space<vmem>> -> memref<128xi32, #tpu.memory_space<vmem>>
    %dma_start3A_29 = arith.constant 0 : i32
    %dma_start3A_30 = arith.constant 0 : i32
    %dma_start3A_31 = tpu.memref_slice %arg2[%dma_start3A_29, %dma_start3A_30] : memref<10000x128xf32, #tpu.memory_space<hbm>> -> memref<10000x128xf32, #tpu.memory_space<hbm>>
    tpu.enqueue_indirect_dma source(%dma_start3A_31 : memref<10000x128xf32, #tpu.memory_space<hbm>>) target(%dma_start3A_25 : memref<128x128xf32, #tpu.memory_space<vmem>>) offsets(%dma_start3A_28 : memref<128xi32, #tpu.memory_space<vmem>>) semaphore(%arg12 : memref<!tpu.dma_semaphore, #tpu.memory_space<semaphore_mem>>)
    %scan3A = arith.constant 0 : i32
    %scan3A_32 = arith.constant 0 : i32
    %scan3A_33 = arith.constant 20 : i32
    %scan3A_34 = arith.addi %scan3A_32, %scan3A_33 : i32
    %scan3A_35 = arith.constant 1 : i32
    scf.for %scan3A_44 = %scan3A_32 to %scan3A_34 step %scan3A_35  : i32 {
      %mul3A_45 = arith.constant 2 : i32
      %mul3A_46 = arith.muli %scan3A_44, %mul3A_45 : i32
      %add3A_47 = arith.constant 0 : i32
      %add3A_48 = arith.addi %mul3A_46, %add3A_47 : i32
      %dma_wait3A = arith.constant 0 : i32
      %dma_wait3A_49 = arith.constant 0 : i32
      %dma_wait3A_50 = arith.constant 0 : i32
      %dma_wait3A_51 = tpu.memref_slice %arg9[%dma_wait3A, %dma_wait3A_49, %dma_wait3A_50] : memref<2x128x128xf32, #tpu.memory_space<vmem>> -> memref<1x128x128xf32, #tpu.memory_space<vmem>>
      %dma_wait3A_52 = tpu.memref_squeeze %dma_wait3A_51 : memref<1x128x128xf32, #tpu.memory_space<vmem>> -> memref<128x128xf32, #tpu.memory_space<vmem>>
      %dma_wait3A_53 = arith.constant 0 : i32
      %dma_wait3A_54 = tpu.memref_slice %arg7[%add3A_48, %dma_wait3A_53] : memref<40x128xi32, #tpu.memory_space<vmem>> -> memref<1x128xi32, #tpu.memory_space<vmem>>
      %dma_wait3A_55 = tpu.memref_squeeze %dma_wait3A_54 : memref<1x128xi32, #tpu.memory_space<vmem>> -> memref<128xi32, #tpu.memory_space<vmem>>
      %dma_wait3A_56 = arith.constant 0 : i32
      %dma_wait3A_57 = arith.constant 0 : i32
      %dma_wait3A_58 = tpu.memref_slice %arg2[%dma_wait3A_56, %dma_wait3A_57] : memref<10000x128xf32, #tpu.memory_space<hbm>> -> memref<10000x128xf32, #tpu.memory_space<hbm>>
      tpu.wait_indirect_dma semaphore(%arg11 : memref<!tpu.dma_semaphore, #tpu.memory_space<semaphore_mem>>) src(%dma_wait3A_58 : memref<10000x128xf32, #tpu.memory_space<hbm>>) dst(%dma_wait3A_52 : memref<128x128xf32, #tpu.memory_space<vmem>>)
      %run_scoped3A = arith.constant 0 : i32
      "tpu.region"() ({
        %run_scoped3A_87 = tpu.sem_alloc : memref<!tpu.dma_semaphore, #tpu.memory_space<semaphore_mem>>
        %dma_start3A_88 = arith.constant 0 : i32
        %dma_start3A_89 = arith.constant 0 : i32
        %dma_start3A_90 = tpu.memref_slice %arg9[%run_scoped3A, %dma_start3A_88, %dma_start3A_89] : memref<2x128x128xf32, #tpu.memory_space<vmem>> -> memref<1x128x128xf32, #tpu.memory_space<vmem>>
        %dma_start3A_91 = tpu.memref_squeeze %dma_start3A_90 : memref<1x128x128xf32, #tpu.memory_space<vmem>> -> memref<128x128xf32, #tpu.memory_space<vmem>>
        %dma_start3A_92 = arith.constant 0 : i32
        %dma_start3A_93 = tpu.memref_slice %arg8[%add3A_48, %dma_start3A_92] : memref<40x128xi32, #tpu.memory_space<vmem>> -> memref<1x128xi32, #tpu.memory_space<vmem>>
        %dma_start3A_94 = tpu.memref_squeeze %dma_start3A_93 : memref<1x128xi32, #tpu.memory_space<vmem>> -> memref<128xi32, #tpu.memory_space<vmem>>
        %dma_start3A_95 = arith.constant 0 : i32
        %dma_start3A_96 = arith.constant 0 : i32
        %dma_start3A_97 = tpu.memref_slice %arg10[%dma_start3A_95, %dma_start3A_96] : memref<10240x128xf32, #tpu.memory_space<vmem_shared>> -> memref<10240x128xf32, #tpu.memory_space<vmem_shared>>
        tpu.enqueue_indirect_dma source(%dma_start3A_91 : memref<128x128xf32, #tpu.memory_space<vmem>>) target(%dma_start3A_97 : memref<10240x128xf32, #tpu.memory_space<vmem_shared>>) offsets(%dma_start3A_94 : memref<128xi32, #tpu.memory_space<vmem>>) semaphore(%run_scoped3A_87 : memref<!tpu.dma_semaphore, #tpu.memory_space<semaphore_mem>>) {add = true}
        %dma_wait3A_98 = arith.constant 0 : i32
        %dma_wait3A_99 = arith.constant 0 : i32
        %dma_wait3A_100 = tpu.memref_slice %arg9[%run_scoped3A, %dma_wait3A_98, %dma_wait3A_99] : memref<2x128x128xf32, #tpu.memory_space<vmem>> -> memref<1x128x128xf32, #tpu.memory_space<vmem>>
        %dma_wait3A_101 = tpu.memref_squeeze %dma_wait3A_100 : memref<1x128x128xf32, #tpu.memory_space<vmem>> -> memref<128x128xf32, #tpu.memory_space<vmem>>
        %dma_wait3A_102 = arith.constant 0 : i32
        %dma_wait3A_103 = tpu.memref_slice %arg8[%add3A_48, %dma_wait3A_102] : memref<40x128xi32, #tpu.memory_space<vmem>> -> memref<1x128xi32, #tpu.memory_space<vmem>>
        %dma_wait3A_104 = tpu.memref_squeeze %dma_wait3A_103 : memref<1x128xi32, #tpu.memory_space<vmem>> -> memref<128xi32, #tpu.memory_space<vmem>>
        %dma_wait3A_105 = arith.constant 0 : i32
        %dma_wait3A_106 = arith.constant 0 : i32
        %dma_wait3A_107 = tpu.memref_slice %arg10[%dma_wait3A_105, %dma_wait3A_106] : memref<10240x128xf32, #tpu.memory_space<vmem_shared>> -> memref<10240x128xf32, #tpu.memory_space<vmem_shared>>
        tpu.wait_indirect_dma semaphore(%run_scoped3A_87 : memref<!tpu.dma_semaphore, #tpu.memory_space<semaphore_mem>>) src(%dma_wait3A_101 : memref<128x128xf32, #tpu.memory_space<vmem>>) dst(%dma_wait3A_107 : memref<10240x128xf32, #tpu.memory_space<vmem_shared>>)
        tpu.yield
      }) : () -> ()
      %add3A_59 = arith.constant 2 : i32
      %add3A_60 = arith.addi %add3A_48, %add3A_59 : i32
      %lt3A_61 = arith.constant 40 : i32
      %lt3A_62 = arith.cmpi slt, %add3A_60, %lt3A_61 : i32
      %convert_element_type3A_63 = arith.extui %lt3A_62 : i1 to i32
      %cond3A_64 = arith.constant 0 : i32
      %cond3A_65 = arith.cmpi ne, %convert_element_type3A_63, %cond3A_64 : i32
      scf.if %cond3A_65 {
        %dma_start3A_87 = arith.constant 0 : i32
        %dma_start3A_88 = arith.constant 0 : i32
        %dma_start3A_89 = arith.constant 0 : i32
        %dma_start3A_90 = tpu.memref_slice %arg9[%dma_start3A_87, %dma_start3A_88, %dma_start3A_89] : memref<2x128x128xf32, #tpu.memory_space<vmem>> -> memref<1x128x128xf32, #tpu.memory_space<vmem>>
        %dma_start3A_91 = tpu.memref_squeeze %dma_start3A_90 : memref<1x128x128xf32, #tpu.memory_space<vmem>> -> memref<128x128xf32, #tpu.memory_space<vmem>>
        %dma_start3A_92 = arith.constant 0 : i32
        %dma_start3A_93 = tpu.memref_slice %arg7[%add3A_60, %dma_start3A_92] : memref<40x128xi32, #tpu.memory_space<vmem>> -> memref<1x128xi32, #tpu.memory_space<vmem>>
        %dma_start3A_94 = tpu.memref_squeeze %dma_start3A_93 : memref<1x128xi32, #tpu.memory_space<vmem>> -> memref<128xi32, #tpu.memory_space<vmem>>
        %dma_start3A_95 = arith.constant 0 : i32
        %dma_start3A_96 = arith.constant 0 : i32
        %dma_start3A_97 = tpu.memref_slice %arg2[%dma_start3A_95, %dma_start3A_96] : memref<10000x128xf32, #tpu.memory_space<hbm>> -> memref<10000x128xf32, #tpu.memory_space<hbm>>
        tpu.enqueue_indirect_dma source(%dma_start3A_97 : memref<10000x128xf32, #tpu.memory_space<hbm>>) target(%dma_start3A_91 : memref<128x128xf32, #tpu.memory_space<vmem>>) offsets(%dma_start3A_94 : memref<128xi32, #tpu.memory_space<vmem>>) semaphore(%arg11 : memref<!tpu.dma_semaphore, #tpu.memory_space<semaphore_mem>>)
      } else {
      }
      %add3A_66 = arith.constant 1 : i32
      %add3A_67 = arith.addi %mul3A_46, %add3A_66 : i32
      %dma_wait3A_68 = arith.constant 1 : i32
      %dma_wait3A_69 = arith.constant 0 : i32
      %dma_wait3A_70 = arith.constant 0 : i32
      %dma_wait3A_71 = tpu.memref_slice %arg9[%dma_wait3A_68, %dma_wait3A_69, %dma_wait3A_70] : memref<2x128x128xf32, #tpu.memory_space<vmem>> -> memref<1x128x128xf32, #tpu.memory_space<vmem>>
      %dma_wait3A_72 = tpu.memref_squeeze %dma_wait3A_71 : memref<1x128x128xf32, #tpu.memory_space<vmem>> -> memref<128x128xf32, #tpu.memory_space<vmem>>
      %dma_wait3A_73 = arith.constant 0 : i32
      %dma_wait3A_74 = tpu.memref_slice %arg7[%add3A_67, %dma_wait3A_73] : memref<40x128xi32, #tpu.memory_space<vmem>> -> memref<1x128xi32, #tpu.memory_space<vmem>>
      %dma_wait3A_75 = tpu.memref_squeeze %dma_wait3A_74 : memref<1x128xi32, #tpu.memory_space<vmem>> -> memref<128xi32, #tpu.memory_space<vmem>>
      %dma_wait3A_76 = arith.constant 0 : i32
      %dma_wait3A_77 = arith.constant 0 : i32
      %dma_wait3A_78 = tpu.memref_slice %arg2[%dma_wait3A_76, %dma_wait3A_77] : memref<10000x128xf32, #tpu.memory_space<hbm>> -> memref<10000x128xf32, #tpu.memory_space<hbm>>
      tpu.wait_indirect_dma semaphore(%arg12 : memref<!tpu.dma_semaphore, #tpu.memory_space<semaphore_mem>>) src(%dma_wait3A_78 : memref<10000x128xf32, #tpu.memory_space<hbm>>) dst(%dma_wait3A_72 : memref<128x128xf32, #tpu.memory_space<vmem>>)
      %run_scoped3A_79 = arith.constant 1 : i32
      "tpu.region"() ({
        %run_scoped3A_87 = tpu.sem_alloc : memref<!tpu.dma_semaphore, #tpu.memory_space<semaphore_mem>>
        %dma_start3A_88 = arith.constant 0 : i32
        %dma_start3A_89 = arith.constant 0 : i32
        %dma_start3A_90 = tpu.memref_slice %arg9[%run_scoped3A_79, %dma_start3A_88, %dma_start3A_89] : memref<2x128x128xf32, #tpu.memory_space<vmem>> -> memref<1x128x128xf32, #tpu.memory_space<vmem>>
        %dma_start3A_91 = tpu.memref_squeeze %dma_start3A_90 : memref<1x128x128xf32, #tpu.memory_space<vmem>> -> memref<128x128xf32, #tpu.memory_space<vmem>>
        %dma_start3A_92 = arith.constant 0 : i32
        %dma_start3A_93 = tpu.memref_slice %arg8[%add3A_67, %dma_start3A_92] : memref<40x128xi32, #tpu.memory_space<vmem>> -> memref<1x128xi32, #tpu.memory_space<vmem>>
        %dma_start3A_94 = tpu.memref_squeeze %dma_start3A_93 : memref<1x128xi32, #tpu.memory_space<vmem>> -> memref<128xi32, #tpu.memory_space<vmem>>
        %dma_start3A_95 = arith.constant 0 : i32
        %dma_start3A_96 = arith.constant 0 : i32
        %dma_start3A_97 = tpu.memref_slice %arg10[%dma_start3A_95, %dma_start3A_96] : memref<10240x128xf32, #tpu.memory_space<vmem_shared>> -> memref<10240x128xf32, #tpu.memory_space<vmem_shared>>
        tpu.enqueue_indirect_dma source(%dma_start3A_91 : memref<128x128xf32, #tpu.memory_space<vmem>>) target(%dma_start3A_97 : memref<10240x128xf32, #tpu.memory_space<vmem_shared>>) offsets(%dma_start3A_94 : memref<128xi32, #tpu.memory_space<vmem>>) semaphore(%run_scoped3A_87 : memref<!tpu.dma_semaphore, #tpu.memory_space<semaphore_mem>>) {add = true}
        %dma_wait3A_98 = arith.constant 0 : i32
        %dma_wait3A_99 = arith.constant 0 : i32
        %dma_wait3A_100 = tpu.memref_slice %arg9[%run_scoped3A_79, %dma_wait3A_98, %dma_wait3A_99] : memref<2x128x128xf32, #tpu.memory_space<vmem>> -> memref<1x128x128xf32, #tpu.memory_space<vmem>>
        %dma_wait3A_101 = tpu.memref_squeeze %dma_wait3A_100 : memref<1x128x128xf32, #tpu.memory_space<vmem>> -> memref<128x128xf32, #tpu.memory_space<vmem>>
        %dma_wait3A_102 = arith.constant 0 : i32
        %dma_wait3A_103 = tpu.memref_slice %arg8[%add3A_67, %dma_wait3A_102] : memref<40x128xi32, #tpu.memory_space<vmem>> -> memref<1x128xi32, #tpu.memory_space<vmem>>
        %dma_wait3A_104 = tpu.memref_squeeze %dma_wait3A_103 : memref<1x128xi32, #tpu.memory_space<vmem>> -> memref<128xi32, #tpu.memory_space<vmem>>
        %dma_wait3A_105 = arith.constant 0 : i32
        %dma_wait3A_106 = arith.constant 0 : i32
        %dma_wait3A_107 = tpu.memref_slice %arg10[%dma_wait3A_105, %dma_wait3A_106] : memref<10240x128xf32, #tpu.memory_space<vmem_shared>> -> memref<10240x128xf32, #tpu.memory_space<vmem_shared>>
        tpu.wait_indirect_dma semaphore(%run_scoped3A_87 : memref<!tpu.dma_semaphore, #tpu.memory_space<semaphore_mem>>) src(%dma_wait3A_101 : memref<128x128xf32, #tpu.memory_space<vmem>>) dst(%dma_wait3A_107 : memref<10240x128xf32, #tpu.memory_space<vmem_shared>>)
        tpu.yield
      }) : () -> ()
      %add3A_80 = arith.constant 2 : i32
      %add3A_81 = arith.addi %add3A_67, %add3A_80 : i32
      %lt3A_82 = arith.constant 40 : i32
      %lt3A_83 = arith.cmpi slt, %add3A_81, %lt3A_82 : i32
      %convert_element_type3A_84 = arith.extui %lt3A_83 : i1 to i32
      %cond3A_85 = arith.constant 0 : i32
      %cond3A_86 = arith.cmpi ne, %convert_element_type3A_84, %cond3A_85 : i32
      scf.if %cond3A_86 {
        %dma_start3A_87 = arith.constant 1 : i32
        %dma_start3A_88 = arith.constant 0 : i32
        %dma_start3A_89 = arith.constant 0 : i32
        %dma_start3A_90 = tpu.memref_slice %arg9[%dma_start3A_87, %dma_start3A_88, %dma_start3A_89] : memref<2x128x128xf32, #tpu.memory_space<vmem>> -> memref<1x128x128xf32, #tpu.memory_space<vmem>>
        %dma_start3A_91 = tpu.memref_squeeze %dma_start3A_90 : memref<1x128x128xf32, #tpu.memory_space<vmem>> -> memref<128x128xf32, #tpu.memory_space<vmem>>
        %dma_start3A_92 = arith.constant 0 : i32
        %dma_start3A_93 = tpu.memref_slice %arg7[%add3A_81, %dma_start3A_92] : memref<40x128xi32, #tpu.memory_space<vmem>> -> memref<1x128xi32, #tpu.memory_space<vmem>>
        %dma_start3A_94 = tpu.memref_squeeze %dma_start3A_93 : memref<1x128xi32, #tpu.memory_space<vmem>> -> memref<128xi32, #tpu.memory_space<vmem>>
        %dma_start3A_95 = arith.constant 0 : i32
        %dma_start3A_96 = arith.constant 0 : i32
        %dma_start3A_97 = tpu.memref_slice %arg2[%dma_start3A_95, %dma_start3A_96] : memref<10000x128xf32, #tpu.memory_space<hbm>> -> memref<10000x128xf32, #tpu.memory_space<hbm>>
        tpu.enqueue_indirect_dma source(%dma_start3A_97 : memref<10000x128xf32, #tpu.memory_space<hbm>>) target(%dma_start3A_91 : memref<128x128xf32, #tpu.memory_space<vmem>>) offsets(%dma_start3A_94 : memref<128xi32, #tpu.memory_space<vmem>>) semaphore(%arg12 : memref<!tpu.dma_semaphore, #tpu.memory_space<semaphore_mem>>)
      } else {
      }
    }
    %scan3A_36 = arith.constant 20 : i32
    %barrier3A_37 = arith.constant 0 : index
    tpu.barrier barrier_id(%barrier3A_37)
    %lt3A = arith.constant 15 : i32
    %lt3A_38 = arith.cmpi slt, %arg1, %lt3A : i32
    %convert_element_type3A = arith.extui %lt3A_38 : i1 to i32
    %cond3A = arith.constant 0 : i32
    %cond3A_39 = arith.cmpi ne, %convert_element_type3A, %cond3A : i32
    scf.if %cond3A_39 {
      "tpu.region"() ({
        %run_scoped3A = tpu.sem_alloc : memref<!tpu.dma_semaphore, #tpu.memory_space<semaphore_mem>>
        %dma_start3A_44 = arith.constant 0 : i32
        %dma_start3A_45 = arith.constant 0 : i32
        %dma_start3A_46 = tpu.memref_slice %arg6[%arg0, %dma_start3A_44, %dma_start3A_45] : memref<2x10000x128xf32, #tpu.memory_space<hbm>> -> memref<1x10000x128xf32, #tpu.memory_space<hbm>>
        %dma_start3A_47 = tpu.memref_squeeze %dma_start3A_46 : memref<1x10000x128xf32, #tpu.memory_space<hbm>> -> memref<10000x128xf32, #tpu.memory_space<hbm>>
        %dma_start3A_48 = arith.constant 0 : i32
        %dma_start3A_49 = tpu.memref_slice %dma_start3A_47[%mul3A_0, %dma_start3A_48] : memref<10000x128xf32, #tpu.memory_space<hbm>> -> memref<624x128xf32, #tpu.memory_space<hbm>>
        %dma_start3A_50 = arith.constant 0 : i32
        %dma_start3A_51 = tpu.memref_slice %arg10[%mul3A_0, %dma_start3A_50] : memref<10240x128xf32, #tpu.memory_space<vmem_shared>> -> memref<624x128xf32, #tpu.memory_space<vmem_shared>>
        tpu.enqueue_dma source(%dma_start3A_51 : memref<624x128xf32, #tpu.memory_space<vmem_shared>>) target(%dma_start3A_49 : memref<624x128xf32, #tpu.memory_space<hbm>>) target_semaphore(%run_scoped3A : memref<!tpu.dma_semaphore, #tpu.memory_space<semaphore_mem>>)
        %dma_wait3A = arith.constant 0 : i32
        %dma_wait3A_52 = arith.constant 0 : i32
        %dma_wait3A_53 = tpu.memref_slice %arg6[%arg0, %dma_wait3A, %dma_wait3A_52] : memref<2x10000x128xf32, #tpu.memory_space<hbm>> -> memref<1x10000x128xf32, #tpu.memory_space<hbm>>
        %dma_wait3A_54 = tpu.memref_squeeze %dma_wait3A_53 : memref<1x10000x128xf32, #tpu.memory_space<hbm>> -> memref<10000x128xf32, #tpu.memory_space<hbm>>
        %dma_wait3A_55 = arith.constant 0 : i32
        %dma_wait3A_56 = tpu.memref_slice %dma_wait3A_54[%mul3A_0, %dma_wait3A_55] : memref<10000x128xf32, #tpu.memory_space<hbm>> -> memref<624x128xf32, #tpu.memory_space<hbm>>
        %dma_wait3A_57 = arith.constant 0 : i32
        %dma_wait3A_58 = tpu.memref_slice %arg10[%mul3A_0, %dma_wait3A_57] : memref<10240x128xf32, #tpu.memory_space<vmem_shared>> -> memref<624x128xf32, #tpu.memory_space<vmem_shared>>
        tpu.wait_dma2 semaphore(%run_scoped3A : memref<!tpu.dma_semaphore, #tpu.memory_space<semaphore_mem>>) src(%dma_wait3A_58 : memref<624x128xf32, #tpu.memory_space<vmem_shared>>) dst(%dma_wait3A_56 : memref<624x128xf32, #tpu.memory_space<hbm>>)
        tpu.yield
      }) : () -> ()
    } else {
    }
    %eq3A = arith.constant 15 : i32
    %eq3A_40 = arith.cmpi eq, %arg1, %eq3A : i32
    %convert_element_type3A_41 = arith.extui %eq3A_40 : i1 to i32
    %cond3A_42 = arith.constant 0 : i32
    %cond3A_43 = arith.cmpi ne, %convert_element_type3A_41, %cond3A_42 : i32
    scf.if %cond3A_43 {
      "tpu.region"() ({
        %run_scoped3A = tpu.sem_alloc : memref<!tpu.dma_semaphore, #tpu.memory_space<semaphore_mem>>
        %dma_start3A_44 = arith.constant 0 : i32
        %dma_start3A_45 = arith.constant 0 : i32
        %dma_start3A_46 = tpu.memref_slice %arg6[%arg0, %dma_start3A_44, %dma_start3A_45] : memref<2x10000x128xf32, #tpu.memory_space<hbm>> -> memref<1x10000x128xf32, #tpu.memory_space<hbm>>
        %dma_start3A_47 = tpu.memref_squeeze %dma_start3A_46 : memref<1x10000x128xf32, #tpu.memory_space<hbm>> -> memref<10000x128xf32, #tpu.memory_space<hbm>>
        %dma_start3A_48 = arith.constant 9360 : i32
        %dma_start3A_49 = arith.constant 0 : i32
        %dma_start3A_50 = tpu.memref_slice %dma_start3A_47[%dma_start3A_48, %dma_start3A_49] : memref<10000x128xf32, #tpu.memory_space<hbm>> -> memref<640x128xf32, #tpu.memory_space<hbm>>
        %dma_start3A_51 = arith.constant 9360 : i32
        %dma_start3A_52 = arith.constant 0 : i32
        %dma_start3A_53 = tpu.memref_slice %arg10[%dma_start3A_51, %dma_start3A_52] : memref<10240x128xf32, #tpu.memory_space<vmem_shared>> -> memref<640x128xf32, #tpu.memory_space<vmem_shared>>
        tpu.enqueue_dma source(%dma_start3A_53 : memref<640x128xf32, #tpu.memory_space<vmem_shared>>) target(%dma_start3A_50 : memref<640x128xf32, #tpu.memory_space<hbm>>) target_semaphore(%run_scoped3A : memref<!tpu.dma_semaphore, #tpu.memory_space<semaphore_mem>>)
        %dma_wait3A = arith.constant 0 : i32
        %dma_wait3A_54 = arith.constant 0 : i32
        %dma_wait3A_55 = tpu.memref_slice %arg6[%arg0, %dma_wait3A, %dma_wait3A_54] : memref<2x10000x128xf32, #tpu.memory_space<hbm>> -> memref<1x10000x128xf32, #tpu.memory_space<hbm>>
        %dma_wait3A_56 = tpu.memref_squeeze %dma_wait3A_55 : memref<1x10000x128xf32, #tpu.memory_space<hbm>> -> memref<10000x128xf32, #tpu.memory_space<hbm>>
        %dma_wait3A_57 = arith.constant 9360 : i32
        %dma_wait3A_58 = arith.constant 0 : i32
        %dma_wait3A_59 = tpu.memref_slice %dma_wait3A_56[%dma_wait3A_57, %dma_wait3A_58] : memref<10000x128xf32, #tpu.memory_space<hbm>> -> memref<640x128xf32, #tpu.memory_space<hbm>>
        %dma_wait3A_60 = arith.constant 9360 : i32
        %dma_wait3A_61 = arith.constant 0 : i32
        %dma_wait3A_62 = tpu.memref_slice %arg10[%dma_wait3A_60, %dma_wait3A_61] : memref<10240x128xf32, #tpu.memory_space<vmem_shared>> -> memref<640x128xf32, #tpu.memory_space<vmem_shared>>
        tpu.wait_dma2 semaphore(%run_scoped3A : memref<!tpu.dma_semaphore, #tpu.memory_space<semaphore_mem>>) src(%dma_wait3A_62 : memref<640x128xf32, #tpu.memory_space<vmem_shared>>) dst(%dma_wait3A_59 : memref<640x128xf32, #tpu.memory_space<hbm>>)
        tpu.yield
      }) : () -> ()
    } else {
    }
    return
  }
}

module attributes {stable_mosaic.version = 14 : i64} {
  func.func @_tca_body(%arg0: i32, %arg1: memref<1000x2020xf32, #tpu.memory_space<vmem>>, %arg2: memref<2020x20xf32, #tpu.memory_space<vmem>>, %arg3: memref<2020x128xf32, #tpu.memory_space<vmem>>, %arg4: memref<2020x128xf32, #tpu.memory_space<vmem>>, %arg5: memref<2x1000x128xf32, #tpu.memory_space<vmem>>, %arg6: memref<1000x20xf32, #tpu.memory_space<vmem>>, %arg7: memref<1000x128xf32, #tpu.memory_space<vmem>>, %arg8: memref<1000x128xf32, #tpu.memory_space<vmem>>, %arg9: memref<1000x1xf32, #tpu.memory_space<vmem>>) attributes {dimension_semantics = [#tpu.dimension_semantics<arbitrary>], iteration_bounds = array<i64: 10>, scalar_prefetch = 0 : i64, scratch_operands = 0 : i64, tpu.core_type = #tpu.core_type<tc>, window_params = [{transform_indices = @transform_0, window_bounds = array<i64: 1000, 2020>}, {pipeline_mode = #tpu.pipeline_mode<synchronous>, transform_indices = @transform_1, window_bounds = array<i64: 2020, 20>}, {pipeline_mode = #tpu.pipeline_mode<synchronous>, transform_indices = @transform_2, window_bounds = array<i64: 2020, 128>}, {pipeline_mode = #tpu.pipeline_mode<synchronous>, transform_indices = @transform_3, window_bounds = array<i64: 2020, 128>}, {transform_indices = @transform_4, window_bounds = array<i64: 2, 1000, 128>}, {transform_indices = @transform_5, window_bounds = array<i64: 1000, 20>}, {transform_indices = @transform_6, window_bounds = array<i64: 1000, 128>}, {transform_indices = @transform_7, window_bounds = array<i64: 1000, 128>}, {transform_indices = @transform_8, window_bounds = array<i64: 1000, 1>}]} {
    %get3A = arith.constant 0 : index
    %get3A_0 = arith.constant 0 : index
    %get3A_1 = vector.load %arg1[%get3A, %get3A_0] : memref<1000x2020xf32, #tpu.memory_space<vmem>>, vector<1000x2020xf32>
    %get3A_2 = arith.constant 0 : index
    %get3A_3 = arith.constant 0 : index
    %get3A_4 = arith.constant 0 : index
    %get3A_5 = vector.load %arg5[%get3A_2, %get3A_3, %get3A_4] : memref<2x1000x128xf32, #tpu.memory_space<vmem>>, vector<2x1000x128xf32>
    %slice3A = vector.extract_strided_slice %get3A_5 {offsets = [0, 0, 0], sizes = [1, 1000, 1], strides = [1, 1, 1]} : vector<2x1000x128xf32> to vector<1x1000x1xf32>
    %squeeze3A = vector.shape_cast %slice3A : vector<1x1000x1xf32> to vector<1000xf32>
    %get3A_6 = arith.constant 0 : index
    %get3A_7 = arith.constant 0 : index
    %get3A_8 = arith.constant 0 : index
    %get3A_9 = vector.load %arg5[%get3A_6, %get3A_7, %get3A_8] : memref<2x1000x128xf32, #tpu.memory_space<vmem>>, vector<2x1000x128xf32>
    %slice3A_10 = vector.extract_strided_slice %get3A_9 {offsets = [1, 0, 0], sizes = [1, 1000, 1], strides = [1, 1, 1]} : vector<2x1000x128xf32> to vector<1x1000x1xf32>
    %squeeze3A_11 = vector.shape_cast %slice3A_10 : vector<1x1000x1xf32> to vector<1000xf32>
    %add3A = arith.addf %squeeze3A, %squeeze3A_11 : vector<1000xf32>
    %gt3A = arith.constant 0.000000e+00 : f32
    %gt3A_12 = vector.broadcast %gt3A : f32 to vector<1000xf32>
    %gt3A_13 = arith.cmpf ogt, %add3A, %gt3A_12 : vector<1000xf32>
    %max3A = arith.constant 9.99999996E-13 : f32
    %max3A_14 = vector.broadcast %max3A : f32 to vector<1000xf32>
    %max3A_15 = arith.maximumf %add3A, %max3A_14 : vector<1000xf32>
    %rsqrt3A = math.rsqrt %max3A_15 : vector<1000xf32>
    %jit3A = arith.constant 0.000000e+00 : f32
    %broadcast_in_dim3A = vector.broadcast %jit3A : f32 to vector<1000xf32>
    %select_n3A = arith.select %gt3A_13, %rsqrt3A, %broadcast_in_dim3A : vector<1000xi1>, vector<1000xf32>
    %broadcast_in_dim3A_16 = vector.shape_cast %select_n3A : vector<1000xf32> to vector<1000x1xf32>
    %get3A_17 = arith.constant 0 : index
    %get3A_18 = arith.constant 0 : index
    %get3A_19 = vector.load %arg2[%get3A_17, %get3A_18] : memref<2020x20xf32, #tpu.memory_space<vmem>>, vector<2020x20xf32>
    %dot_general3A = arith.constant dense<0.000000e+00> : vector<1000x20xf32>
    %dot_general3A_20 = tpu.matmul %get3A_1, %get3A_19, %dot_general3A {dimension_numbers = #tpu.dot_dimension_numbers<[1], [0], [0], [1], [0, 0, 1, 1], [], []>, transpose_lhs_hint = false} : vector<1000x2020xf32>, vector<2020x20xf32>, vector<1000x20xf32> -> vector<1000x20xf32>
    %swap3A = arith.constant 0 : index
    %swap3A_21 = arith.constant 0 : index
    %swap3A_22 = vector.load %arg6[%swap3A, %swap3A_21] : memref<1000x20xf32, #tpu.memory_space<vmem>>, vector<1000x20xf32>
    tpu.vector_store %arg6[%swap3A, %swap3A_21], %dot_general3A_20 {strides = array<i32>} : memref<1000x20xf32, #tpu.memory_space<vmem>>, vector<1000x20xf32>,
    %get3A_23 = arith.constant 0 : index
    %get3A_24 = arith.constant 0 : index
    %get3A_25 = vector.load %arg3[%get3A_23, %get3A_24] : memref<2020x128xf32, #tpu.memory_space<vmem>>, vector<2020x128xf32>
    %dot_general3A_26 = arith.constant dense<0.000000e+00> : vector<1000x128xf32>
    %dot_general3A_27 = tpu.matmul %get3A_1, %get3A_25, %dot_general3A_26 {dimension_numbers = #tpu.dot_dimension_numbers<[1], [0], [0], [1], [0, 0, 1, 1], [], []>, transpose_lhs_hint = false} : vector<1000x2020xf32>, vector<2020x128xf32>, vector<1000x128xf32> -> vector<1000x128xf32>
    %swap3A_28 = arith.constant 0 : index
    %swap3A_29 = arith.constant 0 : index
    %swap3A_30 = vector.load %arg7[%swap3A_28, %swap3A_29] : memref<1000x128xf32, #tpu.memory_space<vmem>>, vector<1000x128xf32>
    tpu.vector_store %arg7[%swap3A_28, %swap3A_29], %dot_general3A_27 {strides = array<i32>} : memref<1000x128xf32, #tpu.memory_space<vmem>>, vector<1000x128xf32>,
    %get3A_31 = arith.constant 0 : index
    %get3A_32 = arith.constant 0 : index
    %get3A_33 = vector.load %arg4[%get3A_31, %get3A_32] : memref<2020x128xf32, #tpu.memory_space<vmem>>, vector<2020x128xf32>
    %dot_general3A_34 = arith.constant dense<0.000000e+00> : vector<1000x128xf32>
    %dot_general3A_35 = tpu.matmul %get3A_1, %get3A_33, %dot_general3A_34 {dimension_numbers = #tpu.dot_dimension_numbers<[1], [0], [0], [1], [0, 0, 1, 1], [], []>, transpose_lhs_hint = false} : vector<1000x2020xf32>, vector<2020x128xf32>, vector<1000x128xf32> -> vector<1000x128xf32>
    %mul3A = vector.broadcast %broadcast_in_dim3A_16 : vector<1000x1xf32> to vector<1000x128xf32>
    %mul3A_36 = arith.mulf %mul3A, %dot_general3A_35 : vector<1000x128xf32>
    %swap3A_37 = arith.constant 0 : index
    %swap3A_38 = arith.constant 0 : index
    %swap3A_39 = vector.load %arg8[%swap3A_37, %swap3A_38] : memref<1000x128xf32, #tpu.memory_space<vmem>>, vector<1000x128xf32>
    tpu.vector_store %arg8[%swap3A_37, %swap3A_38], %mul3A_36 {strides = array<i32>} : memref<1000x128xf32, #tpu.memory_space<vmem>>, vector<1000x128xf32>,
    %swap3A_40 = arith.constant 0 : index
    %swap3A_41 = arith.constant 0 : index
    %swap3A_42 = vector.load %arg9[%swap3A_40, %swap3A_41] : memref<1000x1xf32, #tpu.memory_space<vmem>>, vector<1000x1xf32>
    tpu.vector_store %arg9[%swap3A_40, %swap3A_41], %broadcast_in_dim3A_16 {strides = array<i32>} : memref<1000x1xf32, #tpu.memory_space<vmem>>, vector<1000x1xf32>,
    return
  }
  func.func @transform_0(%arg0: i32) -> (i32, i32) {
    %c0_i32 = arith.constant 0 : i32
    %c0_i32_0 = arith.constant 0 : i32
    return %arg0, %c0_i32 : i32, i32
  }
  func.func @transform_1(%arg0: i32) -> (i32, i32) {
    %c0_i32 = arith.constant 0 : i32
    %c0_i32_0 = arith.constant 0 : i32
    %c0_i32_1 = arith.constant 0 : i32
    return %c0_i32, %c0_i32_0 : i32, i32
  }
  func.func @transform_2(%arg0: i32) -> (i32, i32) {
    %c0_i32 = arith.constant 0 : i32
    %c0_i32_0 = arith.constant 0 : i32
    %c0_i32_1 = arith.constant 0 : i32
    return %c0_i32, %c0_i32_0 : i32, i32
  }
  func.func @transform_3(%arg0: i32) -> (i32, i32) {
    %c0_i32 = arith.constant 0 : i32
    %c0_i32_0 = arith.constant 0 : i32
    %c0_i32_1 = arith.constant 0 : i32
    return %c0_i32, %c0_i32_0 : i32, i32
  }
  func.func @transform_4(%arg0: i32) -> (i32, i32, i32) {
    %c0_i32 = arith.constant 0 : i32
    %c0_i32_0 = arith.constant 0 : i32
    %c0_i32_1 = arith.constant 0 : i32
    return %c0_i32, %arg0, %c0_i32_0 : i32, i32, i32
  }
  func.func @transform_5(%arg0: i32) -> (i32, i32) {
    %c0_i32 = arith.constant 0 : i32
    %c0_i32_0 = arith.constant 0 : i32
    return %arg0, %c0_i32 : i32, i32
  }
  func.func @transform_6(%arg0: i32) -> (i32, i32) {
    %c0_i32 = arith.constant 0 : i32
    %c0_i32_0 = arith.constant 0 : i32
    return %arg0, %c0_i32 : i32, i32
  }
  func.func @transform_7(%arg0: i32) -> (i32, i32) {
    %c0_i32 = arith.constant 0 : i32
    %c0_i32_0 = arith.constant 0 : i32
    return %arg0, %c0_i32 : i32, i32
  }
  func.func @transform_8(%arg0: i32) -> (i32, i32) {
    %c0_i32 = arith.constant 0 : i32
    %c0_i32_0 = arith.constant 0 : i32
    return %arg0, %c0_i32 : i32, i32
  }
}

module attributes {stable_mosaic.version = 14 : i64} {
  func.func @_tcb_body(%arg0: i32, %arg1: memref<2x1000x128xf32, #tpu.memory_space<vmem>>, %arg2: memref<1000x1xf32, #tpu.memory_space<vmem>>, %arg3: memref<1000x128xf32, #tpu.memory_space<vmem>>, %arg4: memref<1000x128xf32, #tpu.memory_space<vmem>>) attributes {dimension_semantics = [#tpu.dimension_semantics<arbitrary>], iteration_bounds = array<i64: 10>, scalar_prefetch = 0 : i64, scratch_operands = 0 : i64, tpu.core_type = #tpu.core_type<tc>, window_params = [{transform_indices = @transform_0, window_bounds = array<i64: 2, 1000, 128>}, {transform_indices = @transform_1, window_bounds = array<i64: 1000, 1>}, {transform_indices = @transform_2, window_bounds = array<i64: 1000, 128>}, {transform_indices = @transform_3, window_bounds = array<i64: 1000, 128>}]} {
    %get3A = arith.constant 0 : index
    %get3A_0 = arith.constant 0 : index
    %get3A_1 = vector.load %arg2[%get3A, %get3A_0] : memref<1000x1xf32, #tpu.memory_space<vmem>>, vector<1000x1xf32>
    %get3A_2 = arith.constant 0 : index
    %get3A_3 = arith.constant 0 : index
    %get3A_4 = arith.constant 0 : index
    %get3A_5 = vector.load %arg1[%get3A_2, %get3A_3, %get3A_4] : memref<2x1000x128xf32, #tpu.memory_space<vmem>>, vector<2x1000x128xf32>
    %slice3A = vector.extract_strided_slice %get3A_5 {offsets = [0, 0, 0], sizes = [1, 1000, 128], strides = [1, 1, 1]} : vector<2x1000x128xf32> to vector<1x1000x128xf32>
    %squeeze3A = vector.shape_cast %slice3A : vector<1x1000x128xf32> to vector<1000x128xf32>
    %get3A_6 = arith.constant 0 : index
    %get3A_7 = arith.constant 0 : index
    %get3A_8 = arith.constant 0 : index
    %get3A_9 = vector.load %arg1[%get3A_6, %get3A_7, %get3A_8] : memref<2x1000x128xf32, #tpu.memory_space<vmem>>, vector<2x1000x128xf32>
    %slice3A_10 = vector.extract_strided_slice %get3A_9 {offsets = [1, 0, 0], sizes = [1, 1000, 128], strides = [1, 1, 1]} : vector<2x1000x128xf32> to vector<1x1000x128xf32>
    %squeeze3A_11 = vector.shape_cast %slice3A_10 : vector<1x1000x128xf32> to vector<1000x128xf32>
    %add3A = arith.addf %squeeze3A, %squeeze3A_11 : vector<1000x128xf32>
    %get3A_12 = arith.constant 0 : index
    %get3A_13 = arith.constant 0 : index
    %get3A_14 = vector.load %arg3[%get3A_12, %get3A_13] : memref<1000x128xf32, #tpu.memory_space<vmem>>, vector<1000x128xf32>
    %mul3A = vector.broadcast %get3A_1 : vector<1000x1xf32> to vector<1000x128xf32>
    %mul3A_15 = arith.mulf %mul3A, %get3A_14 : vector<1000x128xf32>
    %mul3A_16 = arith.mulf %get3A_1, %get3A_1 : vector<1000x1xf32>
    %mul3A_17 = arith.constant 2.000000e+00 : f32
    %mul3A_18 = vector.broadcast %mul3A_17 : f32 to vector<1000x1xf32>
    %mul3A_19 = arith.mulf %mul3A_18, %mul3A_16 : vector<1000x1xf32>
    %mul3A_20 = vector.broadcast %mul3A_19 : vector<1000x1xf32> to vector<1000x128xf32>
    %mul3A_21 = arith.mulf %mul3A_20, %add3A : vector<1000x128xf32>
    %sub3A = arith.subf %mul3A_15, %mul3A_21 : vector<1000x128xf32>
    %swap3A = arith.constant 0 : index
    %swap3A_22 = arith.constant 0 : index
    %swap3A_23 = vector.load %arg4[%swap3A, %swap3A_22] : memref<1000x128xf32, #tpu.memory_space<vmem>>, vector<1000x128xf32>
    tpu.vector_store %arg4[%swap3A, %swap3A_22], %sub3A {strides = array<i32>} : memref<1000x128xf32, #tpu.memory_space<vmem>>, vector<1000x128xf32>,
    return
  }
  func.func @transform_0(%arg0: i32) -> (i32, i32, i32) {
    %c0_i32 = arith.constant 0 : i32
    %c0_i32_0 = arith.constant 0 : i32
    %c0_i32_1 = arith.constant 0 : i32
    return %c0_i32, %arg0, %c0_i32_0 : i32, i32, i32
  }
  func.func @transform_1(%arg0: i32) -> (i32, i32) {
    %c0_i32 = arith.constant 0 : i32
    %c0_i32_0 = arith.constant 0 : i32
    return %arg0, %c0_i32 : i32, i32
  }
  func.func @transform_2(%arg0: i32) -> (i32, i32) {
    %c0_i32 = arith.constant 0 : i32
    %c0_i32_0 = arith.constant 0 : i32
    return %arg0, %c0_i32 : i32, i32
  }
  func.func @transform_3(%arg0: i32) -> (i32, i32) {
    %c0_i32 = arith.constant 0 : i32
    %c0_i32_0 = arith.constant 0 : i32
    return %arg0, %c0_i32 : i32, i32
  }
}

module attributes {stable_mosaic.version = 14 : i64} {
  func.func @_tcc_body(%arg0: i32, %arg1: memref<2x1000x128xf32, #tpu.memory_space<vmem>>, %arg2: memref<1000x1xf32, #tpu.memory_space<vmem>>, %arg3: memref<1000x20xf32, #tpu.memory_space<vmem>>, %arg4: memref<1x20xf32, #tpu.memory_space<vmem>>, %arg5: memref<1x20xf32, #tpu.memory_space<vmem>>, %arg6: memref<1x20xf32, #tpu.memory_space<vmem>>, %arg7: memref<1000x20xf32, #tpu.memory_space<vmem>>, %arg8: memref<1000x20xf32, #tpu.memory_space<vmem>>, %arg9: memref<1x4xf32, #tpu.memory_space<vmem>>, %arg10: memref<20x20xf32, #tpu.memory_space<vmem>>, %arg11: memref<20x128xf32, #tpu.memory_space<vmem>>, %arg12: memref<20x128xf32, #tpu.memory_space<vmem>>, %arg13: memref<1000x20xf32, #tpu.memory_space<vmem>>, %arg14: memref<1000x20xf32, #tpu.memory_space<vmem>>, %arg15: memref<1000x20xf32, #tpu.memory_space<vmem>>, %arg16: memref<1000x128xf32, #tpu.memory_space<vmem>>, %arg17: memref<1000x128xf32, #tpu.memory_space<vmem>>) attributes {dimension_semantics = [#tpu.dimension_semantics<arbitrary>], iteration_bounds = array<i64: 10>, scalar_prefetch = 0 : i64, scratch_operands = 0 : i64, tpu.core_type = #tpu.core_type<tc>, window_params = [{transform_indices = @transform_0, window_bounds = array<i64: 2, 1000, 128>}, {transform_indices = @transform_1, window_bounds = array<i64: 1000, 1>}, {transform_indices = @transform_2, window_bounds = array<i64: 1000, 20>}, {pipeline_mode = #tpu.pipeline_mode<synchronous>, transform_indices = @transform_3, window_bounds = array<i64: 1, 20>}, {pipeline_mode = #tpu.pipeline_mode<synchronous>, transform_indices = @transform_4, window_bounds = array<i64: 1, 20>}, {pipeline_mode = #tpu.pipeline_mode<synchronous>, transform_indices = @transform_5, window_bounds = array<i64: 1, 20>}, {transform_indices = @transform_6, window_bounds = array<i64: 1000, 20>}, {transform_indices = @transform_7, window_bounds = array<i64: 1000, 20>}, {pipeline_mode = #tpu.pipeline_mode<synchronous>, transform_indices = @transform_8, window_bounds = array<i64: 1, 4>}, {pipeline_mode = #tpu.pipeline_mode<synchronous>, transform_indices = @transform_9, window_bounds = array<i64: 20, 20>}, {pipeline_mode = #tpu.pipeline_mode<synchronous>, transform_indices = @transform_10, window_bounds = array<i64: 20, 128>}, {pipeline_mode = #tpu.pipeline_mode<synchronous>, transform_indices = @transform_11, window_bounds = array<i64: 20, 128>}, {transform_indices = @transform_12, window_bounds = array<i64: 1000, 20>}, {transform_indices = @transform_13, window_bounds = array<i64: 1000, 20>}, {transform_indices = @transform_14, window_bounds = array<i64: 1000, 20>}, {transform_indices = @transform_15, window_bounds = array<i64: 1000, 128>}, {transform_indices = @transform_16, window_bounds = array<i64: 1000, 128>}]} {
    %get3A = arith.constant 0 : index
    %get3A_0 = arith.constant 0 : index
    %get3A_1 = vector.load %arg2[%get3A, %get3A_0] : memref<1000x1xf32, #tpu.memory_space<vmem>>, vector<1000x1xf32>
    %get3A_2 = arith.constant 0 : index
    %get3A_3 = arith.constant 0 : index
    %get3A_4 = arith.constant 0 : index
    %get3A_5 = vector.load %arg1[%get3A_2, %get3A_3, %get3A_4] : memref<2x1000x128xf32, #tpu.memory_space<vmem>>, vector<2x1000x128xf32>
    %slice3A = vector.extract_strided_slice %get3A_5 {offsets = [0, 0, 0], sizes = [1, 1000, 128], strides = [1, 1, 1]} : vector<2x1000x128xf32> to vector<1x1000x128xf32>
    %squeeze3A = vector.shape_cast %slice3A : vector<1x1000x128xf32> to vector<1000x128xf32>
    %get3A_6 = arith.constant 0 : index
    %get3A_7 = arith.constant 0 : index
    %get3A_8 = arith.constant 0 : index
    %get3A_9 = vector.load %arg1[%get3A_6, %get3A_7, %get3A_8] : memref<2x1000x128xf32, #tpu.memory_space<vmem>>, vector<2x1000x128xf32>
    %slice3A_10 = vector.extract_strided_slice %get3A_9 {offsets = [1, 0, 0], sizes = [1, 1000, 128], strides = [1, 1, 1]} : vector<2x1000x128xf32> to vector<1x1000x128xf32>
    %squeeze3A_11 = vector.shape_cast %slice3A_10 : vector<1x1000x128xf32> to vector<1000x128xf32>
    %add3A = arith.addf %squeeze3A, %squeeze3A_11 : vector<1000x128xf32>
    %get3A_12 = arith.constant 0 : index
    %get3A_13 = arith.constant 0 : index
    %get3A_14 = vector.load %arg3[%get3A_12, %get3A_13] : memref<1000x20xf32, #tpu.memory_space<vmem>>, vector<1000x20xf32>
    %slice3A_15 = vector.extract_strided_slice %add3A {offsets = [0, 0], sizes = [1000, 20], strides = [1, 1]} : vector<1000x128xf32> to vector<1000x20xf32>
    %mul3A = vector.broadcast %get3A_1 : vector<1000x1xf32> to vector<1000x20xf32>
    %mul3A_16 = arith.mulf %mul3A, %slice3A_15 : vector<1000x20xf32>
    %sub3A = arith.subf %get3A_14, %mul3A_16 : vector<1000x20xf32>
    %get3A_17 = arith.constant 0 : index
    %get3A_18 = arith.constant 0 : index
    %get3A_19 = vector.load %arg4[%get3A_17, %get3A_18] : memref<1x20xf32, #tpu.memory_space<vmem>>, vector<1x20xf32>
    %squeeze3A_20 = vector.shape_cast %get3A_19 : vector<1x20xf32> to vector<20xf32>
    %broadcast_in_dim3A = vector.shape_cast %squeeze3A_20 : vector<20xf32> to vector<1x20xf32>
    %add3A_21 = vector.broadcast %broadcast_in_dim3A : vector<1x20xf32> to vector<1000x20xf32>
    %add3A_22 = arith.addf %sub3A, %add3A_21 : vector<1000x20xf32>
    %sqrt3A = arith.constant 1.000010e+00 : f32
    %sqrt3A_23 = math.sqrt %sqrt3A : f32
    %div3A = arith.constant 1.000000e+00 : f32
    %div3A_24 = arith.divf %div3A, %sqrt3A_23 : f32
    %mul3A_25 = vector.broadcast %div3A_24 : f32 to vector<1000x20xf32>
    %mul3A_26 = arith.mulf %add3A_22, %mul3A_25 : vector<1000x20xf32>
    %get3A_27 = arith.constant 0 : index
    %get3A_28 = arith.constant 0 : index
    %get3A_29 = vector.load %arg5[%get3A_27, %get3A_28] : memref<1x20xf32, #tpu.memory_space<vmem>>, vector<1x20xf32>
    %squeeze3A_30 = vector.shape_cast %get3A_29 : vector<1x20xf32> to vector<20xf32>
    %broadcast_in_dim3A_31 = vector.shape_cast %squeeze3A_30 : vector<20xf32> to vector<1x20xf32>
    %mul3A_32 = vector.broadcast %broadcast_in_dim3A_31 : vector<1x20xf32> to vector<1000x20xf32>
    %mul3A_33 = arith.mulf %mul3A_26, %mul3A_32 : vector<1000x20xf32>
    %get3A_34 = arith.constant 0 : index
    %get3A_35 = arith.constant 0 : index
    %get3A_36 = vector.load %arg6[%get3A_34, %get3A_35] : memref<1x20xf32, #tpu.memory_space<vmem>>, vector<1x20xf32>
    %squeeze3A_37 = vector.shape_cast %get3A_36 : vector<1x20xf32> to vector<20xf32>
    %broadcast_in_dim3A_38 = vector.shape_cast %squeeze3A_37 : vector<20xf32> to vector<1x20xf32>
    %add3A_39 = vector.broadcast %broadcast_in_dim3A_38 : vector<1x20xf32> to vector<1000x20xf32>
    %add3A_40 = arith.addf %mul3A_33, %add3A_39 : vector<1000x20xf32>
    %max3A = arith.constant 0.000000e+00 : f32
    %max3A_41 = vector.broadcast %max3A : f32 to vector<1000x20xf32>
    %max3A_42 = arith.maximumf %add3A_40, %max3A_41 : vector<1000x20xf32>
    %swap3A = arith.constant 0 : index
    %swap3A_43 = arith.constant 0 : index
    %swap3A_44 = vector.load %arg13[%swap3A, %swap3A_43] : memref<1000x20xf32, #tpu.memory_space<vmem>>, vector<1000x20xf32>
    tpu.vector_store %arg13[%swap3A, %swap3A_43], %max3A_42 {strides = array<i32>} : memref<1000x20xf32, #tpu.memory_space<vmem>>, vector<1000x20xf32>,
    %get3A_45 = arith.constant 0 : index
    %get3A_46 = arith.constant 0 : index
    %get3A_47 = vector.load %arg9[%get3A_45, %get3A_46] : memref<1x4xf32, #tpu.memory_space<vmem>>, vector<1x4xf32>
    %squeeze3A_48 = vector.shape_cast %get3A_47 : vector<1x4xf32> to vector<4xf32>
    %reduce_max3A = vector.shape_cast %squeeze3A_48 : vector<4xf32> to vector<1x4xf32>
    %reduce_max3A_49 = arith.constant dense<0xFF800000> : vector<1xf32>
    %reduce_max3A_50 = vector.multi_reduction <maximumf>, %reduce_max3A, %reduce_max3A_49 [1] : vector<1x4xf32> to vector<1xf32>
    %reduce_max3A_51 = vector.shape_cast %reduce_max3A_50 : vector<1xf32> to vector<1x1xf32>
    %reduce_max3A_52 = vector.extract %reduce_max3A_51[0, 0] : f32 from vector<1x1xf32>
    %max3A_53 = arith.constant 0xFF800000 : f32
    %max3A_54 = arith.maximumf %max3A_53, %reduce_max3A_52 : f32
    %broadcast_in_dim3A_55 = vector.broadcast %max3A_54 : f32 to vector<1xf32>
    %sub3A_56 = vector.broadcast %broadcast_in_dim3A_55 : vector<1xf32> to vector<4xf32>
    %sub3A_57 = arith.subf %squeeze3A_48, %sub3A_56 : vector<4xf32>
    %exp3A = math.exp %sub3A_57 : vector<4xf32>
    %reduce_sum3A = vector.shape_cast %exp3A : vector<4xf32> to vector<1x4xf32>
    %reduce_sum3A_58 = arith.constant dense<0.000000e+00> : vector<1xf32>
    %reduce_sum3A_59 = vector.multi_reduction <add>, %reduce_sum3A, %reduce_sum3A_58 [1] : vector<1x4xf32> to vector<1xf32>
    %reduce_sum3A_60 = vector.shape_cast %reduce_sum3A_59 : vector<1xf32> to vector<1x1xf32>
    %reduce_sum3A_61 = vector.extract %reduce_sum3A_60[0, 0] : f32 from vector<1x1xf32>
    %broadcast_in_dim3A_62 = vector.broadcast %reduce_sum3A_61 : f32 to vector<1xf32>
    %div3A_63 = vector.broadcast %broadcast_in_dim3A_62 : vector<1xf32> to vector<4xf32>
    %div3A_64 = arith.divf %exp3A, %div3A_63 : vector<4xf32>
    %slice3A_65 = vector.extract_strided_slice %div3A_64 {offsets = [0], sizes = [1], strides = [1]} : vector<4xf32> to vector<1xf32>
    %squeeze3A_66 = vector.extract %slice3A_65[0] : f32 from vector<1xf32>
    %mul3A_67 = vector.broadcast %squeeze3A_66 : f32 to vector<1000x20xf32>
    %mul3A_68 = arith.mulf %mul3A_67, %max3A_42 : vector<1000x20xf32>
    %swap3A_69 = arith.constant 0 : index
    %swap3A_70 = arith.constant 0 : index
    %swap3A_71 = vector.load %arg14[%swap3A_69, %swap3A_70] : memref<1000x20xf32, #tpu.memory_space<vmem>>, vector<1000x20xf32>
    tpu.vector_store %arg14[%swap3A_69, %swap3A_70], %mul3A_68 {strides = array<i32>} : memref<1000x20xf32, #tpu.memory_space<vmem>>, vector<1000x20xf32>,
    %get3A_72 = arith.constant 0 : index
    %get3A_73 = arith.constant 0 : index
    %get3A_74 = vector.load %arg10[%get3A_72, %get3A_73] : memref<20x20xf32, #tpu.memory_space<vmem>>, vector<20x20xf32>
    %dot_general3A = arith.constant dense<0.000000e+00> : vector<1000x20xf32>
    %dot_general3A_75 = tpu.matmul %max3A_42, %get3A_74, %dot_general3A {dimension_numbers = #tpu.dot_dimension_numbers<[1], [0], [0], [1], [0, 0, 1, 1], [], []>, transpose_lhs_hint = false} : vector<1000x20xf32>, vector<20x20xf32>, vector<1000x20xf32> -> vector<1000x20xf32>
    %swap3A_76 = arith.constant 0 : index
    %swap3A_77 = arith.constant 0 : index
    %swap3A_78 = vector.load %arg15[%swap3A_76, %swap3A_77] : memref<1000x20xf32, #tpu.memory_space<vmem>>, vector<1000x20xf32>
    tpu.vector_store %arg15[%swap3A_76, %swap3A_77], %dot_general3A_75 {strides = array<i32>} : memref<1000x20xf32, #tpu.memory_space<vmem>>, vector<1000x20xf32>,
    %get3A_79 = arith.constant 0 : index
    %get3A_80 = arith.constant 0 : index
    %get3A_81 = vector.load %arg11[%get3A_79, %get3A_80] : memref<20x128xf32, #tpu.memory_space<vmem>>, vector<20x128xf32>
    %dot_general3A_82 = arith.constant dense<0.000000e+00> : vector<1000x128xf32>
    %dot_general3A_83 = tpu.matmul %max3A_42, %get3A_81, %dot_general3A_82 {dimension_numbers = #tpu.dot_dimension_numbers<[1], [0], [0], [1], [0, 0, 1, 1], [], []>, transpose_lhs_hint = false} : vector<1000x20xf32>, vector<20x128xf32>, vector<1000x128xf32> -> vector<1000x128xf32>
    %swap3A_84 = arith.constant 0 : index
    %swap3A_85 = arith.constant 0 : index
    %swap3A_86 = vector.load %arg16[%swap3A_84, %swap3A_85] : memref<1000x128xf32, #tpu.memory_space<vmem>>, vector<1000x128xf32>
    tpu.vector_store %arg16[%swap3A_84, %swap3A_85], %dot_general3A_83 {strides = array<i32>} : memref<1000x128xf32, #tpu.memory_space<vmem>>, vector<1000x128xf32>,
    %get3A_87 = arith.constant 0 : index
    %get3A_88 = arith.constant 0 : index
    %get3A_89 = vector.load %arg12[%get3A_87, %get3A_88] : memref<20x128xf32, #tpu.memory_space<vmem>>, vector<20x128xf32>
    %dot_general3A_90 = arith.constant dense<0.000000e+00> : vector<1000x128xf32>
    %dot_general3A_91 = tpu.matmul %max3A_42, %get3A_89, %dot_general3A_90 {dimension_numbers = #tpu.dot_dimension_numbers<[1], [0], [0], [1], [0, 0, 1, 1], [], []>, transpose_lhs_hint = false} : vector<1000x20xf32>, vector<20x128xf32>, vector<1000x128xf32> -> vector<1000x128xf32>
    %mul3A_92 = vector.broadcast %get3A_1 : vector<1000x1xf32> to vector<1000x128xf32>
    %mul3A_93 = arith.mulf %mul3A_92, %dot_general3A_91 : vector<1000x128xf32>
    %swap3A_94 = arith.constant 0 : index
    %swap3A_95 = arith.constant 0 : index
    %swap3A_96 = vector.load %arg17[%swap3A_94, %swap3A_95] : memref<1000x128xf32, #tpu.memory_space<vmem>>, vector<1000x128xf32>
    tpu.vector_store %arg17[%swap3A_94, %swap3A_95], %mul3A_93 {strides = array<i32>} : memref<1000x128xf32, #tpu.memory_space<vmem>>, vector<1000x128xf32>,
    return
  }
  func.func @transform_0(%arg0: i32) -> (i32, i32, i32) {
    %c0_i32 = arith.constant 0 : i32
    %c0_i32_0 = arith.constant 0 : i32
    %c0_i32_1 = arith.constant 0 : i32
    return %c0_i32, %arg0, %c0_i32_0 : i32, i32, i32
  }
  func.func @transform_1(%arg0: i32) -> (i32, i32) {
    %c0_i32 = arith.constant 0 : i32
    %c0_i32_0 = arith.constant 0 : i32
    return %arg0, %c0_i32 : i32, i32
  }
  func.func @transform_2(%arg0: i32) -> (i32, i32) {
    %c0_i32 = arith.constant 0 : i32
    %c0_i32_0 = arith.constant 0 : i32
    return %arg0, %c0_i32 : i32, i32
  }
  func.func @transform_3(%arg0: i32) -> (i32, i32) {
    %c0_i32 = arith.constant 0 : i32
    %c0_i32_0 = arith.constant 0 : i32
    %c0_i32_1 = arith.constant 0 : i32
    return %c0_i32, %c0_i32_0 : i32, i32
  }
  func.func @transform_4(%arg0: i32) -> (i32, i32) {
    %c0_i32 = arith.constant 0 : i32
    %c0_i32_0 = arith.constant 0 : i32
    %c0_i32_1 = arith.constant 0 : i32
    return %c0_i32, %c0_i32_0 : i32, i32
  }
  func.func @transform_5(%arg0: i32) -> (i32, i32) {
    %c0_i32 = arith.constant 0 : i32
    %c0_i32_0 = arith.constant 0 : i32
    %c0_i32_1 = arith.constant 0 : i32
    return %c0_i32, %c0_i32_0 : i32, i32
  }
  func.func @transform_6(%arg0: i32) -> (i32, i32) {
    %c0_i32 = arith.constant 0 : i32
    %c0_i32_0 = arith.constant 0 : i32
    return %arg0, %c0_i32 : i32, i32
  }
  func.func @transform_7(%arg0: i32) -> (i32, i32) {
    %c0_i32 = arith.constant 0 : i32
    %c0_i32_0 = arith.constant 0 : i32
    return %arg0, %c0_i32 : i32, i32
  }
  func.func @transform_8(%arg0: i32) -> (i32, i32) {
    %c0_i32 = arith.constant 0 : i32
    %c0_i32_0 = arith.constant 0 : i32
    %c0_i32_1 = arith.constant 0 : i32
    return %c0_i32, %c0_i32_0 : i32, i32
  }
  func.func @transform_9(%arg0: i32) -> (i32, i32) {
    %c0_i32 = arith.constant 0 : i32
    %c0_i32_0 = arith.constant 0 : i32
    %c0_i32_1 = arith.constant 0 : i32
    return %c0_i32, %c0_i32_0 : i32, i32
  }
  func.func @transform_10(%arg0: i32) -> (i32, i32) {
    %c0_i32 = arith.constant 0 : i32
    %c0_i32_0 = arith.constant 0 : i32
    %c0_i32_1 = arith.constant 0 : i32
    return %c0_i32, %c0_i32_0 : i32, i32
  }
  func.func @transform_11(%arg0: i32) -> (i32, i32) {
    %c0_i32 = arith.constant 0 : i32
    %c0_i32_0 = arith.constant 0 : i32
    %c0_i32_1 = arith.constant 0 : i32
    return %c0_i32, %c0_i32_0 : i32, i32
  }
  func.func @transform_12(%arg0: i32) -> (i32, i32) {
    %c0_i32 = arith.constant 0 : i32
    %c0_i32_0 = arith.constant 0 : i32
    return %arg0, %c0_i32 : i32, i32
  }
  func.func @transform_13(%arg0: i32) -> (i32, i32) {
    %c0_i32 = arith.constant 0 : i32
    %c0_i32_0 = arith.constant 0 : i32
    return %arg0, %c0_i32 : i32, i32
  }
  func.func @transform_14(%arg0: i32) -> (i32, i32) {
    %c0_i32 = arith.constant 0 : i32
    %c0_i32_0 = arith.constant 0 : i32
    return %arg0, %c0_i32 : i32, i32
  }
  func.func @transform_15(%arg0: i32) -> (i32, i32) {
    %c0_i32 = arith.constant 0 : i32
    %c0_i32_0 = arith.constant 0 : i32
    return %arg0, %c0_i32 : i32, i32
  }
  func.func @transform_16(%arg0: i32) -> (i32, i32) {
    %c0_i32 = arith.constant 0 : i32
    %c0_i32_0 = arith.constant 0 : i32
    return %arg0, %c0_i32 : i32, i32
  }
}

module attributes {stable_mosaic.version = 14 : i64} {
  func.func @_tcc_body(%arg0: i32, %arg1: memref<2x1000x128xf32, #tpu.memory_space<vmem>>, %arg2: memref<1000x1xf32, #tpu.memory_space<vmem>>, %arg3: memref<1000x20xf32, #tpu.memory_space<vmem>>, %arg4: memref<1x20xf32, #tpu.memory_space<vmem>>, %arg5: memref<1x20xf32, #tpu.memory_space<vmem>>, %arg6: memref<1x20xf32, #tpu.memory_space<vmem>>, %arg7: memref<1000x20xf32, #tpu.memory_space<vmem>>, %arg8: memref<1000x20xf32, #tpu.memory_space<vmem>>, %arg9: memref<1x4xf32, #tpu.memory_space<vmem>>, %arg10: memref<20x20xf32, #tpu.memory_space<vmem>>, %arg11: memref<20x128xf32, #tpu.memory_space<vmem>>, %arg12: memref<20x128xf32, #tpu.memory_space<vmem>>, %arg13: memref<1000x20xf32, #tpu.memory_space<vmem>>, %arg14: memref<1000x20xf32, #tpu.memory_space<vmem>>, %arg15: memref<1000x20xf32, #tpu.memory_space<vmem>>, %arg16: memref<1000x128xf32, #tpu.memory_space<vmem>>, %arg17: memref<1000x128xf32, #tpu.memory_space<vmem>>) attributes {dimension_semantics = [#tpu.dimension_semantics<arbitrary>], iteration_bounds = array<i64: 10>, scalar_prefetch = 0 : i64, scratch_operands = 0 : i64, tpu.core_type = #tpu.core_type<tc>, window_params = [{transform_indices = @transform_0, window_bounds = array<i64: 2, 1000, 128>}, {transform_indices = @transform_1, window_bounds = array<i64: 1000, 1>}, {transform_indices = @transform_2, window_bounds = array<i64: 1000, 20>}, {pipeline_mode = #tpu.pipeline_mode<synchronous>, transform_indices = @transform_3, window_bounds = array<i64: 1, 20>}, {pipeline_mode = #tpu.pipeline_mode<synchronous>, transform_indices = @transform_4, window_bounds = array<i64: 1, 20>}, {pipeline_mode = #tpu.pipeline_mode<synchronous>, transform_indices = @transform_5, window_bounds = array<i64: 1, 20>}, {transform_indices = @transform_6, window_bounds = array<i64: 1000, 20>}, {transform_indices = @transform_7, window_bounds = array<i64: 1000, 20>}, {pipeline_mode = #tpu.pipeline_mode<synchronous>, transform_indices = @transform_8, window_bounds = array<i64: 1, 4>}, {pipeline_mode = #tpu.pipeline_mode<synchronous>, transform_indices = @transform_9, window_bounds = array<i64: 20, 20>}, {pipeline_mode = #tpu.pipeline_mode<synchronous>, transform_indices = @transform_10, window_bounds = array<i64: 20, 128>}, {pipeline_mode = #tpu.pipeline_mode<synchronous>, transform_indices = @transform_11, window_bounds = array<i64: 20, 128>}, {transform_indices = @transform_12, window_bounds = array<i64: 1000, 20>}, {transform_indices = @transform_13, window_bounds = array<i64: 1000, 20>}, {transform_indices = @transform_14, window_bounds = array<i64: 1000, 20>}, {transform_indices = @transform_15, window_bounds = array<i64: 1000, 128>}, {transform_indices = @transform_16, window_bounds = array<i64: 1000, 128>}]} {
    %get3A = arith.constant 0 : index
    %get3A_0 = arith.constant 0 : index
    %get3A_1 = vector.load %arg2[%get3A, %get3A_0] : memref<1000x1xf32, #tpu.memory_space<vmem>>, vector<1000x1xf32>
    %get3A_2 = arith.constant 0 : index
    %get3A_3 = arith.constant 0 : index
    %get3A_4 = arith.constant 0 : index
    %get3A_5 = vector.load %arg1[%get3A_2, %get3A_3, %get3A_4] : memref<2x1000x128xf32, #tpu.memory_space<vmem>>, vector<2x1000x128xf32>
    %slice3A = vector.extract_strided_slice %get3A_5 {offsets = [0, 0, 0], sizes = [1, 1000, 128], strides = [1, 1, 1]} : vector<2x1000x128xf32> to vector<1x1000x128xf32>
    %squeeze3A = vector.shape_cast %slice3A : vector<1x1000x128xf32> to vector<1000x128xf32>
    %get3A_6 = arith.constant 0 : index
    %get3A_7 = arith.constant 0 : index
    %get3A_8 = arith.constant 0 : index
    %get3A_9 = vector.load %arg1[%get3A_6, %get3A_7, %get3A_8] : memref<2x1000x128xf32, #tpu.memory_space<vmem>>, vector<2x1000x128xf32>
    %slice3A_10 = vector.extract_strided_slice %get3A_9 {offsets = [1, 0, 0], sizes = [1, 1000, 128], strides = [1, 1, 1]} : vector<2x1000x128xf32> to vector<1x1000x128xf32>
    %squeeze3A_11 = vector.shape_cast %slice3A_10 : vector<1x1000x128xf32> to vector<1000x128xf32>
    %add3A = arith.addf %squeeze3A, %squeeze3A_11 : vector<1000x128xf32>
    %get3A_12 = arith.constant 0 : index
    %get3A_13 = arith.constant 0 : index
    %get3A_14 = vector.load %arg3[%get3A_12, %get3A_13] : memref<1000x20xf32, #tpu.memory_space<vmem>>, vector<1000x20xf32>
    %slice3A_15 = vector.extract_strided_slice %add3A {offsets = [0, 0], sizes = [1000, 20], strides = [1, 1]} : vector<1000x128xf32> to vector<1000x20xf32>
    %mul3A = vector.broadcast %get3A_1 : vector<1000x1xf32> to vector<1000x20xf32>
    %mul3A_16 = arith.mulf %mul3A, %slice3A_15 : vector<1000x20xf32>
    %sub3A = arith.subf %get3A_14, %mul3A_16 : vector<1000x20xf32>
    %get3A_17 = arith.constant 0 : index
    %get3A_18 = arith.constant 0 : index
    %get3A_19 = vector.load %arg4[%get3A_17, %get3A_18] : memref<1x20xf32, #tpu.memory_space<vmem>>, vector<1x20xf32>
    %squeeze3A_20 = vector.shape_cast %get3A_19 : vector<1x20xf32> to vector<20xf32>
    %broadcast_in_dim3A = vector.shape_cast %squeeze3A_20 : vector<20xf32> to vector<1x20xf32>
    %add3A_21 = vector.broadcast %broadcast_in_dim3A : vector<1x20xf32> to vector<1000x20xf32>
    %add3A_22 = arith.addf %sub3A, %add3A_21 : vector<1000x20xf32>
    %sqrt3A = arith.constant 1.000010e+00 : f32
    %sqrt3A_23 = math.sqrt %sqrt3A : f32
    %div3A = arith.constant 1.000000e+00 : f32
    %div3A_24 = arith.divf %div3A, %sqrt3A_23 : f32
    %mul3A_25 = vector.broadcast %div3A_24 : f32 to vector<1000x20xf32>
    %mul3A_26 = arith.mulf %add3A_22, %mul3A_25 : vector<1000x20xf32>
    %get3A_27 = arith.constant 0 : index
    %get3A_28 = arith.constant 0 : index
    %get3A_29 = vector.load %arg5[%get3A_27, %get3A_28] : memref<1x20xf32, #tpu.memory_space<vmem>>, vector<1x20xf32>
    %squeeze3A_30 = vector.shape_cast %get3A_29 : vector<1x20xf32> to vector<20xf32>
    %broadcast_in_dim3A_31 = vector.shape_cast %squeeze3A_30 : vector<20xf32> to vector<1x20xf32>
    %mul3A_32 = vector.broadcast %broadcast_in_dim3A_31 : vector<1x20xf32> to vector<1000x20xf32>
    %mul3A_33 = arith.mulf %mul3A_26, %mul3A_32 : vector<1000x20xf32>
    %get3A_34 = arith.constant 0 : index
    %get3A_35 = arith.constant 0 : index
    %get3A_36 = vector.load %arg6[%get3A_34, %get3A_35] : memref<1x20xf32, #tpu.memory_space<vmem>>, vector<1x20xf32>
    %squeeze3A_37 = vector.shape_cast %get3A_36 : vector<1x20xf32> to vector<20xf32>
    %broadcast_in_dim3A_38 = vector.shape_cast %squeeze3A_37 : vector<20xf32> to vector<1x20xf32>
    %add3A_39 = vector.broadcast %broadcast_in_dim3A_38 : vector<1x20xf32> to vector<1000x20xf32>
    %add3A_40 = arith.addf %mul3A_33, %add3A_39 : vector<1000x20xf32>
    %max3A = arith.constant 0.000000e+00 : f32
    %max3A_41 = vector.broadcast %max3A : f32 to vector<1000x20xf32>
    %max3A_42 = arith.maximumf %add3A_40, %max3A_41 : vector<1000x20xf32>
    %get3A_43 = arith.constant 0 : index
    %get3A_44 = arith.constant 0 : index
    %get3A_45 = vector.load %arg7[%get3A_43, %get3A_44] : memref<1000x20xf32, #tpu.memory_space<vmem>>, vector<1000x20xf32>
    %mul3A_46 = arith.constant 0.699999988 : f32
    %mul3A_47 = vector.broadcast %mul3A_46 : f32 to vector<1000x20xf32>
    %mul3A_48 = arith.mulf %mul3A_47, %get3A_45 : vector<1000x20xf32>
    %add3A_49 = arith.addf %max3A_42, %mul3A_48 : vector<1000x20xf32>
    %swap3A = arith.constant 0 : index
    %swap3A_50 = arith.constant 0 : index
    %swap3A_51 = vector.load %arg13[%swap3A, %swap3A_50] : memref<1000x20xf32, #tpu.memory_space<vmem>>, vector<1000x20xf32>
    tpu.vector_store %arg13[%swap3A, %swap3A_50], %add3A_49 {strides = array<i32>} : memref<1000x20xf32, #tpu.memory_space<vmem>>, vector<1000x20xf32>,
    %get3A_52 = arith.constant 0 : index
    %get3A_53 = arith.constant 0 : index
    %get3A_54 = vector.load %arg9[%get3A_52, %get3A_53] : memref<1x4xf32, #tpu.memory_space<vmem>>, vector<1x4xf32>
    %squeeze3A_55 = vector.shape_cast %get3A_54 : vector<1x4xf32> to vector<4xf32>
    %reduce_max3A = vector.shape_cast %squeeze3A_55 : vector<4xf32> to vector<1x4xf32>
    %reduce_max3A_56 = arith.constant dense<0xFF800000> : vector<1xf32>
    %reduce_max3A_57 = vector.multi_reduction <maximumf>, %reduce_max3A, %reduce_max3A_56 [1] : vector<1x4xf32> to vector<1xf32>
    %reduce_max3A_58 = vector.shape_cast %reduce_max3A_57 : vector<1xf32> to vector<1x1xf32>
    %reduce_max3A_59 = vector.extract %reduce_max3A_58[0, 0] : f32 from vector<1x1xf32>
    %max3A_60 = arith.constant 0xFF800000 : f32
    %max3A_61 = arith.maximumf %max3A_60, %reduce_max3A_59 : f32
    %broadcast_in_dim3A_62 = vector.broadcast %max3A_61 : f32 to vector<1xf32>
    %sub3A_63 = vector.broadcast %broadcast_in_dim3A_62 : vector<1xf32> to vector<4xf32>
    %sub3A_64 = arith.subf %squeeze3A_55, %sub3A_63 : vector<4xf32>
    %exp3A = math.exp %sub3A_64 : vector<4xf32>
    %reduce_sum3A = vector.shape_cast %exp3A : vector<4xf32> to vector<1x4xf32>
    %reduce_sum3A_65 = arith.constant dense<0.000000e+00> : vector<1xf32>
    %reduce_sum3A_66 = vector.multi_reduction <add>, %reduce_sum3A, %reduce_sum3A_65 [1] : vector<1x4xf32> to vector<1xf32>
    %reduce_sum3A_67 = vector.shape_cast %reduce_sum3A_66 : vector<1xf32> to vector<1x1xf32>
    %reduce_sum3A_68 = vector.extract %reduce_sum3A_67[0, 0] : f32 from vector<1x1xf32>
    %broadcast_in_dim3A_69 = vector.broadcast %reduce_sum3A_68 : f32 to vector<1xf32>
    %div3A_70 = vector.broadcast %broadcast_in_dim3A_69 : vector<1xf32> to vector<4xf32>
    %div3A_71 = arith.divf %exp3A, %div3A_70 : vector<4xf32>
    %slice3A_72 = vector.extract_strided_slice %div3A_71 {offsets = [1], sizes = [1], strides = [1]} : vector<4xf32> to vector<1xf32>
    %squeeze3A_73 = vector.extract %slice3A_72[0] : f32 from vector<1xf32>
    %mul3A_74 = vector.broadcast %squeeze3A_73 : f32 to vector<1000x20xf32>
    %mul3A_75 = arith.mulf %mul3A_74, %add3A_49 : vector<1000x20xf32>
    %get3A_76 = arith.constant 0 : index
    %get3A_77 = arith.constant 0 : index
    %get3A_78 = vector.load %arg8[%get3A_76, %get3A_77] : memref<1000x20xf32, #tpu.memory_space<vmem>>, vector<1000x20xf32>
    %add3A_79 = arith.addf %mul3A_75, %get3A_78 : vector<1000x20xf32>
    %swap3A_80 = arith.constant 0 : index
    %swap3A_81 = arith.constant 0 : index
    %swap3A_82 = vector.load %arg14[%swap3A_80, %swap3A_81] : memref<1000x20xf32, #tpu.memory_space<vmem>>, vector<1000x20xf32>
    tpu.vector_store %arg14[%swap3A_80, %swap3A_81], %add3A_79 {strides = array<i32>} : memref<1000x20xf32, #tpu.memory_space<vmem>>, vector<1000x20xf32>,
    %get3A_83 = arith.constant 0 : index
    %get3A_84 = arith.constant 0 : index
    %get3A_85 = vector.load %arg10[%get3A_83, %get3A_84] : memref<20x20xf32, #tpu.memory_space<vmem>>, vector<20x20xf32>
    %dot_general3A = arith.constant dense<0.000000e+00> : vector<1000x20xf32>
    %dot_general3A_86 = tpu.matmul %add3A_49, %get3A_85, %dot_general3A {dimension_numbers = #tpu.dot_dimension_numbers<[1], [0], [0], [1], [0, 0, 1, 1], [], []>, transpose_lhs_hint = false} : vector<1000x20xf32>, vector<20x20xf32>, vector<1000x20xf32> -> vector<1000x20xf32>
    %swap3A_87 = arith.constant 0 : index
    %swap3A_88 = arith.constant 0 : index
    %swap3A_89 = vector.load %arg15[%swap3A_87, %swap3A_88] : memref<1000x20xf32, #tpu.memory_space<vmem>>, vector<1000x20xf32>
    tpu.vector_store %arg15[%swap3A_87, %swap3A_88], %dot_general3A_86 {strides = array<i32>} : memref<1000x20xf32, #tpu.memory_space<vmem>>, vector<1000x20xf32>,
    %get3A_90 = arith.constant 0 : index
    %get3A_91 = arith.constant 0 : index
    %get3A_92 = vector.load %arg11[%get3A_90, %get3A_91] : memref<20x128xf32, #tpu.memory_space<vmem>>, vector<20x128xf32>
    %dot_general3A_93 = arith.constant dense<0.000000e+00> : vector<1000x128xf32>
    %dot_general3A_94 = tpu.matmul %add3A_49, %get3A_92, %dot_general3A_93 {dimension_numbers = #tpu.dot_dimension_numbers<[1], [0], [0], [1], [0, 0, 1, 1], [], []>, transpose_lhs_hint = false} : vector<1000x20xf32>, vector<20x128xf32>, vector<1000x128xf32> -> vector<1000x128xf32>
    %swap3A_95 = arith.constant 0 : index
    %swap3A_96 = arith.constant 0 : index
    %swap3A_97 = vector.load %arg16[%swap3A_95, %swap3A_96] : memref<1000x128xf32, #tpu.memory_space<vmem>>, vector<1000x128xf32>
    tpu.vector_store %arg16[%swap3A_95, %swap3A_96], %dot_general3A_94 {strides = array<i32>} : memref<1000x128xf32, #tpu.memory_space<vmem>>, vector<1000x128xf32>,
    %get3A_98 = arith.constant 0 : index
    %get3A_99 = arith.constant 0 : index
    %get3A_100 = vector.load %arg12[%get3A_98, %get3A_99] : memref<20x128xf32, #tpu.memory_space<vmem>>, vector<20x128xf32>
    %dot_general3A_101 = arith.constant dense<0.000000e+00> : vector<1000x128xf32>
    %dot_general3A_102 = tpu.matmul %add3A_49, %get3A_100, %dot_general3A_101 {dimension_numbers = #tpu.dot_dimension_numbers<[1], [0], [0], [1], [0, 0, 1, 1], [], []>, transpose_lhs_hint = false} : vector<1000x20xf32>, vector<20x128xf32>, vector<1000x128xf32> -> vector<1000x128xf32>
    %mul3A_103 = vector.broadcast %get3A_1 : vector<1000x1xf32> to vector<1000x128xf32>
    %mul3A_104 = arith.mulf %mul3A_103, %dot_general3A_102 : vector<1000x128xf32>
    %swap3A_105 = arith.constant 0 : index
    %swap3A_106 = arith.constant 0 : index
    %swap3A_107 = vector.load %arg17[%swap3A_105, %swap3A_106] : memref<1000x128xf32, #tpu.memory_space<vmem>>, vector<1000x128xf32>
    tpu.vector_store %arg17[%swap3A_105, %swap3A_106], %mul3A_104 {strides = array<i32>} : memref<1000x128xf32, #tpu.memory_space<vmem>>, vector<1000x128xf32>,
    return
  }
  func.func @transform_0(%arg0: i32) -> (i32, i32, i32) {
    %c0_i32 = arith.constant 0 : i32
    %c0_i32_0 = arith.constant 0 : i32
    %c0_i32_1 = arith.constant 0 : i32
    return %c0_i32, %arg0, %c0_i32_0 : i32, i32, i32
  }
  func.func @transform_1(%arg0: i32) -> (i32, i32) {
    %c0_i32 = arith.constant 0 : i32
    %c0_i32_0 = arith.constant 0 : i32
    return %arg0, %c0_i32 : i32, i32
  }
  func.func @transform_2(%arg0: i32) -> (i32, i32) {
    %c0_i32 = arith.constant 0 : i32
    %c0_i32_0 = arith.constant 0 : i32
    return %arg0, %c0_i32 : i32, i32
  }
  func.func @transform_3(%arg0: i32) -> (i32, i32) {
    %c0_i32 = arith.constant 0 : i32
    %c0_i32_0 = arith.constant 0 : i32
    %c0_i32_1 = arith.constant 0 : i32
    return %c0_i32, %c0_i32_0 : i32, i32
  }
  func.func @transform_4(%arg0: i32) -> (i32, i32) {
    %c0_i32 = arith.constant 0 : i32
    %c0_i32_0 = arith.constant 0 : i32
    %c0_i32_1 = arith.constant 0 : i32
    return %c0_i32, %c0_i32_0 : i32, i32
  }
  func.func @transform_5(%arg0: i32) -> (i32, i32) {
    %c0_i32 = arith.constant 0 : i32
    %c0_i32_0 = arith.constant 0 : i32
    %c0_i32_1 = arith.constant 0 : i32
    return %c0_i32, %c0_i32_0 : i32, i32
  }
  func.func @transform_6(%arg0: i32) -> (i32, i32) {
    %c0_i32 = arith.constant 0 : i32
    %c0_i32_0 = arith.constant 0 : i32
    return %arg0, %c0_i32 : i32, i32
  }
  func.func @transform_7(%arg0: i32) -> (i32, i32) {
    %c0_i32 = arith.constant 0 : i32
    %c0_i32_0 = arith.constant 0 : i32
    return %arg0, %c0_i32 : i32, i32
  }
  func.func @transform_8(%arg0: i32) -> (i32, i32) {
    %c0_i32 = arith.constant 0 : i32
    %c0_i32_0 = arith.constant 0 : i32
    %c0_i32_1 = arith.constant 0 : i32
    return %c0_i32, %c0_i32_0 : i32, i32
  }
  func.func @transform_9(%arg0: i32) -> (i32, i32) {
    %c0_i32 = arith.constant 0 : i32
    %c0_i32_0 = arith.constant 0 : i32
    %c0_i32_1 = arith.constant 0 : i32
    return %c0_i32, %c0_i32_0 : i32, i32
  }
  func.func @transform_10(%arg0: i32) -> (i32, i32) {
    %c0_i32 = arith.constant 0 : i32
    %c0_i32_0 = arith.constant 0 : i32
    %c0_i32_1 = arith.constant 0 : i32
    return %c0_i32, %c0_i32_0 : i32, i32
  }
  func.func @transform_11(%arg0: i32) -> (i32, i32) {
    %c0_i32 = arith.constant 0 : i32
    %c0_i32_0 = arith.constant 0 : i32
    %c0_i32_1 = arith.constant 0 : i32
    return %c0_i32, %c0_i32_0 : i32, i32
  }
  func.func @transform_12(%arg0: i32) -> (i32, i32) {
    %c0_i32 = arith.constant 0 : i32
    %c0_i32_0 = arith.constant 0 : i32
    return %arg0, %c0_i32 : i32, i32
  }
  func.func @transform_13(%arg0: i32) -> (i32, i32) {
    %c0_i32 = arith.constant 0 : i32
    %c0_i32_0 = arith.constant 0 : i32
    return %arg0, %c0_i32 : i32, i32
  }
  func.func @transform_14(%arg0: i32) -> (i32, i32) {
    %c0_i32 = arith.constant 0 : i32
    %c0_i32_0 = arith.constant 0 : i32
    return %arg0, %c0_i32 : i32, i32
  }
  func.func @transform_15(%arg0: i32) -> (i32, i32) {
    %c0_i32 = arith.constant 0 : i32
    %c0_i32_0 = arith.constant 0 : i32
    return %arg0, %c0_i32 : i32, i32
  }
  func.func @transform_16(%arg0: i32) -> (i32, i32) {
    %c0_i32 = arith.constant 0 : i32
    %c0_i32_0 = arith.constant 0 : i32
    return %arg0, %c0_i32 : i32, i32
  }
}

module attributes {stable_mosaic.version = 14 : i64} {
  func.func @_tcc_body(%arg0: i32, %arg1: memref<2x1000x128xf32, #tpu.memory_space<vmem>>, %arg2: memref<1000x1xf32, #tpu.memory_space<vmem>>, %arg3: memref<1000x20xf32, #tpu.memory_space<vmem>>, %arg4: memref<1x20xf32, #tpu.memory_space<vmem>>, %arg5: memref<1x20xf32, #tpu.memory_space<vmem>>, %arg6: memref<1x20xf32, #tpu.memory_space<vmem>>, %arg7: memref<1000x20xf32, #tpu.memory_space<vmem>>, %arg8: memref<1000x20xf32, #tpu.memory_space<vmem>>, %arg9: memref<1x4xf32, #tpu.memory_space<vmem>>, %arg10: memref<20x20xf32, #tpu.memory_space<vmem>>, %arg11: memref<20x128xf32, #tpu.memory_space<vmem>>, %arg12: memref<20x128xf32, #tpu.memory_space<vmem>>, %arg13: memref<1000x20xf32, #tpu.memory_space<vmem>>, %arg14: memref<1000x20xf32, #tpu.memory_space<vmem>>, %arg15: memref<1000x20xf32, #tpu.memory_space<vmem>>, %arg16: memref<1000x128xf32, #tpu.memory_space<vmem>>, %arg17: memref<1000x128xf32, #tpu.memory_space<vmem>>) attributes {dimension_semantics = [#tpu.dimension_semantics<arbitrary>], iteration_bounds = array<i64: 10>, scalar_prefetch = 0 : i64, scratch_operands = 0 : i64, tpu.core_type = #tpu.core_type<tc>, window_params = [{transform_indices = @transform_0, window_bounds = array<i64: 2, 1000, 128>}, {transform_indices = @transform_1, window_bounds = array<i64: 1000, 1>}, {transform_indices = @transform_2, window_bounds = array<i64: 1000, 20>}, {pipeline_mode = #tpu.pipeline_mode<synchronous>, transform_indices = @transform_3, window_bounds = array<i64: 1, 20>}, {pipeline_mode = #tpu.pipeline_mode<synchronous>, transform_indices = @transform_4, window_bounds = array<i64: 1, 20>}, {pipeline_mode = #tpu.pipeline_mode<synchronous>, transform_indices = @transform_5, window_bounds = array<i64: 1, 20>}, {transform_indices = @transform_6, window_bounds = array<i64: 1000, 20>}, {transform_indices = @transform_7, window_bounds = array<i64: 1000, 20>}, {pipeline_mode = #tpu.pipeline_mode<synchronous>, transform_indices = @transform_8, window_bounds = array<i64: 1, 4>}, {pipeline_mode = #tpu.pipeline_mode<synchronous>, transform_indices = @transform_9, window_bounds = array<i64: 20, 20>}, {pipeline_mode = #tpu.pipeline_mode<synchronous>, transform_indices = @transform_10, window_bounds = array<i64: 20, 128>}, {pipeline_mode = #tpu.pipeline_mode<synchronous>, transform_indices = @transform_11, window_bounds = array<i64: 20, 128>}, {transform_indices = @transform_12, window_bounds = array<i64: 1000, 20>}, {transform_indices = @transform_13, window_bounds = array<i64: 1000, 20>}, {transform_indices = @transform_14, window_bounds = array<i64: 1000, 20>}, {transform_indices = @transform_15, window_bounds = array<i64: 1000, 128>}, {transform_indices = @transform_16, window_bounds = array<i64: 1000, 128>}]} {
    %get3A = arith.constant 0 : index
    %get3A_0 = arith.constant 0 : index
    %get3A_1 = vector.load %arg2[%get3A, %get3A_0] : memref<1000x1xf32, #tpu.memory_space<vmem>>, vector<1000x1xf32>
    %get3A_2 = arith.constant 0 : index
    %get3A_3 = arith.constant 0 : index
    %get3A_4 = arith.constant 0 : index
    %get3A_5 = vector.load %arg1[%get3A_2, %get3A_3, %get3A_4] : memref<2x1000x128xf32, #tpu.memory_space<vmem>>, vector<2x1000x128xf32>
    %slice3A = vector.extract_strided_slice %get3A_5 {offsets = [0, 0, 0], sizes = [1, 1000, 128], strides = [1, 1, 1]} : vector<2x1000x128xf32> to vector<1x1000x128xf32>
    %squeeze3A = vector.shape_cast %slice3A : vector<1x1000x128xf32> to vector<1000x128xf32>
    %get3A_6 = arith.constant 0 : index
    %get3A_7 = arith.constant 0 : index
    %get3A_8 = arith.constant 0 : index
    %get3A_9 = vector.load %arg1[%get3A_6, %get3A_7, %get3A_8] : memref<2x1000x128xf32, #tpu.memory_space<vmem>>, vector<2x1000x128xf32>
    %slice3A_10 = vector.extract_strided_slice %get3A_9 {offsets = [1, 0, 0], sizes = [1, 1000, 128], strides = [1, 1, 1]} : vector<2x1000x128xf32> to vector<1x1000x128xf32>
    %squeeze3A_11 = vector.shape_cast %slice3A_10 : vector<1x1000x128xf32> to vector<1000x128xf32>
    %add3A = arith.addf %squeeze3A, %squeeze3A_11 : vector<1000x128xf32>
    %get3A_12 = arith.constant 0 : index
    %get3A_13 = arith.constant 0 : index
    %get3A_14 = vector.load %arg3[%get3A_12, %get3A_13] : memref<1000x20xf32, #tpu.memory_space<vmem>>, vector<1000x20xf32>
    %slice3A_15 = vector.extract_strided_slice %add3A {offsets = [0, 0], sizes = [1000, 20], strides = [1, 1]} : vector<1000x128xf32> to vector<1000x20xf32>
    %mul3A = vector.broadcast %get3A_1 : vector<1000x1xf32> to vector<1000x20xf32>
    %mul3A_16 = arith.mulf %mul3A, %slice3A_15 : vector<1000x20xf32>
    %sub3A = arith.subf %get3A_14, %mul3A_16 : vector<1000x20xf32>
    %get3A_17 = arith.constant 0 : index
    %get3A_18 = arith.constant 0 : index
    %get3A_19 = vector.load %arg4[%get3A_17, %get3A_18] : memref<1x20xf32, #tpu.memory_space<vmem>>, vector<1x20xf32>
    %squeeze3A_20 = vector.shape_cast %get3A_19 : vector<1x20xf32> to vector<20xf32>
    %broadcast_in_dim3A = vector.shape_cast %squeeze3A_20 : vector<20xf32> to vector<1x20xf32>
    %add3A_21 = vector.broadcast %broadcast_in_dim3A : vector<1x20xf32> to vector<1000x20xf32>
    %add3A_22 = arith.addf %sub3A, %add3A_21 : vector<1000x20xf32>
    %sqrt3A = arith.constant 1.000010e+00 : f32
    %sqrt3A_23 = math.sqrt %sqrt3A : f32
    %div3A = arith.constant 1.000000e+00 : f32
    %div3A_24 = arith.divf %div3A, %sqrt3A_23 : f32
    %mul3A_25 = vector.broadcast %div3A_24 : f32 to vector<1000x20xf32>
    %mul3A_26 = arith.mulf %add3A_22, %mul3A_25 : vector<1000x20xf32>
    %get3A_27 = arith.constant 0 : index
    %get3A_28 = arith.constant 0 : index
    %get3A_29 = vector.load %arg5[%get3A_27, %get3A_28] : memref<1x20xf32, #tpu.memory_space<vmem>>, vector<1x20xf32>
    %squeeze3A_30 = vector.shape_cast %get3A_29 : vector<1x20xf32> to vector<20xf32>
    %broadcast_in_dim3A_31 = vector.shape_cast %squeeze3A_30 : vector<20xf32> to vector<1x20xf32>
    %mul3A_32 = vector.broadcast %broadcast_in_dim3A_31 : vector<1x20xf32> to vector<1000x20xf32>
    %mul3A_33 = arith.mulf %mul3A_26, %mul3A_32 : vector<1000x20xf32>
    %get3A_34 = arith.constant 0 : index
    %get3A_35 = arith.constant 0 : index
    %get3A_36 = vector.load %arg6[%get3A_34, %get3A_35] : memref<1x20xf32, #tpu.memory_space<vmem>>, vector<1x20xf32>
    %squeeze3A_37 = vector.shape_cast %get3A_36 : vector<1x20xf32> to vector<20xf32>
    %broadcast_in_dim3A_38 = vector.shape_cast %squeeze3A_37 : vector<20xf32> to vector<1x20xf32>
    %add3A_39 = vector.broadcast %broadcast_in_dim3A_38 : vector<1x20xf32> to vector<1000x20xf32>
    %add3A_40 = arith.addf %mul3A_33, %add3A_39 : vector<1000x20xf32>
    %max3A = arith.constant 0.000000e+00 : f32
    %max3A_41 = vector.broadcast %max3A : f32 to vector<1000x20xf32>
    %max3A_42 = arith.maximumf %add3A_40, %max3A_41 : vector<1000x20xf32>
    %get3A_43 = arith.constant 0 : index
    %get3A_44 = arith.constant 0 : index
    %get3A_45 = vector.load %arg7[%get3A_43, %get3A_44] : memref<1000x20xf32, #tpu.memory_space<vmem>>, vector<1000x20xf32>
    %mul3A_46 = arith.constant 0.699999988 : f32
    %mul3A_47 = vector.broadcast %mul3A_46 : f32 to vector<1000x20xf32>
    %mul3A_48 = arith.mulf %mul3A_47, %get3A_45 : vector<1000x20xf32>
    %add3A_49 = arith.addf %max3A_42, %mul3A_48 : vector<1000x20xf32>
    %swap3A = arith.constant 0 : index
    %swap3A_50 = arith.constant 0 : index
    %swap3A_51 = vector.load %arg13[%swap3A, %swap3A_50] : memref<1000x20xf32, #tpu.memory_space<vmem>>, vector<1000x20xf32>
    tpu.vector_store %arg13[%swap3A, %swap3A_50], %add3A_49 {strides = array<i32>} : memref<1000x20xf32, #tpu.memory_space<vmem>>, vector<1000x20xf32>,
    %get3A_52 = arith.constant 0 : index
    %get3A_53 = arith.constant 0 : index
    %get3A_54 = vector.load %arg9[%get3A_52, %get3A_53] : memref<1x4xf32, #tpu.memory_space<vmem>>, vector<1x4xf32>
    %squeeze3A_55 = vector.shape_cast %get3A_54 : vector<1x4xf32> to vector<4xf32>
    %reduce_max3A = vector.shape_cast %squeeze3A_55 : vector<4xf32> to vector<1x4xf32>
    %reduce_max3A_56 = arith.constant dense<0xFF800000> : vector<1xf32>
    %reduce_max3A_57 = vector.multi_reduction <maximumf>, %reduce_max3A, %reduce_max3A_56 [1] : vector<1x4xf32> to vector<1xf32>
    %reduce_max3A_58 = vector.shape_cast %reduce_max3A_57 : vector<1xf32> to vector<1x1xf32>
    %reduce_max3A_59 = vector.extract %reduce_max3A_58[0, 0] : f32 from vector<1x1xf32>
    %max3A_60 = arith.constant 0xFF800000 : f32
    %max3A_61 = arith.maximumf %max3A_60, %reduce_max3A_59 : f32
    %broadcast_in_dim3A_62 = vector.broadcast %max3A_61 : f32 to vector<1xf32>
    %sub3A_63 = vector.broadcast %broadcast_in_dim3A_62 : vector<1xf32> to vector<4xf32>
    %sub3A_64 = arith.subf %squeeze3A_55, %sub3A_63 : vector<4xf32>
    %exp3A = math.exp %sub3A_64 : vector<4xf32>
    %reduce_sum3A = vector.shape_cast %exp3A : vector<4xf32> to vector<1x4xf32>
    %reduce_sum3A_65 = arith.constant dense<0.000000e+00> : vector<1xf32>
    %reduce_sum3A_66 = vector.multi_reduction <add>, %reduce_sum3A, %reduce_sum3A_65 [1] : vector<1x4xf32> to vector<1xf32>
    %reduce_sum3A_67 = vector.shape_cast %reduce_sum3A_66 : vector<1xf32> to vector<1x1xf32>
    %reduce_sum3A_68 = vector.extract %reduce_sum3A_67[0, 0] : f32 from vector<1x1xf32>
    %broadcast_in_dim3A_69 = vector.broadcast %reduce_sum3A_68 : f32 to vector<1xf32>
    %div3A_70 = vector.broadcast %broadcast_in_dim3A_69 : vector<1xf32> to vector<4xf32>
    %div3A_71 = arith.divf %exp3A, %div3A_70 : vector<4xf32>
    %slice3A_72 = vector.extract_strided_slice %div3A_71 {offsets = [2], sizes = [1], strides = [1]} : vector<4xf32> to vector<1xf32>
    %squeeze3A_73 = vector.extract %slice3A_72[0] : f32 from vector<1xf32>
    %mul3A_74 = vector.broadcast %squeeze3A_73 : f32 to vector<1000x20xf32>
    %mul3A_75 = arith.mulf %mul3A_74, %add3A_49 : vector<1000x20xf32>
    %get3A_76 = arith.constant 0 : index
    %get3A_77 = arith.constant 0 : index
    %get3A_78 = vector.load %arg8[%get3A_76, %get3A_77] : memref<1000x20xf32, #tpu.memory_space<vmem>>, vector<1000x20xf32>
    %add3A_79 = arith.addf %mul3A_75, %get3A_78 : vector<1000x20xf32>
    %swap3A_80 = arith.constant 0 : index
    %swap3A_81 = arith.constant 0 : index
    %swap3A_82 = vector.load %arg14[%swap3A_80, %swap3A_81] : memref<1000x20xf32, #tpu.memory_space<vmem>>, vector<1000x20xf32>
    tpu.vector_store %arg14[%swap3A_80, %swap3A_81], %add3A_79 {strides = array<i32>} : memref<1000x20xf32, #tpu.memory_space<vmem>>, vector<1000x20xf32>,
    %get3A_83 = arith.constant 0 : index
    %get3A_84 = arith.constant 0 : index
    %get3A_85 = vector.load %arg10[%get3A_83, %get3A_84] : memref<20x20xf32, #tpu.memory_space<vmem>>, vector<20x20xf32>
    %dot_general3A = arith.constant dense<0.000000e+00> : vector<1000x20xf32>
    %dot_general3A_86 = tpu.matmul %add3A_49, %get3A_85, %dot_general3A {dimension_numbers = #tpu.dot_dimension_numbers<[1], [0], [0], [1], [0, 0, 1, 1], [], []>, transpose_lhs_hint = false} : vector<1000x20xf32>, vector<20x20xf32>, vector<1000x20xf32> -> vector<1000x20xf32>
    %swap3A_87 = arith.constant 0 : index
    %swap3A_88 = arith.constant 0 : index
    %swap3A_89 = vector.load %arg15[%swap3A_87, %swap3A_88] : memref<1000x20xf32, #tpu.memory_space<vmem>>, vector<1000x20xf32>
    tpu.vector_store %arg15[%swap3A_87, %swap3A_88], %dot_general3A_86 {strides = array<i32>} : memref<1000x20xf32, #tpu.memory_space<vmem>>, vector<1000x20xf32>,
    %get3A_90 = arith.constant 0 : index
    %get3A_91 = arith.constant 0 : index
    %get3A_92 = vector.load %arg11[%get3A_90, %get3A_91] : memref<20x128xf32, #tpu.memory_space<vmem>>, vector<20x128xf32>
    %dot_general3A_93 = arith.constant dense<0.000000e+00> : vector<1000x128xf32>
    %dot_general3A_94 = tpu.matmul %add3A_49, %get3A_92, %dot_general3A_93 {dimension_numbers = #tpu.dot_dimension_numbers<[1], [0], [0], [1], [0, 0, 1, 1], [], []>, transpose_lhs_hint = false} : vector<1000x20xf32>, vector<20x128xf32>, vector<1000x128xf32> -> vector<1000x128xf32>
    %swap3A_95 = arith.constant 0 : index
    %swap3A_96 = arith.constant 0 : index
    %swap3A_97 = vector.load %arg16[%swap3A_95, %swap3A_96] : memref<1000x128xf32, #tpu.memory_space<vmem>>, vector<1000x128xf32>
    tpu.vector_store %arg16[%swap3A_95, %swap3A_96], %dot_general3A_94 {strides = array<i32>} : memref<1000x128xf32, #tpu.memory_space<vmem>>, vector<1000x128xf32>,
    %get3A_98 = arith.constant 0 : index
    %get3A_99 = arith.constant 0 : index
    %get3A_100 = vector.load %arg12[%get3A_98, %get3A_99] : memref<20x128xf32, #tpu.memory_space<vmem>>, vector<20x128xf32>
    %dot_general3A_101 = arith.constant dense<0.000000e+00> : vector<1000x128xf32>
    %dot_general3A_102 = tpu.matmul %add3A_49, %get3A_100, %dot_general3A_101 {dimension_numbers = #tpu.dot_dimension_numbers<[1], [0], [0], [1], [0, 0, 1, 1], [], []>, transpose_lhs_hint = false} : vector<1000x20xf32>, vector<20x128xf32>, vector<1000x128xf32> -> vector<1000x128xf32>
    %mul3A_103 = vector.broadcast %get3A_1 : vector<1000x1xf32> to vector<1000x128xf32>
    %mul3A_104 = arith.mulf %mul3A_103, %dot_general3A_102 : vector<1000x128xf32>
    %swap3A_105 = arith.constant 0 : index
    %swap3A_106 = arith.constant 0 : index
    %swap3A_107 = vector.load %arg17[%swap3A_105, %swap3A_106] : memref<1000x128xf32, #tpu.memory_space<vmem>>, vector<1000x128xf32>
    tpu.vector_store %arg17[%swap3A_105, %swap3A_106], %mul3A_104 {strides = array<i32>} : memref<1000x128xf32, #tpu.memory_space<vmem>>, vector<1000x128xf32>,
    return
  }
  func.func @transform_0(%arg0: i32) -> (i32, i32, i32) {
    %c0_i32 = arith.constant 0 : i32
    %c0_i32_0 = arith.constant 0 : i32
    %c0_i32_1 = arith.constant 0 : i32
    return %c0_i32, %arg0, %c0_i32_0 : i32, i32, i32
  }
  func.func @transform_1(%arg0: i32) -> (i32, i32) {
    %c0_i32 = arith.constant 0 : i32
    %c0_i32_0 = arith.constant 0 : i32
    return %arg0, %c0_i32 : i32, i32
  }
  func.func @transform_2(%arg0: i32) -> (i32, i32) {
    %c0_i32 = arith.constant 0 : i32
    %c0_i32_0 = arith.constant 0 : i32
    return %arg0, %c0_i32 : i32, i32
  }
  func.func @transform_3(%arg0: i32) -> (i32, i32) {
    %c0_i32 = arith.constant 0 : i32
    %c0_i32_0 = arith.constant 0 : i32
    %c0_i32_1 = arith.constant 0 : i32
    return %c0_i32, %c0_i32_0 : i32, i32
  }
  func.func @transform_4(%arg0: i32) -> (i32, i32) {
    %c0_i32 = arith.constant 0 : i32
    %c0_i32_0 = arith.constant 0 : i32
    %c0_i32_1 = arith.constant 0 : i32
    return %c0_i32, %c0_i32_0 : i32, i32
  }
  func.func @transform_5(%arg0: i32) -> (i32, i32) {
    %c0_i32 = arith.constant 0 : i32
    %c0_i32_0 = arith.constant 0 : i32
    %c0_i32_1 = arith.constant 0 : i32
    return %c0_i32, %c0_i32_0 : i32, i32
  }
  func.func @transform_6(%arg0: i32) -> (i32, i32) {
    %c0_i32 = arith.constant 0 : i32
    %c0_i32_0 = arith.constant 0 : i32
    return %arg0, %c0_i32 : i32, i32
  }
  func.func @transform_7(%arg0: i32) -> (i32, i32) {
    %c0_i32 = arith.constant 0 : i32
    %c0_i32_0 = arith.constant 0 : i32
    return %arg0, %c0_i32 : i32, i32
  }
  func.func @transform_8(%arg0: i32) -> (i32, i32) {
    %c0_i32 = arith.constant 0 : i32
    %c0_i32_0 = arith.constant 0 : i32
    %c0_i32_1 = arith.constant 0 : i32
    return %c0_i32, %c0_i32_0 : i32, i32
  }
  func.func @transform_9(%arg0: i32) -> (i32, i32) {
    %c0_i32 = arith.constant 0 : i32
    %c0_i32_0 = arith.constant 0 : i32
    %c0_i32_1 = arith.constant 0 : i32
    return %c0_i32, %c0_i32_0 : i32, i32
  }
  func.func @transform_10(%arg0: i32) -> (i32, i32) {
    %c0_i32 = arith.constant 0 : i32
    %c0_i32_0 = arith.constant 0 : i32
    %c0_i32_1 = arith.constant 0 : i32
    return %c0_i32, %c0_i32_0 : i32, i32
  }
  func.func @transform_11(%arg0: i32) -> (i32, i32) {
    %c0_i32 = arith.constant 0 : i32
    %c0_i32_0 = arith.constant 0 : i32
    %c0_i32_1 = arith.constant 0 : i32
    return %c0_i32, %c0_i32_0 : i32, i32
  }
  func.func @transform_12(%arg0: i32) -> (i32, i32) {
    %c0_i32 = arith.constant 0 : i32
    %c0_i32_0 = arith.constant 0 : i32
    return %arg0, %c0_i32 : i32, i32
  }
  func.func @transform_13(%arg0: i32) -> (i32, i32) {
    %c0_i32 = arith.constant 0 : i32
    %c0_i32_0 = arith.constant 0 : i32
    return %arg0, %c0_i32 : i32, i32
  }
  func.func @transform_14(%arg0: i32) -> (i32, i32) {
    %c0_i32 = arith.constant 0 : i32
    %c0_i32_0 = arith.constant 0 : i32
    return %arg0, %c0_i32 : i32, i32
  }
  func.func @transform_15(%arg0: i32) -> (i32, i32) {
    %c0_i32 = arith.constant 0 : i32
    %c0_i32_0 = arith.constant 0 : i32
    return %arg0, %c0_i32 : i32, i32
  }
  func.func @transform_16(%arg0: i32) -> (i32, i32) {
    %c0_i32 = arith.constant 0 : i32
    %c0_i32_0 = arith.constant 0 : i32
    return %arg0, %c0_i32 : i32, i32
  }
}

module attributes {stable_mosaic.version = 14 : i64} {
  func.func @_tcf_body(%arg0: i32, %arg1: memref<2x1000x128xf32, #tpu.memory_space<vmem>>, %arg2: memref<1000x1xf32, #tpu.memory_space<vmem>>, %arg3: memref<1000x20xf32, #tpu.memory_space<vmem>>, %arg4: memref<1x20xf32, #tpu.memory_space<vmem>>, %arg5: memref<1x20xf32, #tpu.memory_space<vmem>>, %arg6: memref<1x20xf32, #tpu.memory_space<vmem>>, %arg7: memref<1000x20xf32, #tpu.memory_space<vmem>>, %arg8: memref<1000x20xf32, #tpu.memory_space<vmem>>, %arg9: memref<1x4xf32, #tpu.memory_space<vmem>>, %arg10: memref<2x20xf32, #tpu.memory_space<vmem>>, %arg11: memref<1x2xf32, #tpu.memory_space<vmem>>, %arg12: memref<1000x2xf32, #tpu.memory_space<vmem>>) attributes {dimension_semantics = [#tpu.dimension_semantics<arbitrary>], iteration_bounds = array<i64: 10>, scalar_prefetch = 0 : i64, scratch_operands = 0 : i64, tpu.core_type = #tpu.core_type<tc>, window_params = [{transform_indices = @transform_0, window_bounds = array<i64: 2, 1000, 128>}, {transform_indices = @transform_1, window_bounds = array<i64: 1000, 1>}, {transform_indices = @transform_2, window_bounds = array<i64: 1000, 20>}, {pipeline_mode = #tpu.pipeline_mode<synchronous>, transform_indices = @transform_3, window_bounds = array<i64: 1, 20>}, {pipeline_mode = #tpu.pipeline_mode<synchronous>, transform_indices = @transform_4, window_bounds = array<i64: 1, 20>}, {pipeline_mode = #tpu.pipeline_mode<synchronous>, transform_indices = @transform_5, window_bounds = array<i64: 1, 20>}, {transform_indices = @transform_6, window_bounds = array<i64: 1000, 20>}, {transform_indices = @transform_7, window_bounds = array<i64: 1000, 20>}, {pipeline_mode = #tpu.pipeline_mode<synchronous>, transform_indices = @transform_8, window_bounds = array<i64: 1, 4>}, {pipeline_mode = #tpu.pipeline_mode<synchronous>, transform_indices = @transform_9, window_bounds = array<i64: 2, 20>}, {pipeline_mode = #tpu.pipeline_mode<synchronous>, transform_indices = @transform_10, window_bounds = array<i64: 1, 2>}, {transform_indices = @transform_11, window_bounds = array<i64: 1000, 2>}]} {
    %get3A = arith.constant 0 : index
    %get3A_0 = arith.constant 0 : index
    %get3A_1 = vector.load %arg2[%get3A, %get3A_0] : memref<1000x1xf32, #tpu.memory_space<vmem>>, vector<1000x1xf32>
    %get3A_2 = arith.constant 0 : index
    %get3A_3 = arith.constant 0 : index
    %get3A_4 = arith.constant 0 : index
    %get3A_5 = vector.load %arg1[%get3A_2, %get3A_3, %get3A_4] : memref<2x1000x128xf32, #tpu.memory_space<vmem>>, vector<2x1000x128xf32>
    %slice3A = vector.extract_strided_slice %get3A_5 {offsets = [0, 0, 0], sizes = [1, 1000, 128], strides = [1, 1, 1]} : vector<2x1000x128xf32> to vector<1x1000x128xf32>
    %squeeze3A = vector.shape_cast %slice3A : vector<1x1000x128xf32> to vector<1000x128xf32>
    %get3A_6 = arith.constant 0 : index
    %get3A_7 = arith.constant 0 : index
    %get3A_8 = arith.constant 0 : index
    %get3A_9 = vector.load %arg1[%get3A_6, %get3A_7, %get3A_8] : memref<2x1000x128xf32, #tpu.memory_space<vmem>>, vector<2x1000x128xf32>
    %slice3A_10 = vector.extract_strided_slice %get3A_9 {offsets = [1, 0, 0], sizes = [1, 1000, 128], strides = [1, 1, 1]} : vector<2x1000x128xf32> to vector<1x1000x128xf32>
    %squeeze3A_11 = vector.shape_cast %slice3A_10 : vector<1x1000x128xf32> to vector<1000x128xf32>
    %add3A = arith.addf %squeeze3A, %squeeze3A_11 : vector<1000x128xf32>
    %get3A_12 = arith.constant 0 : index
    %get3A_13 = arith.constant 0 : index
    %get3A_14 = vector.load %arg3[%get3A_12, %get3A_13] : memref<1000x20xf32, #tpu.memory_space<vmem>>, vector<1000x20xf32>
    %slice3A_15 = vector.extract_strided_slice %add3A {offsets = [0, 0], sizes = [1000, 20], strides = [1, 1]} : vector<1000x128xf32> to vector<1000x20xf32>
    %mul3A = vector.broadcast %get3A_1 : vector<1000x1xf32> to vector<1000x20xf32>
    %mul3A_16 = arith.mulf %mul3A, %slice3A_15 : vector<1000x20xf32>
    %sub3A = arith.subf %get3A_14, %mul3A_16 : vector<1000x20xf32>
    %get3A_17 = arith.constant 0 : index
    %get3A_18 = arith.constant 0 : index
    %get3A_19 = vector.load %arg4[%get3A_17, %get3A_18] : memref<1x20xf32, #tpu.memory_space<vmem>>, vector<1x20xf32>
    %squeeze3A_20 = vector.shape_cast %get3A_19 : vector<1x20xf32> to vector<20xf32>
    %broadcast_in_dim3A = vector.shape_cast %squeeze3A_20 : vector<20xf32> to vector<1x20xf32>
    %add3A_21 = vector.broadcast %broadcast_in_dim3A : vector<1x20xf32> to vector<1000x20xf32>
    %add3A_22 = arith.addf %sub3A, %add3A_21 : vector<1000x20xf32>
    %sqrt3A = arith.constant 1.000010e+00 : f32
    %sqrt3A_23 = math.sqrt %sqrt3A : f32
    %div3A = arith.constant 1.000000e+00 : f32
    %div3A_24 = arith.divf %div3A, %sqrt3A_23 : f32
    %mul3A_25 = vector.broadcast %div3A_24 : f32 to vector<1000x20xf32>
    %mul3A_26 = arith.mulf %add3A_22, %mul3A_25 : vector<1000x20xf32>
    %get3A_27 = arith.constant 0 : index
    %get3A_28 = arith.constant 0 : index
    %get3A_29 = vector.load %arg5[%get3A_27, %get3A_28] : memref<1x20xf32, #tpu.memory_space<vmem>>, vector<1x20xf32>
    %squeeze3A_30 = vector.shape_cast %get3A_29 : vector<1x20xf32> to vector<20xf32>
    %broadcast_in_dim3A_31 = vector.shape_cast %squeeze3A_30 : vector<20xf32> to vector<1x20xf32>
    %mul3A_32 = vector.broadcast %broadcast_in_dim3A_31 : vector<1x20xf32> to vector<1000x20xf32>
    %mul3A_33 = arith.mulf %mul3A_26, %mul3A_32 : vector<1000x20xf32>
    %get3A_34 = arith.constant 0 : index
    %get3A_35 = arith.constant 0 : index
    %get3A_36 = vector.load %arg6[%get3A_34, %get3A_35] : memref<1x20xf32, #tpu.memory_space<vmem>>, vector<1x20xf32>
    %squeeze3A_37 = vector.shape_cast %get3A_36 : vector<1x20xf32> to vector<20xf32>
    %broadcast_in_dim3A_38 = vector.shape_cast %squeeze3A_37 : vector<20xf32> to vector<1x20xf32>
    %add3A_39 = vector.broadcast %broadcast_in_dim3A_38 : vector<1x20xf32> to vector<1000x20xf32>
    %add3A_40 = arith.addf %mul3A_33, %add3A_39 : vector<1000x20xf32>
    %max3A = arith.constant 0.000000e+00 : f32
    %max3A_41 = vector.broadcast %max3A : f32 to vector<1000x20xf32>
    %max3A_42 = arith.maximumf %add3A_40, %max3A_41 : vector<1000x20xf32>
    %get3A_43 = arith.constant 0 : index
    %get3A_44 = arith.constant 0 : index
    %get3A_45 = vector.load %arg7[%get3A_43, %get3A_44] : memref<1000x20xf32, #tpu.memory_space<vmem>>, vector<1000x20xf32>
    %mul3A_46 = arith.constant 0.699999988 : f32
    %mul3A_47 = vector.broadcast %mul3A_46 : f32 to vector<1000x20xf32>
    %mul3A_48 = arith.mulf %mul3A_47, %get3A_45 : vector<1000x20xf32>
    %add3A_49 = arith.addf %max3A_42, %mul3A_48 : vector<1000x20xf32>
    %get3A_50 = arith.constant 0 : index
    %get3A_51 = arith.constant 0 : index
    %get3A_52 = vector.load %arg9[%get3A_50, %get3A_51] : memref<1x4xf32, #tpu.memory_space<vmem>>, vector<1x4xf32>
    %squeeze3A_53 = vector.shape_cast %get3A_52 : vector<1x4xf32> to vector<4xf32>
    %reduce_max3A = vector.shape_cast %squeeze3A_53 : vector<4xf32> to vector<1x4xf32>
    %reduce_max3A_54 = arith.constant dense<0xFF800000> : vector<1xf32>
    %reduce_max3A_55 = vector.multi_reduction <maximumf>, %reduce_max3A, %reduce_max3A_54 [1] : vector<1x4xf32> to vector<1xf32>
    %reduce_max3A_56 = vector.shape_cast %reduce_max3A_55 : vector<1xf32> to vector<1x1xf32>
    %reduce_max3A_57 = vector.extract %reduce_max3A_56[0, 0] : f32 from vector<1x1xf32>
    %max3A_58 = arith.constant 0xFF800000 : f32
    %max3A_59 = arith.maximumf %max3A_58, %reduce_max3A_57 : f32
    %broadcast_in_dim3A_60 = vector.broadcast %max3A_59 : f32 to vector<1xf32>
    %sub3A_61 = vector.broadcast %broadcast_in_dim3A_60 : vector<1xf32> to vector<4xf32>
    %sub3A_62 = arith.subf %squeeze3A_53, %sub3A_61 : vector<4xf32>
    %exp3A = math.exp %sub3A_62 : vector<4xf32>
    %reduce_sum3A = vector.shape_cast %exp3A : vector<4xf32> to vector<1x4xf32>
    %reduce_sum3A_63 = arith.constant dense<0.000000e+00> : vector<1xf32>
    %reduce_sum3A_64 = vector.multi_reduction <add>, %reduce_sum3A, %reduce_sum3A_63 [1] : vector<1x4xf32> to vector<1xf32>
    %reduce_sum3A_65 = vector.shape_cast %reduce_sum3A_64 : vector<1xf32> to vector<1x1xf32>
    %reduce_sum3A_66 = vector.extract %reduce_sum3A_65[0, 0] : f32 from vector<1x1xf32>
    %broadcast_in_dim3A_67 = vector.broadcast %reduce_sum3A_66 : f32 to vector<1xf32>
    %div3A_68 = vector.broadcast %broadcast_in_dim3A_67 : vector<1xf32> to vector<4xf32>
    %div3A_69 = arith.divf %exp3A, %div3A_68 : vector<4xf32>
    %get3A_70 = arith.constant 0 : index
    %get3A_71 = arith.constant 0 : index
    %get3A_72 = vector.load %arg8[%get3A_70, %get3A_71] : memref<1000x20xf32, #tpu.memory_space<vmem>>, vector<1000x20xf32>
    %slice3A_73 = vector.extract_strided_slice %div3A_69 {offsets = [3], sizes = [1], strides = [1]} : vector<4xf32> to vector<1xf32>
    %squeeze3A_74 = vector.extract %slice3A_73[0] : f32 from vector<1xf32>
    %mul3A_75 = vector.broadcast %squeeze3A_74 : f32 to vector<1000x20xf32>
    %mul3A_76 = arith.mulf %mul3A_75, %add3A_49 : vector<1000x20xf32>
    %add3A_77 = arith.addf %get3A_72, %mul3A_76 : vector<1000x20xf32>
    %get3A_78 = arith.constant 0 : index
    %get3A_79 = arith.constant 0 : index
    %get3A_80 = vector.load %arg10[%get3A_78, %get3A_79] : memref<2x20xf32, #tpu.memory_space<vmem>>, vector<2x20xf32>
    %transpose3A = tpu.transpose %get3A_80, [1, 0] : vector<2x20xf32> -> vector<20x2xf32>
    %dot_general3A = arith.constant dense<0.000000e+00> : vector<1000x2xf32>
    %dot_general3A_81 = tpu.matmul %add3A_77, %transpose3A, %dot_general3A {dimension_numbers = #tpu.dot_dimension_numbers<[1], [0], [0], [1], [0, 0, 1, 1], [], []>, transpose_lhs_hint = false} : vector<1000x20xf32>, vector<20x2xf32>, vector<1000x2xf32> -> vector<1000x2xf32>
    %get3A_82 = arith.constant 0 : index
    %get3A_83 = arith.constant 0 : index
    %get3A_84 = vector.load %arg11[%get3A_82, %get3A_83] : memref<1x2xf32, #tpu.memory_space<vmem>>, vector<1x2xf32>
    %squeeze3A_85 = vector.shape_cast %get3A_84 : vector<1x2xf32> to vector<2xf32>
    %broadcast_in_dim3A_86 = vector.shape_cast %squeeze3A_85 : vector<2xf32> to vector<1x2xf32>
    %add3A_87 = vector.broadcast %broadcast_in_dim3A_86 : vector<1x2xf32> to vector<1000x2xf32>
    %add3A_88 = arith.addf %dot_general3A_81, %add3A_87 : vector<1000x2xf32>
    %swap3A = arith.constant 0 : index
    %swap3A_89 = arith.constant 0 : index
    %swap3A_90 = vector.load %arg12[%swap3A, %swap3A_89] : memref<1000x2xf32, #tpu.memory_space<vmem>>, vector<1000x2xf32>
    tpu.vector_store %arg12[%swap3A, %swap3A_89], %add3A_88 {strides = array<i32>} : memref<1000x2xf32, #tpu.memory_space<vmem>>, vector<1000x2xf32>,
    return
  }
  func.func @transform_0(%arg0: i32) -> (i32, i32, i32) {
    %c0_i32 = arith.constant 0 : i32
    %c0_i32_0 = arith.constant 0 : i32
    %c0_i32_1 = arith.constant 0 : i32
    return %c0_i32, %arg0, %c0_i32_0 : i32, i32, i32
  }
  func.func @transform_1(%arg0: i32) -> (i32, i32) {
    %c0_i32 = arith.constant 0 : i32
    %c0_i32_0 = arith.constant 0 : i32
    return %arg0, %c0_i32 : i32, i32
  }
  func.func @transform_2(%arg0: i32) -> (i32, i32) {
    %c0_i32 = arith.constant 0 : i32
    %c0_i32_0 = arith.constant 0 : i32
    return %arg0, %c0_i32 : i32, i32
  }
  func.func @transform_3(%arg0: i32) -> (i32, i32) {
    %c0_i32 = arith.constant 0 : i32
    %c0_i32_0 = arith.constant 0 : i32
    %c0_i32_1 = arith.constant 0 : i32
    return %c0_i32, %c0_i32_0 : i32, i32
  }
  func.func @transform_4(%arg0: i32) -> (i32, i32) {
    %c0_i32 = arith.constant 0 : i32
    %c0_i32_0 = arith.constant 0 : i32
    %c0_i32_1 = arith.constant 0 : i32
    return %c0_i32, %c0_i32_0 : i32, i32
  }
  func.func @transform_5(%arg0: i32) -> (i32, i32) {
    %c0_i32 = arith.constant 0 : i32
    %c0_i32_0 = arith.constant 0 : i32
    %c0_i32_1 = arith.constant 0 : i32
    return %c0_i32, %c0_i32_0 : i32, i32
  }
  func.func @transform_6(%arg0: i32) -> (i32, i32) {
    %c0_i32 = arith.constant 0 : i32
    %c0_i32_0 = arith.constant 0 : i32
    return %arg0, %c0_i32 : i32, i32
  }
  func.func @transform_7(%arg0: i32) -> (i32, i32) {
    %c0_i32 = arith.constant 0 : i32
    %c0_i32_0 = arith.constant 0 : i32
    return %arg0, %c0_i32 : i32, i32
  }
  func.func @transform_8(%arg0: i32) -> (i32, i32) {
    %c0_i32 = arith.constant 0 : i32
    %c0_i32_0 = arith.constant 0 : i32
    %c0_i32_1 = arith.constant 0 : i32
    return %c0_i32, %c0_i32_0 : i32, i32
  }
  func.func @transform_9(%arg0: i32) -> (i32, i32) {
    %c0_i32 = arith.constant 0 : i32
    %c0_i32_0 = arith.constant 0 : i32
    %c0_i32_1 = arith.constant 0 : i32
    return %c0_i32, %c0_i32_0 : i32, i32
  }
  func.func @transform_10(%arg0: i32) -> (i32, i32) {
    %c0_i32 = arith.constant 0 : i32
    %c0_i32_0 = arith.constant 0 : i32
    %c0_i32_1 = arith.constant 0 : i32
    return %c0_i32, %c0_i32_0 : i32, i32
  }
  func.func @transform_11(%arg0: i32) -> (i32, i32) {
    %c0_i32 = arith.constant 0 : i32
    %c0_i32_0 = arith.constant 0 : i32
    return %arg0, %c0_i32 : i32, i32
  }
}

</mosaic_0001>

<sc_bundles>
// kernel: kernel.20.cloned.1.call-start
scs
__scs_entry_jumppad:
0x0: {  	(pc) =	sbr.rel $0x88, $3  }
0x1: {  	(tag) =	ssettag $0x0;
	lr =	simm.s32 $0x1  }
0x2: {  	[smem:$0x3F84] =	sst lr;
	_ =	strace $0xD0000000  }
0x3: {  	_ = 	snop  }
0x4: {  	_ = 	snop  }
0x5: {  	_ = 	snop  }
0x6: {  	_ = 	snop  }
0x7: {  	_ = 	snop  }
__scs_overlays_trampoline_lowered:
0x8: {  	[smem:$0x3F93] =	sst s0  }
0x9: {  	[smem:$0x3F94] =	sst s1  }
0xa: {  	[smem:$0x3F95] =	sst s2  }
0xb: {  	[smem:$0x3F96] =	sst s3  }
0xc: {  	[smem:$0x3F97] =	sst s4  }
0xd: {  	[smem:$0x3F98] =	sst s5  }
0xe: {  	[smem:$0x3F99] =	sst s6  }
0xf: {  	[smem:$0x3F9A] =	sst s7  }
0x10: {  	[smem:$0x3F9B] =	sst s8  }
0x11: {  	[smem:$0x3F9C] =	sst s9;
	s0 =	simm.s32 @!p0 $0x0  }
0x12: {  	s1 =	sld [smem:$0x3F82];
	s0 =	simm.s32 @p0 $0x1  }
0x13: {  	[smem:$0x3F9D] =	sst s0;
	s0 =	simm.s32 @!p1 $0x0  }
0x14: {  	s2 =	sld [smem:$0x3F81];
	s0 =	simm.s32 @p1 $0x1  }
0x15: {  	[smem:$0x3F9E] =	sst s0;
	s0 =	simm.s32 @!p2 $0x0  }
0x16: {  	s3 =	sld [smem:$0x3FDB];
	s0 =	simm.s32 @p2 $0x1  }
0x17: {  	s4 =	simm.s32 $0x1BF5;
	[smem:$0x3FA0] =	sst s0  }
0x18: {  	s0 =	sld [smem:$0x3F83];
	_ =	swait.ge [sflag:s4], $0x0  }
0x19: {  	s7 =	sld [smem:$0x3F84]  }
0x1a: {  	s8 =	sadd.s32 $0xFFFFE003, lr  }
0x1b: {  	s9 =	sadd.s32 $0xFFFFFEF7, lr;
	s5 =	simm.s32 $0xFFFFFFFF;
	p2 =	slt.u32 s8, $0xFFFFF086  }
0x1c: {  	p1 =	slt.u32 s9, $0xF7A;
	s5 =	simm.s32 @!p2 $0x0  }
0x1d: {  	s5 =	simm.s32 @p1 $0x1;
	p0 =	seq.s32 s7, s2  }
0x1e: {  	s7 =	smul.u32 @!p0 $0xF7A, s2;
	p2 =	seq.s32 @!p0 s5, $0x0  }
0x1f: {  	s9 =	smul.u32 $0xF7A, s1;
	s8 =	simm.s32 @!p0 $0x1BF5;
	p2 =	por !p2, p0  }
0x20: {  	[sflag:s8] =	ssyncset.s32 @!p0 $0xFFFFF086;
	s6 =	sadd.s32 @!p0 s3, s7;
	s7 =	simm.s32 @!p0 $0x108  }
0x21: {  	s3 =	sadd.s32 s3, s9;
	s6 =	sadd.s32 @!p0 $0x88, s6;
	s7 =	simm.s32 @p2 $0x1082  }
0x22: {  	[simem:s7], [sflag:s8] =	dma.local @!p0 [hbm:s6], $0xF7A  }
0x23: {  	s9 =	sor.u32 $0xD0000000, s2;
	s6 =	simm.s32 $0x108;
	_ =	swait.ge @!p0 [sflag:s8], $0x0  }
0x24: {  	s3 =	sadd.s32 $0x88, s3;
	s6 =	simm.s32 @!p1 $0x1082;
	[sflag:s4] =	ssyncset.s32 $0xFFFFF086  }
0x25: {  	[simem:s6], [sflag:s4] =	dma.local [hbm:s3], $0xF7A  }
0x26: {  	[smem:$0x3F84] =	sst s1;
	(tag) =	ssettag s2;
	_ =	strace s9  }
0x27: {  	s1 =	sld [smem:$0x3F94]  }
0x28: {  	s2 =	sld [smem:$0x3F95]  }
0x29: {  	s4 =	sld [smem:$0x3F97]  }
0x2a: {  	p0 =	seq.s32 s5, $0x0;
	s5 =	sld [smem:$0x3F98]  }
0x2b: {  	s6 =	sld [smem:$0x3F99]  }
0x2c: {  	s7 =	sld [smem:$0x3F9A]  }
0x2d: {  	s3 =	simm.s32 $0x108;
	s8 =	sld [smem:$0x3F9B]  }
0x2e: {  	s3 =	simm.s32 @!p0 $0x1082;
	s9 =	sld [smem:$0x3F9C]  }
0x2f: {  	lr =	sadd.s32 s0, s3;
	s0 =	sld [smem:$0x3F93]  }
0x30: {  	s3 =	sld [smem:$0x3F96]  }
0x31: {  	[smem:$0x3F9F] =	sst s10  }
0x32: {  	s10 =	sld [smem:$0x3F9D];
	_ =	sdelay $0x3  }
0x33: {  	p0 =	seq.s32 s10, $0x1;
	s10 =	sld [smem:$0x3F9F];
	_ =	sdelay $0x3  }
0x34: {  	[smem:$0x3F9F] =	sst s10  }
0x35: {  	s10 =	sld [smem:$0x3F9E];
	_ =	sdelay $0x3  }
0x36: {  	p1 =	seq.s32 s10, $0x1;
	s10 =	sld [smem:$0x3F9F];
	_ =	sdelay $0x3  }
0x37: {  	[smem:$0x3F9F] =	sst s10  }
0x38: {  	s10 =	sld [smem:$0x3FA0]  }
0x39: {  	_ = 	snop;
	(pc) =	sbr.ind lr, $3  }
0x3a: {  	_ = 	snop  }
0x3b: {  	_ = 	snop  }
0x3c: {  	p2 =	seq.s32 s10, $0x1;
	s10 =	sld [smem:$0x3F9F]  }
0x3d: {  	_ =	shalt  }
0x3e: {  	_ =	shalt  }
0x3f: {  	_ =	shalt  }
0x40: {  	_ =	shalt  }
0x41: {  	_ =	shalt  }
0x42: {  	_ =	shalt  }
0x43: {  	_ =	shalt  }
0x44: {  	_ =	shalt  }
0x45: {  	_ =	shalt  }
0x46: {  	_ =	shalt  }
0x47: {  	_ =	shalt  }
0x48: {  	_ =	shalt  }
0x49: {  	_ =	shalt  }
0x4a: {  	_ =	shalt  }
0x4b: {  	_ =	shalt  }
0x4c: {  	_ =	shalt  }
0x4d: {  	_ =	shalt  }
0x4e: {  	_ =	shalt  }
0x4f: {  	_ =	shalt  }
0x50: {  	_ =	shalt  }
0x51: {  	_ =	shalt  }
0x52: {  	_ =	shalt  }
0x53: {  	_ =	shalt  }
0x54: {  	_ =	shalt  }
0x55: {  	_ =	shalt  }
0x56: {  	_ =	shalt  }
0x57: {  	_ =	shalt  }
0x58: {  	_ =	shalt  }
0x59: {  	_ =	shalt  }
0x5a: {  	_ =	shalt  }
0x5b: {  	_ =	shalt  }
0x5c: {  	_ =	shalt  }
0x5d: {  	_ =	shalt  }
0x5e: {  	_ =	shalt  }
0x5f: {  	_ =	shalt  }
0x60: {  	_ =	shalt  }
0x61: {  	_ =	shalt  }
0x62: {  	_ =	shalt  }
0x63: {  	_ =	shalt  }
0x64: {  	_ =	shalt  }
0x65: {  	_ =	shalt  }
0x66: {  	_ =	shalt  }
0x67: {  	_ =	shalt  }
0x68: {  	_ =	shalt  }
0x69: {  	_ =	shalt  }
0x6a: {  	_ =	shalt  }
0x6b: {  	_ =	shalt  }
0x6c: {  	_ =	shalt  }
0x6d: {  	_ =	shalt  }
0x6e: {  	_ =	shalt  }
0x6f: {  	_ =	shalt  }
0x70: {  	_ =	shalt  }
0x71: {  	_ =	shalt  }
0x72: {  	_ =	shalt  }
0x73: {  	_ =	shalt  }
0x74: {  	_ =	shalt  }
0x75: {  	_ =	shalt  }
0x76: {  	_ =	shalt  }
0x77: {  	_ =	shalt  }
0x78: {  	_ =	shalt  }
0x79: {  	_ =	shalt  }
0x7a: {  	_ =	shalt  }
0x7b: {  	_ =	shalt  }
0x7c: {  	_ =	shalt  }
0x7d: {  	_ =	shalt  }
0x7e: {  	_ =	shalt  }
0x7f: {  	_ =	shalt  }
0x80: {  	_ =	shalt  }
0x81: {  	_ =	shalt  }
0x82: {  	_ =	shalt  }
0x83: {  	_ =	shalt  }
0x84: {  	_ =	shalt  }
0x85: {  	_ =	shalt  }
0x86: {  	_ =	shalt  }
0x87: {  	_ =	shalt  }
.Lfunc_end0:
.L_simem_size_0:
called_computation_lowered:
.L_overlay_start_0:
0x88: {  	s2 =	sld [smem:$0x3FD9]  }
0x89: {  	s3 =	sld [smem:$0x3FFE];
	_ =	sdelay $0x1  }
0x8a: {  	s1 =	srdreg.scid  }
0x8b: {  	s0 =	sand.u32 $0x1, s1  }
0x8c: {  	s17 =	sshll.u32 s0, $0xA;
	s2 =	sadd.s32 s3, s2  }
0x8d: {  	s2 =	sadd.s32 s2, s17  }
0x8e: {  	[smem:$0x3FAB] =	sst s2  }
0x8f: {  	_ = 	snop  }
0x90: {  	s2 =	sld [smem:$0x3FD0];
	(tm) =	ssettm $0x1  }
0x91: {  	s18 =	sld [smem:$0x3FFB];
	_ =	sdelay $0x3  }
0x92: {  	_ =	strace s18  }
0x93: {  	s3 =	sld [smem:$0x3FFC];
	_ =	sdelay $0x3  }
0x94: {  	_ =	strace s3  }
0x95: {  	s3 =	sld [smem:$0x3FFD];
	_ =	sdelay $0x3  }
0x96: {  	_ =	strace s3  }
0x97: {  	_ =	strace $0x8FFFFFFF  }
0x98: {  	s19 =	sld [smem:$0x3FDB];
	_ =	sdelay $0x1  }
0x99: {  	s4 =	simm.s32 $_scs_section_size  }
0x9a: {  	s5 =	simm.s32 $_size__tile_overlayer_lowered;
	s6 =	simm.s32 $_tile_overlayer_lowered  }
0x9b: {  	s22 =	simm.s32 $0x1BFF;
	s21 =	sshll.u32 s6, $0x1;
	s3 =	sadd.s32 s4, s19  }
0x9c: {  	s7 =	simm.s32 $0x0;
	s20 =	sshll.u32 s5, $0x1;
	s5 =	sadd.s32 s21, s3  }
0x9d: {  	[timem:s7], [sflag:s22] =	dma.local [hbm:s5], s20  }
0x9e: {  	_ =	swait.ge [sflag:s22], s20  }
0x9f: {  	s4 =	ssub.s32 $0x0, s20;
	[sflag:s22] =	ssyncset.done $0x0  }
0xa0: {  	[sflag:s22] =	ssyncadd.s32 s4;
	_ =	sdelay $0x1  }
0xa1: {  	s23 =	simm.s32 $0x1B8B  }
0xa2: {  	_ =	swait.ge [sflag:s23], $0x1  }
0xa3: {  	[sflag:s23] =	ssyncset.done $0x0  }
0xa4: {  	s25 =	simm.s32 $0x1B8E;
	s24 =	sld [smem:$0x3FFE];
	[sflag:s23] =	ssyncadd.s32 $0xFFFFFFFF  }
0xa5: {  	s26 =	simm.s32 $execute0_lowered;
	[smem:$0x3FD2] =	sst s25  }
0xa6: {  	s5 =	sshll.u32 s26, $0x1;
	_ =	strace $0x80000046;
	[dreg:$0x1] =	wrdreg $0xFFFFFFFF  }
0xa7: {  	s28 =	simm.s32 $_size_execute0_lowered;
	s3 =	sadd.s32 s3, s5;
	[dreg:$0x0] =	wrdreg $0x0  }
0xa8: {  	s5 =	sshll.u32 s28, $0x1;
	[dreg:$0x2] =	wrdreg s3  }
0xa9: {  	[dreg:$0x3] =	wrdreg s5  }
0xaa: {  	[dreg:$0x4] =	wrdreg $0xC0  }
0xab: {  	_ =	task [dreg:s7], $0x5FFFF  }
0xac: {  	[dreg:$0x1] =	wrdreg $0xFFFFFFFF  }
0xad: {  	[dreg:$0x0] =	wrdreg $0x60  }
0xae: {  	[dreg:$0x2] =	wrdreg s24  }
0xaf: {  	[dreg:$0x3] =	wrdreg s2  }
0xb0: {  	[dreg:$0x4] =	wrdreg $0x54000  }
0xb1: {  	[dreg:$0x5] =	wrdreg $0x9  }
0xb2: {  	_ =	task.clear_ibuf [dreg:s7], $0x6FFFF;
	_ =	strace $0x90000046  }
0xb3: {  	s29 =	simm.s32 $0x9;
	_ =	strace $0x80000048  }
0xb4: {  	_ =	swait.ge [sflag:s29], $0x1  }
0xb5: {  	[sflag:s29] =	ssyncadd.s32 $0xFFFFFFFF  }
0xb6: {  	_ =	strace $0x90000048  }
0xb7: {  	_ =	sfence  }
0xb8: {  	s30 =	sld [smem:$0x0];
	_ =	sdelay $0x2  }
0xb9: {  	s31 =	sshll.u32 s1, $0xD;
	s1 =	sshrl.u32 s1, $0x2  }
0xba: {  	s3 =	sand.u32 $0x4000, s31;
	s1 =	sadd.s32 s1, s30  }
0xbb: {  	s0 =	sor.u32 s3, s0;
	s1 =	sshll.u32 s1, $0x11  }
0xbc: {  	s0 =	sor.u32 s1, s0  }
0xbd: {  	s0 =	sadd.s32 $0x8F2B, s0  }
0xbe: {  	[sflag:s0] =	ssyncadd.remote.s32 $0x1  }
0xbf: {  	_ =	sfence.sel $0xFFFF  }
0xc0: {  	[dreg:$0x0] =	wrdreg $0xFFFFFFFF;
	(pc) =	sbr.abs _section_cstart, $3  }
0xc1: {  	[dreg:$0x1] =	wrdreg $0xFFFFFFFF  }
0xc2: {  	_ =	task.clear_ibuf [dreg:s7], $0x2FFFF;
	_ =	strace $0x9FFFFFFF  }
0xc3: {  	(tm) =	ssettm $0x7FFFFFFF  }
tec
execute0_lowered:
.L_overlay_start_1:
0x0: {  	(tag) =	ssettag $0x1  }
0x1: {  	s6 =	rddreg [dreg:$0x0]  }
0x2: {  	s0 =	srdreg.scid;
	s2 =	rddreg [dreg:$0x1]  }
0x3: {  	s3 =	rddreg [dreg:$0x2];
	s5 =	sand.u32 $0x1, s0  }
0x4: {  	s4 =	simm.s32 $0x0;
	s0 =	stileid.u32;
	s8 =	smul.u32 $0x27100, s5  }
0x5: {  	[smem:$0x7FF] =	sst s4;
	s10 =	smul.u32 $0x50000, s0  }
0x6: {  	s14 =	sadd.s32 $0x124800, s3;
	s1 =	sshll.u32 s5, $0x4;
	s12 =	smul.u32 $0x4E000, s0  }
0x7: {  	s9 =	ssub.s32 $0x2, s5;
	s5 =	sadd.s32 $0x18E00, s6;
	s17 =	smul.u32 $0x2700, s0  }
0x8: {  	s31 =	sshll.u32 s0, $0x6;
	p0 =	seq.s32 s0, $0xF;
	s7 =	sor.u32 s0, s1  }
0x9: {  	s1 =	rddreg [dreg:$0x3];
	_ =	strace $0x80000047;
	s11 =	sshrl.u32 s9, $0x1  }
0xa: {  	s14 =	sshrl.u32 @p0 s14, $0x3;
	s7 =	smul.u32 $0x280, s7;
	s8 =	sadd.s32 s8, s6  }
0xb: {  	s9 =	ssub.s32 s9, s11;
	s28 =	sshrl.u32 s10, $0x2;
	s29 =	sshrl.u32 s12, $0x2  }
0xc: {  	s10 =	sor.u32 $0x1C01, s31;
	s12 =	simm.s32 $0x80;
	s30 =	sadd.s32 s28, s3  }
0xd: {  	s15 =	sadd.s32 $0x1B600, s8;
	s16 =	sadd.s32 s29, s3;
	s8 =	simm.s32 $0x1  }
0xe: {  	s7 =	sadd.s32 s7, s6;
	s11 =	sshrl.u32 s30, $0x3;
	s13 =	sadd.s32 @p0 $0x24900, s15  }
0xf: {  	s15 =	sadd.s32 @!p0 s17, s15;
	s16 =	sshrl.u32 @!p0 s16, $0x3;
	s17 =	simm.s32 $0x0  }
0x10: {  	s6 =	sadd.s32 $0x9E00, s7;
	s7 =	smax.u32 s9, $0x1;
	s9 =	simm.s32 $0x1400  }
.LBB2_1:
0x11: {  	[tilespmem:s4], [sflag:$0x1] =	stream.linear.gather [hbm4b:s6+s4], $0x1400, $0x38;
	[tilespmem:$0x19400] =	vst v63  }
0x12: {  	_ =	swait.ge [sflag:s8], $0x1400  }
0x13: {  	[sflag:s8] =	ssyncset.done $0x0  }
0x14: {  	[sflag:s8] =	ssyncadd.s32 $0xFFFFEC00  }
0x15: {  	[tilespmem:s9], [sflag:$0x1] =	stream.linear.gather [hbm4b:s2+s4], $0x4000, $0x38;
	[tilespmem:$0x19400] =	vst v63  }
0x16: {  	_ =	swait.ge [sflag:s8], $0x4000  }
0x17: {  	[sflag:s8] =	ssyncset.done $0x0  }
0x18: {  	[sflag:s8] =	ssyncadd.s32 $0xFFFFC000  }
0x19: {  	[spmem:s11], [sflag:s10] =	dma.local [hbm:s5], $0x2800  }
0x1a: {  	_ =	swait.ge [sflag:s8], $0x2800  }
0x1b: {  	[sflag:s8] =	ssyncset.done $0x0  }
0x1c: {  	[sflag:s8] =	ssyncadd.s32 $0xFFFFD800  }
0x1d: {  	s18 =	simm.s32 $0x0;
	[bflag:$0x0] =	sbarrier.arrive $0xFFFF  }
0x1e: {  	[spmem:s3] =	stream.indirect.scatter.add.f32 [tilespmem:s9], [sflag:$0x1], $0x80, s18, s12, $0xb8;
	[tilespmem:$0x19400] =	vst v63  }
0x1f: {  	_ =	swait.ge [sflag:s8], $0x4000  }
0x20: {  	s18 =	simm.s32 $0x200;
	[sflag:s8] =	ssyncset.done $0x0  }
.LBB2_2:
0x21: {  	s19 =	sshra.s32 s18, $0x2;
	[sflag:s8] =	ssyncadd.s32 $0xFFFFC000;
	p1 =	sne.s32 s18, $0x4E00  }
0x22: {  	[spmem:s3] =	stream.indirect.scatter.add.f32 [tilespmem:s9], [sflag:$0x1], $0x80, s19, s12, $0xb8;
	[tilespmem:$0x19400] =	vst v63  }
.Ltmp0:
0x23: {  	_ = 	snop;
	(pc) =	sbr.rel @p1 .LBB2_2-.Ltmp0, $4  }
0x24: {  	_ = 	snop  }
0x25: {  	s18 =	sadd.s32 $0x200, s18  }
0x26: {  	_ =	swait.ge [sflag:s8], $0x4000  }
0x27: {  	[sflag:s8] =	ssyncset.done $0x0  }
0x28: {  	[sflag:s8] =	ssyncadd.s32 $0xFFFFC000  }
0x29: {  	s18 =	simm.s32 @p0 $0x1;
	[bflag:$0x0] =	sbarrier.arrive $0xFFFF  }
0x2a: {  	[hbm:s13], [sflag:s10] =	dma.local @p0 [spmem:s14], $0x2800  }
0x2b: {  	s17 =	sadd.s32 $0x1, s17;
	_ =	swait.ge @p0 [sflag:s18], $0x2800  }
0x2c: {  	p1 =	sne.s32 s17, s7;
	[sflag:s18] =	ssyncset.done @p0 $0x0  }
.Ltmp1:
0x2d: {  	[sflag:s18] =	ssyncadd.s32 @p0 $0xFFFFD800;
	s18 =	simm.s32 @!p0 $0x1;
	(pc) =	sbr.rel @p1 .LBB2_1-.Ltmp1, $4  }
0x2e: {  	[hbm:s15], [sflag:s10] =	dma.local @!p0 [spmem:s16], $0x2700  }
0x2f: {  	_ =	swait.ge @!p0 [sflag:s18], $0x2700  }
0x30: {  	[sflag:s18] =	ssyncset.done @!p0 $0x0  }
0x31: {  	[sflag:s18] =	ssyncadd.s32 @!p0 $0xFFFFD900  }
0x32: {  	_ =	sfence.sel $0x180000  }
0x33: {  	[bflag:$0x0] =	sbarrier.arrive $0xFFFF  }
0x34: {  	p0 =	sne.s32 s0, $0x0;
	_ =	strace $0x90000047  }
0x35: {  	s0 =	sadd.s32 @!p0 $0x100000, s1;
	[bflag:$0x2] =	sbarrier.arrive $0xFFFF  }
0x36: {  	[sflag:s0] =	ssyncadd.tile.s32 @!p0 $0x1;
	_ =	shalt  }
.Lfunc_end2:
_tile_overlayer_lowered:
.L_overlay_start_2:
0x37: {  	(tag) =	ssettag $0x2  }
0x38: {  	s0 =	rddreg [dreg:$0x0];
	s2 =	stileid.u32  }
0x39: {  	s1 =	rddreg [dreg:$0x1];
	p0 =	sne.s32 s2, $0x0  }
0x3a: {  	s3 =	rddreg [dreg:$0x2];
	[bflag:$0x3] =	sbarrier.arrive $0xFFFF;
	s2 =	simm.s32 @!p0 $0x1C01  }
0x3b: {  	[timem:s3], [sflag:s2] =	dma.local @!p0 [hbm:s0], s1  }
0x3c: {  	s0 =	simm.s32 @!p0 $0x1  }
0x3d: {  	_ =	swait.ge @!p0 [sflag:s0], s1  }
0x3e: {  	s1 =	ssub.s32 @!p0 $0x0, s1;
	[sflag:s0] =	ssyncset.done @!p0 $0x0  }
0x3f: {  	[sflag:s0] =	ssyncadd.s32 @!p0 s1  }
0x40: {  	[bflag:$0x3] =	sbarrier.arrive $0xFFFF  }
0x41: {  	_ =	shalt  }

// kernel: kernel.23.cloned.1.call-start
scs
__scs_entry_jumppad:
0x0: {  	(pc) =	sbr.rel $0x88, $3  }
0x1: {  	(tag) =	ssettag $0x0;
	lr =	simm.s32 $0x1  }
0x2: {  	[smem:$0x3F84] =	sst lr;
	_ =	strace $0xD0000000  }
0x3: {  	_ = 	snop  }
0x4: {  	_ = 	snop  }
0x5: {  	_ = 	snop  }
0x6: {  	_ = 	snop  }
0x7: {  	_ = 	snop  }
__scs_overlays_trampoline_lowered:
0x8: {  	[smem:$0x3F93] =	sst s0  }
0x9: {  	[smem:$0x3F94] =	sst s1  }
0xa: {  	[smem:$0x3F95] =	sst s2  }
0xb: {  	[smem:$0x3F96] =	sst s3  }
0xc: {  	[smem:$0x3F97] =	sst s4  }
0xd: {  	[smem:$0x3F98] =	sst s5  }
0xe: {  	[smem:$0x3F99] =	sst s6  }
0xf: {  	[smem:$0x3F9A] =	sst s7  }
0x10: {  	[smem:$0x3F9B] =	sst s8  }
0x11: {  	[smem:$0x3F9C] =	sst s9;
	s0 =	simm.s32 @!p0 $0x0  }
0x12: {  	s1 =	sld [smem:$0x3F82];
	s0 =	simm.s32 @p0 $0x1  }
0x13: {  	[smem:$0x3F9D] =	sst s0;
	s0 =	simm.s32 @!p1 $0x0  }
0x14: {  	s2 =	sld [smem:$0x3F81];
	s0 =	simm.s32 @p1 $0x1  }
0x15: {  	[smem:$0x3F9E] =	sst s0;
	s0 =	simm.s32 @!p2 $0x0  }
0x16: {  	s3 =	sld [smem:$0x3FDB];
	s0 =	simm.s32 @p2 $0x1  }
0x17: {  	s4 =	simm.s32 $0x1BF5;
	[smem:$0x3FA0] =	sst s0  }
0x18: {  	s0 =	sld [smem:$0x3F83];
	_ =	swait.ge [sflag:s4], $0x0  }
0x19: {  	s7 =	sld [smem:$0x3F84]  }
0x1a: {  	s8 =	sadd.s32 $0xFFFFE003, lr  }
0x1b: {  	s9 =	sadd.s32 $0xFFFFFEF7, lr;
	s5 =	simm.s32 $0xFFFFFFFF;
	p2 =	slt.u32 s8, $0xFFFFF086  }
0x1c: {  	p1 =	slt.u32 s9, $0xF7A;
	s5 =	simm.s32 @!p2 $0x0  }
0x1d: {  	s5 =	simm.s32 @p1 $0x1;
	p0 =	seq.s32 s7, s2  }
0x1e: {  	s7 =	smul.u32 @!p0 $0xF7A, s2;
	p2 =	seq.s32 @!p0 s5, $0x0  }
0x1f: {  	s9 =	smul.u32 $0xF7A, s1;
	s8 =	simm.s32 @!p0 $0x1BF5;
	p2 =	por !p2, p0  }
0x20: {  	[sflag:s8] =	ssyncset.s32 @!p0 $0xFFFFF086;
	s6 =	sadd.s32 @!p0 s3, s7;
	s7 =	simm.s32 @!p0 $0x108  }
0x21: {  	s3 =	sadd.s32 s3, s9;
	s6 =	sadd.s32 @!p0 $0x88, s6;
	s7 =	simm.s32 @p2 $0x1082  }
0x22: {  	[simem:s7], [sflag:s8] =	dma.local @!p0 [hbm:s6], $0xF7A  }
0x23: {  	s9 =	sor.u32 $0xD0000000, s2;
	s6 =	simm.s32 $0x108;
	_ =	swait.ge @!p0 [sflag:s8], $0x0  }
0x24: {  	s3 =	sadd.s32 $0x88, s3;
	s6 =	simm.s32 @!p1 $0x1082;
	[sflag:s4] =	ssyncset.s32 $0xFFFFF086  }
0x25: {  	[simem:s6], [sflag:s4] =	dma.local [hbm:s3], $0xF7A  }
0x26: {  	[smem:$0x3F84] =	sst s1;
	(tag) =	ssettag s2;
	_ =	strace s9  }
0x27: {  	s1 =	sld [smem:$0x3F94]  }
0x28: {  	s2 =	sld [smem:$0x3F95]  }
0x29: {  	s4 =	sld [smem:$0x3F97]  }
0x2a: {  	p0 =	seq.s32 s5, $0x0;
	s5 =	sld [smem:$0x3F98]  }
0x2b: {  	s6 =	sld [smem:$0x3F99]  }
0x2c: {  	s7 =	sld [smem:$0x3F9A]  }
0x2d: {  	s3 =	simm.s32 $0x108;
	s8 =	sld [smem:$0x3F9B]  }
0x2e: {  	s3 =	simm.s32 @!p0 $0x1082;
	s9 =	sld [smem:$0x3F9C]  }
0x2f: {  	lr =	sadd.s32 s0, s3;
	s0 =	sld [smem:$0x3F93]  }
0x30: {  	s3 =	sld [smem:$0x3F96]  }
0x31: {  	[smem:$0x3F9F] =	sst s10  }
0x32: {  	s10 =	sld [smem:$0x3F9D];
	_ =	sdelay $0x3  }
0x33: {  	p0 =	seq.s32 s10, $0x1;
	s10 =	sld [smem:$0x3F9F];
	_ =	sdelay $0x3  }
0x34: {  	[smem:$0x3F9F] =	sst s10  }
0x35: {  	s10 =	sld [smem:$0x3F9E];
	_ =	sdelay $0x3  }
0x36: {  	p1 =	seq.s32 s10, $0x1;
	s10 =	sld [smem:$0x3F9F];
	_ =	sdelay $0x3  }
0x37: {  	[smem:$0x3F9F] =	sst s10  }
0x38: {  	s10 =	sld [smem:$0x3FA0]  }
0x39: {  	_ = 	snop;
	(pc) =	sbr.ind lr, $3  }
0x3a: {  	_ = 	snop  }
0x3b: {  	_ = 	snop  }
0x3c: {  	p2 =	seq.s32 s10, $0x1;
	s10 =	sld [smem:$0x3F9F]  }
0x3d: {  	_ =	shalt  }
0x3e: {  	_ =	shalt  }
0x3f: {  	_ =	shalt  }
0x40: {  	_ =	shalt  }
0x41: {  	_ =	shalt  }
0x42: {  	_ =	shalt  }
0x43: {  	_ =	shalt  }
0x44: {  	_ =	shalt  }
0x45: {  	_ =	shalt  }
0x46: {  	_ =	shalt  }
0x47: {  	_ =	shalt  }
0x48: {  	_ =	shalt  }
0x49: {  	_ =	shalt  }
0x4a: {  	_ =	shalt  }
0x4b: {  	_ =	shalt  }
0x4c: {  	_ =	shalt  }
0x4d: {  	_ =	shalt  }
0x4e: {  	_ =	shalt  }
0x4f: {  	_ =	shalt  }
0x50: {  	_ =	shalt  }
0x51: {  	_ =	shalt  }
0x52: {  	_ =	shalt  }
0x53: {  	_ =	shalt  }
0x54: {  	_ =	shalt  }
0x55: {  	_ =	shalt  }
0x56: {  	_ =	shalt  }
0x57: {  	_ =	shalt  }
0x58: {  	_ =	shalt  }
0x59: {  	_ =	shalt  }
0x5a: {  	_ =	shalt  }
0x5b: {  	_ =	shalt  }
0x5c: {  	_ =	shalt  }
0x5d: {  	_ =	shalt  }
0x5e: {  	_ =	shalt  }
0x5f: {  	_ =	shalt  }
0x60: {  	_ =	shalt  }
0x61: {  	_ =	shalt  }
0x62: {  	_ =	shalt  }
0x63: {  	_ =	shalt  }
0x64: {  	_ =	shalt  }
0x65: {  	_ =	shalt  }
0x66: {  	_ =	shalt  }
0x67: {  	_ =	shalt  }
0x68: {  	_ =	shalt  }
0x69: {  	_ =	shalt  }
0x6a: {  	_ =	shalt  }
0x6b: {  	_ =	shalt  }
0x6c: {  	_ =	shalt  }
0x6d: {  	_ =	shalt  }
0x6e: {  	_ =	shalt  }
0x6f: {  	_ =	shalt  }
0x70: {  	_ =	shalt  }
0x71: {  	_ =	shalt  }
0x72: {  	_ =	shalt  }
0x73: {  	_ =	shalt  }
0x74: {  	_ =	shalt  }
0x75: {  	_ =	shalt  }
0x76: {  	_ =	shalt  }
0x77: {  	_ =	shalt  }
0x78: {  	_ =	shalt  }
0x79: {  	_ =	shalt  }
0x7a: {  	_ =	shalt  }
0x7b: {  	_ =	shalt  }
0x7c: {  	_ =	shalt  }
0x7d: {  	_ =	shalt  }
0x7e: {  	_ =	shalt  }
0x7f: {  	_ =	shalt  }
0x80: {  	_ =	shalt  }
0x81: {  	_ =	shalt  }
0x82: {  	_ =	shalt  }
0x83: {  	_ =	shalt  }
0x84: {  	_ =	shalt  }
0x85: {  	_ =	shalt  }
0x86: {  	_ =	shalt  }
0x87: {  	_ =	shalt  }
.Lfunc_end0:
.L_simem_size_0:
called_computation.1_lowered:
.L_overlay_start_0:
0x88: {  	s2 =	sld [smem:$0x3FD9]  }
0x89: {  	s3 =	sld [smem:$0x3FFE];
	_ =	sdelay $0x1  }
0x8a: {  	s1 =	srdreg.scid  }
0x8b: {  	s0 =	sand.u32 $0x1, s1  }
0x8c: {  	s16 =	sshll.u32 s0, $0xA;
	s2 =	sadd.s32 s3, s2  }
0x8d: {  	s2 =	sadd.s32 s2, s16  }
0x8e: {  	[smem:$0x3FAB] =	sst s2  }
0x8f: {  	_ = 	snop  }
0x90: {  	(tm) =	ssettm $0x1  }
0x91: {  	s17 =	sld [smem:$0x3FFB];
	_ =	sdelay $0x3  }
0x92: {  	_ =	strace s17  }
0x93: {  	s2 =	sld [smem:$0x3FFC];
	_ =	sdelay $0x3  }
0x94: {  	_ =	strace s2  }
0x95: {  	s2 =	sld [smem:$0x3FFD];
	_ =	sdelay $0x3  }
0x96: {  	_ =	strace s2  }
0x97: {  	_ =	strace $0x8FFFFFFF  }
0x98: {  	s18 =	sld [smem:$0x3FDB];
	_ =	sdelay $0x1  }
0x99: {  	s19 =	simm.s32 $_scs_section_size  }
0x9a: {  	s4 =	simm.s32 $_size__tile_overlayer_lowered;
	s5 =	simm.s32 $_tile_overlayer_lowered  }
0x9b: {  	s22 =	simm.s32 $0x1BFF;
	s21 =	sshll.u32 s5, $0x1;
	s2 =	sadd.s32 s19, s18  }
0x9c: {  	s6 =	simm.s32 $0x0;
	s20 =	sshll.u32 s4, $0x1;
	s4 =	sadd.s32 s21, s2  }
0x9d: {  	[timem:s6], [sflag:s22] =	dma.local [hbm:s4], s20  }
0x9e: {  	_ =	swait.ge [sflag:s22], s20  }
0x9f: {  	s3 =	ssub.s32 $0x0, s20;
	[sflag:s22] =	ssyncset.done $0x0  }
0xa0: {  	[sflag:s22] =	ssyncadd.s32 s3;
	_ =	sdelay $0x1  }
0xa1: {  	s23 =	simm.s32 $0x1B8B  }
0xa2: {  	_ =	swait.ge [sflag:s23], $0x1  }
0xa3: {  	[sflag:s23] =	ssyncset.done $0x0  }
0xa4: {  	s25 =	simm.s32 $0x1B8E;
	s24 =	sld [smem:$0x3FFE];
	[sflag:s23] =	ssyncadd.s32 $0xFFFFFFFF  }
0xa5: {  	s26 =	simm.s32 $execute0_lowered;
	[smem:$0x3FD2] =	sst s25  }
0xa6: {  	s4 =	sshll.u32 s26, $0x1;
	_ =	strace $0x80000049;
	[dreg:$0x1] =	wrdreg $0xFFFFFFFF  }
0xa7: {  	s28 =	simm.s32 $_size_execute0_lowered;
	s2 =	sadd.s32 s2, s4;
	[dreg:$0x0] =	wrdreg $0x0  }
0xa8: {  	s4 =	sshll.u32 s28, $0x1;
	[dreg:$0x2] =	wrdreg s2  }
0xa9: {  	[dreg:$0x3] =	wrdreg s4  }
0xaa: {  	[dreg:$0x4] =	wrdreg $0xC0  }
0xab: {  	_ =	task [dreg:s6], $0x5FFFF  }
0xac: {  	[dreg:$0x1] =	wrdreg $0xFFFFFFFF  }
0xad: {  	[dreg:$0x0] =	wrdreg $0x60  }
0xae: {  	[dreg:$0x2] =	wrdreg s24  }
0xaf: {  	[dreg:$0x3] =	wrdreg $0xA8000  }
0xb0: {  	[dreg:$0x4] =	wrdreg $0x9  }
0xb1: {  	_ =	task.clear_ibuf [dreg:s6], $0x5FFFF;
	_ =	strace $0x90000049  }
0xb2: {  	s29 =	simm.s32 $0x9;
	_ =	strace $0x8000004B  }
0xb3: {  	_ =	swait.ge [sflag:s29], $0x1  }
0xb4: {  	[sflag:s29] =	ssyncadd.s32 $0xFFFFFFFF  }
0xb5: {  	_ =	strace $0x9000004B  }
0xb6: {  	_ =	sfence  }
0xb7: {  	s30 =	sld [smem:$0x0];
	_ =	sdelay $0x2  }
0xb8: {  	s31 =	sshll.u32 s1, $0xD;
	s1 =	sshrl.u32 s1, $0x2  }
0xb9: {  	s3 =	sand.u32 $0x4000, s31;
	s1 =	sadd.s32 s1, s30  }
0xba: {  	s0 =	sor.u32 s3, s0;
	s1 =	sshll.u32 s1, $0x11  }
0xbb: {  	s0 =	sor.u32 s1, s0  }
0xbc: {  	s0 =	sadd.s32 $0x8F2B, s0  }
0xbd: {  	[sflag:s0] =	ssyncadd.remote.s32 $0x1  }
0xbe: {  	_ =	sfence.sel $0xFFFF  }
0xbf: {  	[dreg:$0x0] =	wrdreg $0xFFFFFFFF;
	(pc) =	sbr.abs _section_cstart, $3  }
0xc0: {  	[dreg:$0x1] =	wrdreg $0xFFFFFFFF  }
0xc1: {  	_ =	task.clear_ibuf [dreg:s6], $0x2FFFF;
	_ =	strace $0x9FFFFFFF  }
0xc2: {  	(tm) =	ssettm $0x7FFFFFFF  }
0xc3: {  	_ =	shalt  }
tec
execute0_lowered:
.L_overlay_start_1:
0x0: {  	(tag) =	ssettag $0x1  }
0x1: {  	s0 =	srdreg.scid;
	s6 =	rddreg [dreg:$0x0]  }
0x2: {  	s2 =	rddreg [dreg:$0x1];
	s1 =	stileid.u32;
	s3 =	simm.s32 $0x0  }
0x3: {  	s13 =	simm.s32 $0x80;
	s14 =	simm.s32 $0x2800;
	s15 =	simm.s32 $0x6800  }
0x4: {  	s16 =	simm.s32 $0x1;
	s17 =	simm.s32 $0x2;
	s18 =	simm.s32 $0x2700  }
0x5: {  	s5 =	sand.u32 $0x1, s0;
	s0 =	rddreg [dreg:$0x2];
	s10 =	smul.u32 $0x50000, s1  }
0x6: {  	s19 =	simm.s32 $0x2780;
	[smem:$0x7FF] =	sst s3;
	s12 =	smul.u32 $0x4E000, s1  }
0x7: {  	s24 =	smul.u32 $0x2700, s1;
	s21 =	sadd.s32 $0x124800, s2;
	s31 =	sshll.u32 s1, $0x6  }
0x8: {  	p0 =	seq.s32 s1, $0xF;
	s4 =	sshll.u32 s5, $0x4;
	_ =	strace $0x8000004A  }
0x9: {  	s8 =	smul.u32 $0x27100, s5;
	s9 =	ssub.s32 $0x2, s5;
	s5 =	sadd.s32 $0x18E00, s6  }
0xa: {  	s21 =	sshrl.u32 @p0 s21, $0x3;
	s4 =	sor.u32 s1, s4;
	s11 =	sshrl.u32 s9, $0x1  }
0xb: {  	s10 =	sshrl.u32 s10, $0x2;
	s29 =	sshrl.u32 s12, $0x2;
	s7 =	smul.u32 $0x280, s4  }
0xc: {  	s4 =	sadd.s32 $0x1B600, s6;
	s8 =	sadd.s32 s8, s6;
	s9 =	ssub.s32 s9, s11  }
0xd: {  	s30 =	sadd.s32 s10, s2;
	s23 =	sadd.s32 s29, s2;
	s10 =	simm.s32 $0x1400  }
0xe: {  	s11 =	sor.u32 $0x1C03, s31;
	s22 =	sadd.s32 $0x69A00, s8;
	s8 =	smax.u32 s9, $0x1  }
0xf: {  	s9 =	simm.s32 $0x3;
	s12 =	sshrl.u32 s30, $0x3;
	s23 =	sshrl.u32 @!p0 s23, $0x3  }
0x10: {  	s7 =	sadd.s32 s7, s6;
	s20 =	sadd.s32 @p0 $0x24900, s22;
	s22 =	sadd.s32 @!p0 s24, s22  }
0x11: {  	s24 =	simm.s32 $0x0;
	s6 =	sadd.s32 $0xEE00, s7;
	s7 =	sadd.s32 $0x13E00, s7  }
.LBB2_1:
0x12: {  	[tilespmem:s3], [sflag:$0x3] =	stream.linear.gather [hbm4b:s6+s3], $0x1400, $0x38;
	[tilespmem:$0x1E800] =	vst v63  }
0x13: {  	_ =	swait.ge [sflag:s9], $0x1400  }
0x14: {  	[sflag:s9] =	ssyncset.done $0x0  }
0x15: {  	[sflag:s9] =	ssyncadd.s32 $0xFFFFEC00  }
0x16: {  	[tilespmem:s10], [sflag:$0x3] =	stream.linear.gather [hbm4b:s7+s3], $0x1400, $0x38;
	[tilespmem:$0x1E800] =	vst v63  }
0x17: {  	_ =	swait.ge [sflag:s9], $0x1400  }
0x18: {  	[sflag:s9] =	ssyncset.done $0x0  }
0x19: {  	[sflag:s9] =	ssyncadd.s32 $0xFFFFEC00  }
0x1a: {  	[spmem:s12], [sflag:s11] =	dma.local [hbm:s5], $0x2800  }
0x1b: {  	_ =	swait.ge [sflag:s9], $0x2800  }
0x1c: {  	[sflag:s9] =	ssyncset.done $0x0  }
0x1d: {  	[sflag:s9] =	ssyncadd.s32 $0xFFFFD800  }
0x1e: {  	[bflag:$0x0] =	sbarrier.arrive $0xFFFF  }
0x1f: {  	[tilespmem:s14], [sflag:$0x1] =	stream.indirect.gather [hbm4b:s4+s13], $0x80, s3, s13, $0xb8;
	[tilespmem:$0x1E800] =	vst v63  }
0x20: {  	_ = 	snop  }
0x21: {  	[tilespmem:s15], [sflag:$0x2] =	stream.indirect.gather [hbm4b:s4+s13], $0x80, s13, s13, $0xb8;
	[tilespmem:$0x1E800] =	vst v63  }
0x22: {  	_ =	swait.ge [sflag:s16], $0x4000  }
0x23: {  	[sflag:s16] =	ssyncset.done $0x0  }
0x24: {  	s25 =	simm.s32 $0x1400;
	[sflag:s16] =	ssyncadd.s32 $0xFFFFC000  }
0x25: {  	[spmem:s2] =	stream.indirect.scatter.add.f32 [tilespmem:s14], [sflag:$0x3], $0x80, s25, s13, $0xb8;
	[tilespmem:$0x1E800] =	vst v63  }
0x26: {  	_ =	swait.ge [sflag:s9], $0x4000  }
0x27: {  	[sflag:s9] =	ssyncset.done $0x0  }
0x28: {  	s30 =	simm.s32 $0x100;
	[sflag:s9] =	ssyncadd.s32 $0xFFFFC000  }
0x29: {  	[tilespmem:s14], [sflag:$0x1] =	stream.indirect.gather [hbm4b:s4+s13], $0x80, s30, s13, $0xb8;
	[tilespmem:$0x1E800] =	vst v63  }
0x2a: {  	_ =	swait.ge [sflag:s17], $0x4000  }
0x2b: {  	[sflag:s17] =	ssyncset.done $0x0  }
0x2c: {  	s31 =	simm.s32 $0x1480;
	[sflag:s17] =	ssyncadd.s32 $0xFFFFC000  }
0x2d: {  	[spmem:s2] =	stream.indirect.scatter.add.f32 [tilespmem:s15], [sflag:$0x3], $0x80, s31, s13, $0xb8;
	[tilespmem:$0x1E800] =	vst v63  }
0x2e: {  	_ =	swait.ge [sflag:s9], $0x4000  }
0x2f: {  	[sflag:s9] =	ssyncset.done $0x0  }
0x30: {  	s26 =	simm.s32 $0x180;
	s25 =	simm.s32 $0x400;
	[sflag:s9] =	ssyncadd.s32 $0xFFFFC000  }
.LBB2_2:
0x31: {  	[tilespmem:s15], [sflag:$0x2] =	stream.indirect.gather [hbm4b:s4+s13], $0x80, s26, s13, $0xb8;
	[tilespmem:$0x1E800] =	vst v63  }
0x32: {  	s26 =	smov.u32 s25  }
0x33: {  	p1 =	sne.s32 s25, $0x4800;
	s25 =	sadd.s32 $0x400, s25;
	_ =	swait.ge [sflag:s16], $0x4000  }
0x34: {  	s26 =	sshra.s32 s26, $0x2;
	[sflag:s16] =	ssyncset.done $0x0  }
0x35: {  	s28 =	sadd.s32 $0x1400, s26;
	[sflag:s16] =	ssyncadd.s32 $0xFFFFC000  }
0x36: {  	[spmem:s2] =	stream.indirect.scatter.add.f32 [tilespmem:s14], [sflag:$0x3], $0x80, s28, s13, $0xb8;
	[tilespmem:$0x1E800] =	vst v63  }
0x37: {  	_ =	swait.ge [sflag:s9], $0x4000  }
0x38: {  	[sflag:s9] =	ssyncset.done $0x0  }
0x39: {  	s28 =	sadd.s32 $0x100, s26;
	[sflag:s9] =	ssyncadd.s32 $0xFFFFC000  }
0x3a: {  	[tilespmem:s14], [sflag:$0x1] =	stream.indirect.gather [hbm4b:s4+s13], $0x80, s28, s13, $0xb8;
	[tilespmem:$0x1E800] =	vst v63  }
0x3b: {  	_ =	swait.ge [sflag:s17], $0x4000  }
0x3c: {  	[sflag:s17] =	ssyncset.done $0x0  }
.Ltmp0:
0x3d: {  	s28 =	sadd.s32 $0x1480, s26;
	[sflag:s17] =	ssyncadd.s32 $0xFFFFC000;
	(pc) =	sbr.rel @p1 .LBB2_2-.Ltmp0, $4  }
0x3e: {  	[spmem:s2] =	stream.indirect.scatter.add.f32 [tilespmem:s15], [sflag:$0x3], $0x80, s28, s13, $0xb8;
	[tilespmem:$0x1E800] =	vst v63  }
0x3f: {  	_ =	swait.ge [sflag:s9], $0x4000  }
0x40: {  	[sflag:s9] =	ssyncset.done $0x0  }
0x41: {  	s26 =	sadd.s32 $0x180, s26;
	[sflag:s9] =	ssyncadd.s32 $0xFFFFC000  }
0x42: {  	[tilespmem:s15], [sflag:$0x2] =	stream.indirect.gather [hbm4b:s4+s13], $0x80, s26, s13, $0xb8;
	[tilespmem:$0x1E800] =	vst v63  }
0x43: {  	_ =	swait.ge [sflag:s16], $0x4000  }
0x44: {  	[sflag:s16] =	ssyncset.done $0x0  }
0x45: {  	[sflag:s16] =	ssyncadd.s32 $0xFFFFC000  }
0x46: {  	[spmem:s2] =	stream.indirect.scatter.add.f32 [tilespmem:s14], [sflag:$0x3], $0x80, s18, s13, $0xb8;
	[tilespmem:$0x1E800] =	vst v63  }
0x47: {  	_ =	swait.ge [sflag:s9], $0x4000  }
0x48: {  	[sflag:s9] =	ssyncset.done $0x0  }
0x49: {  	[sflag:s9] =	ssyncadd.s32 $0xFFFFC000  }
0x4a: {  	_ =	swait.ge [sflag:s17], $0x4000  }
0x4b: {  	[sflag:s17] =	ssyncset.done $0x0  }
0x4c: {  	[sflag:s17] =	ssyncadd.s32 $0xFFFFC000  }
0x4d: {  	[spmem:s2] =	stream.indirect.scatter.add.f32 [tilespmem:s15], [sflag:$0x3], $0x80, s19, s13, $0xb8;
	[tilespmem:$0x1E800] =	vst v63  }
0x4e: {  	_ =	swait.ge [sflag:s9], $0x4000  }
0x4f: {  	[sflag:s9] =	ssyncset.done $0x0  }
0x50: {  	[sflag:s9] =	ssyncadd.s32 $0xFFFFC000  }
0x51: {  	s25 =	simm.s32 @p0 $0x3;
	[bflag:$0x0] =	sbarrier.arrive $0xFFFF  }
0x52: {  	[hbm:s20], [sflag:s11] =	dma.local @p0 [spmem:s21], $0x2800  }
0x53: {  	s24 =	sadd.s32 $0x1, s24;
	_ =	swait.ge @p0 [sflag:s25], $0x2800  }
0x54: {  	p1 =	sne.s32 s24, s8;
	[sflag:s25] =	ssyncset.done @p0 $0x0  }
.Ltmp1:
0x55: {  	[sflag:s25] =	ssyncadd.s32 @p0 $0xFFFFD800;
	s25 =	simm.s32 @!p0 $0x3;
	(pc) =	sbr.rel @p1 .LBB2_1-.Ltmp1, $4  }
0x56: {  	[hbm:s22], [sflag:s11] =	dma.local @!p0 [spmem:s23], $0x2700  }
0x57: {  	_ =	swait.ge @!p0 [sflag:s25], $0x2700  }
0x58: {  	[sflag:s25] =	ssyncset.done @!p0 $0x0  }
0x59: {  	[sflag:s25] =	ssyncadd.s32 @!p0 $0xFFFFD900  }
0x5a: {  	_ =	sfence.sel $0x180000  }
0x5b: {  	[bflag:$0x0] =	sbarrier.arrive $0xFFFF  }
0x5c: {  	p0 =	sne.s32 s1, $0x0;
	_ =	strace $0x9000004A  }
0x5d: {  	s0 =	sadd.s32 @!p0 $0x100000, s0;
	[bflag:$0x2] =	sbarrier.arrive $0xFFFF  }
0x5e: {  	[sflag:s0] =	ssyncadd.tile.s32 @!p0 $0x1;
	_ =	shalt  }
.Lfunc_end2:
_tile_overlayer_lowered:
.L_overlay_start_2:
0x5f: {  	(tag) =	ssettag $0x2  }
0x60: {  	s0 =	rddreg [dreg:$0x0];
	s2 =	stileid.u32  }
0x61: {  	s1 =	rddreg [dreg:$0x1];
	p0 =	sne.s32 s2, $0x0  }
0x62: {  	s3 =	rddreg [dreg:$0x2];
	[bflag:$0x3] =	sbarrier.arrive $0xFFFF;
	s2 =	simm.s32 @!p0 $0x1C03  }
0x63: {  	[timem:s3], [sflag:s2] =	dma.local @!p0 [hbm:s0], s1  }
0x64: {  	s0 =	simm.s32 @!p0 $0x3  }
0x65: {  	_ =	swait.ge @!p0 [sflag:s0], s1  }
0x66: {  	s1 =	ssub.s32 @!p0 $0x0, s1;
	[sflag:s0] =	ssyncset.done @!p0 $0x0  }
0x67: {  	[sflag:s0] =	ssyncadd.s32 @!p0 s1  }
0x68: {  	[bflag:$0x3] =	sbarrier.arrive $0xFFFF  }
0x69: {  	_ =	shalt  }

// kernel: kernel.26.cloned.1.call-start
scs
__scs_entry_jumppad:
0x0: {  	(pc) =	sbr.rel $0x88, $3  }
0x1: {  	(tag) =	ssettag $0x0;
	lr =	simm.s32 $0x1  }
0x2: {  	[smem:$0x3F84] =	sst lr;
	_ =	strace $0xD0000000  }
0x3: {  	_ = 	snop  }
0x4: {  	_ = 	snop  }
0x5: {  	_ = 	snop  }
0x6: {  	_ = 	snop  }
0x7: {  	_ = 	snop  }
__scs_overlays_trampoline_lowered:
0x8: {  	[smem:$0x3F93] =	sst s0  }
0x9: {  	[smem:$0x3F94] =	sst s1  }
0xa: {  	[smem:$0x3F95] =	sst s2  }
0xb: {  	[smem:$0x3F96] =	sst s3  }
0xc: {  	[smem:$0x3F97] =	sst s4  }
0xd: {  	[smem:$0x3F98] =	sst s5  }
0xe: {  	[smem:$0x3F99] =	sst s6  }
0xf: {  	[smem:$0x3F9A] =	sst s7  }
0x10: {  	[smem:$0x3F9B] =	sst s8  }
0x11: {  	[smem:$0x3F9C] =	sst s9;
	s0 =	simm.s32 @!p0 $0x0  }
0x12: {  	s1 =	sld [smem:$0x3F82];
	s0 =	simm.s32 @p0 $0x1  }
0x13: {  	[smem:$0x3F9D] =	sst s0;
	s0 =	simm.s32 @!p1 $0x0  }
0x14: {  	s2 =	sld [smem:$0x3F81];
	s0 =	simm.s32 @p1 $0x1  }
0x15: {  	[smem:$0x3F9E] =	sst s0;
	s0 =	simm.s32 @!p2 $0x0  }
0x16: {  	s3 =	sld [smem:$0x3FDB];
	s0 =	simm.s32 @p2 $0x1  }
0x17: {  	s4 =	simm.s32 $0x1BF5;
	[smem:$0x3FA0] =	sst s0  }
0x18: {  	s0 =	sld [smem:$0x3F83];
	_ =	swait.ge [sflag:s4], $0x0  }
0x19: {  	s7 =	sld [smem:$0x3F84]  }
0x1a: {  	s8 =	sadd.s32 $0xFFFFE003, lr  }
0x1b: {  	s9 =	sadd.s32 $0xFFFFFEF7, lr;
	s5 =	simm.s32 $0xFFFFFFFF;
	p2 =	slt.u32 s8, $0xFFFFF086  }
0x1c: {  	p1 =	slt.u32 s9, $0xF7A;
	s5 =	simm.s32 @!p2 $0x0  }
0x1d: {  	s5 =	simm.s32 @p1 $0x1;
	p0 =	seq.s32 s7, s2  }
0x1e: {  	s7 =	smul.u32 @!p0 $0xF7A, s2;
	p2 =	seq.s32 @!p0 s5, $0x0  }
0x1f: {  	s9 =	smul.u32 $0xF7A, s1;
	s8 =	simm.s32 @!p0 $0x1BF5;
	p2 =	por !p2, p0  }
0x20: {  	[sflag:s8] =	ssyncset.s32 @!p0 $0xFFFFF086;
	s6 =	sadd.s32 @!p0 s3, s7;
	s7 =	simm.s32 @!p0 $0x108  }
0x21: {  	s3 =	sadd.s32 s3, s9;
	s6 =	sadd.s32 @!p0 $0x88, s6;
	s7 =	simm.s32 @p2 $0x1082  }
0x22: {  	[simem:s7], [sflag:s8] =	dma.local @!p0 [hbm:s6], $0xF7A  }
0x23: {  	s9 =	sor.u32 $0xD0000000, s2;
	s6 =	simm.s32 $0x108;
	_ =	swait.ge @!p0 [sflag:s8], $0x0  }
0x24: {  	s3 =	sadd.s32 $0x88, s3;
	s6 =	simm.s32 @!p1 $0x1082;
	[sflag:s4] =	ssyncset.s32 $0xFFFFF086  }
0x25: {  	[simem:s6], [sflag:s4] =	dma.local [hbm:s3], $0xF7A  }
0x26: {  	[smem:$0x3F84] =	sst s1;
	(tag) =	ssettag s2;
	_ =	strace s9  }
0x27: {  	s1 =	sld [smem:$0x3F94]  }
0x28: {  	s2 =	sld [smem:$0x3F95]  }
0x29: {  	s4 =	sld [smem:$0x3F97]  }
0x2a: {  	p0 =	seq.s32 s5, $0x0;
	s5 =	sld [smem:$0x3F98]  }
0x2b: {  	s6 =	sld [smem:$0x3F99]  }
0x2c: {  	s7 =	sld [smem:$0x3F9A]  }
0x2d: {  	s3 =	simm.s32 $0x108;
	s8 =	sld [smem:$0x3F9B]  }
0x2e: {  	s3 =	simm.s32 @!p0 $0x1082;
	s9 =	sld [smem:$0x3F9C]  }
0x2f: {  	lr =	sadd.s32 s0, s3;
	s0 =	sld [smem:$0x3F93]  }
0x30: {  	s3 =	sld [smem:$0x3F96]  }
0x31: {  	[smem:$0x3F9F] =	sst s10  }
0x32: {  	s10 =	sld [smem:$0x3F9D];
	_ =	sdelay $0x3  }
0x33: {  	p0 =	seq.s32 s10, $0x1;
	s10 =	sld [smem:$0x3F9F];
	_ =	sdelay $0x3  }
0x34: {  	[smem:$0x3F9F] =	sst s10  }
0x35: {  	s10 =	sld [smem:$0x3F9E];
	_ =	sdelay $0x3  }
0x36: {  	p1 =	seq.s32 s10, $0x1;
	s10 =	sld [smem:$0x3F9F];
	_ =	sdelay $0x3  }
0x37: {  	[smem:$0x3F9F] =	sst s10  }
0x38: {  	s10 =	sld [smem:$0x3FA0]  }
0x39: {  	_ = 	snop;
	(pc) =	sbr.ind lr, $3  }
0x3a: {  	_ = 	snop  }
0x3b: {  	_ = 	snop  }
0x3c: {  	p2 =	seq.s32 s10, $0x1;
	s10 =	sld [smem:$0x3F9F]  }
0x3d: {  	_ =	shalt  }
0x3e: {  	_ =	shalt  }
0x3f: {  	_ =	shalt  }
0x40: {  	_ =	shalt  }
0x41: {  	_ =	shalt  }
0x42: {  	_ =	shalt  }
0x43: {  	_ =	shalt  }
0x44: {  	_ =	shalt  }
0x45: {  	_ =	shalt  }
0x46: {  	_ =	shalt  }
0x47: {  	_ =	shalt  }
0x48: {  	_ =	shalt  }
0x49: {  	_ =	shalt  }
0x4a: {  	_ =	shalt  }
0x4b: {  	_ =	shalt  }
0x4c: {  	_ =	shalt  }
0x4d: {  	_ =	shalt  }
0x4e: {  	_ =	shalt  }
0x4f: {  	_ =	shalt  }
0x50: {  	_ =	shalt  }
0x51: {  	_ =	shalt  }
0x52: {  	_ =	shalt  }
0x53: {  	_ =	shalt  }
0x54: {  	_ =	shalt  }
0x55: {  	_ =	shalt  }
0x56: {  	_ =	shalt  }
0x57: {  	_ =	shalt  }
0x58: {  	_ =	shalt  }
0x59: {  	_ =	shalt  }
0x5a: {  	_ =	shalt  }
0x5b: {  	_ =	shalt  }
0x5c: {  	_ =	shalt  }
0x5d: {  	_ =	shalt  }
0x5e: {  	_ =	shalt  }
0x5f: {  	_ =	shalt  }
0x60: {  	_ =	shalt  }
0x61: {  	_ =	shalt  }
0x62: {  	_ =	shalt  }
0x63: {  	_ =	shalt  }
0x64: {  	_ =	shalt  }
0x65: {  	_ =	shalt  }
0x66: {  	_ =	shalt  }
0x67: {  	_ =	shalt  }
0x68: {  	_ =	shalt  }
0x69: {  	_ =	shalt  }
0x6a: {  	_ =	shalt  }
0x6b: {  	_ =	shalt  }
0x6c: {  	_ =	shalt  }
0x6d: {  	_ =	shalt  }
0x6e: {  	_ =	shalt  }
0x6f: {  	_ =	shalt  }
0x70: {  	_ =	shalt  }
0x71: {  	_ =	shalt  }
0x72: {  	_ =	shalt  }
0x73: {  	_ =	shalt  }
0x74: {  	_ =	shalt  }
0x75: {  	_ =	shalt  }
0x76: {  	_ =	shalt  }
0x77: {  	_ =	shalt  }
0x78: {  	_ =	shalt  }
0x79: {  	_ =	shalt  }
0x7a: {  	_ =	shalt  }
0x7b: {  	_ =	shalt  }
0x7c: {  	_ =	shalt  }
0x7d: {  	_ =	shalt  }
0x7e: {  	_ =	shalt  }
0x7f: {  	_ =	shalt  }
0x80: {  	_ =	shalt  }
0x81: {  	_ =	shalt  }
0x82: {  	_ =	shalt  }
0x83: {  	_ =	shalt  }
0x84: {  	_ =	shalt  }
0x85: {  	_ =	shalt  }
0x86: {  	_ =	shalt  }
0x87: {  	_ =	shalt  }
.Lfunc_end0:
.L_simem_size_0:
called_computation.2_lowered:
.L_overlay_start_0:
0x88: {  	s2 =	sld [smem:$0x3FD9]  }
0x89: {  	s3 =	sld [smem:$0x3FFE];
	_ =	sdelay $0x1  }
0x8a: {  	s1 =	srdreg.scid  }
0x8b: {  	s0 =	sand.u32 $0x1, s1  }
0x8c: {  	s16 =	sshll.u32 s0, $0xA;
	s2 =	sadd.s32 s3, s2  }
0x8d: {  	s2 =	sadd.s32 s2, s16  }
0x8e: {  	[smem:$0x3FAB] =	sst s2  }
0x8f: {  	_ = 	snop  }
0x90: {  	(tm) =	ssettm $0x1  }
0x91: {  	s17 =	sld [smem:$0x3FFB];
	_ =	sdelay $0x3  }
0x92: {  	_ =	strace s17  }
0x93: {  	s2 =	sld [smem:$0x3FFC];
	_ =	sdelay $0x3  }
0x94: {  	_ =	strace s2  }
0x95: {  	s2 =	sld [smem:$0x3FFD];
	_ =	sdelay $0x3  }
0x96: {  	_ =	strace s2  }
0x97: {  	_ =	strace $0x8FFFFFFF  }
0x98: {  	s18 =	sld [smem:$0x3FDB];
	_ =	sdelay $0x1  }
0x99: {  	s19 =	simm.s32 $_scs_section_size  }
0x9a: {  	s4 =	simm.s32 $_size__tile_overlayer_lowered;
	s5 =	simm.s32 $_tile_overlayer_lowered  }
0x9b: {  	s22 =	simm.s32 $0x1BFF;
	s21 =	sshll.u32 s5, $0x1;
	s2 =	sadd.s32 s19, s18  }
0x9c: {  	s6 =	simm.s32 $0x0;
	s20 =	sshll.u32 s4, $0x1;
	s4 =	sadd.s32 s21, s2  }
0x9d: {  	[timem:s6], [sflag:s22] =	dma.local [hbm:s4], s20  }
0x9e: {  	_ =	swait.ge [sflag:s22], s20  }
0x9f: {  	s3 =	ssub.s32 $0x0, s20;
	[sflag:s22] =	ssyncset.done $0x0  }
0xa0: {  	[sflag:s22] =	ssyncadd.s32 s3;
	_ =	sdelay $0x1  }
0xa1: {  	s23 =	simm.s32 $0x1B8B  }
0xa2: {  	_ =	swait.ge [sflag:s23], $0x1  }
0xa3: {  	[sflag:s23] =	ssyncset.done $0x0  }
0xa4: {  	s25 =	simm.s32 $0x1B8E;
	s24 =	sld [smem:$0x3FFE];
	[sflag:s23] =	ssyncadd.s32 $0xFFFFFFFF  }
0xa5: {  	s26 =	simm.s32 $execute0_lowered;
	[smem:$0x3FD2] =	sst s25  }
0xa6: {  	s4 =	sshll.u32 s26, $0x1;
	_ =	strace $0x8000004C;
	[dreg:$0x1] =	wrdreg $0xFFFFFFFF  }
0xa7: {  	s28 =	simm.s32 $_size_execute0_lowered;
	s2 =	sadd.s32 s2, s4;
	[dreg:$0x0] =	wrdreg $0x0  }
0xa8: {  	s4 =	sshll.u32 s28, $0x1;
	[dreg:$0x2] =	wrdreg s2  }
0xa9: {  	[dreg:$0x3] =	wrdreg s4  }
0xaa: {  	[dreg:$0x4] =	wrdreg $0xC0  }
0xab: {  	_ =	task [dreg:s6], $0x5FFFF  }
0xac: {  	[dreg:$0x1] =	wrdreg $0xFFFFFFFF  }
0xad: {  	[dreg:$0x0] =	wrdreg $0x60  }
0xae: {  	[dreg:$0x2] =	wrdreg s24  }
0xaf: {  	[dreg:$0x3] =	wrdreg $0xA8000  }
0xb0: {  	[dreg:$0x4] =	wrdreg $0x9  }
0xb1: {  	_ =	task.clear_ibuf [dreg:s6], $0x5FFFF;
	_ =	strace $0x9000004C  }
0xb2: {  	s29 =	simm.s32 $0x9;
	_ =	strace $0x8000004E  }
0xb3: {  	_ =	swait.ge [sflag:s29], $0x1  }
0xb4: {  	[sflag:s29] =	ssyncadd.s32 $0xFFFFFFFF  }
0xb5: {  	_ =	strace $0x9000004E  }
0xb6: {  	_ =	sfence  }
0xb7: {  	s30 =	sld [smem:$0x0];
	_ =	sdelay $0x2  }
0xb8: {  	s31 =	sshll.u32 s1, $0xD;
	s1 =	sshrl.u32 s1, $0x2  }
0xb9: {  	s3 =	sand.u32 $0x4000, s31;
	s1 =	sadd.s32 s1, s30  }
0xba: {  	s0 =	sor.u32 s3, s0;
	s1 =	sshll.u32 s1, $0x11  }
0xbb: {  	s0 =	sor.u32 s1, s0  }
0xbc: {  	s0 =	sadd.s32 $0x8F2B, s0  }
0xbd: {  	[sflag:s0] =	ssyncadd.remote.s32 $0x1  }
0xbe: {  	_ =	sfence.sel $0xFFFF  }
0xbf: {  	[dreg:$0x0] =	wrdreg $0xFFFFFFFF;
	(pc) =	sbr.abs _section_cstart, $3  }
0xc0: {  	[dreg:$0x1] =	wrdreg $0xFFFFFFFF  }
0xc1: {  	_ =	task.clear_ibuf [dreg:s6], $0x2FFFF;
	_ =	strace $0x9FFFFFFF  }
0xc2: {  	(tm) =	ssettm $0x7FFFFFFF  }
0xc3: {  	_ =	shalt  }
tec
execute0_lowered:
.L_overlay_start_1:
0x0: {  	(tag) =	ssettag $0x1  }
0x1: {  	s0 =	srdreg.scid;
	s6 =	rddreg [dreg:$0x0]  }
0x2: {  	s2 =	rddreg [dreg:$0x1];
	s1 =	stileid.u32;
	s3 =	simm.s32 $0x0  }
0x3: {  	s13 =	simm.s32 $0x80;
	s14 =	simm.s32 $0x2800;
	s15 =	simm.s32 $0x6800  }
0x4: {  	s16 =	simm.s32 $0x1;
	s17 =	simm.s32 $0x2;
	s18 =	simm.s32 $0x2700  }
0x5: {  	s5 =	sand.u32 $0x1, s0;
	s0 =	rddreg [dreg:$0x2];
	s10 =	smul.u32 $0x50000, s1  }
0x6: {  	s19 =	simm.s32 $0x2780;
	[smem:$0x7FF] =	sst s3;
	s12 =	smul.u32 $0x4E000, s1  }
0x7: {  	s24 =	smul.u32 $0x2700, s1;
	s21 =	sadd.s32 $0x124800, s2;
	s31 =	sshll.u32 s1, $0x6  }
0x8: {  	p0 =	seq.s32 s1, $0xF;
	s4 =	sshll.u32 s5, $0x4;
	_ =	strace $0x8000004D  }
0x9: {  	s8 =	smul.u32 $0x27100, s5;
	s9 =	ssub.s32 $0x2, s5;
	s5 =	sadd.s32 $0x18E00, s6  }
0xa: {  	s21 =	sshrl.u32 @p0 s21, $0x3;
	s4 =	sor.u32 s1, s4;
	s11 =	sshrl.u32 s9, $0x1  }
0xb: {  	s10 =	sshrl.u32 s10, $0x2;
	s29 =	sshrl.u32 s12, $0x2;
	s7 =	smul.u32 $0x280, s4  }
0xc: {  	s4 =	sadd.s32 $0x1B600, s6;
	s8 =	sadd.s32 s8, s6;
	s9 =	ssub.s32 s9, s11  }
0xd: {  	s30 =	sadd.s32 s10, s2;
	s23 =	sadd.s32 s29, s2;
	s10 =	simm.s32 $0x1400  }
0xe: {  	s11 =	sor.u32 $0x1C03, s31;
	s22 =	sadd.s32 $0x69A00, s8;
	s8 =	smax.u32 s9, $0x1  }
0xf: {  	s9 =	simm.s32 $0x3;
	s12 =	sshrl.u32 s30, $0x3;
	s23 =	sshrl.u32 @!p0 s23, $0x3  }
0x10: {  	s7 =	sadd.s32 s7, s6;
	s20 =	sadd.s32 @p0 $0x24900, s22;
	s22 =	sadd.s32 @!p0 s24, s22  }
0x11: {  	s24 =	simm.s32 $0x0;
	s6 =	sadd.s32 $0xEE00, s7;
	s7 =	sadd.s32 $0x13E00, s7  }
.LBB2_1:
0x12: {  	[tilespmem:s3], [sflag:$0x3] =	stream.linear.gather [hbm4b:s6+s3], $0x1400, $0x38;
	[tilespmem:$0x1E800] =	vst v63  }
0x13: {  	_ =	swait.ge [sflag:s9], $0x1400  }
0x14: {  	[sflag:s9] =	ssyncset.done $0x0  }
0x15: {  	[sflag:s9] =	ssyncadd.s32 $0xFFFFEC00  }
0x16: {  	[tilespmem:s10], [sflag:$0x3] =	stream.linear.gather [hbm4b:s7+s3], $0x1400, $0x38;
	[tilespmem:$0x1E800] =	vst v63  }
0x17: {  	_ =	swait.ge [sflag:s9], $0x1400  }
0x18: {  	[sflag:s9] =	ssyncset.done $0x0  }
0x19: {  	[sflag:s9] =	ssyncadd.s32 $0xFFFFEC00  }
0x1a: {  	[spmem:s12], [sflag:s11] =	dma.local [hbm:s5], $0x2800  }
0x1b: {  	_ =	swait.ge [sflag:s9], $0x2800  }
0x1c: {  	[sflag:s9] =	ssyncset.done $0x0  }
0x1d: {  	[sflag:s9] =	ssyncadd.s32 $0xFFFFD800  }
0x1e: {  	[bflag:$0x0] =	sbarrier.arrive $0xFFFF  }
0x1f: {  	[tilespmem:s14], [sflag:$0x1] =	stream.indirect.gather [hbm4b:s4+s13], $0x80, s3, s13, $0xb8;
	[tilespmem:$0x1E800] =	vst v63  }
0x20: {  	_ = 	snop  }
0x21: {  	[tilespmem:s15], [sflag:$0x2] =	stream.indirect.gather [hbm4b:s4+s13], $0x80, s13, s13, $0xb8;
	[tilespmem:$0x1E800] =	vst v63  }
0x22: {  	_ =	swait.ge [sflag:s16], $0x4000  }
0x23: {  	[sflag:s16] =	ssyncset.done $0x0  }
0x24: {  	s25 =	simm.s32 $0x1400;
	[sflag:s16] =	ssyncadd.s32 $0xFFFFC000  }
0x25: {  	[spmem:s2] =	stream.indirect.scatter.add.f32 [tilespmem:s14], [sflag:$0x3], $0x80, s25, s13, $0xb8;
	[tilespmem:$0x1E800] =	vst v63  }
0x26: {  	_ =	swait.ge [sflag:s9], $0x4000  }
0x27: {  	[sflag:s9] =	ssyncset.done $0x0  }
0x28: {  	s30 =	simm.s32 $0x100;
	[sflag:s9] =	ssyncadd.s32 $0xFFFFC000  }
0x29: {  	[tilespmem:s14], [sflag:$0x1] =	stream.indirect.gather [hbm4b:s4+s13], $0x80, s30, s13, $0xb8;
	[tilespmem:$0x1E800] =	vst v63  }
0x2a: {  	_ =	swait.ge [sflag:s17], $0x4000  }
0x2b: {  	[sflag:s17] =	ssyncset.done $0x0  }
0x2c: {  	s31 =	simm.s32 $0x1480;
	[sflag:s17] =	ssyncadd.s32 $0xFFFFC000  }
0x2d: {  	[spmem:s2] =	stream.indirect.scatter.add.f32 [tilespmem:s15], [sflag:$0x3], $0x80, s31, s13, $0xb8;
	[tilespmem:$0x1E800] =	vst v63  }
0x2e: {  	_ =	swait.ge [sflag:s9], $0x4000  }
0x2f: {  	[sflag:s9] =	ssyncset.done $0x0  }
0x30: {  	s26 =	simm.s32 $0x180;
	s25 =	simm.s32 $0x400;
	[sflag:s9] =	ssyncadd.s32 $0xFFFFC000  }
.LBB2_2:
0x31: {  	[tilespmem:s15], [sflag:$0x2] =	stream.indirect.gather [hbm4b:s4+s13], $0x80, s26, s13, $0xb8;
	[tilespmem:$0x1E800] =	vst v63  }
0x32: {  	s26 =	smov.u32 s25  }
0x33: {  	p1 =	sne.s32 s25, $0x4800;
	s25 =	sadd.s32 $0x400, s25;
	_ =	swait.ge [sflag:s16], $0x4000  }
0x34: {  	s26 =	sshra.s32 s26, $0x2;
	[sflag:s16] =	ssyncset.done $0x0  }
0x35: {  	s28 =	sadd.s32 $0x1400, s26;
	[sflag:s16] =	ssyncadd.s32 $0xFFFFC000  }
0x36: {  	[spmem:s2] =	stream.indirect.scatter.add.f32 [tilespmem:s14], [sflag:$0x3], $0x80, s28, s13, $0xb8;
	[tilespmem:$0x1E800] =	vst v63  }
0x37: {  	_ =	swait.ge [sflag:s9], $0x4000  }
0x38: {  	[sflag:s9] =	ssyncset.done $0x0  }
0x39: {  	s28 =	sadd.s32 $0x100, s26;
	[sflag:s9] =	ssyncadd.s32 $0xFFFFC000  }
0x3a: {  	[tilespmem:s14], [sflag:$0x1] =	stream.indirect.gather [hbm4b:s4+s13], $0x80, s28, s13, $0xb8;
	[tilespmem:$0x1E800] =	vst v63  }
0x3b: {  	_ =	swait.ge [sflag:s17], $0x4000  }
0x3c: {  	[sflag:s17] =	ssyncset.done $0x0  }
.Ltmp0:
0x3d: {  	s28 =	sadd.s32 $0x1480, s26;
	[sflag:s17] =	ssyncadd.s32 $0xFFFFC000;
	(pc) =	sbr.rel @p1 .LBB2_2-.Ltmp0, $4  }
0x3e: {  	[spmem:s2] =	stream.indirect.scatter.add.f32 [tilespmem:s15], [sflag:$0x3], $0x80, s28, s13, $0xb8;
	[tilespmem:$0x1E800] =	vst v63  }
0x3f: {  	_ =	swait.ge [sflag:s9], $0x4000  }
0x40: {  	[sflag:s9] =	ssyncset.done $0x0  }
0x41: {  	s26 =	sadd.s32 $0x180, s26;
	[sflag:s9] =	ssyncadd.s32 $0xFFFFC000  }
0x42: {  	[tilespmem:s15], [sflag:$0x2] =	stream.indirect.gather [hbm4b:s4+s13], $0x80, s26, s13, $0xb8;
	[tilespmem:$0x1E800] =	vst v63  }
0x43: {  	_ =	swait.ge [sflag:s16], $0x4000  }
0x44: {  	[sflag:s16] =	ssyncset.done $0x0  }
0x45: {  	[sflag:s16] =	ssyncadd.s32 $0xFFFFC000  }
0x46: {  	[spmem:s2] =	stream.indirect.scatter.add.f32 [tilespmem:s14], [sflag:$0x3], $0x80, s18, s13, $0xb8;
	[tilespmem:$0x1E800] =	vst v63  }
0x47: {  	_ =	swait.ge [sflag:s9], $0x4000  }
0x48: {  	[sflag:s9] =	ssyncset.done $0x0  }
0x49: {  	[sflag:s9] =	ssyncadd.s32 $0xFFFFC000  }
0x4a: {  	_ =	swait.ge [sflag:s17], $0x4000  }
0x4b: {  	[sflag:s17] =	ssyncset.done $0x0  }
0x4c: {  	[sflag:s17] =	ssyncadd.s32 $0xFFFFC000  }
0x4d: {  	[spmem:s2] =	stream.indirect.scatter.add.f32 [tilespmem:s15], [sflag:$0x3], $0x80, s19, s13, $0xb8;
	[tilespmem:$0x1E800] =	vst v63  }
0x4e: {  	_ =	swait.ge [sflag:s9], $0x4000  }
0x4f: {  	[sflag:s9] =	ssyncset.done $0x0  }
0x50: {  	[sflag:s9] =	ssyncadd.s32 $0xFFFFC000  }
0x51: {  	s25 =	simm.s32 @p0 $0x3;
	[bflag:$0x0] =	sbarrier.arrive $0xFFFF  }
0x52: {  	[hbm:s20], [sflag:s11] =	dma.local @p0 [spmem:s21], $0x2800  }
0x53: {  	s24 =	sadd.s32 $0x1, s24;
	_ =	swait.ge @p0 [sflag:s25], $0x2800  }
0x54: {  	p1 =	sne.s32 s24, s8;
	[sflag:s25] =	ssyncset.done @p0 $0x0  }
.Ltmp1:
0x55: {  	[sflag:s25] =	ssyncadd.s32 @p0 $0xFFFFD800;
	s25 =	simm.s32 @!p0 $0x3;
	(pc) =	sbr.rel @p1 .LBB2_1-.Ltmp1, $4  }
0x56: {  	[hbm:s22], [sflag:s11] =	dma.local @!p0 [spmem:s23], $0x2700  }
0x57: {  	_ =	swait.ge @!p0 [sflag:s25], $0x2700  }
0x58: {  	[sflag:s25] =	ssyncset.done @!p0 $0x0  }
0x59: {  	[sflag:s25] =	ssyncadd.s32 @!p0 $0xFFFFD900  }
0x5a: {  	_ =	sfence.sel $0x180000  }
0x5b: {  	[bflag:$0x0] =	sbarrier.arrive $0xFFFF  }
0x5c: {  	p0 =	sne.s32 s1, $0x0;
	_ =	strace $0x9000004D  }
0x5d: {  	s0 =	sadd.s32 @!p0 $0x100000, s0;
	[bflag:$0x2] =	sbarrier.arrive $0xFFFF  }
0x5e: {  	[sflag:s0] =	ssyncadd.tile.s32 @!p0 $0x1;
	_ =	shalt  }
.Lfunc_end2:
_tile_overlayer_lowered:
.L_overlay_start_2:
0x5f: {  	(tag) =	ssettag $0x2  }
0x60: {  	s0 =	rddreg [dreg:$0x0];
	s2 =	stileid.u32  }
0x61: {  	s1 =	rddreg [dreg:$0x1];
	p0 =	sne.s32 s2, $0x0  }
0x62: {  	s3 =	rddreg [dreg:$0x2];
	[bflag:$0x3] =	sbarrier.arrive $0xFFFF;
	s2 =	simm.s32 @!p0 $0x1C03  }
0x63: {  	[timem:s3], [sflag:s2] =	dma.local @!p0 [hbm:s0], s1  }
0x64: {  	s0 =	simm.s32 @!p0 $0x3  }
0x65: {  	_ =	swait.ge @!p0 [sflag:s0], s1  }
0x66: {  	s1 =	ssub.s32 @!p0 $0x0, s1;
	[sflag:s0] =	ssyncset.done @!p0 $0x0  }
0x67: {  	[sflag:s0] =	ssyncadd.s32 @!p0 s1  }
0x68: {  	[bflag:$0x3] =	sbarrier.arrive $0xFFFF  }
0x69: {  	_ =	shalt  }

// kernel: kernel.29.cloned.1.call-start
scs
__scs_entry_jumppad:
0x0: {  	(pc) =	sbr.rel $0x88, $3  }
0x1: {  	(tag) =	ssettag $0x0;
	lr =	simm.s32 $0x1  }
0x2: {  	[smem:$0x3F84] =	sst lr;
	_ =	strace $0xD0000000  }
0x3: {  	_ = 	snop  }
0x4: {  	_ = 	snop  }
0x5: {  	_ = 	snop  }
0x6: {  	_ = 	snop  }
0x7: {  	_ = 	snop  }
__scs_overlays_trampoline_lowered:
0x8: {  	[smem:$0x3F93] =	sst s0  }
0x9: {  	[smem:$0x3F94] =	sst s1  }
0xa: {  	[smem:$0x3F95] =	sst s2  }
0xb: {  	[smem:$0x3F96] =	sst s3  }
0xc: {  	[smem:$0x3F97] =	sst s4  }
0xd: {  	[smem:$0x3F98] =	sst s5  }
0xe: {  	[smem:$0x3F99] =	sst s6  }
0xf: {  	[smem:$0x3F9A] =	sst s7  }
0x10: {  	[smem:$0x3F9B] =	sst s8  }
0x11: {  	[smem:$0x3F9C] =	sst s9;
	s0 =	simm.s32 @!p0 $0x0  }
0x12: {  	s1 =	sld [smem:$0x3F82];
	s0 =	simm.s32 @p0 $0x1  }
0x13: {  	[smem:$0x3F9D] =	sst s0;
	s0 =	simm.s32 @!p1 $0x0  }
0x14: {  	s2 =	sld [smem:$0x3F81];
	s0 =	simm.s32 @p1 $0x1  }
0x15: {  	[smem:$0x3F9E] =	sst s0;
	s0 =	simm.s32 @!p2 $0x0  }
0x16: {  	s3 =	sld [smem:$0x3FDB];
	s0 =	simm.s32 @p2 $0x1  }
0x17: {  	s4 =	simm.s32 $0x1BF5;
	[smem:$0x3FA0] =	sst s0  }
0x18: {  	s0 =	sld [smem:$0x3F83];
	_ =	swait.ge [sflag:s4], $0x0  }
0x19: {  	s7 =	sld [smem:$0x3F84]  }
0x1a: {  	s8 =	sadd.s32 $0xFFFFE003, lr  }
0x1b: {  	s9 =	sadd.s32 $0xFFFFFEF7, lr;
	s5 =	simm.s32 $0xFFFFFFFF;
	p2 =	slt.u32 s8, $0xFFFFF086  }
0x1c: {  	p1 =	slt.u32 s9, $0xF7A;
	s5 =	simm.s32 @!p2 $0x0  }
0x1d: {  	s5 =	simm.s32 @p1 $0x1;
	p0 =	seq.s32 s7, s2  }
0x1e: {  	s7 =	smul.u32 @!p0 $0xF7A, s2;
	p2 =	seq.s32 @!p0 s5, $0x0  }
0x1f: {  	s9 =	smul.u32 $0xF7A, s1;
	s8 =	simm.s32 @!p0 $0x1BF5;
	p2 =	por !p2, p0  }
0x20: {  	[sflag:s8] =	ssyncset.s32 @!p0 $0xFFFFF086;
	s6 =	sadd.s32 @!p0 s3, s7;
	s7 =	simm.s32 @!p0 $0x108  }
0x21: {  	s3 =	sadd.s32 s3, s9;
	s6 =	sadd.s32 @!p0 $0x88, s6;
	s7 =	simm.s32 @p2 $0x1082  }
0x22: {  	[simem:s7], [sflag:s8] =	dma.local @!p0 [hbm:s6], $0xF7A  }
0x23: {  	s9 =	sor.u32 $0xD0000000, s2;
	s6 =	simm.s32 $0x108;
	_ =	swait.ge @!p0 [sflag:s8], $0x0  }
0x24: {  	s3 =	sadd.s32 $0x88, s3;
	s6 =	simm.s32 @!p1 $0x1082;
	[sflag:s4] =	ssyncset.s32 $0xFFFFF086  }
0x25: {  	[simem:s6], [sflag:s4] =	dma.local [hbm:s3], $0xF7A  }
0x26: {  	[smem:$0x3F84] =	sst s1;
	(tag) =	ssettag s2;
	_ =	strace s9  }
0x27: {  	s1 =	sld [smem:$0x3F94]  }
0x28: {  	s2 =	sld [smem:$0x3F95]  }
0x29: {  	s4 =	sld [smem:$0x3F97]  }
0x2a: {  	p0 =	seq.s32 s5, $0x0;
	s5 =	sld [smem:$0x3F98]  }
0x2b: {  	s6 =	sld [smem:$0x3F99]  }
0x2c: {  	s7 =	sld [smem:$0x3F9A]  }
0x2d: {  	s3 =	simm.s32 $0x108;
	s8 =	sld [smem:$0x3F9B]  }
0x2e: {  	s3 =	simm.s32 @!p0 $0x1082;
	s9 =	sld [smem:$0x3F9C]  }
0x2f: {  	lr =	sadd.s32 s0, s3;
	s0 =	sld [smem:$0x3F93]  }
0x30: {  	s3 =	sld [smem:$0x3F96]  }
0x31: {  	[smem:$0x3F9F] =	sst s10  }
0x32: {  	s10 =	sld [smem:$0x3F9D];
	_ =	sdelay $0x3  }
0x33: {  	p0 =	seq.s32 s10, $0x1;
	s10 =	sld [smem:$0x3F9F];
	_ =	sdelay $0x3  }
0x34: {  	[smem:$0x3F9F] =	sst s10  }
0x35: {  	s10 =	sld [smem:$0x3F9E];
	_ =	sdelay $0x3  }
0x36: {  	p1 =	seq.s32 s10, $0x1;
	s10 =	sld [smem:$0x3F9F];
	_ =	sdelay $0x3  }
0x37: {  	[smem:$0x3F9F] =	sst s10  }
0x38: {  	s10 =	sld [smem:$0x3FA0]  }
0x39: {  	_ = 	snop;
	(pc) =	sbr.ind lr, $3  }
0x3a: {  	_ = 	snop  }
0x3b: {  	_ = 	snop  }
0x3c: {  	p2 =	seq.s32 s10, $0x1;
	s10 =	sld [smem:$0x3F9F]  }
0x3d: {  	_ =	shalt  }
0x3e: {  	_ =	shalt  }
0x3f: {  	_ =	shalt  }
0x40: {  	_ =	shalt  }
0x41: {  	_ =	shalt  }
0x42: {  	_ =	shalt  }
0x43: {  	_ =	shalt  }
0x44: {  	_ =	shalt  }
0x45: {  	_ =	shalt  }
0x46: {  	_ =	shalt  }
0x47: {  	_ =	shalt  }
0x48: {  	_ =	shalt  }
0x49: {  	_ =	shalt  }
0x4a: {  	_ =	shalt  }
0x4b: {  	_ =	shalt  }
0x4c: {  	_ =	shalt  }
0x4d: {  	_ =	shalt  }
0x4e: {  	_ =	shalt  }
0x4f: {  	_ =	shalt  }
0x50: {  	_ =	shalt  }
0x51: {  	_ =	shalt  }
0x52: {  	_ =	shalt  }
0x53: {  	_ =	shalt  }
0x54: {  	_ =	shalt  }
0x55: {  	_ =	shalt  }
0x56: {  	_ =	shalt  }
0x57: {  	_ =	shalt  }
0x58: {  	_ =	shalt  }
0x59: {  	_ =	shalt  }
0x5a: {  	_ =	shalt  }
0x5b: {  	_ =	shalt  }
0x5c: {  	_ =	shalt  }
0x5d: {  	_ =	shalt  }
0x5e: {  	_ =	shalt  }
0x5f: {  	_ =	shalt  }
0x60: {  	_ =	shalt  }
0x61: {  	_ =	shalt  }
0x62: {  	_ =	shalt  }
0x63: {  	_ =	shalt  }
0x64: {  	_ =	shalt  }
0x65: {  	_ =	shalt  }
0x66: {  	_ =	shalt  }
0x67: {  	_ =	shalt  }
0x68: {  	_ =	shalt  }
0x69: {  	_ =	shalt  }
0x6a: {  	_ =	shalt  }
0x6b: {  	_ =	shalt  }
0x6c: {  	_ =	shalt  }
0x6d: {  	_ =	shalt  }
0x6e: {  	_ =	shalt  }
0x6f: {  	_ =	shalt  }
0x70: {  	_ =	shalt  }
0x71: {  	_ =	shalt  }
0x72: {  	_ =	shalt  }
0x73: {  	_ =	shalt  }
0x74: {  	_ =	shalt  }
0x75: {  	_ =	shalt  }
0x76: {  	_ =	shalt  }
0x77: {  	_ =	shalt  }
0x78: {  	_ =	shalt  }
0x79: {  	_ =	shalt  }
0x7a: {  	_ =	shalt  }
0x7b: {  	_ =	shalt  }
0x7c: {  	_ =	shalt  }
0x7d: {  	_ =	shalt  }
0x7e: {  	_ =	shalt  }
0x7f: {  	_ =	shalt  }
0x80: {  	_ =	shalt  }
0x81: {  	_ =	shalt  }
0x82: {  	_ =	shalt  }
0x83: {  	_ =	shalt  }
0x84: {  	_ =	shalt  }
0x85: {  	_ =	shalt  }
0x86: {  	_ =	shalt  }
0x87: {  	_ =	shalt  }
.Lfunc_end0:
.L_simem_size_0:
called_computation.3_lowered:
.L_overlay_start_0:
0x88: {  	s2 =	sld [smem:$0x3FD9]  }
0x89: {  	s3 =	sld [smem:$0x3FFE];
	_ =	sdelay $0x1  }
0x8a: {  	s1 =	srdreg.scid  }
0x8b: {  	s0 =	sand.u32 $0x1, s1  }
0x8c: {  	s16 =	sshll.u32 s0, $0xA;
	s2 =	sadd.s32 s3, s2  }
0x8d: {  	s2 =	sadd.s32 s2, s16  }
0x8e: {  	[smem:$0x3FAB] =	sst s2  }
0x8f: {  	_ = 	snop  }
0x90: {  	(tm) =	ssettm $0x1  }
0x91: {  	s17 =	sld [smem:$0x3FFB];
	_ =	sdelay $0x3  }
0x92: {  	_ =	strace s17  }
0x93: {  	s2 =	sld [smem:$0x3FFC];
	_ =	sdelay $0x3  }
0x94: {  	_ =	strace s2  }
0x95: {  	s2 =	sld [smem:$0x3FFD];
	_ =	sdelay $0x3  }
0x96: {  	_ =	strace s2  }
0x97: {  	_ =	strace $0x8FFFFFFF  }
0x98: {  	s18 =	sld [smem:$0x3FDB];
	_ =	sdelay $0x1  }
0x99: {  	s19 =	simm.s32 $_scs_section_size  }
0x9a: {  	s4 =	simm.s32 $_size__tile_overlayer_lowered;
	s5 =	simm.s32 $_tile_overlayer_lowered  }
0x9b: {  	s22 =	simm.s32 $0x1BFF;
	s21 =	sshll.u32 s5, $0x1;
	s2 =	sadd.s32 s19, s18  }
0x9c: {  	s6 =	simm.s32 $0x0;
	s20 =	sshll.u32 s4, $0x1;
	s4 =	sadd.s32 s21, s2  }
0x9d: {  	[timem:s6], [sflag:s22] =	dma.local [hbm:s4], s20  }
0x9e: {  	_ =	swait.ge [sflag:s22], s20  }
0x9f: {  	s3 =	ssub.s32 $0x0, s20;
	[sflag:s22] =	ssyncset.done $0x0  }
0xa0: {  	[sflag:s22] =	ssyncadd.s32 s3;
	_ =	sdelay $0x1  }
0xa1: {  	s23 =	simm.s32 $0x1B8B  }
0xa2: {  	_ =	swait.ge [sflag:s23], $0x1  }
0xa3: {  	[sflag:s23] =	ssyncset.done $0x0  }
0xa4: {  	s25 =	simm.s32 $0x1B8E;
	s24 =	sld [smem:$0x3FFE];
	[sflag:s23] =	ssyncadd.s32 $0xFFFFFFFF  }
0xa5: {  	s26 =	simm.s32 $execute0_lowered;
	[smem:$0x3FD2] =	sst s25  }
0xa6: {  	s4 =	sshll.u32 s26, $0x1;
	_ =	strace $0x8000004F;
	[dreg:$0x1] =	wrdreg $0xFFFFFFFF  }
0xa7: {  	s28 =	simm.s32 $_size_execute0_lowered;
	s2 =	sadd.s32 s2, s4;
	[dreg:$0x0] =	wrdreg $0x0  }
0xa8: {  	s4 =	sshll.u32 s28, $0x1;
	[dreg:$0x2] =	wrdreg s2  }
0xa9: {  	[dreg:$0x3] =	wrdreg s4  }
0xaa: {  	[dreg:$0x4] =	wrdreg $0xC0  }
0xab: {  	_ =	task [dreg:s6], $0x5FFFF  }
0xac: {  	[dreg:$0x1] =	wrdreg $0xFFFFFFFF  }
0xad: {  	[dreg:$0x0] =	wrdreg $0x60  }
0xae: {  	[dreg:$0x2] =	wrdreg s24  }
0xaf: {  	[dreg:$0x3] =	wrdreg $0xA8000  }
0xb0: {  	[dreg:$0x4] =	wrdreg $0x9  }
0xb1: {  	_ =	task.clear_ibuf [dreg:s6], $0x5FFFF;
	_ =	strace $0x9000004F  }
0xb2: {  	s29 =	simm.s32 $0x9;
	_ =	strace $0x80000051  }
0xb3: {  	_ =	swait.ge [sflag:s29], $0x1  }
0xb4: {  	[sflag:s29] =	ssyncadd.s32 $0xFFFFFFFF  }
0xb5: {  	_ =	strace $0x90000051  }
0xb6: {  	_ =	sfence  }
0xb7: {  	s30 =	sld [smem:$0x0];
	_ =	sdelay $0x2  }
0xb8: {  	s31 =	sshll.u32 s1, $0xD;
	s1 =	sshrl.u32 s1, $0x2  }
0xb9: {  	s3 =	sand.u32 $0x4000, s31;
	s1 =	sadd.s32 s1, s30  }
0xba: {  	s0 =	sor.u32 s3, s0;
	s1 =	sshll.u32 s1, $0x11  }
0xbb: {  	s0 =	sor.u32 s1, s0  }
0xbc: {  	s0 =	sadd.s32 $0x8F2B, s0  }
0xbd: {  	[sflag:s0] =	ssyncadd.remote.s32 $0x1  }
0xbe: {  	_ =	sfence.sel $0xFFFF  }
0xbf: {  	[dreg:$0x0] =	wrdreg $0xFFFFFFFF;
	(pc) =	sbr.abs _section_cstart, $3  }
0xc0: {  	[dreg:$0x1] =	wrdreg $0xFFFFFFFF  }
0xc1: {  	_ =	task.clear_ibuf [dreg:s6], $0x2FFFF;
	_ =	strace $0x9FFFFFFF  }
0xc2: {  	(tm) =	ssettm $0x7FFFFFFF  }
0xc3: {  	_ =	shalt  }
tec
execute0_lowered:
.L_overlay_start_1:
0x0: {  	(tag) =	ssettag $0x1  }
0x1: {  	s0 =	srdreg.scid;
	s6 =	rddreg [dreg:$0x0]  }
0x2: {  	s2 =	rddreg [dreg:$0x1];
	s1 =	stileid.u32;
	s3 =	simm.s32 $0x0  }
0x3: {  	s13 =	simm.s32 $0x80;
	s14 =	simm.s32 $0x2800;
	s15 =	simm.s32 $0x6800  }
0x4: {  	s16 =	simm.s32 $0x1;
	s17 =	simm.s32 $0x2;
	s18 =	simm.s32 $0x2700  }
0x5: {  	s5 =	sand.u32 $0x1, s0;
	s0 =	rddreg [dreg:$0x2];
	s10 =	smul.u32 $0x50000, s1  }
0x6: {  	s19 =	simm.s32 $0x2780;
	[smem:$0x7FF] =	sst s3;
	s12 =	smul.u32 $0x4E000, s1  }
0x7: {  	s24 =	smul.u32 $0x2700, s1;
	s21 =	sadd.s32 $0x124800, s2;
	s31 =	sshll.u32 s1, $0x6  }
0x8: {  	p0 =	seq.s32 s1, $0xF;
	s4 =	sshll.u32 s5, $0x4;
	_ =	strace $0x80000050  }
0x9: {  	s8 =	smul.u32 $0x27100, s5;
	s9 =	ssub.s32 $0x2, s5;
	s5 =	sadd.s32 $0x18E00, s6  }
0xa: {  	s21 =	sshrl.u32 @p0 s21, $0x3;
	s4 =	sor.u32 s1, s4;
	s11 =	sshrl.u32 s9, $0x1  }
0xb: {  	s10 =	sshrl.u32 s10, $0x2;
	s29 =	sshrl.u32 s12, $0x2;
	s7 =	smul.u32 $0x280, s4  }
0xc: {  	s4 =	sadd.s32 $0xB7C00, s6;
	s8 =	sadd.s32 s8, s6;
	s9 =	ssub.s32 s9, s11  }
0xd: {  	s30 =	sadd.s32 s10, s2;
	s23 =	sadd.s32 s29, s2;
	s10 =	simm.s32 $0x1400  }
0xe: {  	s11 =	sor.u32 $0x1C03, s31;
	s22 =	sadd.s32 $0xDEE00, s8;
	s8 =	smax.u32 s9, $0x1  }
0xf: {  	s9 =	simm.s32 $0x3;
	s12 =	sshrl.u32 s30, $0x3;
	s23 =	sshrl.u32 @!p0 s23, $0x3  }
0x10: {  	s7 =	sadd.s32 s7, s6;
	s20 =	sadd.s32 @p0 $0x24900, s22;
	s22 =	sadd.s32 @!p0 s24, s22  }
0x11: {  	s24 =	simm.s32 $0x0;
	s6 =	sadd.s32 $0xEE00, s7;
	s7 =	sadd.s32 $0x13E00, s7  }
.LBB2_1:
0x12: {  	[tilespmem:s3], [sflag:$0x3] =	stream.linear.gather [hbm4b:s6+s3], $0x1400, $0x38;
	[tilespmem:$0x1E800] =	vst v63  }
0x13: {  	_ =	swait.ge [sflag:s9], $0x1400  }
0x14: {  	[sflag:s9] =	ssyncset.done $0x0  }
0x15: {  	[sflag:s9] =	ssyncadd.s32 $0xFFFFEC00  }
0x16: {  	[tilespmem:s10], [sflag:$0x3] =	stream.linear.gather [hbm4b:s7+s3], $0x1400, $0x38;
	[tilespmem:$0x1E800] =	vst v63  }
0x17: {  	_ =	swait.ge [sflag:s9], $0x1400  }
0x18: {  	[sflag:s9] =	ssyncset.done $0x0  }
0x19: {  	[sflag:s9] =	ssyncadd.s32 $0xFFFFEC00  }
0x1a: {  	[spmem:s12], [sflag:s11] =	dma.local [hbm:s5], $0x2800  }
0x1b: {  	_ =	swait.ge [sflag:s9], $0x2800  }
0x1c: {  	[sflag:s9] =	ssyncset.done $0x0  }
0x1d: {  	[sflag:s9] =	ssyncadd.s32 $0xFFFFD800  }
0x1e: {  	[bflag:$0x0] =	sbarrier.arrive $0xFFFF  }
0x1f: {  	[tilespmem:s14], [sflag:$0x1] =	stream.indirect.gather [hbm4b:s4+s13], $0x80, s3, s13, $0xb8;
	[tilespmem:$0x1E800] =	vst v63  }
0x20: {  	_ = 	snop  }
0x21: {  	[tilespmem:s15], [sflag:$0x2] =	stream.indirect.gather [hbm4b:s4+s13], $0x80, s13, s13, $0xb8;
	[tilespmem:$0x1E800] =	vst v63  }
0x22: {  	_ =	swait.ge [sflag:s16], $0x4000  }
0x23: {  	[sflag:s16] =	ssyncset.done $0x0  }
0x24: {  	s25 =	simm.s32 $0x1400;
	[sflag:s16] =	ssyncadd.s32 $0xFFFFC000  }
0x25: {  	[spmem:s2] =	stream.indirect.scatter.add.f32 [tilespmem:s14], [sflag:$0x3], $0x80, s25, s13, $0xb8;
	[tilespmem:$0x1E800] =	vst v63  }
0x26: {  	_ =	swait.ge [sflag:s9], $0x4000  }
0x27: {  	[sflag:s9] =	ssyncset.done $0x0  }
0x28: {  	s30 =	simm.s32 $0x100;
	[sflag:s9] =	ssyncadd.s32 $0xFFFFC000  }
0x29: {  	[tilespmem:s14], [sflag:$0x1] =	stream.indirect.gather [hbm4b:s4+s13], $0x80, s30, s13, $0xb8;
	[tilespmem:$0x1E800] =	vst v63  }
0x2a: {  	_ =	swait.ge [sflag:s17], $0x4000  }
0x2b: {  	[sflag:s17] =	ssyncset.done $0x0  }
0x2c: {  	s31 =	simm.s32 $0x1480;
	[sflag:s17] =	ssyncadd.s32 $0xFFFFC000  }
0x2d: {  	[spmem:s2] =	stream.indirect.scatter.add.f32 [tilespmem:s15], [sflag:$0x3], $0x80, s31, s13, $0xb8;
	[tilespmem:$0x1E800] =	vst v63  }
0x2e: {  	_ =	swait.ge [sflag:s9], $0x4000  }
0x2f: {  	[sflag:s9] =	ssyncset.done $0x0  }
0x30: {  	s26 =	simm.s32 $0x180;
	s25 =	simm.s32 $0x400;
	[sflag:s9] =	ssyncadd.s32 $0xFFFFC000  }
.LBB2_2:
0x31: {  	[tilespmem:s15], [sflag:$0x2] =	stream.indirect.gather [hbm4b:s4+s13], $0x80, s26, s13, $0xb8;
	[tilespmem:$0x1E800] =	vst v63  }
0x32: {  	s26 =	smov.u32 s25  }
0x33: {  	p1 =	sne.s32 s25, $0x4800;
	s25 =	sadd.s32 $0x400, s25;
	_ =	swait.ge [sflag:s16], $0x4000  }
0x34: {  	s26 =	sshra.s32 s26, $0x2;
	[sflag:s16] =	ssyncset.done $0x0  }
0x35: {  	s28 =	sadd.s32 $0x1400, s26;
	[sflag:s16] =	ssyncadd.s32 $0xFFFFC000  }
0x36: {  	[spmem:s2] =	stream.indirect.scatter.add.f32 [tilespmem:s14], [sflag:$0x3], $0x80, s28, s13, $0xb8;
	[tilespmem:$0x1E800] =	vst v63  }
0x37: {  	_ =	swait.ge [sflag:s9], $0x4000  }
0x38: {  	[sflag:s9] =	ssyncset.done $0x0  }
0x39: {  	s28 =	sadd.s32 $0x100, s26;
	[sflag:s9] =	ssyncadd.s32 $0xFFFFC000  }
0x3a: {  	[tilespmem:s14], [sflag:$0x1] =	stream.indirect.gather [hbm4b:s4+s13], $0x80, s28, s13, $0xb8;
	[tilespmem:$0x1E800] =	vst v63  }
0x3b: {  	_ =	swait.ge [sflag:s17], $0x4000  }
0x3c: {  	[sflag:s17] =	ssyncset.done $0x0  }
.Ltmp0:
0x3d: {  	s28 =	sadd.s32 $0x1480, s26;
	[sflag:s17] =	ssyncadd.s32 $0xFFFFC000;
	(pc) =	sbr.rel @p1 .LBB2_2-.Ltmp0, $4  }
0x3e: {  	[spmem:s2] =	stream.indirect.scatter.add.f32 [tilespmem:s15], [sflag:$0x3], $0x80, s28, s13, $0xb8;
	[tilespmem:$0x1E800] =	vst v63  }
0x3f: {  	_ =	swait.ge [sflag:s9], $0x4000  }
0x40: {  	[sflag:s9] =	ssyncset.done $0x0  }
0x41: {  	s26 =	sadd.s32 $0x180, s26;
	[sflag:s9] =	ssyncadd.s32 $0xFFFFC000  }
0x42: {  	[tilespmem:s15], [sflag:$0x2] =	stream.indirect.gather [hbm4b:s4+s13], $0x80, s26, s13, $0xb8;
	[tilespmem:$0x1E800] =	vst v63  }
0x43: {  	_ =	swait.ge [sflag:s16], $0x4000  }
0x44: {  	[sflag:s16] =	ssyncset.done $0x0  }
0x45: {  	[sflag:s16] =	ssyncadd.s32 $0xFFFFC000  }
0x46: {  	[spmem:s2] =	stream.indirect.scatter.add.f32 [tilespmem:s14], [sflag:$0x3], $0x80, s18, s13, $0xb8;
	[tilespmem:$0x1E800] =	vst v63  }
0x47: {  	_ =	swait.ge [sflag:s9], $0x4000  }
0x48: {  	[sflag:s9] =	ssyncset.done $0x0  }
0x49: {  	[sflag:s9] =	ssyncadd.s32 $0xFFFFC000  }
0x4a: {  	_ =	swait.ge [sflag:s17], $0x4000  }
0x4b: {  	[sflag:s17] =	ssyncset.done $0x0  }
0x4c: {  	[sflag:s17] =	ssyncadd.s32 $0xFFFFC000  }
0x4d: {  	[spmem:s2] =	stream.indirect.scatter.add.f32 [tilespmem:s15], [sflag:$0x3], $0x80, s19, s13, $0xb8;
	[tilespmem:$0x1E800] =	vst v63  }
0x4e: {  	_ =	swait.ge [sflag:s9], $0x4000  }
0x4f: {  	[sflag:s9] =	ssyncset.done $0x0  }
0x50: {  	[sflag:s9] =	ssyncadd.s32 $0xFFFFC000  }
0x51: {  	s25 =	simm.s32 @p0 $0x3;
	[bflag:$0x0] =	sbarrier.arrive $0xFFFF  }
0x52: {  	[hbm:s20], [sflag:s11] =	dma.local @p0 [spmem:s21], $0x2800  }
0x53: {  	s24 =	sadd.s32 $0x1, s24;
	_ =	swait.ge @p0 [sflag:s25], $0x2800  }
0x54: {  	p1 =	sne.s32 s24, s8;
	[sflag:s25] =	ssyncset.done @p0 $0x0  }
.Ltmp1:
0x55: {  	[sflag:s25] =	ssyncadd.s32 @p0 $0xFFFFD800;
	s25 =	simm.s32 @!p0 $0x3;
	(pc) =	sbr.rel @p1 .LBB2_1-.Ltmp1, $4  }
0x56: {  	[hbm:s22], [sflag:s11] =	dma.local @!p0 [spmem:s23], $0x2700  }
0x57: {  	_ =	swait.ge @!p0 [sflag:s25], $0x2700  }
0x58: {  	[sflag:s25] =	ssyncset.done @!p0 $0x0  }
0x59: {  	[sflag:s25] =	ssyncadd.s32 @!p0 $0xFFFFD900  }
0x5a: {  	_ =	sfence.sel $0x180000  }
0x5b: {  	[bflag:$0x0] =	sbarrier.arrive $0xFFFF  }
0x5c: {  	p0 =	sne.s32 s1, $0x0;
	_ =	strace $0x90000050  }
0x5d: {  	s0 =	sadd.s32 @!p0 $0x100000, s0;
	[bflag:$0x2] =	sbarrier.arrive $0xFFFF  }
0x5e: {  	[sflag:s0] =	ssyncadd.tile.s32 @!p0 $0x1;
	_ =	shalt  }
.Lfunc_end2:
_tile_overlayer_lowered:
.L_overlay_start_2:
0x5f: {  	(tag) =	ssettag $0x2  }
0x60: {  	s0 =	rddreg [dreg:$0x0];
	s2 =	stileid.u32  }
0x61: {  	s1 =	rddreg [dreg:$0x1];
	p0 =	sne.s32 s2, $0x0  }
0x62: {  	s3 =	rddreg [dreg:$0x2];
	[bflag:$0x3] =	sbarrier.arrive $0xFFFF;
	s2 =	simm.s32 @!p0 $0x1C03  }
0x63: {  	[timem:s3], [sflag:s2] =	dma.local @!p0 [hbm:s0], s1  }
0x64: {  	s0 =	simm.s32 @!p0 $0x3  }
0x65: {  	_ =	swait.ge @!p0 [sflag:s0], s1  }
0x66: {  	s1 =	ssub.s32 @!p0 $0x0, s1;
	[sflag:s0] =	ssyncset.done @!p0 $0x0  }
0x67: {  	[sflag:s0] =	ssyncadd.s32 @!p0 s1  }
0x68: {  	[bflag:$0x3] =	sbarrier.arrive $0xFFFF  }
0x69: {  	_ =	shalt  }

// kernel: kernel.32.cloned.1.call-start
scs
__scs_entry_jumppad:
0x0: {  	(pc) =	sbr.rel $0x88, $3  }
0x1: {  	(tag) =	ssettag $0x0;
	lr =	simm.s32 $0x1  }
0x2: {  	[smem:$0x3F84] =	sst lr;
	_ =	strace $0xD0000000  }
0x3: {  	_ = 	snop  }
0x4: {  	_ = 	snop  }
0x5: {  	_ = 	snop  }
0x6: {  	_ = 	snop  }
0x7: {  	_ = 	snop  }
__scs_overlays_trampoline_lowered:
0x8: {  	[smem:$0x3F93] =	sst s0  }
0x9: {  	[smem:$0x3F94] =	sst s1  }
0xa: {  	[smem:$0x3F95] =	sst s2  }
0xb: {  	[smem:$0x3F96] =	sst s3  }
0xc: {  	[smem:$0x3F97] =	sst s4  }
0xd: {  	[smem:$0x3F98] =	sst s5  }
0xe: {  	[smem:$0x3F99] =	sst s6  }
0xf: {  	[smem:$0x3F9A] =	sst s7  }
0x10: {  	[smem:$0x3F9B] =	sst s8  }
0x11: {  	[smem:$0x3F9C] =	sst s9;
	s0 =	simm.s32 @!p0 $0x0  }
0x12: {  	s1 =	sld [smem:$0x3F82];
	s0 =	simm.s32 @p0 $0x1  }
0x13: {  	[smem:$0x3F9D] =	sst s0;
	s0 =	simm.s32 @!p1 $0x0  }
0x14: {  	s2 =	sld [smem:$0x3F81];
	s0 =	simm.s32 @p1 $0x1  }
0x15: {  	[smem:$0x3F9E] =	sst s0;
	s0 =	simm.s32 @!p2 $0x0  }
0x16: {  	s3 =	sld [smem:$0x3FDB];
	s0 =	simm.s32 @p2 $0x1  }
0x17: {  	s4 =	simm.s32 $0x1BF5;
	[smem:$0x3FA0] =	sst s0  }
0x18: {  	s0 =	sld [smem:$0x3F83];
	_ =	swait.ge [sflag:s4], $0x0  }
0x19: {  	s7 =	sld [smem:$0x3F84]  }
0x1a: {  	s8 =	sadd.s32 $0xFFFFE003, lr  }
0x1b: {  	s9 =	sadd.s32 $0xFFFFFEF7, lr;
	s5 =	simm.s32 $0xFFFFFFFF;
	p2 =	slt.u32 s8, $0xFFFFF086  }
0x1c: {  	p1 =	slt.u32 s9, $0xF7A;
	s5 =	simm.s32 @!p2 $0x0  }
0x1d: {  	s5 =	simm.s32 @p1 $0x1;
	p0 =	seq.s32 s7, s2  }
0x1e: {  	s7 =	smul.u32 @!p0 $0xF7A, s2;
	p2 =	seq.s32 @!p0 s5, $0x0  }
0x1f: {  	s9 =	smul.u32 $0xF7A, s1;
	s8 =	simm.s32 @!p0 $0x1BF5;
	p2 =	por !p2, p0  }
0x20: {  	[sflag:s8] =	ssyncset.s32 @!p0 $0xFFFFF086;
	s6 =	sadd.s32 @!p0 s3, s7;
	s7 =	simm.s32 @!p0 $0x108  }
0x21: {  	s3 =	sadd.s32 s3, s9;
	s6 =	sadd.s32 @!p0 $0x88, s6;
	s7 =	simm.s32 @p2 $0x1082  }
0x22: {  	[simem:s7], [sflag:s8] =	dma.local @!p0 [hbm:s6], $0xF7A  }
0x23: {  	s9 =	sor.u32 $0xD0000000, s2;
	s6 =	simm.s32 $0x108;
	_ =	swait.ge @!p0 [sflag:s8], $0x0  }
0x24: {  	s3 =	sadd.s32 $0x88, s3;
	s6 =	simm.s32 @!p1 $0x1082;
	[sflag:s4] =	ssyncset.s32 $0xFFFFF086  }
0x25: {  	[simem:s6], [sflag:s4] =	dma.local [hbm:s3], $0xF7A  }
0x26: {  	[smem:$0x3F84] =	sst s1;
	(tag) =	ssettag s2;
	_ =	strace s9  }
0x27: {  	s1 =	sld [smem:$0x3F94]  }
0x28: {  	s2 =	sld [smem:$0x3F95]  }
0x29: {  	s4 =	sld [smem:$0x3F97]  }
0x2a: {  	p0 =	seq.s32 s5, $0x0;
	s5 =	sld [smem:$0x3F98]  }
0x2b: {  	s6 =	sld [smem:$0x3F99]  }
0x2c: {  	s7 =	sld [smem:$0x3F9A]  }
0x2d: {  	s3 =	simm.s32 $0x108;
	s8 =	sld [smem:$0x3F9B]  }
0x2e: {  	s3 =	simm.s32 @!p0 $0x1082;
	s9 =	sld [smem:$0x3F9C]  }
0x2f: {  	lr =	sadd.s32 s0, s3;
	s0 =	sld [smem:$0x3F93]  }
0x30: {  	s3 =	sld [smem:$0x3F96]  }
0x31: {  	[smem:$0x3F9F] =	sst s10  }
0x32: {  	s10 =	sld [smem:$0x3F9D];
	_ =	sdelay $0x3  }
0x33: {  	p0 =	seq.s32 s10, $0x1;
	s10 =	sld [smem:$0x3F9F];
	_ =	sdelay $0x3  }
0x34: {  	[smem:$0x3F9F] =	sst s10  }
0x35: {  	s10 =	sld [smem:$0x3F9E];
	_ =	sdelay $0x3  }
0x36: {  	p1 =	seq.s32 s10, $0x1;
	s10 =	sld [smem:$0x3F9F];
	_ =	sdelay $0x3  }
0x37: {  	[smem:$0x3F9F] =	sst s10  }
0x38: {  	s10 =	sld [smem:$0x3FA0]  }
0x39: {  	_ = 	snop;
	(pc) =	sbr.ind lr, $3  }
0x3a: {  	_ = 	snop  }
0x3b: {  	_ = 	snop  }
0x3c: {  	p2 =	seq.s32 s10, $0x1;
	s10 =	sld [smem:$0x3F9F]  }
0x3d: {  	_ =	shalt  }
0x3e: {  	_ =	shalt  }
0x3f: {  	_ =	shalt  }
0x40: {  	_ =	shalt  }
0x41: {  	_ =	shalt  }
0x42: {  	_ =	shalt  }
0x43: {  	_ =	shalt  }
0x44: {  	_ =	shalt  }
0x45: {  	_ =	shalt  }
0x46: {  	_ =	shalt  }
0x47: {  	_ =	shalt  }
0x48: {  	_ =	shalt  }
0x49: {  	_ =	shalt  }
0x4a: {  	_ =	shalt  }
0x4b: {  	_ =	shalt  }
0x4c: {  	_ =	shalt  }
0x4d: {  	_ =	shalt  }
0x4e: {  	_ =	shalt  }
0x4f: {  	_ =	shalt  }
0x50: {  	_ =	shalt  }
0x51: {  	_ =	shalt  }
0x52: {  	_ =	shalt  }
0x53: {  	_ =	shalt  }
0x54: {  	_ =	shalt  }
0x55: {  	_ =	shalt  }
0x56: {  	_ =	shalt  }
0x57: {  	_ =	shalt  }
0x58: {  	_ =	shalt  }
0x59: {  	_ =	shalt  }
0x5a: {  	_ =	shalt  }
0x5b: {  	_ =	shalt  }
0x5c: {  	_ =	shalt  }
0x5d: {  	_ =	shalt  }
0x5e: {  	_ =	shalt  }
0x5f: {  	_ =	shalt  }
0x60: {  	_ =	shalt  }
0x61: {  	_ =	shalt  }
0x62: {  	_ =	shalt  }
0x63: {  	_ =	shalt  }
0x64: {  	_ =	shalt  }
0x65: {  	_ =	shalt  }
0x66: {  	_ =	shalt  }
0x67: {  	_ =	shalt  }
0x68: {  	_ =	shalt  }
0x69: {  	_ =	shalt  }
0x6a: {  	_ =	shalt  }
0x6b: {  	_ =	shalt  }
0x6c: {  	_ =	shalt  }
0x6d: {  	_ =	shalt  }
0x6e: {  	_ =	shalt  }
0x6f: {  	_ =	shalt  }
0x70: {  	_ =	shalt  }
0x71: {  	_ =	shalt  }
0x72: {  	_ =	shalt  }
0x73: {  	_ =	shalt  }
0x74: {  	_ =	shalt  }
0x75: {  	_ =	shalt  }
0x76: {  	_ =	shalt  }
0x77: {  	_ =	shalt  }
0x78: {  	_ =	shalt  }
0x79: {  	_ =	shalt  }
0x7a: {  	_ =	shalt  }
0x7b: {  	_ =	shalt  }
0x7c: {  	_ =	shalt  }
0x7d: {  	_ =	shalt  }
0x7e: {  	_ =	shalt  }
0x7f: {  	_ =	shalt  }
0x80: {  	_ =	shalt  }
0x81: {  	_ =	shalt  }
0x82: {  	_ =	shalt  }
0x83: {  	_ =	shalt  }
0x84: {  	_ =	shalt  }
0x85: {  	_ =	shalt  }
0x86: {  	_ =	shalt  }
0x87: {  	_ =	shalt  }
.Lfunc_end0:
.L_simem_size_0:
called_computation.4_lowered:
.L_overlay_start_0:
0x88: {  	s2 =	sld [smem:$0x3FD9]  }
0x89: {  	s3 =	sld [smem:$0x3FFE];
	_ =	sdelay $0x1  }
0x8a: {  	s1 =	srdreg.scid  }
0x8b: {  	s0 =	sand.u32 $0x1, s1  }
0x8c: {  	s16 =	sshll.u32 s0, $0xA;
	s2 =	sadd.s32 s3, s2  }
0x8d: {  	s2 =	sadd.s32 s2, s16  }
0x8e: {  	[smem:$0x3FAB] =	sst s2  }
0x8f: {  	_ = 	snop  }
0x90: {  	(tm) =	ssettm $0x1  }
0x91: {  	s17 =	sld [smem:$0x3FFB];
	_ =	sdelay $0x3  }
0x92: {  	_ =	strace s17  }
0x93: {  	s2 =	sld [smem:$0x3FFC];
	_ =	sdelay $0x3  }
0x94: {  	_ =	strace s2  }
0x95: {  	s2 =	sld [smem:$0x3FFD];
	_ =	sdelay $0x3  }
0x96: {  	_ =	strace s2  }
0x97: {  	_ =	strace $0x8FFFFFFF  }
0x98: {  	s18 =	sld [smem:$0x3FDB];
	_ =	sdelay $0x1  }
0x99: {  	s19 =	simm.s32 $_scs_section_size  }
0x9a: {  	s4 =	simm.s32 $_size__tile_overlayer_lowered;
	s5 =	simm.s32 $_tile_overlayer_lowered  }
0x9b: {  	s22 =	simm.s32 $0x1BFF;
	s21 =	sshll.u32 s5, $0x1;
	s2 =	sadd.s32 s19, s18  }
0x9c: {  	s6 =	simm.s32 $0x0;
	s20 =	sshll.u32 s4, $0x1;
	s4 =	sadd.s32 s21, s2  }
0x9d: {  	[timem:s6], [sflag:s22] =	dma.local [hbm:s4], s20  }
0x9e: {  	_ =	swait.ge [sflag:s22], s20  }
0x9f: {  	s3 =	ssub.s32 $0x0, s20;
	[sflag:s22] =	ssyncset.done $0x0  }
0xa0: {  	[sflag:s22] =	ssyncadd.s32 s3;
	_ =	sdelay $0x1  }
0xa1: {  	s23 =	simm.s32 $0x1B8B  }
0xa2: {  	_ =	swait.ge [sflag:s23], $0x1  }
0xa3: {  	[sflag:s23] =	ssyncset.done $0x0  }
0xa4: {  	s25 =	simm.s32 $0x1B8E;
	s24 =	sld [smem:$0x3FFE];
	[sflag:s23] =	ssyncadd.s32 $0xFFFFFFFF  }
0xa5: {  	s26 =	simm.s32 $execute0_lowered;
	[smem:$0x3FD2] =	sst s25  }
0xa6: {  	s4 =	sshll.u32 s26, $0x1;
	_ =	strace $0x80000052;
	[dreg:$0x1] =	wrdreg $0xFFFFFFFF  }
0xa7: {  	s28 =	simm.s32 $_size_execute0_lowered;
	s2 =	sadd.s32 s2, s4;
	[dreg:$0x0] =	wrdreg $0x0  }
0xa8: {  	s4 =	sshll.u32 s28, $0x1;
	[dreg:$0x2] =	wrdreg s2  }
0xa9: {  	[dreg:$0x3] =	wrdreg s4  }
0xaa: {  	[dreg:$0x4] =	wrdreg $0xC0  }
0xab: {  	_ =	task [dreg:s6], $0x5FFFF  }
0xac: {  	[dreg:$0x1] =	wrdreg $0xFFFFFFFF  }
0xad: {  	[dreg:$0x0] =	wrdreg $0x60  }
0xae: {  	[dreg:$0x2] =	wrdreg s24  }
0xaf: {  	[dreg:$0x3] =	wrdreg $0xA8000  }
0xb0: {  	[dreg:$0x4] =	wrdreg $0x9  }
0xb1: {  	_ =	task.clear_ibuf [dreg:s6], $0x5FFFF;
	_ =	strace $0x90000052  }
0xb2: {  	s29 =	simm.s32 $0x9;
	_ =	strace $0x80000054  }
0xb3: {  	_ =	swait.ge [sflag:s29], $0x1  }
0xb4: {  	[sflag:s29] =	ssyncadd.s32 $0xFFFFFFFF  }
0xb5: {  	_ =	strace $0x90000054  }
0xb6: {  	_ =	sfence  }
0xb7: {  	s30 =	sld [smem:$0x0];
	_ =	sdelay $0x2  }
0xb8: {  	s31 =	sshll.u32 s1, $0xD;
	s1 =	sshrl.u32 s1, $0x2  }
0xb9: {  	s3 =	sand.u32 $0x4000, s31;
	s1 =	sadd.s32 s1, s30  }
0xba: {  	s0 =	sor.u32 s3, s0;
	s1 =	sshll.u32 s1, $0x11  }
0xbb: {  	s0 =	sor.u32 s1, s0  }
0xbc: {  	s0 =	sadd.s32 $0x8F2B, s0  }
0xbd: {  	[sflag:s0] =	ssyncadd.remote.s32 $0x1  }
0xbe: {  	_ =	sfence.sel $0xFFFF  }
0xbf: {  	[dreg:$0x0] =	wrdreg $0xFFFFFFFF;
	(pc) =	sbr.abs _section_cstart, $3  }
0xc0: {  	[dreg:$0x1] =	wrdreg $0xFFFFFFFF  }
0xc1: {  	_ =	task.clear_ibuf [dreg:s6], $0x2FFFF;
	_ =	strace $0x9FFFFFFF  }
0xc2: {  	(tm) =	ssettm $0x7FFFFFFF  }
0xc3: {  	_ =	shalt  }
tec
execute0_lowered:
.L_overlay_start_1:
0x0: {  	(tag) =	ssettag $0x1  }
0x1: {  	s0 =	srdreg.scid;
	s6 =	rddreg [dreg:$0x0]  }
0x2: {  	s2 =	rddreg [dreg:$0x1];
	s1 =	stileid.u32;
	s3 =	simm.s32 $0x0  }
0x3: {  	s13 =	simm.s32 $0x80;
	s14 =	simm.s32 $0x2800;
	s15 =	simm.s32 $0x6800  }
0x4: {  	s16 =	simm.s32 $0x1;
	s17 =	simm.s32 $0x2;
	s18 =	simm.s32 $0x2700  }
0x5: {  	s5 =	sand.u32 $0x1, s0;
	s0 =	rddreg [dreg:$0x2];
	s10 =	smul.u32 $0x50000, s1  }
0x6: {  	s19 =	simm.s32 $0x2780;
	[smem:$0x7FF] =	sst s3;
	s12 =	smul.u32 $0x4E000, s1  }
0x7: {  	s24 =	smul.u32 $0x2700, s1;
	s21 =	sadd.s32 $0x124800, s2;
	s31 =	sshll.u32 s1, $0x6  }
0x8: {  	p0 =	seq.s32 s1, $0xF;
	s4 =	sshll.u32 s5, $0x4;
	_ =	strace $0x80000053  }
0x9: {  	s8 =	smul.u32 $0x27100, s5;
	s9 =	ssub.s32 $0x2, s5;
	s5 =	sadd.s32 $0x18E00, s6  }
0xa: {  	s21 =	sshrl.u32 @p0 s21, $0x3;
	s4 =	sor.u32 s1, s4;
	s11 =	sshrl.u32 s9, $0x1  }
0xb: {  	s10 =	sshrl.u32 s10, $0x2;
	s29 =	sshrl.u32 s12, $0x2;
	s7 =	smul.u32 $0x280, s4  }
0xc: {  	s4 =	sadd.s32 $0x90C00, s6;
	s8 =	sadd.s32 s8, s6;
	s9 =	ssub.s32 s9, s11  }
0xd: {  	s30 =	sadd.s32 s10, s2;
	s23 =	sadd.s32 s29, s2;
	s10 =	simm.s32 $0x1400  }
0xe: {  	s11 =	sor.u32 $0x1C03, s31;
	s22 =	sadd.s32 $0xB7E00, s8;
	s8 =	smax.u32 s9, $0x1  }
0xf: {  	s9 =	simm.s32 $0x3;
	s12 =	sshrl.u32 s30, $0x3;
	s23 =	sshrl.u32 @!p0 s23, $0x3  }
0x10: {  	s7 =	sadd.s32 s7, s6;
	s20 =	sadd.s32 @p0 $0x24900, s22;
	s22 =	sadd.s32 @!p0 s24, s22  }
0x11: {  	s24 =	simm.s32 $0x0;
	s6 =	sadd.s32 $0xEE00, s7;
	s7 =	sadd.s32 $0x13E00, s7  }
.LBB2_1:
0x12: {  	[tilespmem:s3], [sflag:$0x3] =	stream.linear.gather [hbm4b:s6+s3], $0x1400, $0x38;
	[tilespmem:$0x1E800] =	vst v63  }
0x13: {  	_ =	swait.ge [sflag:s9], $0x1400  }
0x14: {  	[sflag:s9] =	ssyncset.done $0x0  }
0x15: {  	[sflag:s9] =	ssyncadd.s32 $0xFFFFEC00  }
0x16: {  	[tilespmem:s10], [sflag:$0x3] =	stream.linear.gather [hbm4b:s7+s3], $0x1400, $0x38;
	[tilespmem:$0x1E800] =	vst v63  }
0x17: {  	_ =	swait.ge [sflag:s9], $0x1400  }
0x18: {  	[sflag:s9] =	ssyncset.done $0x0  }
0x19: {  	[sflag:s9] =	ssyncadd.s32 $0xFFFFEC00  }
0x1a: {  	[spmem:s12], [sflag:s11] =	dma.local [hbm:s5], $0x2800  }
0x1b: {  	_ =	swait.ge [sflag:s9], $0x2800  }
0x1c: {  	[sflag:s9] =	ssyncset.done $0x0  }
0x1d: {  	[sflag:s9] =	ssyncadd.s32 $0xFFFFD800  }
0x1e: {  	[bflag:$0x0] =	sbarrier.arrive $0xFFFF  }
0x1f: {  	[tilespmem:s14], [sflag:$0x1] =	stream.indirect.gather [hbm4b:s4+s13], $0x80, s3, s13, $0xb8;
	[tilespmem:$0x1E800] =	vst v63  }
0x20: {  	_ = 	snop  }
0x21: {  	[tilespmem:s15], [sflag:$0x2] =	stream.indirect.gather [hbm4b:s4+s13], $0x80, s13, s13, $0xb8;
	[tilespmem:$0x1E800] =	vst v63  }
0x22: {  	_ =	swait.ge [sflag:s16], $0x4000  }
0x23: {  	[sflag:s16] =	ssyncset.done $0x0  }
0x24: {  	s25 =	simm.s32 $0x1400;
	[sflag:s16] =	ssyncadd.s32 $0xFFFFC000  }
0x25: {  	[spmem:s2] =	stream.indirect.scatter.add.f32 [tilespmem:s14], [sflag:$0x3], $0x80, s25, s13, $0xb8;
	[tilespmem:$0x1E800] =	vst v63  }
0x26: {  	_ =	swait.ge [sflag:s9], $0x4000  }
0x27: {  	[sflag:s9] =	ssyncset.done $0x0  }
0x28: {  	s30 =	simm.s32 $0x100;
	[sflag:s9] =	ssyncadd.s32 $0xFFFFC000  }
0x29: {  	[tilespmem:s14], [sflag:$0x1] =	stream.indirect.gather [hbm4b:s4+s13], $0x80, s30, s13, $0xb8;
	[tilespmem:$0x1E800] =	vst v63  }
0x2a: {  	_ =	swait.ge [sflag:s17], $0x4000  }
0x2b: {  	[sflag:s17] =	ssyncset.done $0x0  }
0x2c: {  	s31 =	simm.s32 $0x1480;
	[sflag:s17] =	ssyncadd.s32 $0xFFFFC000  }
0x2d: {  	[spmem:s2] =	stream.indirect.scatter.add.f32 [tilespmem:s15], [sflag:$0x3], $0x80, s31, s13, $0xb8;
	[tilespmem:$0x1E800] =	vst v63  }
0x2e: {  	_ =	swait.ge [sflag:s9], $0x4000  }
0x2f: {  	[sflag:s9] =	ssyncset.done $0x0  }
0x30: {  	s26 =	simm.s32 $0x180;
	s25 =	simm.s32 $0x400;
	[sflag:s9] =	ssyncadd.s32 $0xFFFFC000  }
.LBB2_2:
0x31: {  	[tilespmem:s15], [sflag:$0x2] =	stream.indirect.gather [hbm4b:s4+s13], $0x80, s26, s13, $0xb8;
	[tilespmem:$0x1E800] =	vst v63  }
0x32: {  	s26 =	smov.u32 s25  }
0x33: {  	p1 =	sne.s32 s25, $0x4800;
	s25 =	sadd.s32 $0x400, s25;
	_ =	swait.ge [sflag:s16], $0x4000  }
0x34: {  	s26 =	sshra.s32 s26, $0x2;
	[sflag:s16] =	ssyncset.done $0x0  }
0x35: {  	s28 =	sadd.s32 $0x1400, s26;
	[sflag:s16] =	ssyncadd.s32 $0xFFFFC000  }
0x36: {  	[spmem:s2] =	stream.indirect.scatter.add.f32 [tilespmem:s14], [sflag:$0x3], $0x80, s28, s13, $0xb8;
	[tilespmem:$0x1E800] =	vst v63  }
0x37: {  	_ =	swait.ge [sflag:s9], $0x4000  }
0x38: {  	[sflag:s9] =	ssyncset.done $0x0  }
0x39: {  	s28 =	sadd.s32 $0x100, s26;
	[sflag:s9] =	ssyncadd.s32 $0xFFFFC000  }
0x3a: {  	[tilespmem:s14], [sflag:$0x1] =	stream.indirect.gather [hbm4b:s4+s13], $0x80, s28, s13, $0xb8;
	[tilespmem:$0x1E800] =	vst v63  }
0x3b: {  	_ =	swait.ge [sflag:s17], $0x4000  }
0x3c: {  	[sflag:s17] =	ssyncset.done $0x0  }
.Ltmp0:
0x3d: {  	s28 =	sadd.s32 $0x1480, s26;
	[sflag:s17] =	ssyncadd.s32 $0xFFFFC000;
	(pc) =	sbr.rel @p1 .LBB2_2-.Ltmp0, $4  }
0x3e: {  	[spmem:s2] =	stream.indirect.scatter.add.f32 [tilespmem:s15], [sflag:$0x3], $0x80, s28, s13, $0xb8;
	[tilespmem:$0x1E800] =	vst v63  }
0x3f: {  	_ =	swait.ge [sflag:s9], $0x4000  }
0x40: {  	[sflag:s9] =	ssyncset.done $0x0  }
0x41: {  	s26 =	sadd.s32 $0x180, s26;
	[sflag:s9] =	ssyncadd.s32 $0xFFFFC000  }
0x42: {  	[tilespmem:s15], [sflag:$0x2] =	stream.indirect.gather [hbm4b:s4+s13], $0x80, s26, s13, $0xb8;
	[tilespmem:$0x1E800] =	vst v63  }
0x43: {  	_ =	swait.ge [sflag:s16], $0x4000  }
0x44: {  	[sflag:s16] =	ssyncset.done $0x0  }
0x45: {  	[sflag:s16] =	ssyncadd.s32 $0xFFFFC000  }
0x46: {  	[spmem:s2] =	stream.indirect.scatter.add.f32 [tilespmem:s14], [sflag:$0x3], $0x80, s18, s13, $0xb8;
	[tilespmem:$0x1E800] =	vst v63  }
0x47: {  	_ =	swait.ge [sflag:s9], $0x4000  }
0x48: {  	[sflag:s9] =	ssyncset.done $0x0  }
0x49: {  	[sflag:s9] =	ssyncadd.s32 $0xFFFFC000  }
0x4a: {  	_ =	swait.ge [sflag:s17], $0x4000  }
0x4b: {  	[sflag:s17] =	ssyncset.done $0x0  }
0x4c: {  	[sflag:s17] =	ssyncadd.s32 $0xFFFFC000  }
0x4d: {  	[spmem:s2] =	stream.indirect.scatter.add.f32 [tilespmem:s15], [sflag:$0x3], $0x80, s19, s13, $0xb8;
	[tilespmem:$0x1E800] =	vst v63  }
0x4e: {  	_ =	swait.ge [sflag:s9], $0x4000  }
0x4f: {  	[sflag:s9] =	ssyncset.done $0x0  }
0x50: {  	[sflag:s9] =	ssyncadd.s32 $0xFFFFC000  }
0x51: {  	s25 =	simm.s32 @p0 $0x3;
	[bflag:$0x0] =	sbarrier.arrive $0xFFFF  }
0x52: {  	[hbm:s20], [sflag:s11] =	dma.local @p0 [spmem:s21], $0x2800  }
0x53: {  	s24 =	sadd.s32 $0x1, s24;
	_ =	swait.ge @p0 [sflag:s25], $0x2800  }
0x54: {  	p1 =	sne.s32 s24, s8;
	[sflag:s25] =	ssyncset.done @p0 $0x0  }
.Ltmp1:
0x55: {  	[sflag:s25] =	ssyncadd.s32 @p0 $0xFFFFD800;
	s25 =	simm.s32 @!p0 $0x3;
	(pc) =	sbr.rel @p1 .LBB2_1-.Ltmp1, $4  }
0x56: {  	[hbm:s22], [sflag:s11] =	dma.local @!p0 [spmem:s23], $0x2700  }
0x57: {  	_ =	swait.ge @!p0 [sflag:s25], $0x2700  }
0x58: {  	[sflag:s25] =	ssyncset.done @!p0 $0x0  }
0x59: {  	[sflag:s25] =	ssyncadd.s32 @!p0 $0xFFFFD900  }
0x5a: {  	_ =	sfence.sel $0x180000  }
0x5b: {  	[bflag:$0x0] =	sbarrier.arrive $0xFFFF  }
0x5c: {  	p0 =	sne.s32 s1, $0x0;
	_ =	strace $0x90000053  }
0x5d: {  	s0 =	sadd.s32 @!p0 $0x100000, s0;
	[bflag:$0x2] =	sbarrier.arrive $0xFFFF  }
0x5e: {  	[sflag:s0] =	ssyncadd.tile.s32 @!p0 $0x1;
	_ =	shalt  }
.Lfunc_end2:
_tile_overlayer_lowered:
.L_overlay_start_2:
0x5f: {  	(tag) =	ssettag $0x2  }
0x60: {  	s0 =	rddreg [dreg:$0x0];
	s2 =	stileid.u32  }
0x61: {  	s1 =	rddreg [dreg:$0x1];
	p0 =	sne.s32 s2, $0x0  }
0x62: {  	s3 =	rddreg [dreg:$0x2];
	[bflag:$0x3] =	sbarrier.arrive $0xFFFF;
	s2 =	simm.s32 @!p0 $0x1C03  }
0x63: {  	[timem:s3], [sflag:s2] =	dma.local @!p0 [hbm:s0], s1  }
0x64: {  	s0 =	simm.s32 @!p0 $0x3  }
0x65: {  	_ =	swait.ge @!p0 [sflag:s0], s1  }
0x66: {  	s1 =	ssub.s32 @!p0 $0x0, s1;
	[sflag:s0] =	ssyncset.done @!p0 $0x0  }
0x67: {  	[sflag:s0] =	ssyncadd.s32 @!p0 s1  }
0x68: {  	[bflag:$0x3] =	sbarrier.arrive $0xFFFF  }
0x69: {  	_ =	shalt  }

// kernel: kernel.35.cloned.1.call-start
scs
__scs_entry_jumppad:
0x0: {  	(pc) =	sbr.rel $0x88, $3  }
0x1: {  	(tag) =	ssettag $0x0;
	lr =	simm.s32 $0x1  }
0x2: {  	[smem:$0x3F84] =	sst lr;
	_ =	strace $0xD0000000  }
0x3: {  	_ = 	snop  }
0x4: {  	_ = 	snop  }
0x5: {  	_ = 	snop  }
0x6: {  	_ = 	snop  }
0x7: {  	_ = 	snop  }
__scs_overlays_trampoline_lowered:
0x8: {  	[smem:$0x3F93] =	sst s0  }
0x9: {  	[smem:$0x3F94] =	sst s1  }
0xa: {  	[smem:$0x3F95] =	sst s2  }
0xb: {  	[smem:$0x3F96] =	sst s3  }
0xc: {  	[smem:$0x3F97] =	sst s4  }
0xd: {  	[smem:$0x3F98] =	sst s5  }
0xe: {  	[smem:$0x3F99] =	sst s6  }
0xf: {  	[smem:$0x3F9A] =	sst s7  }
0x10: {  	[smem:$0x3F9B] =	sst s8  }
0x11: {  	[smem:$0x3F9C] =	sst s9;
	s0 =	simm.s32 @!p0 $0x0  }
0x12: {  	s1 =	sld [smem:$0x3F82];
	s0 =	simm.s32 @p0 $0x1  }
0x13: {  	[smem:$0x3F9D] =	sst s0;
	s0 =	simm.s32 @!p1 $0x0  }
0x14: {  	s2 =	sld [smem:$0x3F81];
	s0 =	simm.s32 @p1 $0x1  }
0x15: {  	[smem:$0x3F9E] =	sst s0;
	s0 =	simm.s32 @!p2 $0x0  }
0x16: {  	s3 =	sld [smem:$0x3FDB];
	s0 =	simm.s32 @p2 $0x1  }
0x17: {  	s4 =	simm.s32 $0x1BF5;
	[smem:$0x3FA0] =	sst s0  }
0x18: {  	s0 =	sld [smem:$0x3F83];
	_ =	swait.ge [sflag:s4], $0x0  }
0x19: {  	s7 =	sld [smem:$0x3F84]  }
0x1a: {  	s8 =	sadd.s32 $0xFFFFE003, lr  }
0x1b: {  	s9 =	sadd.s32 $0xFFFFFEF7, lr;
	s5 =	simm.s32 $0xFFFFFFFF;
	p2 =	slt.u32 s8, $0xFFFFF086  }
0x1c: {  	p1 =	slt.u32 s9, $0xF7A;
	s5 =	simm.s32 @!p2 $0x0  }
0x1d: {  	s5 =	simm.s32 @p1 $0x1;
	p0 =	seq.s32 s7, s2  }
0x1e: {  	s7 =	smul.u32 @!p0 $0xF7A, s2;
	p2 =	seq.s32 @!p0 s5, $0x0  }
0x1f: {  	s9 =	smul.u32 $0xF7A, s1;
	s8 =	simm.s32 @!p0 $0x1BF5;
	p2 =	por !p2, p0  }
0x20: {  	[sflag:s8] =	ssyncset.s32 @!p0 $0xFFFFF086;
	s6 =	sadd.s32 @!p0 s3, s7;
	s7 =	simm.s32 @!p0 $0x108  }
0x21: {  	s3 =	sadd.s32 s3, s9;
	s6 =	sadd.s32 @!p0 $0x88, s6;
	s7 =	simm.s32 @p2 $0x1082  }
0x22: {  	[simem:s7], [sflag:s8] =	dma.local @!p0 [hbm:s6], $0xF7A  }
0x23: {  	s9 =	sor.u32 $0xD0000000, s2;
	s6 =	simm.s32 $0x108;
	_ =	swait.ge @!p0 [sflag:s8], $0x0  }
0x24: {  	s3 =	sadd.s32 $0x88, s3;
	s6 =	simm.s32 @!p1 $0x1082;
	[sflag:s4] =	ssyncset.s32 $0xFFFFF086  }
0x25: {  	[simem:s6], [sflag:s4] =	dma.local [hbm:s3], $0xF7A  }
0x26: {  	[smem:$0x3F84] =	sst s1;
	(tag) =	ssettag s2;
	_ =	strace s9  }
0x27: {  	s1 =	sld [smem:$0x3F94]  }
0x28: {  	s2 =	sld [smem:$0x3F95]  }
0x29: {  	s4 =	sld [smem:$0x3F97]  }
0x2a: {  	p0 =	seq.s32 s5, $0x0;
	s5 =	sld [smem:$0x3F98]  }
0x2b: {  	s6 =	sld [smem:$0x3F99]  }
0x2c: {  	s7 =	sld [smem:$0x3F9A]  }
0x2d: {  	s3 =	simm.s32 $0x108;
	s8 =	sld [smem:$0x3F9B]  }
0x2e: {  	s3 =	simm.s32 @!p0 $0x1082;
	s9 =	sld [smem:$0x3F9C]  }
0x2f: {  	lr =	sadd.s32 s0, s3;
	s0 =	sld [smem:$0x3F93]  }
0x30: {  	s3 =	sld [smem:$0x3F96]  }
0x31: {  	[smem:$0x3F9F] =	sst s10  }
0x32: {  	s10 =	sld [smem:$0x3F9D];
	_ =	sdelay $0x3  }
0x33: {  	p0 =	seq.s32 s10, $0x1;
	s10 =	sld [smem:$0x3F9F];
	_ =	sdelay $0x3  }
0x34: {  	[smem:$0x3F9F] =	sst s10  }
0x35: {  	s10 =	sld [smem:$0x3F9E];
	_ =	sdelay $0x3  }
0x36: {  	p1 =	seq.s32 s10, $0x1;
	s10 =	sld [smem:$0x3F9F];
	_ =	sdelay $0x3  }
0x37: {  	[smem:$0x3F9F] =	sst s10  }
0x38: {  	s10 =	sld [smem:$0x3FA0]  }
0x39: {  	_ = 	snop;
	(pc) =	sbr.ind lr, $3  }
0x3a: {  	_ = 	snop  }
0x3b: {  	_ = 	snop  }
0x3c: {  	p2 =	seq.s32 s10, $0x1;
	s10 =	sld [smem:$0x3F9F]  }
0x3d: {  	_ =	shalt  }
0x3e: {  	_ =	shalt  }
0x3f: {  	_ =	shalt  }
0x40: {  	_ =	shalt  }
0x41: {  	_ =	shalt  }
0x42: {  	_ =	shalt  }
0x43: {  	_ =	shalt  }
0x44: {  	_ =	shalt  }
0x45: {  	_ =	shalt  }
0x46: {  	_ =	shalt  }
0x47: {  	_ =	shalt  }
0x48: {  	_ =	shalt  }
0x49: {  	_ =	shalt  }
0x4a: {  	_ =	shalt  }
0x4b: {  	_ =	shalt  }
0x4c: {  	_ =	shalt  }
0x4d: {  	_ =	shalt  }
0x4e: {  	_ =	shalt  }
0x4f: {  	_ =	shalt  }
0x50: {  	_ =	shalt  }
0x51: {  	_ =	shalt  }
0x52: {  	_ =	shalt  }
0x53: {  	_ =	shalt  }
0x54: {  	_ =	shalt  }
0x55: {  	_ =	shalt  }
0x56: {  	_ =	shalt  }
0x57: {  	_ =	shalt  }
0x58: {  	_ =	shalt  }
0x59: {  	_ =	shalt  }
0x5a: {  	_ =	shalt  }
0x5b: {  	_ =	shalt  }
0x5c: {  	_ =	shalt  }
0x5d: {  	_ =	shalt  }
0x5e: {  	_ =	shalt  }
0x5f: {  	_ =	shalt  }
0x60: {  	_ =	shalt  }
0x61: {  	_ =	shalt  }
0x62: {  	_ =	shalt  }
0x63: {  	_ =	shalt  }
0x64: {  	_ =	shalt  }
0x65: {  	_ =	shalt  }
0x66: {  	_ =	shalt  }
0x67: {  	_ =	shalt  }
0x68: {  	_ =	shalt  }
0x69: {  	_ =	shalt  }
0x6a: {  	_ =	shalt  }
0x6b: {  	_ =	shalt  }
0x6c: {  	_ =	shalt  }
0x6d: {  	_ =	shalt  }
0x6e: {  	_ =	shalt  }
0x6f: {  	_ =	shalt  }
0x70: {  	_ =	shalt  }
0x71: {  	_ =	shalt  }
0x72: {  	_ =	shalt  }
0x73: {  	_ =	shalt  }
0x74: {  	_ =	shalt  }
0x75: {  	_ =	shalt  }
0x76: {  	_ =	shalt  }
0x77: {  	_ =	shalt  }
0x78: {  	_ =	shalt  }
0x79: {  	_ =	shalt  }
0x7a: {  	_ =	shalt  }
0x7b: {  	_ =	shalt  }
0x7c: {  	_ =	shalt  }
0x7d: {  	_ =	shalt  }
0x7e: {  	_ =	shalt  }
0x7f: {  	_ =	shalt  }
0x80: {  	_ =	shalt  }
0x81: {  	_ =	shalt  }
0x82: {  	_ =	shalt  }
0x83: {  	_ =	shalt  }
0x84: {  	_ =	shalt  }
0x85: {  	_ =	shalt  }
0x86: {  	_ =	shalt  }
0x87: {  	_ =	shalt  }
.Lfunc_end0:
.L_simem_size_0:
called_computation.5_lowered:
.L_overlay_start_0:
0x88: {  	s2 =	sld [smem:$0x3FD9]  }
0x89: {  	s3 =	sld [smem:$0x3FFE];
	_ =	sdelay $0x1  }
0x8a: {  	s1 =	srdreg.scid  }
0x8b: {  	s0 =	sand.u32 $0x1, s1  }
0x8c: {  	s16 =	sshll.u32 s0, $0xA;
	s2 =	sadd.s32 s3, s2  }
0x8d: {  	s2 =	sadd.s32 s2, s16  }
0x8e: {  	[smem:$0x3FAB] =	sst s2  }
0x8f: {  	_ = 	snop  }
0x90: {  	(tm) =	ssettm $0x1  }
0x91: {  	s17 =	sld [smem:$0x3FFB];
	_ =	sdelay $0x3  }
0x92: {  	_ =	strace s17  }
0x93: {  	s2 =	sld [smem:$0x3FFC];
	_ =	sdelay $0x3  }
0x94: {  	_ =	strace s2  }
0x95: {  	s2 =	sld [smem:$0x3FFD];
	_ =	sdelay $0x3  }
0x96: {  	_ =	strace s2  }
0x97: {  	_ =	strace $0x8FFFFFFF  }
0x98: {  	s18 =	sld [smem:$0x3FDB];
	_ =	sdelay $0x1  }
0x99: {  	s19 =	simm.s32 $_scs_section_size  }
0x9a: {  	s4 =	simm.s32 $_size__tile_overlayer_lowered;
	s5 =	simm.s32 $_tile_overlayer_lowered  }
0x9b: {  	s22 =	simm.s32 $0x1BFF;
	s21 =	sshll.u32 s5, $0x1;
	s2 =	sadd.s32 s19, s18  }
0x9c: {  	s6 =	simm.s32 $0x0;
	s20 =	sshll.u32 s4, $0x1;
	s4 =	sadd.s32 s21, s2  }
0x9d: {  	[timem:s6], [sflag:s22] =	dma.local [hbm:s4], s20  }
0x9e: {  	_ =	swait.ge [sflag:s22], s20  }
0x9f: {  	s3 =	ssub.s32 $0x0, s20;
	[sflag:s22] =	ssyncset.done $0x0  }
0xa0: {  	[sflag:s22] =	ssyncadd.s32 s3;
	_ =	sdelay $0x1  }
0xa1: {  	s23 =	simm.s32 $0x1B8B  }
0xa2: {  	_ =	swait.ge [sflag:s23], $0x1  }
0xa3: {  	[sflag:s23] =	ssyncset.done $0x0  }
0xa4: {  	s25 =	simm.s32 $0x1B8E;
	s24 =	sld [smem:$0x3FFE];
	[sflag:s23] =	ssyncadd.s32 $0xFFFFFFFF  }
0xa5: {  	s26 =	simm.s32 $execute0_lowered;
	[smem:$0x3FD2] =	sst s25  }
0xa6: {  	s4 =	sshll.u32 s26, $0x1;
	_ =	strace $0x80000055;
	[dreg:$0x1] =	wrdreg $0xFFFFFFFF  }
0xa7: {  	s28 =	simm.s32 $_size_execute0_lowered;
	s2 =	sadd.s32 s2, s4;
	[dreg:$0x0] =	wrdreg $0x0  }
0xa8: {  	s4 =	sshll.u32 s28, $0x1;
	[dreg:$0x2] =	wrdreg s2  }
0xa9: {  	[dreg:$0x3] =	wrdreg s4  }
0xaa: {  	[dreg:$0x4] =	wrdreg $0xC0  }
0xab: {  	_ =	task [dreg:s6], $0x5FFFF  }
0xac: {  	[dreg:$0x1] =	wrdreg $0xFFFFFFFF  }
0xad: {  	[dreg:$0x0] =	wrdreg $0x60  }
0xae: {  	[dreg:$0x2] =	wrdreg s24  }
0xaf: {  	[dreg:$0x3] =	wrdreg $0xA8000  }
0xb0: {  	[dreg:$0x4] =	wrdreg $0x9  }
0xb1: {  	_ =	task.clear_ibuf [dreg:s6], $0x5FFFF;
	_ =	strace $0x90000055  }
0xb2: {  	s29 =	simm.s32 $0x9;
	_ =	strace $0x80000057  }
0xb3: {  	_ =	swait.ge [sflag:s29], $0x1  }
0xb4: {  	[sflag:s29] =	ssyncadd.s32 $0xFFFFFFFF  }
0xb5: {  	_ =	strace $0x90000057  }
0xb6: {  	_ =	sfence  }
0xb7: {  	s30 =	sld [smem:$0x0];
	_ =	sdelay $0x2  }
0xb8: {  	s31 =	sshll.u32 s1, $0xD;
	s1 =	sshrl.u32 s1, $0x2  }
0xb9: {  	s3 =	sand.u32 $0x4000, s31;
	s1 =	sadd.s32 s1, s30  }
0xba: {  	s0 =	sor.u32 s3, s0;
	s1 =	sshll.u32 s1, $0x11  }
0xbb: {  	s0 =	sor.u32 s1, s0  }
0xbc: {  	s0 =	sadd.s32 $0x8F2B, s0  }
0xbd: {  	[sflag:s0] =	ssyncadd.remote.s32 $0x1  }
0xbe: {  	_ =	sfence.sel $0xFFFF  }
0xbf: {  	[dreg:$0x0] =	wrdreg $0xFFFFFFFF;
	(pc) =	sbr.abs _section_cstart, $3  }
0xc0: {  	[dreg:$0x1] =	wrdreg $0xFFFFFFFF  }
0xc1: {  	_ =	task.clear_ibuf [dreg:s6], $0x2FFFF;
	_ =	strace $0x9FFFFFFF  }
0xc2: {  	(tm) =	ssettm $0x7FFFFFFF  }
0xc3: {  	_ =	shalt  }
tec
execute0_lowered:
.L_overlay_start_1:
0x0: {  	(tag) =	ssettag $0x1  }
0x1: {  	s0 =	srdreg.scid;
	s6 =	rddreg [dreg:$0x0]  }
0x2: {  	s2 =	rddreg [dreg:$0x1];
	s1 =	stileid.u32;
	s3 =	simm.s32 $0x0  }
0x3: {  	s13 =	simm.s32 $0x80;
	s14 =	simm.s32 $0x2800;
	s15 =	simm.s32 $0x6800  }
0x4: {  	s16 =	simm.s32 $0x1;
	s17 =	simm.s32 $0x2;
	s18 =	simm.s32 $0x2700  }
0x5: {  	s5 =	sand.u32 $0x1, s0;
	s0 =	rddreg [dreg:$0x2];
	s10 =	smul.u32 $0x50000, s1  }
0x6: {  	s19 =	simm.s32 $0x2780;
	[smem:$0x7FF] =	sst s3;
	s12 =	smul.u32 $0x4E000, s1  }
0x7: {  	s24 =	smul.u32 $0x2700, s1;
	s21 =	sadd.s32 $0x124800, s2;
	s31 =	sshll.u32 s1, $0x6  }
0x8: {  	p0 =	seq.s32 s1, $0xF;
	s4 =	sshll.u32 s5, $0x4;
	_ =	strace $0x80000056  }
0x9: {  	s8 =	smul.u32 $0x27100, s5;
	s9 =	ssub.s32 $0x2, s5;
	s5 =	sadd.s32 $0x18E00, s6  }
0xa: {  	s21 =	sshrl.u32 @p0 s21, $0x3;
	s4 =	sor.u32 s1, s4;
	s11 =	sshrl.u32 s9, $0x1  }
0xb: {  	s10 =	sshrl.u32 s10, $0x2;
	s29 =	sshrl.u32 s12, $0x2;
	s7 =	smul.u32 $0x280, s4  }
0xc: {  	s4 =	sadd.s32 $0x90C00, s6;
	s8 =	sadd.s32 s8, s6;
	s9 =	ssub.s32 s9, s11  }
0xd: {  	s30 =	sadd.s32 s10, s2;
	s23 =	sadd.s32 s29, s2;
	s10 =	simm.s32 $0x1400  }
0xe: {  	s11 =	sor.u32 $0x1C03, s31;
	s22 =	sadd.s32 $0xB7E00, s8;
	s8 =	smax.u32 s9, $0x1  }
0xf: {  	s9 =	simm.s32 $0x3;
	s12 =	sshrl.u32 s30, $0x3;
	s23 =	sshrl.u32 @!p0 s23, $0x3  }
0x10: {  	s7 =	sadd.s32 s7, s6;
	s20 =	sadd.s32 @p0 $0x24900, s22;
	s22 =	sadd.s32 @!p0 s24, s22  }
0x11: {  	s24 =	simm.s32 $0x0;
	s6 =	sadd.s32 $0xEE00, s7;
	s7 =	sadd.s32 $0x13E00, s7  }
.LBB2_1:
0x12: {  	[tilespmem:s3], [sflag:$0x3] =	stream.linear.gather [hbm4b:s6+s3], $0x1400, $0x38;
	[tilespmem:$0x1E800] =	vst v63  }
0x13: {  	_ =	swait.ge [sflag:s9], $0x1400  }
0x14: {  	[sflag:s9] =	ssyncset.done $0x0  }
0x15: {  	[sflag:s9] =	ssyncadd.s32 $0xFFFFEC00  }
0x16: {  	[tilespmem:s10], [sflag:$0x3] =	stream.linear.gather [hbm4b:s7+s3], $0x1400, $0x38;
	[tilespmem:$0x1E800] =	vst v63  }
0x17: {  	_ =	swait.ge [sflag:s9], $0x1400  }
0x18: {  	[sflag:s9] =	ssyncset.done $0x0  }
0x19: {  	[sflag:s9] =	ssyncadd.s32 $0xFFFFEC00  }
0x1a: {  	[spmem:s12], [sflag:s11] =	dma.local [hbm:s5], $0x2800  }
0x1b: {  	_ =	swait.ge [sflag:s9], $0x2800  }
0x1c: {  	[sflag:s9] =	ssyncset.done $0x0  }
0x1d: {  	[sflag:s9] =	ssyncadd.s32 $0xFFFFD800  }
0x1e: {  	[bflag:$0x0] =	sbarrier.arrive $0xFFFF  }
0x1f: {  	[tilespmem:s14], [sflag:$0x1] =	stream.indirect.gather [hbm4b:s4+s13], $0x80, s3, s13, $0xb8;
	[tilespmem:$0x1E800] =	vst v63  }
0x20: {  	_ = 	snop  }
0x21: {  	[tilespmem:s15], [sflag:$0x2] =	stream.indirect.gather [hbm4b:s4+s13], $0x80, s13, s13, $0xb8;
	[tilespmem:$0x1E800] =	vst v63  }
0x22: {  	_ =	swait.ge [sflag:s16], $0x4000  }
0x23: {  	[sflag:s16] =	ssyncset.done $0x0  }
0x24: {  	s25 =	simm.s32 $0x1400;
	[sflag:s16] =	ssyncadd.s32 $0xFFFFC000  }
0x25: {  	[spmem:s2] =	stream.indirect.scatter.add.f32 [tilespmem:s14], [sflag:$0x3], $0x80, s25, s13, $0xb8;
	[tilespmem:$0x1E800] =	vst v63  }
0x26: {  	_ =	swait.ge [sflag:s9], $0x4000  }
0x27: {  	[sflag:s9] =	ssyncset.done $0x0  }
0x28: {  	s30 =	simm.s32 $0x100;
	[sflag:s9] =	ssyncadd.s32 $0xFFFFC000  }
0x29: {  	[tilespmem:s14], [sflag:$0x1] =	stream.indirect.gather [hbm4b:s4+s13], $0x80, s30, s13, $0xb8;
	[tilespmem:$0x1E800] =	vst v63  }
0x2a: {  	_ =	swait.ge [sflag:s17], $0x4000  }
0x2b: {  	[sflag:s17] =	ssyncset.done $0x0  }
0x2c: {  	s31 =	simm.s32 $0x1480;
	[sflag:s17] =	ssyncadd.s32 $0xFFFFC000  }
0x2d: {  	[spmem:s2] =	stream.indirect.scatter.add.f32 [tilespmem:s15], [sflag:$0x3], $0x80, s31, s13, $0xb8;
	[tilespmem:$0x1E800] =	vst v63  }
0x2e: {  	_ =	swait.ge [sflag:s9], $0x4000  }
0x2f: {  	[sflag:s9] =	ssyncset.done $0x0  }
0x30: {  	s26 =	simm.s32 $0x180;
	s25 =	simm.s32 $0x400;
	[sflag:s9] =	ssyncadd.s32 $0xFFFFC000  }
.LBB2_2:
0x31: {  	[tilespmem:s15], [sflag:$0x2] =	stream.indirect.gather [hbm4b:s4+s13], $0x80, s26, s13, $0xb8;
	[tilespmem:$0x1E800] =	vst v63  }
0x32: {  	s26 =	smov.u32 s25  }
0x33: {  	p1 =	sne.s32 s25, $0x4800;
	s25 =	sadd.s32 $0x400, s25;
	_ =	swait.ge [sflag:s16], $0x4000  }
0x34: {  	s26 =	sshra.s32 s26, $0x2;
	[sflag:s16] =	ssyncset.done $0x0  }
0x35: {  	s28 =	sadd.s32 $0x1400, s26;
	[sflag:s16] =	ssyncadd.s32 $0xFFFFC000  }
0x36: {  	[spmem:s2] =	stream.indirect.scatter.add.f32 [tilespmem:s14], [sflag:$0x3], $0x80, s28, s13, $0xb8;
	[tilespmem:$0x1E800] =	vst v63  }
0x37: {  	_ =	swait.ge [sflag:s9], $0x4000  }
0x38: {  	[sflag:s9] =	ssyncset.done $0x0  }
0x39: {  	s28 =	sadd.s32 $0x100, s26;
	[sflag:s9] =	ssyncadd.s32 $0xFFFFC000  }
0x3a: {  	[tilespmem:s14], [sflag:$0x1] =	stream.indirect.gather [hbm4b:s4+s13], $0x80, s28, s13, $0xb8;
	[tilespmem:$0x1E800] =	vst v63  }
0x3b: {  	_ =	swait.ge [sflag:s17], $0x4000  }
0x3c: {  	[sflag:s17] =	ssyncset.done $0x0  }
.Ltmp0:
0x3d: {  	s28 =	sadd.s32 $0x1480, s26;
	[sflag:s17] =	ssyncadd.s32 $0xFFFFC000;
	(pc) =	sbr.rel @p1 .LBB2_2-.Ltmp0, $4  }
0x3e: {  	[spmem:s2] =	stream.indirect.scatter.add.f32 [tilespmem:s15], [sflag:$0x3], $0x80, s28, s13, $0xb8;
	[tilespmem:$0x1E800] =	vst v63  }
0x3f: {  	_ =	swait.ge [sflag:s9], $0x4000  }
0x40: {  	[sflag:s9] =	ssyncset.done $0x0  }
0x41: {  	s26 =	sadd.s32 $0x180, s26;
	[sflag:s9] =	ssyncadd.s32 $0xFFFFC000  }
0x42: {  	[tilespmem:s15], [sflag:$0x2] =	stream.indirect.gather [hbm4b:s4+s13], $0x80, s26, s13, $0xb8;
	[tilespmem:$0x1E800] =	vst v63  }
0x43: {  	_ =	swait.ge [sflag:s16], $0x4000  }
0x44: {  	[sflag:s16] =	ssyncset.done $0x0  }
0x45: {  	[sflag:s16] =	ssyncadd.s32 $0xFFFFC000  }
0x46: {  	[spmem:s2] =	stream.indirect.scatter.add.f32 [tilespmem:s14], [sflag:$0x3], $0x80, s18, s13, $0xb8;
	[tilespmem:$0x1E800] =	vst v63  }
0x47: {  	_ =	swait.ge [sflag:s9], $0x4000  }
0x48: {  	[sflag:s9] =	ssyncset.done $0x0  }
0x49: {  	[sflag:s9] =	ssyncadd.s32 $0xFFFFC000  }
0x4a: {  	_ =	swait.ge [sflag:s17], $0x4000  }
0x4b: {  	[sflag:s17] =	ssyncset.done $0x0  }
0x4c: {  	[sflag:s17] =	ssyncadd.s32 $0xFFFFC000  }
0x4d: {  	[spmem:s2] =	stream.indirect.scatter.add.f32 [tilespmem:s15], [sflag:$0x3], $0x80, s19, s13, $0xb8;
	[tilespmem:$0x1E800] =	vst v63  }
0x4e: {  	_ =	swait.ge [sflag:s9], $0x4000  }
0x4f: {  	[sflag:s9] =	ssyncset.done $0x0  }
0x50: {  	[sflag:s9] =	ssyncadd.s32 $0xFFFFC000  }
0x51: {  	s25 =	simm.s32 @p0 $0x3;
	[bflag:$0x0] =	sbarrier.arrive $0xFFFF  }
0x52: {  	[hbm:s20], [sflag:s11] =	dma.local @p0 [spmem:s21], $0x2800  }
0x53: {  	s24 =	sadd.s32 $0x1, s24;
	_ =	swait.ge @p0 [sflag:s25], $0x2800  }
0x54: {  	p1 =	sne.s32 s24, s8;
	[sflag:s25] =	ssyncset.done @p0 $0x0  }
.Ltmp1:
0x55: {  	[sflag:s25] =	ssyncadd.s32 @p0 $0xFFFFD800;
	s25 =	simm.s32 @!p0 $0x3;
	(pc) =	sbr.rel @p1 .LBB2_1-.Ltmp1, $4  }
0x56: {  	[hbm:s22], [sflag:s11] =	dma.local @!p0 [spmem:s23], $0x2700  }
0x57: {  	_ =	swait.ge @!p0 [sflag:s25], $0x2700  }
0x58: {  	[sflag:s25] =	ssyncset.done @!p0 $0x0  }
0x59: {  	[sflag:s25] =	ssyncadd.s32 @!p0 $0xFFFFD900  }
0x5a: {  	_ =	sfence.sel $0x180000  }
0x5b: {  	[bflag:$0x0] =	sbarrier.arrive $0xFFFF  }
0x5c: {  	p0 =	sne.s32 s1, $0x0;
	_ =	strace $0x90000056  }
0x5d: {  	s0 =	sadd.s32 @!p0 $0x100000, s0;
	[bflag:$0x2] =	sbarrier.arrive $0xFFFF  }
0x5e: {  	[sflag:s0] =	ssyncadd.tile.s32 @!p0 $0x1;
	_ =	shalt  }
.Lfunc_end2:
_tile_overlayer_lowered:
.L_overlay_start_2:
0x5f: {  	(tag) =	ssettag $0x2  }
0x60: {  	s0 =	rddreg [dreg:$0x0];
	s2 =	stileid.u32  }
0x61: {  	s1 =	rddreg [dreg:$0x1];
	p0 =	sne.s32 s2, $0x0  }
0x62: {  	s3 =	rddreg [dreg:$0x2];
	[bflag:$0x3] =	sbarrier.arrive $0xFFFF;
	s2 =	simm.s32 @!p0 $0x1C03  }
0x63: {  	[timem:s3], [sflag:s2] =	dma.local @!p0 [hbm:s0], s1  }
0x64: {  	s0 =	simm.s32 @!p0 $0x3  }
0x65: {  	_ =	swait.ge @!p0 [sflag:s0], s1  }
0x66: {  	s1 =	ssub.s32 @!p0 $0x0, s1;
	[sflag:s0] =	ssyncset.done @!p0 $0x0  }
0x67: {  	[sflag:s0] =	ssyncadd.s32 @!p0 s1  }
0x68: {  	[bflag:$0x3] =	sbarrier.arrive $0xFFFF  }
0x69: {  	_ =	shalt  }

// kernel: kernel.38.cloned.1.call-start
scs
__scs_entry_jumppad:
0x0: {  	(pc) =	sbr.rel $0x88, $3  }
0x1: {  	(tag) =	ssettag $0x0;
	lr =	simm.s32 $0x1  }
0x2: {  	[smem:$0x3F84] =	sst lr;
	_ =	strace $0xD0000000  }
0x3: {  	_ = 	snop  }
0x4: {  	_ = 	snop  }
0x5: {  	_ = 	snop  }
0x6: {  	_ = 	snop  }
0x7: {  	_ = 	snop  }
__scs_overlays_trampoline_lowered:
0x8: {  	[smem:$0x3F93] =	sst s0  }
0x9: {  	[smem:$0x3F94] =	sst s1  }
0xa: {  	[smem:$0x3F95] =	sst s2  }
0xb: {  	[smem:$0x3F96] =	sst s3  }
0xc: {  	[smem:$0x3F97] =	sst s4  }
0xd: {  	[smem:$0x3F98] =	sst s5  }
0xe: {  	[smem:$0x3F99] =	sst s6  }
0xf: {  	[smem:$0x3F9A] =	sst s7  }
0x10: {  	[smem:$0x3F9B] =	sst s8  }
0x11: {  	[smem:$0x3F9C] =	sst s9;
	s0 =	simm.s32 @!p0 $0x0  }
0x12: {  	s1 =	sld [smem:$0x3F82];
	s0 =	simm.s32 @p0 $0x1  }
0x13: {  	[smem:$0x3F9D] =	sst s0;
	s0 =	simm.s32 @!p1 $0x0  }
0x14: {  	s2 =	sld [smem:$0x3F81];
	s0 =	simm.s32 @p1 $0x1  }
0x15: {  	[smem:$0x3F9E] =	sst s0;
	s0 =	simm.s32 @!p2 $0x0  }
0x16: {  	s3 =	sld [smem:$0x3FDB];
	s0 =	simm.s32 @p2 $0x1  }
0x17: {  	s4 =	simm.s32 $0x1BF5;
	[smem:$0x3FA0] =	sst s0  }
0x18: {  	s0 =	sld [smem:$0x3F83];
	_ =	swait.ge [sflag:s4], $0x0  }
0x19: {  	s7 =	sld [smem:$0x3F84]  }
0x1a: {  	s8 =	sadd.s32 $0xFFFFE003, lr  }
0x1b: {  	s9 =	sadd.s32 $0xFFFFFEF7, lr;
	s5 =	simm.s32 $0xFFFFFFFF;
	p2 =	slt.u32 s8, $0xFFFFF086  }
0x1c: {  	p1 =	slt.u32 s9, $0xF7A;
	s5 =	simm.s32 @!p2 $0x0  }
0x1d: {  	s5 =	simm.s32 @p1 $0x1;
	p0 =	seq.s32 s7, s2  }
0x1e: {  	s7 =	smul.u32 @!p0 $0xF7A, s2;
	p2 =	seq.s32 @!p0 s5, $0x0  }
0x1f: {  	s9 =	smul.u32 $0xF7A, s1;
	s8 =	simm.s32 @!p0 $0x1BF5;
	p2 =	por !p2, p0  }
0x20: {  	[sflag:s8] =	ssyncset.s32 @!p0 $0xFFFFF086;
	s6 =	sadd.s32 @!p0 s3, s7;
	s7 =	simm.s32 @!p0 $0x108  }
0x21: {  	s3 =	sadd.s32 s3, s9;
	s6 =	sadd.s32 @!p0 $0x88, s6;
	s7 =	simm.s32 @p2 $0x1082  }
0x22: {  	[simem:s7], [sflag:s8] =	dma.local @!p0 [hbm:s6], $0xF7A  }
0x23: {  	s9 =	sor.u32 $0xD0000000, s2;
	s6 =	simm.s32 $0x108;
	_ =	swait.ge @!p0 [sflag:s8], $0x0  }
0x24: {  	s3 =	sadd.s32 $0x88, s3;
	s6 =	simm.s32 @!p1 $0x1082;
	[sflag:s4] =	ssyncset.s32 $0xFFFFF086  }
0x25: {  	[simem:s6], [sflag:s4] =	dma.local [hbm:s3], $0xF7A  }
0x26: {  	[smem:$0x3F84] =	sst s1;
	(tag) =	ssettag s2;
	_ =	strace s9  }
0x27: {  	s1 =	sld [smem:$0x3F94]  }
0x28: {  	s2 =	sld [smem:$0x3F95]  }
0x29: {  	s4 =	sld [smem:$0x3F97]  }
0x2a: {  	p0 =	seq.s32 s5, $0x0;
	s5 =	sld [smem:$0x3F98]  }
0x2b: {  	s6 =	sld [smem:$0x3F99]  }
0x2c: {  	s7 =	sld [smem:$0x3F9A]  }
0x2d: {  	s3 =	simm.s32 $0x108;
	s8 =	sld [smem:$0x3F9B]  }
0x2e: {  	s3 =	simm.s32 @!p0 $0x1082;
	s9 =	sld [smem:$0x3F9C]  }
0x2f: {  	lr =	sadd.s32 s0, s3;
	s0 =	sld [smem:$0x3F93]  }
0x30: {  	s3 =	sld [smem:$0x3F96]  }
0x31: {  	[smem:$0x3F9F] =	sst s10  }
0x32: {  	s10 =	sld [smem:$0x3F9D];
	_ =	sdelay $0x3  }
0x33: {  	p0 =	seq.s32 s10, $0x1;
	s10 =	sld [smem:$0x3F9F];
	_ =	sdelay $0x3  }
0x34: {  	[smem:$0x3F9F] =	sst s10  }
0x35: {  	s10 =	sld [smem:$0x3F9E];
	_ =	sdelay $0x3  }
0x36: {  	p1 =	seq.s32 s10, $0x1;
	s10 =	sld [smem:$0x3F9F];
	_ =	sdelay $0x3  }
0x37: {  	[smem:$0x3F9F] =	sst s10  }
0x38: {  	s10 =	sld [smem:$0x3FA0]  }
0x39: {  	_ = 	snop;
	(pc) =	sbr.ind lr, $3  }
0x3a: {  	_ = 	snop  }
0x3b: {  	_ = 	snop  }
0x3c: {  	p2 =	seq.s32 s10, $0x1;
	s10 =	sld [smem:$0x3F9F]  }
0x3d: {  	_ =	shalt  }
0x3e: {  	_ =	shalt  }
0x3f: {  	_ =	shalt  }
0x40: {  	_ =	shalt  }
0x41: {  	_ =	shalt  }
0x42: {  	_ =	shalt  }
0x43: {  	_ =	shalt  }
0x44: {  	_ =	shalt  }
0x45: {  	_ =	shalt  }
0x46: {  	_ =	shalt  }
0x47: {  	_ =	shalt  }
0x48: {  	_ =	shalt  }
0x49: {  	_ =	shalt  }
0x4a: {  	_ =	shalt  }
0x4b: {  	_ =	shalt  }
0x4c: {  	_ =	shalt  }
0x4d: {  	_ =	shalt  }
0x4e: {  	_ =	shalt  }
0x4f: {  	_ =	shalt  }
0x50: {  	_ =	shalt  }
0x51: {  	_ =	shalt  }
0x52: {  	_ =	shalt  }
0x53: {  	_ =	shalt  }
0x54: {  	_ =	shalt  }
0x55: {  	_ =	shalt  }
0x56: {  	_ =	shalt  }
0x57: {  	_ =	shalt  }
0x58: {  	_ =	shalt  }
0x59: {  	_ =	shalt  }
0x5a: {  	_ =	shalt  }
0x5b: {  	_ =	shalt  }
0x5c: {  	_ =	shalt  }
0x5d: {  	_ =	shalt  }
0x5e: {  	_ =	shalt  }
0x5f: {  	_ =	shalt  }
0x60: {  	_ =	shalt  }
0x61: {  	_ =	shalt  }
0x62: {  	_ =	shalt  }
0x63: {  	_ =	shalt  }
0x64: {  	_ =	shalt  }
0x65: {  	_ =	shalt  }
0x66: {  	_ =	shalt  }
0x67: {  	_ =	shalt  }
0x68: {  	_ =	shalt  }
0x69: {  	_ =	shalt  }
0x6a: {  	_ =	shalt  }
0x6b: {  	_ =	shalt  }
0x6c: {  	_ =	shalt  }
0x6d: {  	_ =	shalt  }
0x6e: {  	_ =	shalt  }
0x6f: {  	_ =	shalt  }
0x70: {  	_ =	shalt  }
0x71: {  	_ =	shalt  }
0x72: {  	_ =	shalt  }
0x73: {  	_ =	shalt  }
0x74: {  	_ =	shalt  }
0x75: {  	_ =	shalt  }
0x76: {  	_ =	shalt  }
0x77: {  	_ =	shalt  }
0x78: {  	_ =	shalt  }
0x79: {  	_ =	shalt  }
0x7a: {  	_ =	shalt  }
0x7b: {  	_ =	shalt  }
0x7c: {  	_ =	shalt  }
0x7d: {  	_ =	shalt  }
0x7e: {  	_ =	shalt  }
0x7f: {  	_ =	shalt  }
0x80: {  	_ =	shalt  }
0x81: {  	_ =	shalt  }
0x82: {  	_ =	shalt  }
0x83: {  	_ =	shalt  }
0x84: {  	_ =	shalt  }
0x85: {  	_ =	shalt  }
0x86: {  	_ =	shalt  }
0x87: {  	_ =	shalt  }
.Lfunc_end0:
.L_simem_size_0:
called_computation.6_lowered:
.L_overlay_start_0:
0x88: {  	s2 =	sld [smem:$0x3FD9]  }
0x89: {  	s3 =	sld [smem:$0x3FFE];
	_ =	sdelay $0x1  }
0x8a: {  	s1 =	srdreg.scid  }
0x8b: {  	s0 =	sand.u32 $0x1, s1  }
0x8c: {  	s16 =	sshll.u32 s0, $0xA;
	s2 =	sadd.s32 s3, s2  }
0x8d: {  	s2 =	sadd.s32 s2, s16  }
0x8e: {  	[smem:$0x3FAB] =	sst s2  }
0x8f: {  	_ = 	snop  }
0x90: {  	(tm) =	ssettm $0x1  }
0x91: {  	s17 =	sld [smem:$0x3FFB];
	_ =	sdelay $0x3  }
0x92: {  	_ =	strace s17  }
0x93: {  	s2 =	sld [smem:$0x3FFC];
	_ =	sdelay $0x3  }
0x94: {  	_ =	strace s2  }
0x95: {  	s2 =	sld [smem:$0x3FFD];
	_ =	sdelay $0x3  }
0x96: {  	_ =	strace s2  }
0x97: {  	_ =	strace $0x8FFFFFFF  }
0x98: {  	s18 =	sld [smem:$0x3FDB];
	_ =	sdelay $0x1  }
0x99: {  	s19 =	simm.s32 $_scs_section_size  }
0x9a: {  	s4 =	simm.s32 $_size__tile_overlayer_lowered;
	s5 =	simm.s32 $_tile_overlayer_lowered  }
0x9b: {  	s22 =	simm.s32 $0x1BFF;
	s21 =	sshll.u32 s5, $0x1;
	s2 =	sadd.s32 s19, s18  }
0x9c: {  	s6 =	simm.s32 $0x0;
	s20 =	sshll.u32 s4, $0x1;
	s4 =	sadd.s32 s21, s2  }
0x9d: {  	[timem:s6], [sflag:s22] =	dma.local [hbm:s4], s20  }
0x9e: {  	_ =	swait.ge [sflag:s22], s20  }
0x9f: {  	s3 =	ssub.s32 $0x0, s20;
	[sflag:s22] =	ssyncset.done $0x0  }
0xa0: {  	[sflag:s22] =	ssyncadd.s32 s3;
	_ =	sdelay $0x1  }
0xa1: {  	s23 =	simm.s32 $0x1B8B  }
0xa2: {  	_ =	swait.ge [sflag:s23], $0x1  }
0xa3: {  	[sflag:s23] =	ssyncset.done $0x0  }
0xa4: {  	s25 =	simm.s32 $0x1B8E;
	s24 =	sld [smem:$0x3FFE];
	[sflag:s23] =	ssyncadd.s32 $0xFFFFFFFF  }
0xa5: {  	s26 =	simm.s32 $execute0_lowered;
	[smem:$0x3FD2] =	sst s25  }
0xa6: {  	s4 =	sshll.u32 s26, $0x1;
	_ =	strace $0x80000058;
	[dreg:$0x1] =	wrdreg $0xFFFFFFFF  }
0xa7: {  	s28 =	simm.s32 $_size_execute0_lowered;
	s2 =	sadd.s32 s2, s4;
	[dreg:$0x0] =	wrdreg $0x0  }
0xa8: {  	s4 =	sshll.u32 s28, $0x1;
	[dreg:$0x2] =	wrdreg s2  }
0xa9: {  	[dreg:$0x3] =	wrdreg s4  }
0xaa: {  	[dreg:$0x4] =	wrdreg $0xC0  }
0xab: {  	_ =	task [dreg:s6], $0x5FFFF  }
0xac: {  	[dreg:$0x1] =	wrdreg $0xFFFFFFFF  }
0xad: {  	[dreg:$0x0] =	wrdreg $0x60  }
0xae: {  	[dreg:$0x2] =	wrdreg s24  }
0xaf: {  	[dreg:$0x3] =	wrdreg $0xA8000  }
0xb0: {  	[dreg:$0x4] =	wrdreg $0x9  }
0xb1: {  	_ =	task.clear_ibuf [dreg:s6], $0x5FFFF;
	_ =	strace $0x90000058  }
0xb2: {  	s29 =	simm.s32 $0x9;
	_ =	strace $0x8000005A  }
0xb3: {  	_ =	swait.ge [sflag:s29], $0x1  }
0xb4: {  	[sflag:s29] =	ssyncadd.s32 $0xFFFFFFFF  }
0xb5: {  	_ =	strace $0x9000005A  }
0xb6: {  	_ =	sfence  }
0xb7: {  	s30 =	sld [smem:$0x0];
	_ =	sdelay $0x2  }
0xb8: {  	s31 =	sshll.u32 s1, $0xD;
	s1 =	sshrl.u32 s1, $0x2  }
0xb9: {  	s3 =	sand.u32 $0x4000, s31;
	s1 =	sadd.s32 s1, s30  }
0xba: {  	s0 =	sor.u32 s3, s0;
	s1 =	sshll.u32 s1, $0x11  }
0xbb: {  	s0 =	sor.u32 s1, s0  }
0xbc: {  	s0 =	sadd.s32 $0x8F2B, s0  }
0xbd: {  	[sflag:s0] =	ssyncadd.remote.s32 $0x1  }
0xbe: {  	_ =	sfence.sel $0xFFFF  }
0xbf: {  	[dreg:$0x0] =	wrdreg $0xFFFFFFFF;
	(pc) =	sbr.abs _section_cstart, $3  }
0xc0: {  	[dreg:$0x1] =	wrdreg $0xFFFFFFFF  }
0xc1: {  	_ =	task.clear_ibuf [dreg:s6], $0x2FFFF;
	_ =	strace $0x9FFFFFFF  }
0xc2: {  	(tm) =	ssettm $0x7FFFFFFF  }
0xc3: {  	_ =	shalt  }
tec
execute0_lowered:
.L_overlay_start_1:
0x0: {  	(tag) =	ssettag $0x1  }
0x1: {  	s0 =	srdreg.scid;
	s6 =	rddreg [dreg:$0x0]  }
0x2: {  	s2 =	rddreg [dreg:$0x1];
	s1 =	stileid.u32;
	s3 =	simm.s32 $0x0  }
0x3: {  	s13 =	simm.s32 $0x80;
	s14 =	simm.s32 $0x2800;
	s15 =	simm.s32 $0x6800  }
0x4: {  	s16 =	simm.s32 $0x1;
	s17 =	simm.s32 $0x2;
	s18 =	simm.s32 $0x2700  }
0x5: {  	s5 =	sand.u32 $0x1, s0;
	s0 =	rddreg [dreg:$0x2];
	s10 =	smul.u32 $0x50000, s1  }
0x6: {  	s19 =	simm.s32 $0x2780;
	[smem:$0x7FF] =	sst s3;
	s12 =	smul.u32 $0x4E000, s1  }
0x7: {  	s24 =	smul.u32 $0x2700, s1;
	s21 =	sadd.s32 $0x124800, s2;
	s31 =	sshll.u32 s1, $0x6  }
0x8: {  	p0 =	seq.s32 s1, $0xF;
	s4 =	sshll.u32 s5, $0x4;
	_ =	strace $0x80000059  }
0x9: {  	s8 =	smul.u32 $0x27100, s5;
	s9 =	ssub.s32 $0x2, s5;
	s5 =	sadd.s32 $0x18E00, s6  }
0xa: {  	s21 =	sshrl.u32 @p0 s21, $0x3;
	s4 =	sor.u32 s1, s4;
	s11 =	sshrl.u32 s9, $0x1  }
0xb: {  	s10 =	sshrl.u32 s10, $0x2;
	s29 =	sshrl.u32 s12, $0x2;
	s7 =	smul.u32 $0x280, s4  }
0xc: {  	s4 =	sadd.s32 $0x90C00, s6;
	s8 =	sadd.s32 s8, s6;
	s9 =	ssub.s32 s9, s11  }
0xd: {  	s30 =	sadd.s32 s10, s2;
	s23 =	sadd.s32 s29, s2;
	s10 =	simm.s32 $0x1400  }
0xe: {  	s11 =	sor.u32 $0x1C03, s31;
	s22 =	sadd.s32 $0xB7E00, s8;
	s8 =	smax.u32 s9, $0x1  }
0xf: {  	s9 =	simm.s32 $0x3;
	s12 =	sshrl.u32 s30, $0x3;
	s23 =	sshrl.u32 @!p0 s23, $0x3  }
0x10: {  	s7 =	sadd.s32 s7, s6;
	s20 =	sadd.s32 @p0 $0x24900, s22;
	s22 =	sadd.s32 @!p0 s24, s22  }
0x11: {  	s24 =	simm.s32 $0x0;
	s6 =	sadd.s32 $0xEE00, s7;
	s7 =	sadd.s32 $0x13E00, s7  }
.LBB2_1:
0x12: {  	[tilespmem:s3], [sflag:$0x3] =	stream.linear.gather [hbm4b:s6+s3], $0x1400, $0x38;
	[tilespmem:$0x1E800] =	vst v63  }
0x13: {  	_ =	swait.ge [sflag:s9], $0x1400  }
0x14: {  	[sflag:s9] =	ssyncset.done $0x0  }
0x15: {  	[sflag:s9] =	ssyncadd.s32 $0xFFFFEC00  }
0x16: {  	[tilespmem:s10], [sflag:$0x3] =	stream.linear.gather [hbm4b:s7+s3], $0x1400, $0x38;
	[tilespmem:$0x1E800] =	vst v63  }
0x17: {  	_ =	swait.ge [sflag:s9], $0x1400  }
0x18: {  	[sflag:s9] =	ssyncset.done $0x0  }
0x19: {  	[sflag:s9] =	ssyncadd.s32 $0xFFFFEC00  }
0x1a: {  	[spmem:s12], [sflag:s11] =	dma.local [hbm:s5], $0x2800  }
0x1b: {  	_ =	swait.ge [sflag:s9], $0x2800  }
0x1c: {  	[sflag:s9] =	ssyncset.done $0x0  }
0x1d: {  	[sflag:s9] =	ssyncadd.s32 $0xFFFFD800  }
0x1e: {  	[bflag:$0x0] =	sbarrier.arrive $0xFFFF  }
0x1f: {  	[tilespmem:s14], [sflag:$0x1] =	stream.indirect.gather [hbm4b:s4+s13], $0x80, s3, s13, $0xb8;
	[tilespmem:$0x1E800] =	vst v63  }
0x20: {  	_ = 	snop  }
0x21: {  	[tilespmem:s15], [sflag:$0x2] =	stream.indirect.gather [hbm4b:s4+s13], $0x80, s13, s13, $0xb8;
	[tilespmem:$0x1E800] =	vst v63  }
0x22: {  	_ =	swait.ge [sflag:s16], $0x4000  }
0x23: {  	[sflag:s16] =	ssyncset.done $0x0  }
0x24: {  	s25 =	simm.s32 $0x1400;
	[sflag:s16] =	ssyncadd.s32 $0xFFFFC000  }
0x25: {  	[spmem:s2] =	stream.indirect.scatter.add.f32 [tilespmem:s14], [sflag:$0x3], $0x80, s25, s13, $0xb8;
	[tilespmem:$0x1E800] =	vst v63  }
0x26: {  	_ =	swait.ge [sflag:s9], $0x4000  }
0x27: {  	[sflag:s9] =	ssyncset.done $0x0  }
0x28: {  	s30 =	simm.s32 $0x100;
	[sflag:s9] =	ssyncadd.s32 $0xFFFFC000  }
0x29: {  	[tilespmem:s14], [sflag:$0x1] =	stream.indirect.gather [hbm4b:s4+s13], $0x80, s30, s13, $0xb8;
	[tilespmem:$0x1E800] =	vst v63  }
0x2a: {  	_ =	swait.ge [sflag:s17], $0x4000  }
0x2b: {  	[sflag:s17] =	ssyncset.done $0x0  }
0x2c: {  	s31 =	simm.s32 $0x1480;
	[sflag:s17] =	ssyncadd.s32 $0xFFFFC000  }
0x2d: {  	[spmem:s2] =	stream.indirect.scatter.add.f32 [tilespmem:s15], [sflag:$0x3], $0x80, s31, s13, $0xb8;
	[tilespmem:$0x1E800] =	vst v63  }
0x2e: {  	_ =	swait.ge [sflag:s9], $0x4000  }
0x2f: {  	[sflag:s9] =	ssyncset.done $0x0  }
0x30: {  	s26 =	simm.s32 $0x180;
	s25 =	simm.s32 $0x400;
	[sflag:s9] =	ssyncadd.s32 $0xFFFFC000  }
.LBB2_2:
0x31: {  	[tilespmem:s15], [sflag:$0x2] =	stream.indirect.gather [hbm4b:s4+s13], $0x80, s26, s13, $0xb8;
	[tilespmem:$0x1E800] =	vst v63  }
0x32: {  	s26 =	smov.u32 s25  }
0x33: {  	p1 =	sne.s32 s25, $0x4800;
	s25 =	sadd.s32 $0x400, s25;
	_ =	swait.ge [sflag:s16], $0x4000  }
0x34: {  	s26 =	sshra.s32 s26, $0x2;
	[sflag:s16] =	ssyncset.done $0x0  }
0x35: {  	s28 =	sadd.s32 $0x1400, s26;
	[sflag:s16] =	ssyncadd.s32 $0xFFFFC000  }
0x36: {  	[spmem:s2] =	stream.indirect.scatter.add.f32 [tilespmem:s14], [sflag:$0x3], $0x80, s28, s13, $0xb8;
	[tilespmem:$0x1E800] =	vst v63  }
0x37: {  	_ =	swait.ge [sflag:s9], $0x4000  }
0x38: {  	[sflag:s9] =	ssyncset.done $0x0  }
0x39: {  	s28 =	sadd.s32 $0x100, s26;
	[sflag:s9] =	ssyncadd.s32 $0xFFFFC000  }
0x3a: {  	[tilespmem:s14], [sflag:$0x1] =	stream.indirect.gather [hbm4b:s4+s13], $0x80, s28, s13, $0xb8;
	[tilespmem:$0x1E800] =	vst v63  }
0x3b: {  	_ =	swait.ge [sflag:s17], $0x4000  }
0x3c: {  	[sflag:s17] =	ssyncset.done $0x0  }
.Ltmp0:
0x3d: {  	s28 =	sadd.s32 $0x1480, s26;
	[sflag:s17] =	ssyncadd.s32 $0xFFFFC000;
	(pc) =	sbr.rel @p1 .LBB2_2-.Ltmp0, $4  }
0x3e: {  	[spmem:s2] =	stream.indirect.scatter.add.f32 [tilespmem:s15], [sflag:$0x3], $0x80, s28, s13, $0xb8;
	[tilespmem:$0x1E800] =	vst v63  }
0x3f: {  	_ =	swait.ge [sflag:s9], $0x4000  }
0x40: {  	[sflag:s9] =	ssyncset.done $0x0  }
0x41: {  	s26 =	sadd.s32 $0x180, s26;
	[sflag:s9] =	ssyncadd.s32 $0xFFFFC000  }
0x42: {  	[tilespmem:s15], [sflag:$0x2] =	stream.indirect.gather [hbm4b:s4+s13], $0x80, s26, s13, $0xb8;
	[tilespmem:$0x1E800] =	vst v63  }
0x43: {  	_ =	swait.ge [sflag:s16], $0x4000  }
0x44: {  	[sflag:s16] =	ssyncset.done $0x0  }
0x45: {  	[sflag:s16] =	ssyncadd.s32 $0xFFFFC000  }
0x46: {  	[spmem:s2] =	stream.indirect.scatter.add.f32 [tilespmem:s14], [sflag:$0x3], $0x80, s18, s13, $0xb8;
	[tilespmem:$0x1E800] =	vst v63  }
0x47: {  	_ =	swait.ge [sflag:s9], $0x4000  }
0x48: {  	[sflag:s9] =	ssyncset.done $0x0  }
0x49: {  	[sflag:s9] =	ssyncadd.s32 $0xFFFFC000  }
0x4a: {  	_ =	swait.ge [sflag:s17], $0x4000  }
0x4b: {  	[sflag:s17] =	ssyncset.done $0x0  }
0x4c: {  	[sflag:s17] =	ssyncadd.s32 $0xFFFFC000  }
0x4d: {  	[spmem:s2] =	stream.indirect.scatter.add.f32 [tilespmem:s15], [sflag:$0x3], $0x80, s19, s13, $0xb8;
	[tilespmem:$0x1E800] =	vst v63  }
0x4e: {  	_ =	swait.ge [sflag:s9], $0x4000  }
0x4f: {  	[sflag:s9] =	ssyncset.done $0x0  }
0x50: {  	[sflag:s9] =	ssyncadd.s32 $0xFFFFC000  }
0x51: {  	s25 =	simm.s32 @p0 $0x3;
	[bflag:$0x0] =	sbarrier.arrive $0xFFFF  }
0x52: {  	[hbm:s20], [sflag:s11] =	dma.local @p0 [spmem:s21], $0x2800  }
0x53: {  	s24 =	sadd.s32 $0x1, s24;
	_ =	swait.ge @p0 [sflag:s25], $0x2800  }
0x54: {  	p1 =	sne.s32 s24, s8;
	[sflag:s25] =	ssyncset.done @p0 $0x0  }
.Ltmp1:
0x55: {  	[sflag:s25] =	ssyncadd.s32 @p0 $0xFFFFD800;
	s25 =	simm.s32 @!p0 $0x3;
	(pc) =	sbr.rel @p1 .LBB2_1-.Ltmp1, $4  }
0x56: {  	[hbm:s22], [sflag:s11] =	dma.local @!p0 [spmem:s23], $0x2700  }
0x57: {  	_ =	swait.ge @!p0 [sflag:s25], $0x2700  }
0x58: {  	[sflag:s25] =	ssyncset.done @!p0 $0x0  }
0x59: {  	[sflag:s25] =	ssyncadd.s32 @!p0 $0xFFFFD900  }
0x5a: {  	_ =	sfence.sel $0x180000  }
0x5b: {  	[bflag:$0x0] =	sbarrier.arrive $0xFFFF  }
0x5c: {  	p0 =	sne.s32 s1, $0x0;
	_ =	strace $0x90000059  }
0x5d: {  	s0 =	sadd.s32 @!p0 $0x100000, s0;
	[bflag:$0x2] =	sbarrier.arrive $0xFFFF  }
0x5e: {  	[sflag:s0] =	ssyncadd.tile.s32 @!p0 $0x1;
	_ =	shalt  }
.Lfunc_end2:
_tile_overlayer_lowered:
.L_overlay_start_2:
0x5f: {  	(tag) =	ssettag $0x2  }
0x60: {  	s0 =	rddreg [dreg:$0x0];
	s2 =	stileid.u32  }
0x61: {  	s1 =	rddreg [dreg:$0x1];
	p0 =	sne.s32 s2, $0x0  }
0x62: {  	s3 =	rddreg [dreg:$0x2];
	[bflag:$0x3] =	sbarrier.arrive $0xFFFF;
	s2 =	simm.s32 @!p0 $0x1C03  }
0x63: {  	[timem:s3], [sflag:s2] =	dma.local @!p0 [hbm:s0], s1  }
0x64: {  	s0 =	simm.s32 @!p0 $0x3  }
0x65: {  	_ =	swait.ge @!p0 [sflag:s0], s1  }
0x66: {  	s1 =	ssub.s32 @!p0 $0x0, s1;
	[sflag:s0] =	ssyncset.done @!p0 $0x0  }
0x67: {  	[sflag:s0] =	ssyncadd.s32 @!p0 s1  }
0x68: {  	[bflag:$0x3] =	sbarrier.arrive $0xFFFF  }
0x69: {  	_ =	shalt  }

// kernel: kernel.41.cloned.1.call-start
scs
__scs_entry_jumppad:
0x0: {  	(pc) =	sbr.rel $0x88, $3  }
0x1: {  	(tag) =	ssettag $0x0;
	lr =	simm.s32 $0x1  }
0x2: {  	[smem:$0x3F84] =	sst lr;
	_ =	strace $0xD0000000  }
0x3: {  	_ = 	snop  }
0x4: {  	_ = 	snop  }
0x5: {  	_ = 	snop  }
0x6: {  	_ = 	snop  }
0x7: {  	_ = 	snop  }
__scs_overlays_trampoline_lowered:
0x8: {  	[smem:$0x3F93] =	sst s0  }
0x9: {  	[smem:$0x3F94] =	sst s1  }
0xa: {  	[smem:$0x3F95] =	sst s2  }
0xb: {  	[smem:$0x3F96] =	sst s3  }
0xc: {  	[smem:$0x3F97] =	sst s4  }
0xd: {  	[smem:$0x3F98] =	sst s5  }
0xe: {  	[smem:$0x3F99] =	sst s6  }
0xf: {  	[smem:$0x3F9A] =	sst s7  }
0x10: {  	[smem:$0x3F9B] =	sst s8  }
0x11: {  	[smem:$0x3F9C] =	sst s9;
	s0 =	simm.s32 @!p0 $0x0  }
0x12: {  	s1 =	sld [smem:$0x3F82];
	s0 =	simm.s32 @p0 $0x1  }
0x13: {  	[smem:$0x3F9D] =	sst s0;
	s0 =	simm.s32 @!p1 $0x0  }
0x14: {  	s2 =	sld [smem:$0x3F81];
	s0 =	simm.s32 @p1 $0x1  }
0x15: {  	[smem:$0x3F9E] =	sst s0;
	s0 =	simm.s32 @!p2 $0x0  }
0x16: {  	s3 =	sld [smem:$0x3FDB];
	s0 =	simm.s32 @p2 $0x1  }
0x17: {  	s4 =	simm.s32 $0x1BF5;
	[smem:$0x3FA0] =	sst s0  }
0x18: {  	s0 =	sld [smem:$0x3F83];
	_ =	swait.ge [sflag:s4], $0x0  }
0x19: {  	s7 =	sld [smem:$0x3F84]  }
0x1a: {  	s8 =	sadd.s32 $0xFFFFE003, lr  }
0x1b: {  	s9 =	sadd.s32 $0xFFFFFEF7, lr;
	s5 =	simm.s32 $0xFFFFFFFF;
	p2 =	slt.u32 s8, $0xFFFFF086  }
0x1c: {  	p1 =	slt.u32 s9, $0xF7A;
	s5 =	simm.s32 @!p2 $0x0  }
0x1d: {  	s5 =	simm.s32 @p1 $0x1;
	p0 =	seq.s32 s7, s2  }
0x1e: {  	s7 =	smul.u32 @!p0 $0xF7A, s2;
	p2 =	seq.s32 @!p0 s5, $0x0  }
0x1f: {  	s9 =	smul.u32 $0xF7A, s1;
	s8 =	simm.s32 @!p0 $0x1BF5;
	p2 =	por !p2, p0  }
0x20: {  	[sflag:s8] =	ssyncset.s32 @!p0 $0xFFFFF086;
	s6 =	sadd.s32 @!p0 s3, s7;
	s7 =	simm.s32 @!p0 $0x108  }
0x21: {  	s3 =	sadd.s32 s3, s9;
	s6 =	sadd.s32 @!p0 $0x88, s6;
	s7 =	simm.s32 @p2 $0x1082  }
0x22: {  	[simem:s7], [sflag:s8] =	dma.local @!p0 [hbm:s6], $0xF7A  }
0x23: {  	s9 =	sor.u32 $0xD0000000, s2;
	s6 =	simm.s32 $0x108;
	_ =	swait.ge @!p0 [sflag:s8], $0x0  }
0x24: {  	s3 =	sadd.s32 $0x88, s3;
	s6 =	simm.s32 @!p1 $0x1082;
	[sflag:s4] =	ssyncset.s32 $0xFFFFF086  }
0x25: {  	[simem:s6], [sflag:s4] =	dma.local [hbm:s3], $0xF7A  }
0x26: {  	[smem:$0x3F84] =	sst s1;
	(tag) =	ssettag s2;
	_ =	strace s9  }
0x27: {  	s1 =	sld [smem:$0x3F94]  }
0x28: {  	s2 =	sld [smem:$0x3F95]  }
0x29: {  	s4 =	sld [smem:$0x3F97]  }
0x2a: {  	p0 =	seq.s32 s5, $0x0;
	s5 =	sld [smem:$0x3F98]  }
0x2b: {  	s6 =	sld [smem:$0x3F99]  }
0x2c: {  	s7 =	sld [smem:$0x3F9A]  }
0x2d: {  	s3 =	simm.s32 $0x108;
	s8 =	sld [smem:$0x3F9B]  }
0x2e: {  	s3 =	simm.s32 @!p0 $0x1082;
	s9 =	sld [smem:$0x3F9C]  }
0x2f: {  	lr =	sadd.s32 s0, s3;
	s0 =	sld [smem:$0x3F93]  }
0x30: {  	s3 =	sld [smem:$0x3F96]  }
0x31: {  	[smem:$0x3F9F] =	sst s10  }
0x32: {  	s10 =	sld [smem:$0x3F9D];
	_ =	sdelay $0x3  }
0x33: {  	p0 =	seq.s32 s10, $0x1;
	s10 =	sld [smem:$0x3F9F];
	_ =	sdelay $0x3  }
0x34: {  	[smem:$0x3F9F] =	sst s10  }
0x35: {  	s10 =	sld [smem:$0x3F9E];
	_ =	sdelay $0x3  }
0x36: {  	p1 =	seq.s32 s10, $0x1;
	s10 =	sld [smem:$0x3F9F];
	_ =	sdelay $0x3  }
0x37: {  	[smem:$0x3F9F] =	sst s10  }
0x38: {  	s10 =	sld [smem:$0x3FA0]  }
0x39: {  	_ = 	snop;
	(pc) =	sbr.ind lr, $3  }
0x3a: {  	_ = 	snop  }
0x3b: {  	_ = 	snop  }
0x3c: {  	p2 =	seq.s32 s10, $0x1;
	s10 =	sld [smem:$0x3F9F]  }
0x3d: {  	_ =	shalt  }
0x3e: {  	_ =	shalt  }
0x3f: {  	_ =	shalt  }
0x40: {  	_ =	shalt  }
0x41: {  	_ =	shalt  }
0x42: {  	_ =	shalt  }
0x43: {  	_ =	shalt  }
0x44: {  	_ =	shalt  }
0x45: {  	_ =	shalt  }
0x46: {  	_ =	shalt  }
0x47: {  	_ =	shalt  }
0x48: {  	_ =	shalt  }
0x49: {  	_ =	shalt  }
0x4a: {  	_ =	shalt  }
0x4b: {  	_ =	shalt  }
0x4c: {  	_ =	shalt  }
0x4d: {  	_ =	shalt  }
0x4e: {  	_ =	shalt  }
0x4f: {  	_ =	shalt  }
0x50: {  	_ =	shalt  }
0x51: {  	_ =	shalt  }
0x52: {  	_ =	shalt  }
0x53: {  	_ =	shalt  }
0x54: {  	_ =	shalt  }
0x55: {  	_ =	shalt  }
0x56: {  	_ =	shalt  }
0x57: {  	_ =	shalt  }
0x58: {  	_ =	shalt  }
0x59: {  	_ =	shalt  }
0x5a: {  	_ =	shalt  }
0x5b: {  	_ =	shalt  }
0x5c: {  	_ =	shalt  }
0x5d: {  	_ =	shalt  }
0x5e: {  	_ =	shalt  }
0x5f: {  	_ =	shalt  }
0x60: {  	_ =	shalt  }
0x61: {  	_ =	shalt  }
0x62: {  	_ =	shalt  }
0x63: {  	_ =	shalt  }
0x64: {  	_ =	shalt  }
0x65: {  	_ =	shalt  }
0x66: {  	_ =	shalt  }
0x67: {  	_ =	shalt  }
0x68: {  	_ =	shalt  }
0x69: {  	_ =	shalt  }
0x6a: {  	_ =	shalt  }
0x6b: {  	_ =	shalt  }
0x6c: {  	_ =	shalt  }
0x6d: {  	_ =	shalt  }
0x6e: {  	_ =	shalt  }
0x6f: {  	_ =	shalt  }
0x70: {  	_ =	shalt  }
0x71: {  	_ =	shalt  }
0x72: {  	_ =	shalt  }
0x73: {  	_ =	shalt  }
0x74: {  	_ =	shalt  }
0x75: {  	_ =	shalt  }
0x76: {  	_ =	shalt  }
0x77: {  	_ =	shalt  }
0x78: {  	_ =	shalt  }
0x79: {  	_ =	shalt  }
0x7a: {  	_ =	shalt  }
0x7b: {  	_ =	shalt  }
0x7c: {  	_ =	shalt  }
0x7d: {  	_ =	shalt  }
0x7e: {  	_ =	shalt  }
0x7f: {  	_ =	shalt  }
0x80: {  	_ =	shalt  }
0x81: {  	_ =	shalt  }
0x82: {  	_ =	shalt  }
0x83: {  	_ =	shalt  }
0x84: {  	_ =	shalt  }
0x85: {  	_ =	shalt  }
0x86: {  	_ =	shalt  }
0x87: {  	_ =	shalt  }
.Lfunc_end0:
.L_simem_size_0:
called_computation.7_lowered:
.L_overlay_start_0:
0x88: {  	s2 =	sld [smem:$0x3FD9]  }
0x89: {  	s3 =	sld [smem:$0x3FFE];
	_ =	sdelay $0x1  }
0x8a: {  	s1 =	srdreg.scid  }
0x8b: {  	s0 =	sand.u32 $0x1, s1  }
0x8c: {  	s16 =	sshll.u32 s0, $0xA;
	s2 =	sadd.s32 s3, s2  }
0x8d: {  	s2 =	sadd.s32 s2, s16  }
0x8e: {  	[smem:$0x3FAB] =	sst s2  }
0x8f: {  	_ = 	snop  }
0x90: {  	(tm) =	ssettm $0x1  }
0x91: {  	s17 =	sld [smem:$0x3FFB];
	_ =	sdelay $0x3  }
0x92: {  	_ =	strace s17  }
0x93: {  	s2 =	sld [smem:$0x3FFC];
	_ =	sdelay $0x3  }
0x94: {  	_ =	strace s2  }
0x95: {  	s2 =	sld [smem:$0x3FFD];
	_ =	sdelay $0x3  }
0x96: {  	_ =	strace s2  }
0x97: {  	_ =	strace $0x8FFFFFFF  }
0x98: {  	s18 =	sld [smem:$0x3FDB];
	_ =	sdelay $0x1  }
0x99: {  	s19 =	simm.s32 $_scs_section_size  }
0x9a: {  	s4 =	simm.s32 $_size__tile_overlayer_lowered;
	s5 =	simm.s32 $_tile_overlayer_lowered  }
0x9b: {  	s22 =	simm.s32 $0x1BFF;
	s21 =	sshll.u32 s5, $0x1;
	s2 =	sadd.s32 s19, s18  }
0x9c: {  	s6 =	simm.s32 $0x0;
	s20 =	sshll.u32 s4, $0x1;
	s4 =	sadd.s32 s21, s2  }
0x9d: {  	[timem:s6], [sflag:s22] =	dma.local [hbm:s4], s20  }
0x9e: {  	_ =	swait.ge [sflag:s22], s20  }
0x9f: {  	s3 =	ssub.s32 $0x0, s20;
	[sflag:s22] =	ssyncset.done $0x0  }
0xa0: {  	[sflag:s22] =	ssyncadd.s32 s3;
	_ =	sdelay $0x1  }
0xa1: {  	s23 =	simm.s32 $0x1B8B  }
0xa2: {  	_ =	swait.ge [sflag:s23], $0x1  }
0xa3: {  	[sflag:s23] =	ssyncset.done $0x0  }
0xa4: {  	s25 =	simm.s32 $0x1B8E;
	s24 =	sld [smem:$0x3FFE];
	[sflag:s23] =	ssyncadd.s32 $0xFFFFFFFF  }
0xa5: {  	s26 =	simm.s32 $execute0_lowered;
	[smem:$0x3FD2] =	sst s25  }
0xa6: {  	s4 =	sshll.u32 s26, $0x1;
	_ =	strace $0x8000005B;
	[dreg:$0x1] =	wrdreg $0xFFFFFFFF  }
0xa7: {  	s28 =	simm.s32 $_size_execute0_lowered;
	s2 =	sadd.s32 s2, s4;
	[dreg:$0x0] =	wrdreg $0x0  }
0xa8: {  	s4 =	sshll.u32 s28, $0x1;
	[dreg:$0x2] =	wrdreg s2  }
0xa9: {  	[dreg:$0x3] =	wrdreg s4  }
0xaa: {  	[dreg:$0x4] =	wrdreg $0xC0  }
0xab: {  	_ =	task [dreg:s6], $0x5FFFF  }
0xac: {  	[dreg:$0x1] =	wrdreg $0xFFFFFFFF  }
0xad: {  	[dreg:$0x0] =	wrdreg $0x60  }
0xae: {  	[dreg:$0x2] =	wrdreg s24  }
0xaf: {  	[dreg:$0x3] =	wrdreg $0xA8000  }
0xb0: {  	[dreg:$0x4] =	wrdreg $0x9  }
0xb1: {  	_ =	task.clear_ibuf [dreg:s6], $0x5FFFF;
	_ =	strace $0x9000005B  }
0xb2: {  	s29 =	simm.s32 $0x9;
	_ =	strace $0x8000005D  }
0xb3: {  	_ =	swait.ge [sflag:s29], $0x1  }
0xb4: {  	[sflag:s29] =	ssyncadd.s32 $0xFFFFFFFF  }
0xb5: {  	_ =	strace $0x9000005D  }
0xb6: {  	_ =	sfence  }
0xb7: {  	s30 =	sld [smem:$0x0];
	_ =	sdelay $0x2  }
0xb8: {  	s31 =	sshll.u32 s1, $0xD;
	s1 =	sshrl.u32 s1, $0x2  }
0xb9: {  	s3 =	sand.u32 $0x4000, s31;
	s1 =	sadd.s32 s1, s30  }
0xba: {  	s0 =	sor.u32 s3, s0;
	s1 =	sshll.u32 s1, $0x11  }
0xbb: {  	s0 =	sor.u32 s1, s0  }
0xbc: {  	s0 =	sadd.s32 $0x8F2B, s0  }
0xbd: {  	[sflag:s0] =	ssyncadd.remote.s32 $0x1  }
0xbe: {  	_ =	sfence.sel $0xFFFF  }
0xbf: {  	[dreg:$0x0] =	wrdreg $0xFFFFFFFF;
	(pc) =	sbr.abs _section_cstart, $3  }
0xc0: {  	[dreg:$0x1] =	wrdreg $0xFFFFFFFF  }
0xc1: {  	_ =	task.clear_ibuf [dreg:s6], $0x2FFFF;
	_ =	strace $0x9FFFFFFF  }
0xc2: {  	(tm) =	ssettm $0x7FFFFFFF  }
0xc3: {  	_ =	shalt  }
tec
execute0_lowered:
.L_overlay_start_1:
0x0: {  	(tag) =	ssettag $0x1  }
0x1: {  	s0 =	srdreg.scid;
	s6 =	rddreg [dreg:$0x0]  }
0x2: {  	s2 =	rddreg [dreg:$0x1];
	s1 =	stileid.u32;
	s3 =	simm.s32 $0x0  }
0x3: {  	s13 =	simm.s32 $0x80;
	s14 =	simm.s32 $0x2800;
	s15 =	simm.s32 $0x6800  }
0x4: {  	s16 =	simm.s32 $0x1;
	s17 =	simm.s32 $0x2;
	s18 =	simm.s32 $0x2700  }
0x5: {  	s5 =	sand.u32 $0x1, s0;
	s0 =	rddreg [dreg:$0x2];
	s10 =	smul.u32 $0x50000, s1  }
0x6: {  	s19 =	simm.s32 $0x2780;
	[smem:$0x7FF] =	sst s3;
	s12 =	smul.u32 $0x4E000, s1  }
0x7: {  	s24 =	smul.u32 $0x2700, s1;
	s21 =	sadd.s32 $0x124800, s2;
	s31 =	sshll.u32 s1, $0x6  }
0x8: {  	p0 =	seq.s32 s1, $0xF;
	s4 =	sshll.u32 s5, $0x4;
	_ =	strace $0x8000005C  }
0x9: {  	s8 =	smul.u32 $0x27100, s5;
	s9 =	ssub.s32 $0x2, s5;
	s5 =	sadd.s32 $0x18E00, s6  }
0xa: {  	s21 =	sshrl.u32 @p0 s21, $0x3;
	s4 =	sor.u32 s1, s4;
	s11 =	sshrl.u32 s9, $0x1  }
0xb: {  	s10 =	sshrl.u32 s10, $0x2;
	s29 =	sshrl.u32 s12, $0x2;
	s7 =	smul.u32 $0x280, s4  }
0xc: {  	s4 =	sadd.s32 $0x90C00, s6;
	s8 =	sadd.s32 s8, s6;
	s9 =	ssub.s32 s9, s11  }
0xd: {  	s30 =	sadd.s32 s10, s2;
	s23 =	sadd.s32 s29, s2;
	s10 =	simm.s32 $0x1400  }
0xe: {  	s11 =	sor.u32 $0x1C03, s31;
	s22 =	sadd.s32 $0xB7E00, s8;
	s8 =	smax.u32 s9, $0x1  }
0xf: {  	s9 =	simm.s32 $0x3;
	s12 =	sshrl.u32 s30, $0x3;
	s23 =	sshrl.u32 @!p0 s23, $0x3  }
0x10: {  	s7 =	sadd.s32 s7, s6;
	s20 =	sadd.s32 @p0 $0x24900, s22;
	s22 =	sadd.s32 @!p0 s24, s22  }
0x11: {  	s24 =	simm.s32 $0x0;
	s6 =	sadd.s32 $0xEE00, s7;
	s7 =	sadd.s32 $0x13E00, s7  }
.LBB2_1:
0x12: {  	[tilespmem:s3], [sflag:$0x3] =	stream.linear.gather [hbm4b:s6+s3], $0x1400, $0x38;
	[tilespmem:$0x1E800] =	vst v63  }
0x13: {  	_ =	swait.ge [sflag:s9], $0x1400  }
0x14: {  	[sflag:s9] =	ssyncset.done $0x0  }
0x15: {  	[sflag:s9] =	ssyncadd.s32 $0xFFFFEC00  }
0x16: {  	[tilespmem:s10], [sflag:$0x3] =	stream.linear.gather [hbm4b:s7+s3], $0x1400, $0x38;
	[tilespmem:$0x1E800] =	vst v63  }
0x17: {  	_ =	swait.ge [sflag:s9], $0x1400  }
0x18: {  	[sflag:s9] =	ssyncset.done $0x0  }
0x19: {  	[sflag:s9] =	ssyncadd.s32 $0xFFFFEC00  }
0x1a: {  	[spmem:s12], [sflag:s11] =	dma.local [hbm:s5], $0x2800  }
0x1b: {  	_ =	swait.ge [sflag:s9], $0x2800  }
0x1c: {  	[sflag:s9] =	ssyncset.done $0x0  }
0x1d: {  	[sflag:s9] =	ssyncadd.s32 $0xFFFFD800  }
0x1e: {  	[bflag:$0x0] =	sbarrier.arrive $0xFFFF  }
0x1f: {  	[tilespmem:s14], [sflag:$0x1] =	stream.indirect.gather [hbm4b:s4+s13], $0x80, s3, s13, $0xb8;
	[tilespmem:$0x1E800] =	vst v63  }
0x20: {  	_ = 	snop  }
0x21: {  	[tilespmem:s15], [sflag:$0x2] =	stream.indirect.gather [hbm4b:s4+s13], $0x80, s13, s13, $0xb8;
	[tilespmem:$0x1E800] =	vst v63  }
0x22: {  	_ =	swait.ge [sflag:s16], $0x4000  }
0x23: {  	[sflag:s16] =	ssyncset.done $0x0  }
0x24: {  	s25 =	simm.s32 $0x1400;
	[sflag:s16] =	ssyncadd.s32 $0xFFFFC000  }
0x25: {  	[spmem:s2] =	stream.indirect.scatter.add.f32 [tilespmem:s14], [sflag:$0x3], $0x80, s25, s13, $0xb8;
	[tilespmem:$0x1E800] =	vst v63  }
0x26: {  	_ =	swait.ge [sflag:s9], $0x4000  }
0x27: {  	[sflag:s9] =	ssyncset.done $0x0  }
0x28: {  	s30 =	simm.s32 $0x100;
	[sflag:s9] =	ssyncadd.s32 $0xFFFFC000  }
0x29: {  	[tilespmem:s14], [sflag:$0x1] =	stream.indirect.gather [hbm4b:s4+s13], $0x80, s30, s13, $0xb8;
	[tilespmem:$0x1E800] =	vst v63  }
0x2a: {  	_ =	swait.ge [sflag:s17], $0x4000  }
0x2b: {  	[sflag:s17] =	ssyncset.done $0x0  }
0x2c: {  	s31 =	simm.s32 $0x1480;
	[sflag:s17] =	ssyncadd.s32 $0xFFFFC000  }
0x2d: {  	[spmem:s2] =	stream.indirect.scatter.add.f32 [tilespmem:s15], [sflag:$0x3], $0x80, s31, s13, $0xb8;
	[tilespmem:$0x1E800] =	vst v63  }
0x2e: {  	_ =	swait.ge [sflag:s9], $0x4000  }
0x2f: {  	[sflag:s9] =	ssyncset.done $0x0  }
0x30: {  	s26 =	simm.s32 $0x180;
	s25 =	simm.s32 $0x400;
	[sflag:s9] =	ssyncadd.s32 $0xFFFFC000  }
.LBB2_2:
0x31: {  	[tilespmem:s15], [sflag:$0x2] =	stream.indirect.gather [hbm4b:s4+s13], $0x80, s26, s13, $0xb8;
	[tilespmem:$0x1E800] =	vst v63  }
0x32: {  	s26 =	smov.u32 s25  }
0x33: {  	p1 =	sne.s32 s25, $0x4800;
	s25 =	sadd.s32 $0x400, s25;
	_ =	swait.ge [sflag:s16], $0x4000  }
0x34: {  	s26 =	sshra.s32 s26, $0x2;
	[sflag:s16] =	ssyncset.done $0x0  }
0x35: {  	s28 =	sadd.s32 $0x1400, s26;
	[sflag:s16] =	ssyncadd.s32 $0xFFFFC000  }
0x36: {  	[spmem:s2] =	stream.indirect.scatter.add.f32 [tilespmem:s14], [sflag:$0x3], $0x80, s28, s13, $0xb8;
	[tilespmem:$0x1E800] =	vst v63  }
0x37: {  	_ =	swait.ge [sflag:s9], $0x4000  }
0x38: {  	[sflag:s9] =	ssyncset.done $0x0  }
0x39: {  	s28 =	sadd.s32 $0x100, s26;
	[sflag:s9] =	ssyncadd.s32 $0xFFFFC000  }
0x3a: {  	[tilespmem:s14], [sflag:$0x1] =	stream.indirect.gather [hbm4b:s4+s13], $0x80, s28, s13, $0xb8;
	[tilespmem:$0x1E800] =	vst v63  }
0x3b: {  	_ =	swait.ge [sflag:s17], $0x4000  }
0x3c: {  	[sflag:s17] =	ssyncset.done $0x0  }
.Ltmp0:
0x3d: {  	s28 =	sadd.s32 $0x1480, s26;
	[sflag:s17] =	ssyncadd.s32 $0xFFFFC000;
	(pc) =	sbr.rel @p1 .LBB2_2-.Ltmp0, $4  }
0x3e: {  	[spmem:s2] =	stream.indirect.scatter.add.f32 [tilespmem:s15], [sflag:$0x3], $0x80, s28, s13, $0xb8;
	[tilespmem:$0x1E800] =	vst v63  }
0x3f: {  	_ =	swait.ge [sflag:s9], $0x4000  }
0x40: {  	[sflag:s9] =	ssyncset.done $0x0  }
0x41: {  	s26 =	sadd.s32 $0x180, s26;
	[sflag:s9] =	ssyncadd.s32 $0xFFFFC000  }
0x42: {  	[tilespmem:s15], [sflag:$0x2] =	stream.indirect.gather [hbm4b:s4+s13], $0x80, s26, s13, $0xb8;
	[tilespmem:$0x1E800] =	vst v63  }
0x43: {  	_ =	swait.ge [sflag:s16], $0x4000  }
0x44: {  	[sflag:s16] =	ssyncset.done $0x0  }
0x45: {  	[sflag:s16] =	ssyncadd.s32 $0xFFFFC000  }
0x46: {  	[spmem:s2] =	stream.indirect.scatter.add.f32 [tilespmem:s14], [sflag:$0x3], $0x80, s18, s13, $0xb8;
	[tilespmem:$0x1E800] =	vst v63  }
0x47: {  	_ =	swait.ge [sflag:s9], $0x4000  }
0x48: {  	[sflag:s9] =	ssyncset.done $0x0  }
0x49: {  	[sflag:s9] =	ssyncadd.s32 $0xFFFFC000  }
0x4a: {  	_ =	swait.ge [sflag:s17], $0x4000  }
0x4b: {  	[sflag:s17] =	ssyncset.done $0x0  }
0x4c: {  	[sflag:s17] =	ssyncadd.s32 $0xFFFFC000  }
0x4d: {  	[spmem:s2] =	stream.indirect.scatter.add.f32 [tilespmem:s15], [sflag:$0x3], $0x80, s19, s13, $0xb8;
	[tilespmem:$0x1E800] =	vst v63  }
0x4e: {  	_ =	swait.ge [sflag:s9], $0x4000  }
0x4f: {  	[sflag:s9] =	ssyncset.done $0x0  }
0x50: {  	[sflag:s9] =	ssyncadd.s32 $0xFFFFC000  }
0x51: {  	s25 =	simm.s32 @p0 $0x3;
	[bflag:$0x0] =	sbarrier.arrive $0xFFFF  }
0x52: {  	[hbm:s20], [sflag:s11] =	dma.local @p0 [spmem:s21], $0x2800  }
0x53: {  	s24 =	sadd.s32 $0x1, s24;
	_ =	swait.ge @p0 [sflag:s25], $0x2800  }
0x54: {  	p1 =	sne.s32 s24, s8;
	[sflag:s25] =	ssyncset.done @p0 $0x0  }
.Ltmp1:
0x55: {  	[sflag:s25] =	ssyncadd.s32 @p0 $0xFFFFD800;
	s25 =	simm.s32 @!p0 $0x3;
	(pc) =	sbr.rel @p1 .LBB2_1-.Ltmp1, $4  }
0x56: {  	[hbm:s22], [sflag:s11] =	dma.local @!p0 [spmem:s23], $0x2700  }
0x57: {  	_ =	swait.ge @!p0 [sflag:s25], $0x2700  }
0x58: {  	[sflag:s25] =	ssyncset.done @!p0 $0x0  }
0x59: {  	[sflag:s25] =	ssyncadd.s32 @!p0 $0xFFFFD900  }
0x5a: {  	_ =	sfence.sel $0x180000  }
0x5b: {  	[bflag:$0x0] =	sbarrier.arrive $0xFFFF  }
0x5c: {  	p0 =	sne.s32 s1, $0x0;
	_ =	strace $0x9000005C  }
0x5d: {  	s0 =	sadd.s32 @!p0 $0x100000, s0;
	[bflag:$0x2] =	sbarrier.arrive $0xFFFF  }
0x5e: {  	[sflag:s0] =	ssyncadd.tile.s32 @!p0 $0x1;
	_ =	shalt  }
.Lfunc_end2:
_tile_overlayer_lowered:
.L_overlay_start_2:
0x5f: {  	(tag) =	ssettag $0x2  }
0x60: {  	s0 =	rddreg [dreg:$0x0];
	s2 =	stileid.u32  }
0x61: {  	s1 =	rddreg [dreg:$0x1];
	p0 =	sne.s32 s2, $0x0  }
0x62: {  	s3 =	rddreg [dreg:$0x2];
	[bflag:$0x3] =	sbarrier.arrive $0xFFFF;
	s2 =	simm.s32 @!p0 $0x1C03  }
0x63: {  	[timem:s3], [sflag:s2] =	dma.local @!p0 [hbm:s0], s1  }
0x64: {  	s0 =	simm.s32 @!p0 $0x3  }
0x65: {  	_ =	swait.ge @!p0 [sflag:s0], s1  }
0x66: {  	s1 =	ssub.s32 @!p0 $0x0, s1;
	[sflag:s0] =	ssyncset.done @!p0 $0x0  }
0x67: {  	[sflag:s0] =	ssyncadd.s32 @!p0 s1  }
0x68: {  	[bflag:$0x3] =	sbarrier.arrive $0xFFFF  }
0x69: {  	_ =	shalt  }

// kernel: kernel.44.cloned.1.call-start
scs
__scs_entry_jumppad:
0x0: {  	(pc) =	sbr.rel $0x88, $3  }
0x1: {  	(tag) =	ssettag $0x0;
	lr =	simm.s32 $0x1  }
0x2: {  	[smem:$0x3F84] =	sst lr;
	_ =	strace $0xD0000000  }
0x3: {  	_ = 	snop  }
0x4: {  	_ = 	snop  }
0x5: {  	_ = 	snop  }
0x6: {  	_ = 	snop  }
0x7: {  	_ = 	snop  }
__scs_overlays_trampoline_lowered:
0x8: {  	[smem:$0x3F93] =	sst s0  }
0x9: {  	[smem:$0x3F94] =	sst s1  }
0xa: {  	[smem:$0x3F95] =	sst s2  }
0xb: {  	[smem:$0x3F96] =	sst s3  }
0xc: {  	[smem:$0x3F97] =	sst s4  }
0xd: {  	[smem:$0x3F98] =	sst s5  }
0xe: {  	[smem:$0x3F99] =	sst s6  }
0xf: {  	[smem:$0x3F9A] =	sst s7  }
0x10: {  	[smem:$0x3F9B] =	sst s8  }
0x11: {  	[smem:$0x3F9C] =	sst s9;
	s0 =	simm.s32 @!p0 $0x0  }
0x12: {  	s1 =	sld [smem:$0x3F82];
	s0 =	simm.s32 @p0 $0x1  }
0x13: {  	[smem:$0x3F9D] =	sst s0;
	s0 =	simm.s32 @!p1 $0x0  }
0x14: {  	s2 =	sld [smem:$0x3F81];
	s0 =	simm.s32 @p1 $0x1  }
0x15: {  	[smem:$0x3F9E] =	sst s0;
	s0 =	simm.s32 @!p2 $0x0  }
0x16: {  	s3 =	sld [smem:$0x3FDB];
	s0 =	simm.s32 @p2 $0x1  }
0x17: {  	s4 =	simm.s32 $0x1BF5;
	[smem:$0x3FA0] =	sst s0  }
0x18: {  	s0 =	sld [smem:$0x3F83];
	_ =	swait.ge [sflag:s4], $0x0  }
0x19: {  	s7 =	sld [smem:$0x3F84]  }
0x1a: {  	s8 =	sadd.s32 $0xFFFFE003, lr  }
0x1b: {  	s9 =	sadd.s32 $0xFFFFFEF7, lr;
	s5 =	simm.s32 $0xFFFFFFFF;
	p2 =	slt.u32 s8, $0xFFFFF086  }
0x1c: {  	p1 =	slt.u32 s9, $0xF7A;
	s5 =	simm.s32 @!p2 $0x0  }
0x1d: {  	s5 =	simm.s32 @p1 $0x1;
	p0 =	seq.s32 s7, s2  }
0x1e: {  	s7 =	smul.u32 @!p0 $0xF7A, s2;
	p2 =	seq.s32 @!p0 s5, $0x0  }
0x1f: {  	s9 =	smul.u32 $0xF7A, s1;
	s8 =	simm.s32 @!p0 $0x1BF5;
	p2 =	por !p2, p0  }
0x20: {  	[sflag:s8] =	ssyncset.s32 @!p0 $0xFFFFF086;
	s6 =	sadd.s32 @!p0 s3, s7;
	s7 =	simm.s32 @!p0 $0x108  }
0x21: {  	s3 =	sadd.s32 s3, s9;
	s6 =	sadd.s32 @!p0 $0x88, s6;
	s7 =	simm.s32 @p2 $0x1082  }
0x22: {  	[simem:s7], [sflag:s8] =	dma.local @!p0 [hbm:s6], $0xF7A  }
0x23: {  	s9 =	sor.u32 $0xD0000000, s2;
	s6 =	simm.s32 $0x108;
	_ =	swait.ge @!p0 [sflag:s8], $0x0  }
0x24: {  	s3 =	sadd.s32 $0x88, s3;
	s6 =	simm.s32 @!p1 $0x1082;
	[sflag:s4] =	ssyncset.s32 $0xFFFFF086  }
0x25: {  	[simem:s6], [sflag:s4] =	dma.local [hbm:s3], $0xF7A  }
0x26: {  	[smem:$0x3F84] =	sst s1;
	(tag) =	ssettag s2;
	_ =	strace s9  }
0x27: {  	s1 =	sld [smem:$0x3F94]  }
0x28: {  	s2 =	sld [smem:$0x3F95]  }
0x29: {  	s4 =	sld [smem:$0x3F97]  }
0x2a: {  	p0 =	seq.s32 s5, $0x0;
	s5 =	sld [smem:$0x3F98]  }
0x2b: {  	s6 =	sld [smem:$0x3F99]  }
0x2c: {  	s7 =	sld [smem:$0x3F9A]  }
0x2d: {  	s3 =	simm.s32 $0x108;
	s8 =	sld [smem:$0x3F9B]  }
0x2e: {  	s3 =	simm.s32 @!p0 $0x1082;
	s9 =	sld [smem:$0x3F9C]  }
0x2f: {  	lr =	sadd.s32 s0, s3;
	s0 =	sld [smem:$0x3F93]  }
0x30: {  	s3 =	sld [smem:$0x3F96]  }
0x31: {  	[smem:$0x3F9F] =	sst s10  }
0x32: {  	s10 =	sld [smem:$0x3F9D];
	_ =	sdelay $0x3  }
0x33: {  	p0 =	seq.s32 s10, $0x1;
	s10 =	sld [smem:$0x3F9F];
	_ =	sdelay $0x3  }
0x34: {  	[smem:$0x3F9F] =	sst s10  }
0x35: {  	s10 =	sld [smem:$0x3F9E];
	_ =	sdelay $0x3  }
0x36: {  	p1 =	seq.s32 s10, $0x1;
	s10 =	sld [smem:$0x3F9F];
	_ =	sdelay $0x3  }
0x37: {  	[smem:$0x3F9F] =	sst s10  }
0x38: {  	s10 =	sld [smem:$0x3FA0]  }
0x39: {  	_ = 	snop;
	(pc) =	sbr.ind lr, $3  }
0x3a: {  	_ = 	snop  }
0x3b: {  	_ = 	snop  }
0x3c: {  	p2 =	seq.s32 s10, $0x1;
	s10 =	sld [smem:$0x3F9F]  }
0x3d: {  	_ =	shalt  }
0x3e: {  	_ =	shalt  }
0x3f: {  	_ =	shalt  }
0x40: {  	_ =	shalt  }
0x41: {  	_ =	shalt  }
0x42: {  	_ =	shalt  }
0x43: {  	_ =	shalt  }
0x44: {  	_ =	shalt  }
0x45: {  	_ =	shalt  }
0x46: {  	_ =	shalt  }
0x47: {  	_ =	shalt  }
0x48: {  	_ =	shalt  }
0x49: {  	_ =	shalt  }
0x4a: {  	_ =	shalt  }
0x4b: {  	_ =	shalt  }
0x4c: {  	_ =	shalt  }
0x4d: {  	_ =	shalt  }
0x4e: {  	_ =	shalt  }
0x4f: {  	_ =	shalt  }
0x50: {  	_ =	shalt  }
0x51: {  	_ =	shalt  }
0x52: {  	_ =	shalt  }
0x53: {  	_ =	shalt  }
0x54: {  	_ =	shalt  }
0x55: {  	_ =	shalt  }
0x56: {  	_ =	shalt  }
0x57: {  	_ =	shalt  }
0x58: {  	_ =	shalt  }
0x59: {  	_ =	shalt  }
0x5a: {  	_ =	shalt  }
0x5b: {  	_ =	shalt  }
0x5c: {  	_ =	shalt  }
0x5d: {  	_ =	shalt  }
0x5e: {  	_ =	shalt  }
0x5f: {  	_ =	shalt  }
0x60: {  	_ =	shalt  }
0x61: {  	_ =	shalt  }
0x62: {  	_ =	shalt  }
0x63: {  	_ =	shalt  }
0x64: {  	_ =	shalt  }
0x65: {  	_ =	shalt  }
0x66: {  	_ =	shalt  }
0x67: {  	_ =	shalt  }
0x68: {  	_ =	shalt  }
0x69: {  	_ =	shalt  }
0x6a: {  	_ =	shalt  }
0x6b: {  	_ =	shalt  }
0x6c: {  	_ =	shalt  }
0x6d: {  	_ =	shalt  }
0x6e: {  	_ =	shalt  }
0x6f: {  	_ =	shalt  }
0x70: {  	_ =	shalt  }
0x71: {  	_ =	shalt  }
0x72: {  	_ =	shalt  }
0x73: {  	_ =	shalt  }
0x74: {  	_ =	shalt  }
0x75: {  	_ =	shalt  }
0x76: {  	_ =	shalt  }
0x77: {  	_ =	shalt  }
0x78: {  	_ =	shalt  }
0x79: {  	_ =	shalt  }
0x7a: {  	_ =	shalt  }
0x7b: {  	_ =	shalt  }
0x7c: {  	_ =	shalt  }
0x7d: {  	_ =	shalt  }
0x7e: {  	_ =	shalt  }
0x7f: {  	_ =	shalt  }
0x80: {  	_ =	shalt  }
0x81: {  	_ =	shalt  }
0x82: {  	_ =	shalt  }
0x83: {  	_ =	shalt  }
0x84: {  	_ =	shalt  }
0x85: {  	_ =	shalt  }
0x86: {  	_ =	shalt  }
0x87: {  	_ =	shalt  }
.Lfunc_end0:
.L_simem_size_0:
called_computation.8_lowered:
.L_overlay_start_0:
0x88: {  	s2 =	sld [smem:$0x3FD9]  }
0x89: {  	s3 =	sld [smem:$0x3FFE];
	_ =	sdelay $0x1  }
0x8a: {  	s1 =	srdreg.scid  }
0x8b: {  	s0 =	sand.u32 $0x1, s1  }
0x8c: {  	s16 =	sshll.u32 s0, $0xA;
	s2 =	sadd.s32 s3, s2  }
0x8d: {  	s2 =	sadd.s32 s2, s16  }
0x8e: {  	[smem:$0x3FAB] =	sst s2  }
0x8f: {  	_ = 	snop  }
0x90: {  	(tm) =	ssettm $0x1  }
0x91: {  	s17 =	sld [smem:$0x3FFB];
	_ =	sdelay $0x3  }
0x92: {  	_ =	strace s17  }
0x93: {  	s2 =	sld [smem:$0x3FFC];
	_ =	sdelay $0x3  }
0x94: {  	_ =	strace s2  }
0x95: {  	s2 =	sld [smem:$0x3FFD];
	_ =	sdelay $0x3  }
0x96: {  	_ =	strace s2  }
0x97: {  	_ =	strace $0x8FFFFFFF  }
0x98: {  	s18 =	sld [smem:$0x3FDB];
	_ =	sdelay $0x1  }
0x99: {  	s19 =	simm.s32 $_scs_section_size  }
0x9a: {  	s4 =	simm.s32 $_size__tile_overlayer_lowered;
	s5 =	simm.s32 $_tile_overlayer_lowered  }
0x9b: {  	s22 =	simm.s32 $0x1BFF;
	s21 =	sshll.u32 s5, $0x1;
	s2 =	sadd.s32 s19, s18  }
0x9c: {  	s6 =	simm.s32 $0x0;
	s20 =	sshll.u32 s4, $0x1;
	s4 =	sadd.s32 s21, s2  }
0x9d: {  	[timem:s6], [sflag:s22] =	dma.local [hbm:s4], s20  }
0x9e: {  	_ =	swait.ge [sflag:s22], s20  }
0x9f: {  	s3 =	ssub.s32 $0x0, s20;
	[sflag:s22] =	ssyncset.done $0x0  }
0xa0: {  	[sflag:s22] =	ssyncadd.s32 s3;
	_ =	sdelay $0x1  }
0xa1: {  	s23 =	simm.s32 $0x1B8B  }
0xa2: {  	_ =	swait.ge [sflag:s23], $0x1  }
0xa3: {  	[sflag:s23] =	ssyncset.done $0x0  }
0xa4: {  	s25 =	simm.s32 $0x1B8E;
	s24 =	sld [smem:$0x3FFE];
	[sflag:s23] =	ssyncadd.s32 $0xFFFFFFFF  }
0xa5: {  	s26 =	simm.s32 $execute0_lowered;
	[smem:$0x3FD2] =	sst s25  }
0xa6: {  	s4 =	sshll.u32 s26, $0x1;
	_ =	strace $0x8000005E;
	[dreg:$0x1] =	wrdreg $0xFFFFFFFF  }
0xa7: {  	s28 =	simm.s32 $_size_execute0_lowered;
	s2 =	sadd.s32 s2, s4;
	[dreg:$0x0] =	wrdreg $0x0  }
0xa8: {  	s4 =	sshll.u32 s28, $0x1;
	[dreg:$0x2] =	wrdreg s2  }
0xa9: {  	[dreg:$0x3] =	wrdreg s4  }
0xaa: {  	[dreg:$0x4] =	wrdreg $0xC0  }
0xab: {  	_ =	task [dreg:s6], $0x5FFFF  }
0xac: {  	[dreg:$0x1] =	wrdreg $0xFFFFFFFF  }
0xad: {  	[dreg:$0x0] =	wrdreg $0x60  }
0xae: {  	[dreg:$0x2] =	wrdreg s24  }
0xaf: {  	[dreg:$0x3] =	wrdreg $0xA8000  }
0xb0: {  	[dreg:$0x4] =	wrdreg $0x9  }
0xb1: {  	_ =	task.clear_ibuf [dreg:s6], $0x5FFFF;
	_ =	strace $0x9000005E  }
0xb2: {  	s29 =	simm.s32 $0x9;
	_ =	strace $0x80000060  }
0xb3: {  	_ =	swait.ge [sflag:s29], $0x1  }
0xb4: {  	[sflag:s29] =	ssyncadd.s32 $0xFFFFFFFF  }
0xb5: {  	_ =	strace $0x90000060  }
0xb6: {  	_ =	sfence  }
0xb7: {  	s30 =	sld [smem:$0x0];
	_ =	sdelay $0x2  }
0xb8: {  	s31 =	sshll.u32 s1, $0xD;
	s1 =	sshrl.u32 s1, $0x2  }
0xb9: {  	s3 =	sand.u32 $0x4000, s31;
	s1 =	sadd.s32 s1, s30  }
0xba: {  	s0 =	sor.u32 s3, s0;
	s1 =	sshll.u32 s1, $0x11  }
0xbb: {  	s0 =	sor.u32 s1, s0  }
0xbc: {  	s0 =	sadd.s32 $0x8F2B, s0  }
0xbd: {  	[sflag:s0] =	ssyncadd.remote.s32 $0x1  }
0xbe: {  	_ =	sfence.sel $0xFFFF  }
0xbf: {  	[dreg:$0x0] =	wrdreg $0xFFFFFFFF;
	(pc) =	sbr.abs _section_cstart, $3  }
0xc0: {  	[dreg:$0x1] =	wrdreg $0xFFFFFFFF  }
0xc1: {  	_ =	task.clear_ibuf [dreg:s6], $0x2FFFF;
	_ =	strace $0x9FFFFFFF  }
0xc2: {  	(tm) =	ssettm $0x7FFFFFFF  }
0xc3: {  	_ =	shalt  }
tec
execute0_lowered:
.L_overlay_start_1:
0x0: {  	(tag) =	ssettag $0x1  }
0x1: {  	s0 =	srdreg.scid;
	s6 =	rddreg [dreg:$0x0]  }
0x2: {  	s2 =	rddreg [dreg:$0x1];
	s1 =	stileid.u32;
	s3 =	simm.s32 $0x0  }
0x3: {  	s13 =	simm.s32 $0x80;
	s14 =	simm.s32 $0x2800;
	s15 =	simm.s32 $0x6800  }
0x4: {  	s16 =	simm.s32 $0x1;
	s17 =	simm.s32 $0x2;
	s18 =	simm.s32 $0x2700  }
0x5: {  	s5 =	sand.u32 $0x1, s0;
	s0 =	rddreg [dreg:$0x2];
	s10 =	smul.u32 $0x50000, s1  }
0x6: {  	s19 =	simm.s32 $0x2780;
	[smem:$0x7FF] =	sst s3;
	s12 =	smul.u32 $0x4E000, s1  }
0x7: {  	s24 =	smul.u32 $0x2700, s1;
	s21 =	sadd.s32 $0x124800, s2;
	s31 =	sshll.u32 s1, $0x6  }
0x8: {  	p0 =	seq.s32 s1, $0xF;
	s4 =	sshll.u32 s5, $0x4;
	_ =	strace $0x8000005F  }
0x9: {  	s8 =	smul.u32 $0x27100, s5;
	s9 =	ssub.s32 $0x2, s5;
	s5 =	sadd.s32 $0x18E00, s6  }
0xa: {  	s21 =	sshrl.u32 @p0 s21, $0x3;
	s4 =	sor.u32 s1, s4;
	s11 =	sshrl.u32 s9, $0x1  }
0xb: {  	s10 =	sshrl.u32 s10, $0x2;
	s29 =	sshrl.u32 s12, $0x2;
	s7 =	smul.u32 $0x280, s4  }
0xc: {  	s4 =	sadd.s32 $0x69A00, s6;
	s8 =	sadd.s32 s8, s6;
	s9 =	ssub.s32 s9, s11  }
0xd: {  	s30 =	sadd.s32 s10, s2;
	s23 =	sadd.s32 s29, s2;
	s10 =	simm.s32 $0x1400  }
0xe: {  	s11 =	sor.u32 $0x1C03, s31;
	s22 =	sadd.s32 $0x90C00, s8;
	s8 =	smax.u32 s9, $0x1  }
0xf: {  	s9 =	simm.s32 $0x3;
	s12 =	sshrl.u32 s30, $0x3;
	s23 =	sshrl.u32 @!p0 s23, $0x3  }
0x10: {  	s7 =	sadd.s32 s7, s6;
	s20 =	sadd.s32 @p0 $0x24900, s22;
	s22 =	sadd.s32 @!p0 s24, s22  }
0x11: {  	s24 =	simm.s32 $0x0;
	s6 =	sadd.s32 $0xEE00, s7;
	s7 =	sadd.s32 $0x13E00, s7  }
.LBB2_1:
0x12: {  	[tilespmem:s3], [sflag:$0x3] =	stream.linear.gather [hbm4b:s6+s3], $0x1400, $0x38;
	[tilespmem:$0x1E800] =	vst v63  }
0x13: {  	_ =	swait.ge [sflag:s9], $0x1400  }
0x14: {  	[sflag:s9] =	ssyncset.done $0x0  }
0x15: {  	[sflag:s9] =	ssyncadd.s32 $0xFFFFEC00  }
0x16: {  	[tilespmem:s10], [sflag:$0x3] =	stream.linear.gather [hbm4b:s7+s3], $0x1400, $0x38;
	[tilespmem:$0x1E800] =	vst v63  }
0x17: {  	_ =	swait.ge [sflag:s9], $0x1400  }
0x18: {  	[sflag:s9] =	ssyncset.done $0x0  }
0x19: {  	[sflag:s9] =	ssyncadd.s32 $0xFFFFEC00  }
0x1a: {  	[spmem:s12], [sflag:s11] =	dma.local [hbm:s5], $0x2800  }
0x1b: {  	_ =	swait.ge [sflag:s9], $0x2800  }
0x1c: {  	[sflag:s9] =	ssyncset.done $0x0  }
0x1d: {  	[sflag:s9] =	ssyncadd.s32 $0xFFFFD800  }
0x1e: {  	[bflag:$0x0] =	sbarrier.arrive $0xFFFF  }
0x1f: {  	[tilespmem:s14], [sflag:$0x1] =	stream.indirect.gather [hbm4b:s4+s13], $0x80, s3, s13, $0xb8;
	[tilespmem:$0x1E800] =	vst v63  }
0x20: {  	_ = 	snop  }
0x21: {  	[tilespmem:s15], [sflag:$0x2] =	stream.indirect.gather [hbm4b:s4+s13], $0x80, s13, s13, $0xb8;
	[tilespmem:$0x1E800] =	vst v63  }
0x22: {  	_ =	swait.ge [sflag:s16], $0x4000  }
0x23: {  	[sflag:s16] =	ssyncset.done $0x0  }
0x24: {  	s25 =	simm.s32 $0x1400;
	[sflag:s16] =	ssyncadd.s32 $0xFFFFC000  }
0x25: {  	[spmem:s2] =	stream.indirect.scatter.add.f32 [tilespmem:s14], [sflag:$0x3], $0x80, s25, s13, $0xb8;
	[tilespmem:$0x1E800] =	vst v63  }
0x26: {  	_ =	swait.ge [sflag:s9], $0x4000  }
0x27: {  	[sflag:s9] =	ssyncset.done $0x0  }
0x28: {  	s30 =	simm.s32 $0x100;
	[sflag:s9] =	ssyncadd.s32 $0xFFFFC000  }
0x29: {  	[tilespmem:s14], [sflag:$0x1] =	stream.indirect.gather [hbm4b:s4+s13], $0x80, s30, s13, $0xb8;
	[tilespmem:$0x1E800] =	vst v63  }
0x2a: {  	_ =	swait.ge [sflag:s17], $0x4000  }
0x2b: {  	[sflag:s17] =	ssyncset.done $0x0  }
0x2c: {  	s31 =	simm.s32 $0x1480;
	[sflag:s17] =	ssyncadd.s32 $0xFFFFC000  }
0x2d: {  	[spmem:s2] =	stream.indirect.scatter.add.f32 [tilespmem:s15], [sflag:$0x3], $0x80, s31, s13, $0xb8;
	[tilespmem:$0x1E800] =	vst v63  }
0x2e: {  	_ =	swait.ge [sflag:s9], $0x4000  }
0x2f: {  	[sflag:s9] =	ssyncset.done $0x0  }
0x30: {  	s26 =	simm.s32 $0x180;
	s25 =	simm.s32 $0x400;
	[sflag:s9] =	ssyncadd.s32 $0xFFFFC000  }
.LBB2_2:
0x31: {  	[tilespmem:s15], [sflag:$0x2] =	stream.indirect.gather [hbm4b:s4+s13], $0x80, s26, s13, $0xb8;
	[tilespmem:$0x1E800] =	vst v63  }
0x32: {  	s26 =	smov.u32 s25  }
0x33: {  	p1 =	sne.s32 s25, $0x4800;
	s25 =	sadd.s32 $0x400, s25;
	_ =	swait.ge [sflag:s16], $0x4000  }
0x34: {  	s26 =	sshra.s32 s26, $0x2;
	[sflag:s16] =	ssyncset.done $0x0  }
0x35: {  	s28 =	sadd.s32 $0x1400, s26;
	[sflag:s16] =	ssyncadd.s32 $0xFFFFC000  }
0x36: {  	[spmem:s2] =	stream.indirect.scatter.add.f32 [tilespmem:s14], [sflag:$0x3], $0x80, s28, s13, $0xb8;
	[tilespmem:$0x1E800] =	vst v63  }
0x37: {  	_ =	swait.ge [sflag:s9], $0x4000  }
0x38: {  	[sflag:s9] =	ssyncset.done $0x0  }
0x39: {  	s28 =	sadd.s32 $0x100, s26;
	[sflag:s9] =	ssyncadd.s32 $0xFFFFC000  }
0x3a: {  	[tilespmem:s14], [sflag:$0x1] =	stream.indirect.gather [hbm4b:s4+s13], $0x80, s28, s13, $0xb8;
	[tilespmem:$0x1E800] =	vst v63  }
0x3b: {  	_ =	swait.ge [sflag:s17], $0x4000  }
0x3c: {  	[sflag:s17] =	ssyncset.done $0x0  }
.Ltmp0:
0x3d: {  	s28 =	sadd.s32 $0x1480, s26;
	[sflag:s17] =	ssyncadd.s32 $0xFFFFC000;
	(pc) =	sbr.rel @p1 .LBB2_2-.Ltmp0, $4  }
0x3e: {  	[spmem:s2] =	stream.indirect.scatter.add.f32 [tilespmem:s15], [sflag:$0x3], $0x80, s28, s13, $0xb8;
	[tilespmem:$0x1E800] =	vst v63  }
0x3f: {  	_ =	swait.ge [sflag:s9], $0x4000  }
0x40: {  	[sflag:s9] =	ssyncset.done $0x0  }
0x41: {  	s26 =	sadd.s32 $0x180, s26;
	[sflag:s9] =	ssyncadd.s32 $0xFFFFC000  }
0x42: {  	[tilespmem:s15], [sflag:$0x2] =	stream.indirect.gather [hbm4b:s4+s13], $0x80, s26, s13, $0xb8;
	[tilespmem:$0x1E800] =	vst v63  }
0x43: {  	_ =	swait.ge [sflag:s16], $0x4000  }
0x44: {  	[sflag:s16] =	ssyncset.done $0x0  }
0x45: {  	[sflag:s16] =	ssyncadd.s32 $0xFFFFC000  }
0x46: {  	[spmem:s2] =	stream.indirect.scatter.add.f32 [tilespmem:s14], [sflag:$0x3], $0x80, s18, s13, $0xb8;
	[tilespmem:$0x1E800] =	vst v63  }
0x47: {  	_ =	swait.ge [sflag:s9], $0x4000  }
0x48: {  	[sflag:s9] =	ssyncset.done $0x0  }
0x49: {  	[sflag:s9] =	ssyncadd.s32 $0xFFFFC000  }
0x4a: {  	_ =	swait.ge [sflag:s17], $0x4000  }
0x4b: {  	[sflag:s17] =	ssyncset.done $0x0  }
0x4c: {  	[sflag:s17] =	ssyncadd.s32 $0xFFFFC000  }
0x4d: {  	[spmem:s2] =	stream.indirect.scatter.add.f32 [tilespmem:s15], [sflag:$0x3], $0x80, s19, s13, $0xb8;
	[tilespmem:$0x1E800] =	vst v63  }
0x4e: {  	_ =	swait.ge [sflag:s9], $0x4000  }
0x4f: {  	[sflag:s9] =	ssyncset.done $0x0  }
0x50: {  	[sflag:s9] =	ssyncadd.s32 $0xFFFFC000  }
0x51: {  	s25 =	simm.s32 @p0 $0x3;
	[bflag:$0x0] =	sbarrier.arrive $0xFFFF  }
0x52: {  	[hbm:s20], [sflag:s11] =	dma.local @p0 [spmem:s21], $0x2800  }
0x53: {  	s24 =	sadd.s32 $0x1, s24;
	_ =	swait.ge @p0 [sflag:s25], $0x2800  }
0x54: {  	p1 =	sne.s32 s24, s8;
	[sflag:s25] =	ssyncset.done @p0 $0x0  }
.Ltmp1:
0x55: {  	[sflag:s25] =	ssyncadd.s32 @p0 $0xFFFFD800;
	s25 =	simm.s32 @!p0 $0x3;
	(pc) =	sbr.rel @p1 .LBB2_1-.Ltmp1, $4  }
0x56: {  	[hbm:s22], [sflag:s11] =	dma.local @!p0 [spmem:s23], $0x2700  }
0x57: {  	_ =	swait.ge @!p0 [sflag:s25], $0x2700  }
0x58: {  	[sflag:s25] =	ssyncset.done @!p0 $0x0  }
0x59: {  	[sflag:s25] =	ssyncadd.s32 @!p0 $0xFFFFD900  }
0x5a: {  	_ =	sfence.sel $0x180000  }
0x5b: {  	[bflag:$0x0] =	sbarrier.arrive $0xFFFF  }
0x5c: {  	p0 =	sne.s32 s1, $0x0;
	_ =	strace $0x9000005F  }
0x5d: {  	s0 =	sadd.s32 @!p0 $0x100000, s0;
	[bflag:$0x2] =	sbarrier.arrive $0xFFFF  }
0x5e: {  	[sflag:s0] =	ssyncadd.tile.s32 @!p0 $0x1;
	_ =	shalt  }
.Lfunc_end2:
_tile_overlayer_lowered:
.L_overlay_start_2:
0x5f: {  	(tag) =	ssettag $0x2  }
0x60: {  	s0 =	rddreg [dreg:$0x0];
	s2 =	stileid.u32  }
0x61: {  	s1 =	rddreg [dreg:$0x1];
	p0 =	sne.s32 s2, $0x0  }
0x62: {  	s3 =	rddreg [dreg:$0x2];
	[bflag:$0x3] =	sbarrier.arrive $0xFFFF;
	s2 =	simm.s32 @!p0 $0x1C03  }
0x63: {  	[timem:s3], [sflag:s2] =	dma.local @!p0 [hbm:s0], s1  }
0x64: {  	s0 =	simm.s32 @!p0 $0x3  }
0x65: {  	_ =	swait.ge @!p0 [sflag:s0], s1  }
0x66: {  	s1 =	ssub.s32 @!p0 $0x0, s1;
	[sflag:s0] =	ssyncset.done @!p0 $0x0  }
0x67: {  	[sflag:s0] =	ssyncadd.s32 @!p0 s1  }
0x68: {  	[bflag:$0x3] =	sbarrier.arrive $0xFFFF  }
0x69: {  	_ =	shalt  }

</sc_bundles>
